<compile_context>
chip_gen: v7x
topology: tpu7x:2x2x1
jax: 0.10.2.dev20260603
libtpu: 0.0.44.dev20260713+nightly
codegen_flags: <defaults>
</compile_context>

<pallas_src>
import functools

import jax
import jax.numpy as jnp
from jax import lax
from jax.experimental import pallas as pl
from jax.experimental.pallas import tpu as pltpu
from jax.experimental.pallas import tpu_sc as plsc

N = 100000
E = 1600000
SD = 32
VD = 8

NC = 2
NS = 16
NW = NC * NS

F32 = jnp.float32
I32 = jnp.int32

TS_W = 64
TR_W = 48

CH = 80
KG = 5
BG = KG * CH
EPW = E // NW
NB_G = EPW // BG
KS = 10
BS = KS * CH
EPT = E // NS
NB_S = EPT // BS
HALF = N // 2
RPT = HALF // NS

@functools.cache
def _get_gather_edges():
    mesh = plsc.VectorSubcoreMesh(core_axis_name="c", subcore_axis_name="s")

    @functools.partial(
        pl.kernel,
        out_type=(jax.ShapeDtypeStruct((E, TS_W), F32),
                  jax.ShapeDtypeStruct((E, TR_W), F32)),
        mesh=mesh,
        scratch_types=[
            pltpu.VMEM((BG,), I32),
            pltpu.VMEM((BG,), I32),
            pltpu.VMEM((BG, TS_W), F32),
            pltpu.VMEM((BG, TR_W), F32),
            pltpu.SemaphoreType.DMA,
            pltpu.SemaphoreType.DMA,
            pltpu.SemaphoreType.DMA,
        ],
        compiler_params=pltpu.CompilerParams(use_tc_tiling_on_sc=False),
    )
    def _gather_edges(ts_hbm, tr_hbm, snd_hbm, rcv_hbm, xs_hbm, xr_hbm,
                      sidx, ridx, srow, rrow, sem_i, sem_g, sem_w):
        wid = lax.axis_index("s") * NC + lax.axis_index("c")
        base = wid * EPW

        def body(g, carry):
            e0 = base + g * BG
            ci1 = pltpu.async_copy(snd_hbm.at[pl.ds(e0, BG)], sidx, sem_i)
            ci2 = pltpu.async_copy(rcv_hbm.at[pl.ds(e0, BG)], ridx, sem_i)
            ci1.wait()
            ci2.wait()

            @pl.when(g > 0)
            def _():
                p0 = base + (g - 1) * BG
                pltpu.make_async_copy(srow, xs_hbm.at[pl.ds(p0, BG)], sem_w).wait()
                pltpu.make_async_copy(rrow, xr_hbm.at[pl.ds(p0, BG)], sem_w).wait()

            for j in range(KG):
                sl = pl.ds(j * CH, CH)
                pltpu.async_copy(ts_hbm.at[sidx.at[sl]], srow.at[sl], sem_g)
                pltpu.async_copy(tr_hbm.at[ridx.at[sl]], rrow.at[sl], sem_g)
            for j in range(KG):
                sl = pl.ds(j * CH, CH)
                pltpu.make_async_copy(ts_hbm.at[sidx.at[sl]], srow.at[sl], sem_g).wait()
                pltpu.make_async_copy(tr_hbm.at[ridx.at[sl]], rrow.at[sl], sem_g).wait()

            pltpu.async_copy(srow, xs_hbm.at[pl.ds(e0, BG)], sem_w)
            pltpu.async_copy(rrow, xr_hbm.at[pl.ds(e0, BG)], sem_w)
            return carry

        lax.fori_loop(0, NB_G, body, 0)
        pe = base + (NB_G - 1) * BG
        pltpu.make_async_copy(srow, xs_hbm.at[pl.ds(pe, BG)], sem_w).wait()
        pltpu.make_async_copy(rrow, xr_hbm.at[pl.ds(pe, BG)], sem_w).wait()

    return _gather_edges


@functools.cache
def _make_scatter(width):
    mesh = plsc.VectorSubcoreMesh(core_axis_name="c", subcore_axis_name="s")

    @functools.partial(
        pl.kernel,
        out_type=jax.ShapeDtypeStruct((N, width), F32),
        mesh=mesh,
        scratch_types=[
            pltpu.VMEM((BS,), I32),
            pltpu.VMEM((KS, CH), I32),
            pltpu.VMEM((BS, width), F32),
            pltpu.VMEM_SHARED((HALF + 8, width), F32),
            pltpu.SemaphoreType.DMA,
            pltpu.SemaphoreType.DMA,
            pltpu.SemaphoreType.DMA,
        ],
        compiler_params=pltpu.CompilerParams(use_tc_tiling_on_sc=False),
    )
    def _scatter(msg_hbm, rcv_hbm, base_hbm, out_hbm, idx_raw, idx_loc, rows,
                 acc, sem_i, sem_m, sem_sc):
        c = lax.axis_index("c")
        s = lax.axis_index("s")
        nb = c * HALF
        pltpu.sync_copy(base_hbm.at[pl.ds(nb + s * RPT, RPT)],
                        acc.at[pl.ds(s * RPT, RPT)])
        plsc.subcore_barrier()

        def drain_scatters():
            for j in range(KS):
                pltpu.make_async_copy(rows.at[pl.ds(j * CH, CH)],
                                      acc.at[idx_loc.at[j]], sem_sc).wait()

        def body(g, carry):
            e0 = s * EPT + g * BS
            ci = pltpu.async_copy(rcv_hbm.at[pl.ds(e0, BS)], idx_raw, sem_i)

            @pl.when(g > 0)
            def _():
                drain_scatters()

            ci.wait()
            for j in range(KS):
                for k in range(CH // 16):
                    idx = idx_raw[pl.ds(j * CH + k * 16, 16)]
                    loc = idx - nb
                    inb = (loc >= 0) & (loc < HALF)
                    idx_loc[j, pl.ds(k * 16, 16)] = jnp.where(inb, loc, HALF)
            pltpu.async_copy(msg_hbm.at[pl.ds(e0, BS)], rows, sem_m).wait()
            for j in range(KS):
                pltpu.async_copy(rows.at[pl.ds(j * CH, CH)],
                                 acc.at[idx_loc.at[j]], sem_sc, add=True)
            return carry

        lax.fori_loop(0, NB_S, body, 0)
        drain_scatters()
        plsc.subcore_barrier()
        pltpu.sync_copy(acc.at[pl.ds(s * RPT, RPT)],
                        out_hbm.at[pl.ds(nb + s * RPT, RPT)])

    return _scatter


def _silu(x):
    return x * (1.0 / (1.0 + jnp.exp(-x)))


BN = 2000
GN = N // BN

def _cols(c_row, s_row):
    cs = jnp.concatenate([c_row, s_row], axis=0)
    eye2 = jnp.eye(2, dtype=F32)
    return lax.dot_general(cs, eye2, (((0,), (0,)), ((), ())),
                           preferred_element_type=F32)


def _prologue_body(h_ref, vx_ref, vy_ref, pos_ref, tht_ref,
                   ts_ref, tr_ref, vrfl_ref, ccol_ref, scol_ref):
    eye1 = jnp.eye(1, dtype=F32)
    th = lax.dot_general(eye1, tht_ref[...], (((1,), (1,)), ((), ())),
                         preferred_element_type=F32)
    c_row = jnp.cos(th)
    s_row = jnp.sin(th)
    cs_col = _cols(c_row, s_row)
    c_col = cs_col[:, 0:1]
    s_col = cs_col[:, 1:2]
    vx = vx_ref[...]
    vy = vy_ref[...]
    vrx = vx * c_col - vy * s_col
    vry = vx * s_col + vy * c_col
    nrm = jnp.sqrt(vx * vx + vy * vy)
    h = h_ref[...]
    pos = pos_ref[...]
    pad4 = jnp.zeros((BN, 4), F32)
    pad12 = jnp.zeros((BN, 12), F32)
    ts_ref[...] = jnp.concatenate(
        [h, vrx, vry, nrm, pos, c_col, s_col, pad4], axis=1)
    tr_ref[...] = jnp.concatenate([h, pos, c_col, s_col, pad12], axis=1)
    vrfl_ref[...] = jnp.concatenate([vrx, vry], axis=1)
    ccol_ref[...] = c_col
    scol_ref[...] = s_col


_prologue = pl.pallas_call(
    _prologue_body,
    grid=(GN,),
    in_specs=[
        pl.BlockSpec((BN, SD), lambda i: (i, 0)),
        pl.BlockSpec((BN, VD), lambda i: (i, 0)),
        pl.BlockSpec((BN, VD), lambda i: (i, 0)),
        pl.BlockSpec((BN, 2), lambda i: (i, 0)),
        pl.BlockSpec((BN, 1), lambda i: (i, 0)),
    ],
    out_specs=[
        pl.BlockSpec((BN, TS_W), lambda i: (i, 0)),
        pl.BlockSpec((BN, TR_W), lambda i: (i, 0)),
        pl.BlockSpec((BN, 2 * VD), lambda i: (i, 0)),
        pl.BlockSpec((BN, 1), lambda i: (i, 0)),
        pl.BlockSpec((BN, 1), lambda i: (i, 0)),
    ],
    out_shape=[
        jax.ShapeDtypeStruct((N, TS_W), F32),
        jax.ShapeDtypeStruct((N, TR_W), F32),
        jax.ShapeDtypeStruct((N, 2 * VD), F32),
        jax.ShapeDtypeStruct((N, 1), F32),
        jax.ShapeDtypeStruct((N, 1), F32),
    ],
)


def _epilogue_body(acc_ref, ccol_ref, scol_ref, out_ref):
    ax = acc_ref[:, 0:VD]
    ay = acc_ref[:, VD:2 * VD]
    c = ccol_ref[...]
    s = scol_ref[...]
    nx = ax * c + ay * s
    ny = ay * c - ax * s
    out_ref[...] = jnp.concatenate([nx, ny], axis=1)


_epilogue = pl.pallas_call(
    _epilogue_body,
    grid=(GN,),
    in_specs=[
        pl.BlockSpec((BN, 2 * VD), lambda i: (i, 0)),
        pl.BlockSpec((BN, 1), lambda i: (i, 0)),
        pl.BlockSpec((BN, 1), lambda i: (i, 0)),
    ],
    out_specs=pl.BlockSpec((BN, 2 * VD), lambda i: (i, 0)),
    out_shape=jax.ShapeDtypeStruct((N, 2 * VD), F32),
)


BT = 4000
GT = E // BT


def _t_to_rows(x_cols, k):
    return lax.dot_general(jnp.eye(k, dtype=F32), x_cols,
                           (((1,), (1,)), ((), ())),
                           preferred_element_type=F32)


def _t_to_cols(x_rows, k):
    return lax.dot_general(x_rows, jnp.eye(k, dtype=F32),
                           (((0,), (0,)), ((), ())),
                           preferred_element_type=F32)


def _edge_compute(xs, xr, w1, b1, w2, b2, w3, b3):
    nrows = xs.shape[0]
    h_s = xs[:, 0:SD]
    h_r = xr[:, 0:SD]
    nrm = xs[:, 48:56]
    vrx_c = xs[:, SD:SD + VD]
    vry_c = xs[:, SD + VD:SD + 2 * VD]

    g_s = _t_to_rows(xs[:, 56:60], 4)
    g_r = _t_to_rows(xr[:, 32:36], 4)
    v_t = _t_to_rows(xs[:, 32:48], 16)

    dx = g_s[0:1, :] - g_r[0:1, :]
    dy = g_s[1:2, :] - g_r[1:2, :]
    rr = jnp.sqrt(dx * dx + dy * dy)
    inv = 1.0 / (rr + 1e-8)
    ux = dx * inv
    uy = dy * inv
    ci = g_s[2:3, :]
    si = g_s[3:4, :]
    cj = g_r[2:3, :]
    sj = g_r[3:4, :]
    cd = ci * cj + si * sj
    sd = si * cj - ci * sj
    vdot_t = v_t[0:VD, :] * ux + v_t[VD:2 * VD, :] * uy

    rcdsd = _t_to_cols(jnp.concatenate([rr, cd, sd], axis=0), 3)
    vdot = _t_to_cols(vdot_t, VD)
    uxy = _t_to_cols(jnp.concatenate([ux, uy], axis=0), 2)
    ux_c = uxy[:, 0:1]
    uy_c = uxy[:, 1:2]

    pad = jnp.zeros((nrows, 128 - 83), F32)
    x_in = jnp.concatenate([h_s, h_r, rcdsd, nrm, vdot, pad], axis=1)
    h1 = _silu(jnp.dot(x_in, w1, preferred_element_type=F32) + b1)
    h2 = _silu(jnp.dot(h1, w2, preferred_element_type=F32) + b2)
    o = jnp.dot(h2, w3, preferred_element_type=F32) + b3

    a = o[:, 0:8]
    b = o[:, 8:16]
    cgate = o[:, 16:24]
    dh = o[:, 24:56]
    psi = o[:, 56:64]
    g = b + cgate * psi
    mv = jnp.concatenate([a * vrx_c + g * ux_c, a * vry_c + g * uy_c], axis=1)
    return dh, mv


def _tc_body(xs_ref, xr_ref, w1_ref, b1_ref, w2_ref, b2_ref, w3_ref, b3_ref,
             mh_ref, mv_ref):
    mh, mv = _edge_compute(xs_ref[...], xr_ref[...], w1_ref[...], b1_ref[...],
                           w2_ref[...], b2_ref[...], w3_ref[...], b3_ref[...])
    mh_ref[...] = mh
    mv_ref[...] = mv


_tc_call = pl.pallas_call(
    _tc_body,
    grid=(GT,),
    in_specs=[
        pl.BlockSpec((BT, TS_W), lambda i: (i, 0)),
        pl.BlockSpec((BT, TR_W), lambda i: (i, 0)),
        pl.BlockSpec((128, 192), lambda i: (0, 0)),
        pl.BlockSpec((1, 192), lambda i: (0, 0)),
        pl.BlockSpec((192, 192), lambda i: (0, 0)),
        pl.BlockSpec((1, 192), lambda i: (0, 0)),
        pl.BlockSpec((192, 64), lambda i: (0, 0)),
        pl.BlockSpec((1, 64), lambda i: (0, 0)),
    ],
    out_specs=[
        pl.BlockSpec((BT, SD), lambda i: (i, 0)),
        pl.BlockSpec((BT, 2 * VD), lambda i: (i, 0)),
    ],
    out_shape=[
        jax.ShapeDtypeStruct((E, SD), F32),
        jax.ShapeDtypeStruct((E, 2 * VD), F32),
    ],
)


def _pack_weights(gW1, gb1, gW2, gb2, gW3, gb3, pW1, pb1, pW2, pb2, pW3, pb3,
                  sW1, sb1, sW2, sb2, sW3, sb3):
    f = lambda x: x.astype(F32)
    w1c = jnp.zeros((128, 192), F32)
    w1c = w1c.at[0:67, 0:64].set(f(gW1))
    w1c = w1c.at[0:83, 64:128].set(f(sW1))
    w1c = w1c.at[0:32, 128:192].set(f(pW1))
    b1c = jnp.concatenate([f(gb1), f(sb1), f(pb1)]).reshape(1, 192)
    w2c = jnp.zeros((192, 192), F32)
    w2c = w2c.at[0:64, 0:64].set(f(gW2))
    w2c = w2c.at[64:128, 64:128].set(f(sW2))
    w2c = w2c.at[128:192, 128:192].set(f(pW2))
    b2c = jnp.concatenate([f(gb2), f(sb2), f(pb2)]).reshape(1, 192)
    w3c = jnp.zeros((192, 64), F32)
    w3c = w3c.at[0:64, 0:24].set(f(gW3))
    w3c = w3c.at[64:128, 24:56].set(f(sW3))
    w3c = w3c.at[128:192, 56:64].set(f(pW3))
    b3c = jnp.concatenate([f(gb3), f(sb3), f(pb3)]).reshape(1, 64)
    return w1c, b1c, w2c, b2c, w3c, b3c


def kernel(h, v, midpoint_pos, midpoint_theta, senders, receivers,
           gW1, gb1, gW2, gb2, gW3, gb3,
           pW1, pb1, pW2, pb2, pW3, pb3,
           sW1, sb1, sW2, sb2, sW3, sb3):
    h = h.astype(F32)
    v = v.astype(F32)
    pos = midpoint_pos.astype(F32)
    th = midpoint_theta.astype(F32)
    snd = senders.astype(I32)
    rcv = receivers.astype(I32)

    vx = v[:, :, 0]
    vy = v[:, :, 1]
    ts, tr, vrot_flat, c_col, s_col = _prologue(h, vx, vy, pos,
                                                th.reshape(N, 1))

    xs, xr = _get_gather_edges()(ts, tr, snd, rcv)

    packed = _pack_weights(gW1, gb1, gW2, gb2, gW3, gb3,
                           pW1, pb1, pW2, pb2, pW3, pb3,
                           sW1, sb1, sW2, sb2, sW3, sb3)
    msg_h, msg_v = _tc_call(xs, xr, *packed)

    h_new = _make_scatter(SD)(msg_h, rcv, h)
    vacc = _make_scatter(2 * VD)(msg_v, rcv, vrot_flat)
    vnf = _epilogue(vacc, c_col, s_col)
    v_new = jnp.stack([vnf[:, :VD], vnf[:, VD:]], axis=-1)
    return h_new, v_new

# --- scband reference (transcript-rebuilt; emitter-appended) ---
"""Pipeline reference for scband-edge-midpoint-egnnlayer-6502580486287 (READ-ONLY COPY).

The authoritative reference and input builder live on the scoring server;
editing this copy changes nothing except your own understanding.
"""

import jax, jax.numpy as jnp
import numpy as np

N = 100000
E = 1600000
SD = 32
VD = 8
HD = 64

def _lin_init(key, din, dout):
    return jax.random.normal(key, (din, dout), jnp.float32) / np.sqrt(din)

def setup_inputs(seed: int = 0):
    key = jax.random.key(seed)
    ks = jax.random.split(key, 16)
    inp = {}
    inp["h"] = jax.random.normal(ks[0], (N, SD), jnp.float32)
    inp["v"] = jax.random.normal(ks[1], (N, VD, 2), jnp.float32)
    inp["midpoint_pos"] = jax.random.normal(ks[2], (N, 2), jnp.float32)
    inp["midpoint_theta"] = jax.random.normal(ks[3], (N,), jnp.float32)
    inp["senders"] = jax.random.randint(ks[4], (E,), 0, N)
    inp["receivers"] = jax.random.randint(ks[5], (E,), 0, N)
    gate_in = 2 * SD + 3
    scal_in = 2 * SD + 2 + 2 * VD + 1
    dims = {"g": (gate_in, 3 * VD), "p": (SD, VD), "s": (scal_in, SD)}
    i = 6
    for name, (din, dout) in dims.items():
        inp[name + "W1"] = _lin_init(ks[i], din, HD)
        inp[name + "b1"] = jnp.zeros((HD,), jnp.float32)
        inp[name + "W2"] = _lin_init(ks[i + 1], HD, HD)
        inp[name + "b2"] = jnp.zeros((HD,), jnp.float32)
        inp[name + "W3"] = _lin_init(ks[i + 2], HD, dout)
        inp[name + "b3"] = jnp.zeros((dout,), jnp.float32)
        i += 3
    return inp

def _mlp(x, W1, b1, W2, b2, W3, b3):
    x = jax.nn.silu(x @ W1 + b1)
    x = jax.nn.silu(x @ W2 + b2)
    return x @ W3 + b3

def _rotate(vectors, theta):
    cos = jnp.cos(theta)
    sin = jnp.sin(theta)
    rotT = jnp.stack([jnp.stack([cos, sin], -1), jnp.stack([-sin, cos], -1)], -2)
    return jnp.einsum('ekd,edm->ekm', vectors, rotT)

def reference(h, v, midpoint_pos, midpoint_theta, senders, receivers, gW1, gb1, gW2, gb2, gW3, gb3, pW1, pb1, pW2, pb2, pW3, pb3, sW1, sb1, sW2, sb2, sW3, sb3):
    d = midpoint_pos[senders] - midpoint_pos[receivers]
    r = jnp.linalg.norm(d, axis=-1, keepdims=True)
    u = d / (r + 1e-08)
    theta_j = midpoint_theta[receivers]
    theta_i = midpoint_theta[senders]
    dth = theta_i - theta_j
    u_rf = _rotate(u[:, None, :], -theta_j)[:, 0, :]
    v_i = v[senders]
    v_itoj = _rotate(v_i, dth)
    gate_inputs = jnp.concatenate([h[senders], h[receivers], r, jnp.cos(dth)[:, None], jnp.sin(dth)[:, None]], axis=-1)
    gates = _mlp(gate_inputs, gW1, gb1, gW2, gb2, gW3, gb3)
    a, b, c = jnp.split(gates, 3, axis=-1)
    psi_h = _mlp(h[senders], pW1, pb1, pW2, pb2, pW3, pb3)
    vec_msg = a[..., None] * v_itoj + b[..., None] * u_rf[:, None, :] + c[..., None] * psi_h[..., None] * u_rf[:, None, :]
    v_new = v + jnp.zeros_like(v).at[receivers].add(vec_msg)
    v_norm = jnp.linalg.norm(v_itoj, axis=-1)
    v_dot = (v_itoj * u_rf[:, None, :]).sum(axis=-1)
    scalar_inputs = jnp.concatenate([h[senders], h[receivers], r, jnp.cos(dth)[:, None], jnp.sin(dth)[:, None], v_norm, v_dot], axis=-1)
    delta_h = _mlp(scalar_inputs, sW1, sb1, sW2, sb2, sW3, sb3)
    h_new = h + jnp.zeros_like(h).at[receivers].add(delta_h)
    return (h_new, v_new)

if __name__ == "__main__":
    import jax
    _d = setup_inputs()
    print(jax.jit(kernel)(*tuple(_d.values())))

</pallas_src>

<mosaic_0001>
#map = affine_map<(d0, d1) -> (0, 0)>
#map1 = affine_map<(d0, d1) -> (0)>
module attributes {stable_mosaic.version = 14 : i64} {
  func.func @_gather_edges(%arg0: i32, %arg1: i32, %arg2: memref<100000x64xf32, #tpu.memory_space<hbm>>, %arg3: memref<100000x48xf32, #tpu.memory_space<hbm>>, %arg4: memref<1600000xi32, #tpu.memory_space<hbm>>, %arg5: memref<1600000xi32, #tpu.memory_space<hbm>>, %arg6: memref<1600000x64xf32, #tpu.memory_space<hbm>>, %arg7: memref<1600000x48xf32, #tpu.memory_space<hbm>>, %arg8: memref<400xi32, #tpu.memory_space<vmem>>, %arg9: memref<400xi32, #tpu.memory_space<vmem>>, %arg10: memref<400x64xf32, #tpu.memory_space<vmem>>, %arg11: memref<400x48xf32, #tpu.memory_space<vmem>>, %arg12: memref<!tpu.dma_semaphore, #tpu.memory_space<semaphore_mem>>, %arg13: memref<!tpu.dma_semaphore, #tpu.memory_space<semaphore_mem>>, %arg14: memref<!tpu.dma_semaphore, #tpu.memory_space<semaphore_mem>>) attributes {dimension_semantics = [#tpu.dimension_semantics<core_parallel>, #tpu.dimension_semantics<subcore_parallel>], iteration_bounds = array<i64: 2, 16>, scalar_prefetch = 0 : i64, scratch_operands = 7 : i64, tpu.core_type = #tpu.core_type<sc_vector_subcore>, window_params = [{transform_indices = #map}, {transform_indices = #map}, {transform_indices = #map1}, {transform_indices = #map1}, {transform_indices = #map}, {transform_indices = #map}]} {
    %mul3A = arith.constant 2 : i32
    %mul3A_0 = arith.muli %arg1, %mul3A : i32
    %add3A = arith.addi %mul3A_0, %arg0 : i32
    %mul3A_1 = arith.constant 50000 : i32
    %mul3A_2 = arith.muli %add3A, %mul3A_1 : i32
    %scan3A = arith.constant 0 : i32
    %scan3A_3 = arith.constant 0 : i32
    %scan3A_4 = arith.constant 125 : i32
    %scan3A_5 = arith.addi %scan3A_3, %scan3A_4 : i32
    %scan3A_6 = arith.constant 1 : i32
    scf.for %scan3A_17 = %scan3A_3 to %scan3A_5 step %scan3A_6  : i32 {
      %mul3A_18 = arith.constant 400 : i32
      %mul3A_19 = arith.muli %scan3A_17, %mul3A_18 : i32
      %add3A_20 = arith.addi %mul3A_2, %mul3A_19 : i32
      %dma_start3A = tpu.memref_slice %arg4[%add3A_20] : memref<1600000xi32, #tpu.memory_space<hbm>> -> memref<400xi32, #tpu.memory_space<hbm>>
      %dma_start3A_21 = tpu.memref_slice %arg4[%add3A_20] : memref<1600000xi32, #tpu.memory_space<hbm>> -> memref<400xi32, #tpu.memory_space<hbm>>
      tpu.enqueue_dma source(%dma_start3A_21 : memref<400xi32, #tpu.memory_space<hbm>>) target(%arg8 : memref<400xi32, #tpu.memory_space<vmem>>) target_semaphore(%arg12 : memref<!tpu.dma_semaphore, #tpu.memory_space<semaphore_mem>>)
      %dma_start3A_22 = tpu.memref_slice %arg5[%add3A_20] : memref<1600000xi32, #tpu.memory_space<hbm>> -> memref<400xi32, #tpu.memory_space<hbm>>
      %dma_start3A_23 = tpu.memref_slice %arg5[%add3A_20] : memref<1600000xi32, #tpu.memory_space<hbm>> -> memref<400xi32, #tpu.memory_space<hbm>>
      tpu.enqueue_dma source(%dma_start3A_23 : memref<400xi32, #tpu.memory_space<hbm>>) target(%arg9 : memref<400xi32, #tpu.memory_space<vmem>>) target_semaphore(%arg12 : memref<!tpu.dma_semaphore, #tpu.memory_space<semaphore_mem>>)
      %dma_wait3A_24 = tpu.memref_slice %arg4[%add3A_20] : memref<1600000xi32, #tpu.memory_space<hbm>> -> memref<400xi32, #tpu.memory_space<hbm>>
      %dma_wait3A_25 = tpu.memref_slice %arg4[%add3A_20] : memref<1600000xi32, #tpu.memory_space<hbm>> -> memref<400xi32, #tpu.memory_space<hbm>>
      tpu.wait_dma2 semaphore(%arg12 : memref<!tpu.dma_semaphore, #tpu.memory_space<semaphore_mem>>) src(%dma_wait3A_25 : memref<400xi32, #tpu.memory_space<hbm>>) dst(%arg8 : memref<400xi32, #tpu.memory_space<vmem>>)
      %dma_wait3A_26 = tpu.memref_slice %arg5[%add3A_20] : memref<1600000xi32, #tpu.memory_space<hbm>> -> memref<400xi32, #tpu.memory_space<hbm>>
      %dma_wait3A_27 = tpu.memref_slice %arg5[%add3A_20] : memref<1600000xi32, #tpu.memory_space<hbm>> -> memref<400xi32, #tpu.memory_space<hbm>>
      tpu.wait_dma2 semaphore(%arg12 : memref<!tpu.dma_semaphore, #tpu.memory_space<semaphore_mem>>) src(%dma_wait3A_27 : memref<400xi32, #tpu.memory_space<hbm>>) dst(%arg9 : memref<400xi32, #tpu.memory_space<vmem>>)
      %gt3A = arith.constant 0 : i32
      %gt3A_28 = arith.cmpi sgt, %scan3A_17, %gt3A : i32
      %convert_element_type3A = arith.extui %gt3A_28 : i1 to i32
      %cond3A = arith.constant 0 : i32
      %cond3A_29 = arith.cmpi ne, %convert_element_type3A, %cond3A : i32
      scf.if %cond3A_29 {
        %sub3A = arith.constant 1 : i32
        %sub3A_198 = arith.subi %scan3A_17, %sub3A : i32
        %mul3A_199 = arith.constant 400 : i32
        %mul3A_200 = arith.muli %sub3A_198, %mul3A_199 : i32
        %add3A_201 = arith.addi %mul3A_2, %mul3A_200 : i32
        %dma_wait3A_202 = arith.constant 0 : i32
        %dma_wait3A_203 = tpu.memref_slice %arg6[%add3A_201, %dma_wait3A_202] : memref<1600000x64xf32, #tpu.memory_space<hbm>> -> memref<400x64xf32, #tpu.memory_space<hbm>>
        %dma_wait3A_204 = arith.constant 0 : i32
        %dma_wait3A_205 = tpu.memref_slice %arg6[%add3A_201, %dma_wait3A_204] : memref<1600000x64xf32, #tpu.memory_space<hbm>> -> memref<400x64xf32, #tpu.memory_space<hbm>>
        tpu.wait_dma2 semaphore(%arg14 : memref<!tpu.dma_semaphore, #tpu.memory_space<semaphore_mem>>) src(%arg10 : memref<400x64xf32, #tpu.memory_space<vmem>>) dst(%dma_wait3A_205 : memref<400x64xf32, #tpu.memory_space<hbm>>)
        %dma_wait3A_206 = arith.constant 0 : i32
        %dma_wait3A_207 = tpu.memref_slice %arg7[%add3A_201, %dma_wait3A_206] : memref<1600000x48xf32, #tpu.memory_space<hbm>> -> memref<400x48xf32, #tpu.memory_space<hbm>>
        %dma_wait3A_208 = arith.constant 0 : i32
        %dma_wait3A_209 = tpu.memref_slice %arg7[%add3A_201, %dma_wait3A_208] : memref<1600000x48xf32, #tpu.memory_space<hbm>> -> memref<400x48xf32, #tpu.memory_space<hbm>>
        tpu.wait_dma2 semaphore(%arg14 : memref<!tpu.dma_semaphore, #tpu.memory_space<semaphore_mem>>) src(%arg11 : memref<400x48xf32, #tpu.memory_space<vmem>>) dst(%dma_wait3A_209 : memref<400x48xf32, #tpu.memory_space<hbm>>)
      } else {
      }
      %dma_start3A_30 = arith.constant 0 : i32
      %dma_start3A_31 = arith.constant 0 : i32
      %dma_start3A_32 = tpu.memref_slice %arg10[%dma_start3A_30, %dma_start3A_31] : memref<400x64xf32, #tpu.memory_space<vmem>> -> memref<80x64xf32, #tpu.memory_space<vmem>>
      %dma_start3A_33 = arith.constant 0 : i32
      %dma_start3A_34 = tpu.memref_slice %arg8[%dma_start3A_33] : memref<400xi32, #tpu.memory_space<vmem>> -> memref<80xi32, #tpu.memory_space<vmem>>
      %dma_start3A_35 = arith.constant 0 : i32
      %dma_start3A_36 = arith.constant 0 : i32
      %dma_start3A_37 = tpu.memref_slice %arg2[%dma_start3A_35, %dma_start3A_36] : memref<100000x64xf32, #tpu.memory_space<hbm>> -> memref<100000x64xf32, #tpu.memory_space<hbm>>
      tpu.enqueue_indirect_dma source(%dma_start3A_37 : memref<100000x64xf32, #tpu.memory_space<hbm>>) target(%dma_start3A_32 : memref<80x64xf32, #tpu.memory_space<vmem>>) offsets(%dma_start3A_34 : memref<80xi32, #tpu.memory_space<vmem>>) semaphore(%arg13 : memref<!tpu.dma_semaphore, #tpu.memory_space<semaphore_mem>>)
      %dma_start3A_38 = arith.constant 0 : i32
      %dma_start3A_39 = arith.constant 0 : i32
      %dma_start3A_40 = tpu.memref_slice %arg11[%dma_start3A_38, %dma_start3A_39] : memref<400x48xf32, #tpu.memory_space<vmem>> -> memref<80x48xf32, #tpu.memory_space<vmem>>
      %dma_start3A_41 = arith.constant 0 : i32
      %dma_start3A_42 = tpu.memref_slice %arg9[%dma_start3A_41] : memref<400xi32, #tpu.memory_space<vmem>> -> memref<80xi32, #tpu.memory_space<vmem>>
      %dma_start3A_43 = arith.constant 0 : i32
      %dma_start3A_44 = arith.constant 0 : i32
      %dma_start3A_45 = tpu.memref_slice %arg3[%dma_start3A_43, %dma_start3A_44] : memref<100000x48xf32, #tpu.memory_space<hbm>> -> memref<100000x48xf32, #tpu.memory_space<hbm>>
      tpu.enqueue_indirect_dma source(%dma_start3A_45 : memref<100000x48xf32, #tpu.memory_space<hbm>>) target(%dma_start3A_40 : memref<80x48xf32, #tpu.memory_space<vmem>>) offsets(%dma_start3A_42 : memref<80xi32, #tpu.memory_space<vmem>>) semaphore(%arg13 : memref<!tpu.dma_semaphore, #tpu.memory_space<semaphore_mem>>)
      %dma_start3A_46 = arith.constant 80 : i32
      %dma_start3A_47 = arith.constant 0 : i32
      %dma_start3A_48 = tpu.memref_slice %arg10[%dma_start3A_46, %dma_start3A_47] : memref<400x64xf32, #tpu.memory_space<vmem>> -> memref<80x64xf32, #tpu.memory_space<vmem>>
      %dma_start3A_49 = arith.constant 80 : i32
      %dma_start3A_50 = tpu.memref_slice %arg8[%dma_start3A_49] : memref<400xi32, #tpu.memory_space<vmem>> -> memref<80xi32, #tpu.memory_space<vmem>>
      %dma_start3A_51 = arith.constant 0 : i32
      %dma_start3A_52 = arith.constant 0 : i32
      %dma_start3A_53 = tpu.memref_slice %arg2[%dma_start3A_51, %dma_start3A_52] : memref<100000x64xf32, #tpu.memory_space<hbm>> -> memref<100000x64xf32, #tpu.memory_space<hbm>>
      tpu.enqueue_indirect_dma source(%dma_start3A_53 : memref<100000x64xf32, #tpu.memory_space<hbm>>) target(%dma_start3A_48 : memref<80x64xf32, #tpu.memory_space<vmem>>) offsets(%dma_start3A_50 : memref<80xi32, #tpu.memory_space<vmem>>) semaphore(%arg13 : memref<!tpu.dma_semaphore, #tpu.memory_space<semaphore_mem>>)
      %dma_start3A_54 = arith.constant 80 : i32
      %dma_start3A_55 = arith.constant 0 : i32
      %dma_start3A_56 = tpu.memref_slice %arg11[%dma_start3A_54, %dma_start3A_55] : memref<400x48xf32, #tpu.memory_space<vmem>> -> memref<80x48xf32, #tpu.memory_space<vmem>>
      %dma_start3A_57 = arith.constant 80 : i32
      %dma_start3A_58 = tpu.memref_slice %arg9[%dma_start3A_57] : memref<400xi32, #tpu.memory_space<vmem>> -> memref<80xi32, #tpu.memory_space<vmem>>
      %dma_start3A_59 = arith.constant 0 : i32
      %dma_start3A_60 = arith.constant 0 : i32
      %dma_start3A_61 = tpu.memref_slice %arg3[%dma_start3A_59, %dma_start3A_60] : memref<100000x48xf32, #tpu.memory_space<hbm>> -> memref<100000x48xf32, #tpu.memory_space<hbm>>
      tpu.enqueue_indirect_dma source(%dma_start3A_61 : memref<100000x48xf32, #tpu.memory_space<hbm>>) target(%dma_start3A_56 : memref<80x48xf32, #tpu.memory_space<vmem>>) offsets(%dma_start3A_58 : memref<80xi32, #tpu.memory_space<vmem>>) semaphore(%arg13 : memref<!tpu.dma_semaphore, #tpu.memory_space<semaphore_mem>>)
      %dma_start3A_62 = arith.constant 160 : i32
      %dma_start3A_63 = arith.constant 0 : i32
      %dma_start3A_64 = tpu.memref_slice %arg10[%dma_start3A_62, %dma_start3A_63] : memref<400x64xf32, #tpu.memory_space<vmem>> -> memref<80x64xf32, #tpu.memory_space<vmem>>
      %dma_start3A_65 = arith.constant 160 : i32
      %dma_start3A_66 = tpu.memref_slice %arg8[%dma_start3A_65] : memref<400xi32, #tpu.memory_space<vmem>> -> memref<80xi32, #tpu.memory_space<vmem>>
      %dma_start3A_67 = arith.constant 0 : i32
      %dma_start3A_68 = arith.constant 0 : i32
      %dma_start3A_69 = tpu.memref_slice %arg2[%dma_start3A_67, %dma_start3A_68] : memref<100000x64xf32, #tpu.memory_space<hbm>> -> memref<100000x64xf32, #tpu.memory_space<hbm>>
      tpu.enqueue_indirect_dma source(%dma_start3A_69 : memref<100000x64xf32, #tpu.memory_space<hbm>>) target(%dma_start3A_64 : memref<80x64xf32, #tpu.memory_space<vmem>>) offsets(%dma_start3A_66 : memref<80xi32, #tpu.memory_space<vmem>>) semaphore(%arg13 : memref<!tpu.dma_semaphore, #tpu.memory_space<semaphore_mem>>)
      %dma_start3A_70 = arith.constant 160 : i32
      %dma_start3A_71 = arith.constant 0 : i32
      %dma_start3A_72 = tpu.memref_slice %arg11[%dma_start3A_70, %dma_start3A_71] : memref<400x48xf32, #tpu.memory_space<vmem>> -> memref<80x48xf32, #tpu.memory_space<vmem>>
      %dma_start3A_73 = arith.constant 160 : i32
      %dma_start3A_74 = tpu.memref_slice %arg9[%dma_start3A_73] : memref<400xi32, #tpu.memory_space<vmem>> -> memref<80xi32, #tpu.memory_space<vmem>>
      %dma_start3A_75 = arith.constant 0 : i32
      %dma_start3A_76 = arith.constant 0 : i32
      %dma_start3A_77 = tpu.memref_slice %arg3[%dma_start3A_75, %dma_start3A_76] : memref<100000x48xf32, #tpu.memory_space<hbm>> -> memref<100000x48xf32, #tpu.memory_space<hbm>>
      tpu.enqueue_indirect_dma source(%dma_start3A_77 : memref<100000x48xf32, #tpu.memory_space<hbm>>) target(%dma_start3A_72 : memref<80x48xf32, #tpu.memory_space<vmem>>) offsets(%dma_start3A_74 : memref<80xi32, #tpu.memory_space<vmem>>) semaphore(%arg13 : memref<!tpu.dma_semaphore, #tpu.memory_space<semaphore_mem>>)
      %dma_start3A_78 = arith.constant 240 : i32
      %dma_start3A_79 = arith.constant 0 : i32
      %dma_start3A_80 = tpu.memref_slice %arg10[%dma_start3A_78, %dma_start3A_79] : memref<400x64xf32, #tpu.memory_space<vmem>> -> memref<80x64xf32, #tpu.memory_space<vmem>>
      %dma_start3A_81 = arith.constant 240 : i32
      %dma_start3A_82 = tpu.memref_slice %arg8[%dma_start3A_81] : memref<400xi32, #tpu.memory_space<vmem>> -> memref<80xi32, #tpu.memory_space<vmem>>
      %dma_start3A_83 = arith.constant 0 : i32
      %dma_start3A_84 = arith.constant 0 : i32
      %dma_start3A_85 = tpu.memref_slice %arg2[%dma_start3A_83, %dma_start3A_84] : memref<100000x64xf32, #tpu.memory_space<hbm>> -> memref<100000x64xf32, #tpu.memory_space<hbm>>
      tpu.enqueue_indirect_dma source(%dma_start3A_85 : memref<100000x64xf32, #tpu.memory_space<hbm>>) target(%dma_start3A_80 : memref<80x64xf32, #tpu.memory_space<vmem>>) offsets(%dma_start3A_82 : memref<80xi32, #tpu.memory_space<vmem>>) semaphore(%arg13 : memref<!tpu.dma_semaphore, #tpu.memory_space<semaphore_mem>>)
      %dma_start3A_86 = arith.constant 240 : i32
      %dma_start3A_87 = arith.constant 0 : i32
      %dma_start3A_88 = tpu.memref_slice %arg11[%dma_start3A_86, %dma_start3A_87] : memref<400x48xf32, #tpu.memory_space<vmem>> -> memref<80x48xf32, #tpu.memory_space<vmem>>
      %dma_start3A_89 = arith.constant 240 : i32
      %dma_start3A_90 = tpu.memref_slice %arg9[%dma_start3A_89] : memref<400xi32, #tpu.memory_space<vmem>> -> memref<80xi32, #tpu.memory_space<vmem>>
      %dma_start3A_91 = arith.constant 0 : i32
      %dma_start3A_92 = arith.constant 0 : i32
      %dma_start3A_93 = tpu.memref_slice %arg3[%dma_start3A_91, %dma_start3A_92] : memref<100000x48xf32, #tpu.memory_space<hbm>> -> memref<100000x48xf32, #tpu.memory_space<hbm>>
      tpu.enqueue_indirect_dma source(%dma_start3A_93 : memref<100000x48xf32, #tpu.memory_space<hbm>>) target(%dma_start3A_88 : memref<80x48xf32, #tpu.memory_space<vmem>>) offsets(%dma_start3A_90 : memref<80xi32, #tpu.memory_space<vmem>>) semaphore(%arg13 : memref<!tpu.dma_semaphore, #tpu.memory_space<semaphore_mem>>)
      %dma_start3A_94 = arith.constant 320 : i32
      %dma_start3A_95 = arith.constant 0 : i32
      %dma_start3A_96 = tpu.memref_slice %arg10[%dma_start3A_94, %dma_start3A_95] : memref<400x64xf32, #tpu.memory_space<vmem>> -> memref<80x64xf32, #tpu.memory_space<vmem>>
      %dma_start3A_97 = arith.constant 320 : i32
      %dma_start3A_98 = tpu.memref_slice %arg8[%dma_start3A_97] : memref<400xi32, #tpu.memory_space<vmem>> -> memref<80xi32, #tpu.memory_space<vmem>>
      %dma_start3A_99 = arith.constant 0 : i32
      %dma_start3A_100 = arith.constant 0 : i32
      %dma_start3A_101 = tpu.memref_slice %arg2[%dma_start3A_99, %dma_start3A_100] : memref<100000x64xf32, #tpu.memory_space<hbm>> -> memref<100000x64xf32, #tpu.memory_space<hbm>>
      tpu.enqueue_indirect_dma source(%dma_start3A_101 : memref<100000x64xf32, #tpu.memory_space<hbm>>) target(%dma_start3A_96 : memref<80x64xf32, #tpu.memory_space<vmem>>) offsets(%dma_start3A_98 : memref<80xi32, #tpu.memory_space<vmem>>) semaphore(%arg13 : memref<!tpu.dma_semaphore, #tpu.memory_space<semaphore_mem>>)
      %dma_start3A_102 = arith.constant 320 : i32
      %dma_start3A_103 = arith.constant 0 : i32
      %dma_start3A_104 = tpu.memref_slice %arg11[%dma_start3A_102, %dma_start3A_103] : memref<400x48xf32, #tpu.memory_space<vmem>> -> memref<80x48xf32, #tpu.memory_space<vmem>>
      %dma_start3A_105 = arith.constant 320 : i32
      %dma_start3A_106 = tpu.memref_slice %arg9[%dma_start3A_105] : memref<400xi32, #tpu.memory_space<vmem>> -> memref<80xi32, #tpu.memory_space<vmem>>
      %dma_start3A_107 = arith.constant 0 : i32
      %dma_start3A_108 = arith.constant 0 : i32
      %dma_start3A_109 = tpu.memref_slice %arg3[%dma_start3A_107, %dma_start3A_108] : memref<100000x48xf32, #tpu.memory_space<hbm>> -> memref<100000x48xf32, #tpu.memory_space<hbm>>
      tpu.enqueue_indirect_dma source(%dma_start3A_109 : memref<100000x48xf32, #tpu.memory_space<hbm>>) target(%dma_start3A_104 : memref<80x48xf32, #tpu.memory_space<vmem>>) offsets(%dma_start3A_106 : memref<80xi32, #tpu.memory_space<vmem>>) semaphore(%arg13 : memref<!tpu.dma_semaphore, #tpu.memory_space<semaphore_mem>>)
      %dma_wait3A_110 = arith.constant 0 : i32
      %dma_wait3A_111 = arith.constant 0 : i32
      %dma_wait3A_112 = tpu.memref_slice %arg10[%dma_wait3A_110, %dma_wait3A_111] : memref<400x64xf32, #tpu.memory_space<vmem>> -> memref<80x64xf32, #tpu.memory_space<vmem>>
      %dma_wait3A_113 = arith.constant 0 : i32
      %dma_wait3A_114 = tpu.memref_slice %arg8[%dma_wait3A_113] : memref<400xi32, #tpu.memory_space<vmem>> -> memref<80xi32, #tpu.memory_space<vmem>>
      %dma_wait3A_115 = arith.constant 0 : i32
      %dma_wait3A_116 = arith.constant 0 : i32
      %dma_wait3A_117 = tpu.memref_slice %arg2[%dma_wait3A_115, %dma_wait3A_116] : memref<100000x64xf32, #tpu.memory_space<hbm>> -> memref<100000x64xf32, #tpu.memory_space<hbm>>
      tpu.wait_indirect_dma semaphore(%arg13 : memref<!tpu.dma_semaphore, #tpu.memory_space<semaphore_mem>>) src(%dma_wait3A_117 : memref<100000x64xf32, #tpu.memory_space<hbm>>) dst(%dma_wait3A_112 : memref<80x64xf32, #tpu.memory_space<vmem>>)
      %dma_wait3A_118 = arith.constant 0 : i32
      %dma_wait3A_119 = arith.constant 0 : i32
      %dma_wait3A_120 = tpu.memref_slice %arg11[%dma_wait3A_118, %dma_wait3A_119] : memref<400x48xf32, #tpu.memory_space<vmem>> -> memref<80x48xf32, #tpu.memory_space<vmem>>
      %dma_wait3A_121 = arith.constant 0 : i32
      %dma_wait3A_122 = tpu.memref_slice %arg9[%dma_wait3A_121] : memref<400xi32, #tpu.memory_space<vmem>> -> memref<80xi32, #tpu.memory_space<vmem>>
      %dma_wait3A_123 = arith.constant 0 : i32
      %dma_wait3A_124 = arith.constant 0 : i32
      %dma_wait3A_125 = tpu.memref_slice %arg3[%dma_wait3A_123, %dma_wait3A_124] : memref<100000x48xf32, #tpu.memory_space<hbm>> -> memref<100000x48xf32, #tpu.memory_space<hbm>>
      tpu.wait_indirect_dma semaphore(%arg13 : memref<!tpu.dma_semaphore, #tpu.memory_space<semaphore_mem>>) src(%dma_wait3A_125 : memref<100000x48xf32, #tpu.memory_space<hbm>>) dst(%dma_wait3A_120 : memref<80x48xf32, #tpu.memory_space<vmem>>)
      %dma_wait3A_126 = arith.constant 80 : i32
      %dma_wait3A_127 = arith.constant 0 : i32
      %dma_wait3A_128 = tpu.memref_slice %arg10[%dma_wait3A_126, %dma_wait3A_127] : memref<400x64xf32, #tpu.memory_space<vmem>> -> memref<80x64xf32, #tpu.memory_space<vmem>>
      %dma_wait3A_129 = arith.constant 80 : i32
      %dma_wait3A_130 = tpu.memref_slice %arg8[%dma_wait3A_129] : memref<400xi32, #tpu.memory_space<vmem>> -> memref<80xi32, #tpu.memory_space<vmem>>
      %dma_wait3A_131 = arith.constant 0 : i32
      %dma_wait3A_132 = arith.constant 0 : i32
      %dma_wait3A_133 = tpu.memref_slice %arg2[%dma_wait3A_131, %dma_wait3A_132] : memref<100000x64xf32, #tpu.memory_space<hbm>> -> memref<100000x64xf32, #tpu.memory_space<hbm>>
      tpu.wait_indirect_dma semaphore(%arg13 : memref<!tpu.dma_semaphore, #tpu.memory_space<semaphore_mem>>) src(%dma_wait3A_133 : memref<100000x64xf32, #tpu.memory_space<hbm>>) dst(%dma_wait3A_128 : memref<80x64xf32, #tpu.memory_space<vmem>>)
      %dma_wait3A_134 = arith.constant 80 : i32
      %dma_wait3A_135 = arith.constant 0 : i32
      %dma_wait3A_136 = tpu.memref_slice %arg11[%dma_wait3A_134, %dma_wait3A_135] : memref<400x48xf32, #tpu.memory_space<vmem>> -> memref<80x48xf32, #tpu.memory_space<vmem>>
      %dma_wait3A_137 = arith.constant 80 : i32
      %dma_wait3A_138 = tpu.memref_slice %arg9[%dma_wait3A_137] : memref<400xi32, #tpu.memory_space<vmem>> -> memref<80xi32, #tpu.memory_space<vmem>>
      %dma_wait3A_139 = arith.constant 0 : i32
      %dma_wait3A_140 = arith.constant 0 : i32
      %dma_wait3A_141 = tpu.memref_slice %arg3[%dma_wait3A_139, %dma_wait3A_140] : memref<100000x48xf32, #tpu.memory_space<hbm>> -> memref<100000x48xf32, #tpu.memory_space<hbm>>
      tpu.wait_indirect_dma semaphore(%arg13 : memref<!tpu.dma_semaphore, #tpu.memory_space<semaphore_mem>>) src(%dma_wait3A_141 : memref<100000x48xf32, #tpu.memory_space<hbm>>) dst(%dma_wait3A_136 : memref<80x48xf32, #tpu.memory_space<vmem>>)
      %dma_wait3A_142 = arith.constant 160 : i32
      %dma_wait3A_143 = arith.constant 0 : i32
      %dma_wait3A_144 = tpu.memref_slice %arg10[%dma_wait3A_142, %dma_wait3A_143] : memref<400x64xf32, #tpu.memory_space<vmem>> -> memref<80x64xf32, #tpu.memory_space<vmem>>
      %dma_wait3A_145 = arith.constant 160 : i32
      %dma_wait3A_146 = tpu.memref_slice %arg8[%dma_wait3A_145] : memref<400xi32, #tpu.memory_space<vmem>> -> memref<80xi32, #tpu.memory_space<vmem>>
      %dma_wait3A_147 = arith.constant 0 : i32
      %dma_wait3A_148 = arith.constant 0 : i32
      %dma_wait3A_149 = tpu.memref_slice %arg2[%dma_wait3A_147, %dma_wait3A_148] : memref<100000x64xf32, #tpu.memory_space<hbm>> -> memref<100000x64xf32, #tpu.memory_space<hbm>>
      tpu.wait_indirect_dma semaphore(%arg13 : memref<!tpu.dma_semaphore, #tpu.memory_space<semaphore_mem>>) src(%dma_wait3A_149 : memref<100000x64xf32, #tpu.memory_space<hbm>>) dst(%dma_wait3A_144 : memref<80x64xf32, #tpu.memory_space<vmem>>)
      %dma_wait3A_150 = arith.constant 160 : i32
      %dma_wait3A_151 = arith.constant 0 : i32
      %dma_wait3A_152 = tpu.memref_slice %arg11[%dma_wait3A_150, %dma_wait3A_151] : memref<400x48xf32, #tpu.memory_space<vmem>> -> memref<80x48xf32, #tpu.memory_space<vmem>>
      %dma_wait3A_153 = arith.constant 160 : i32
      %dma_wait3A_154 = tpu.memref_slice %arg9[%dma_wait3A_153] : memref<400xi32, #tpu.memory_space<vmem>> -> memref<80xi32, #tpu.memory_space<vmem>>
      %dma_wait3A_155 = arith.constant 0 : i32
      %dma_wait3A_156 = arith.constant 0 : i32
      %dma_wait3A_157 = tpu.memref_slice %arg3[%dma_wait3A_155, %dma_wait3A_156] : memref<100000x48xf32, #tpu.memory_space<hbm>> -> memref<100000x48xf32, #tpu.memory_space<hbm>>
      tpu.wait_indirect_dma semaphore(%arg13 : memref<!tpu.dma_semaphore, #tpu.memory_space<semaphore_mem>>) src(%dma_wait3A_157 : memref<100000x48xf32, #tpu.memory_space<hbm>>) dst(%dma_wait3A_152 : memref<80x48xf32, #tpu.memory_space<vmem>>)
      %dma_wait3A_158 = arith.constant 240 : i32
      %dma_wait3A_159 = arith.constant 0 : i32
      %dma_wait3A_160 = tpu.memref_slice %arg10[%dma_wait3A_158, %dma_wait3A_159] : memref<400x64xf32, #tpu.memory_space<vmem>> -> memref<80x64xf32, #tpu.memory_space<vmem>>
      %dma_wait3A_161 = arith.constant 240 : i32
      %dma_wait3A_162 = tpu.memref_slice %arg8[%dma_wait3A_161] : memref<400xi32, #tpu.memory_space<vmem>> -> memref<80xi32, #tpu.memory_space<vmem>>
      %dma_wait3A_163 = arith.constant 0 : i32
      %dma_wait3A_164 = arith.constant 0 : i32
      %dma_wait3A_165 = tpu.memref_slice %arg2[%dma_wait3A_163, %dma_wait3A_164] : memref<100000x64xf32, #tpu.memory_space<hbm>> -> memref<100000x64xf32, #tpu.memory_space<hbm>>
      tpu.wait_indirect_dma semaphore(%arg13 : memref<!tpu.dma_semaphore, #tpu.memory_space<semaphore_mem>>) src(%dma_wait3A_165 : memref<100000x64xf32, #tpu.memory_space<hbm>>) dst(%dma_wait3A_160 : memref<80x64xf32, #tpu.memory_space<vmem>>)
      %dma_wait3A_166 = arith.constant 240 : i32
      %dma_wait3A_167 = arith.constant 0 : i32
      %dma_wait3A_168 = tpu.memref_slice %arg11[%dma_wait3A_166, %dma_wait3A_167] : memref<400x48xf32, #tpu.memory_space<vmem>> -> memref<80x48xf32, #tpu.memory_space<vmem>>
      %dma_wait3A_169 = arith.constant 240 : i32
      %dma_wait3A_170 = tpu.memref_slice %arg9[%dma_wait3A_169] : memref<400xi32, #tpu.memory_space<vmem>> -> memref<80xi32, #tpu.memory_space<vmem>>
      %dma_wait3A_171 = arith.constant 0 : i32
      %dma_wait3A_172 = arith.constant 0 : i32
      %dma_wait3A_173 = tpu.memref_slice %arg3[%dma_wait3A_171, %dma_wait3A_172] : memref<100000x48xf32, #tpu.memory_space<hbm>> -> memref<100000x48xf32, #tpu.memory_space<hbm>>
      tpu.wait_indirect_dma semaphore(%arg13 : memref<!tpu.dma_semaphore, #tpu.memory_space<semaphore_mem>>) src(%dma_wait3A_173 : memref<100000x48xf32, #tpu.memory_space<hbm>>) dst(%dma_wait3A_168 : memref<80x48xf32, #tpu.memory_space<vmem>>)
      %dma_wait3A_174 = arith.constant 320 : i32
      %dma_wait3A_175 = arith.constant 0 : i32
      %dma_wait3A_176 = tpu.memref_slice %arg10[%dma_wait3A_174, %dma_wait3A_175] : memref<400x64xf32, #tpu.memory_space<vmem>> -> memref<80x64xf32, #tpu.memory_space<vmem>>
      %dma_wait3A_177 = arith.constant 320 : i32
      %dma_wait3A_178 = tpu.memref_slice %arg8[%dma_wait3A_177] : memref<400xi32, #tpu.memory_space<vmem>> -> memref<80xi32, #tpu.memory_space<vmem>>
      %dma_wait3A_179 = arith.constant 0 : i32
      %dma_wait3A_180 = arith.constant 0 : i32
      %dma_wait3A_181 = tpu.memref_slice %arg2[%dma_wait3A_179, %dma_wait3A_180] : memref<100000x64xf32, #tpu.memory_space<hbm>> -> memref<100000x64xf32, #tpu.memory_space<hbm>>
      tpu.wait_indirect_dma semaphore(%arg13 : memref<!tpu.dma_semaphore, #tpu.memory_space<semaphore_mem>>) src(%dma_wait3A_181 : memref<100000x64xf32, #tpu.memory_space<hbm>>) dst(%dma_wait3A_176 : memref<80x64xf32, #tpu.memory_space<vmem>>)
      %dma_wait3A_182 = arith.constant 320 : i32
      %dma_wait3A_183 = arith.constant 0 : i32
      %dma_wait3A_184 = tpu.memref_slice %arg11[%dma_wait3A_182, %dma_wait3A_183] : memref<400x48xf32, #tpu.memory_space<vmem>> -> memref<80x48xf32, #tpu.memory_space<vmem>>
      %dma_wait3A_185 = arith.constant 320 : i32
      %dma_wait3A_186 = tpu.memref_slice %arg9[%dma_wait3A_185] : memref<400xi32, #tpu.memory_space<vmem>> -> memref<80xi32, #tpu.memory_space<vmem>>
      %dma_wait3A_187 = arith.constant 0 : i32
      %dma_wait3A_188 = arith.constant 0 : i32
      %dma_wait3A_189 = tpu.memref_slice %arg3[%dma_wait3A_187, %dma_wait3A_188] : memref<100000x48xf32, #tpu.memory_space<hbm>> -> memref<100000x48xf32, #tpu.memory_space<hbm>>
      tpu.wait_indirect_dma semaphore(%arg13 : memref<!tpu.dma_semaphore, #tpu.memory_space<semaphore_mem>>) src(%dma_wait3A_189 : memref<100000x48xf32, #tpu.memory_space<hbm>>) dst(%dma_wait3A_184 : memref<80x48xf32, #tpu.memory_space<vmem>>)
      %dma_start3A_190 = arith.constant 0 : i32
      %dma_start3A_191 = tpu.memref_slice %arg6[%add3A_20, %dma_start3A_190] : memref<1600000x64xf32, #tpu.memory_space<hbm>> -> memref<400x64xf32, #tpu.memory_space<hbm>>
      %dma_start3A_192 = arith.constant 0 : i32
      %dma_start3A_193 = tpu.memref_slice %arg6[%add3A_20, %dma_start3A_192] : memref<1600000x64xf32, #tpu.memory_space<hbm>> -> memref<400x64xf32, #tpu.memory_space<hbm>>
      tpu.enqueue_dma source(%arg10 : memref<400x64xf32, #tpu.memory_space<vmem>>) target(%dma_start3A_193 : memref<400x64xf32, #tpu.memory_space<hbm>>) target_semaphore(%arg14 : memref<!tpu.dma_semaphore, #tpu.memory_space<semaphore_mem>>)
      %dma_start3A_194 = arith.constant 0 : i32
      %dma_start3A_195 = tpu.memref_slice %arg7[%add3A_20, %dma_start3A_194] : memref<1600000x48xf32, #tpu.memory_space<hbm>> -> memref<400x48xf32, #tpu.memory_space<hbm>>
      %dma_start3A_196 = arith.constant 0 : i32
      %dma_start3A_197 = tpu.memref_slice %arg7[%add3A_20, %dma_start3A_196] : memref<1600000x48xf32, #tpu.memory_space<hbm>> -> memref<400x48xf32, #tpu.memory_space<hbm>>
      tpu.enqueue_dma source(%arg11 : memref<400x48xf32, #tpu.memory_space<vmem>>) target(%dma_start3A_197 : memref<400x48xf32, #tpu.memory_space<hbm>>) target_semaphore(%arg14 : memref<!tpu.dma_semaphore, #tpu.memory_space<semaphore_mem>>)
    }
    %scan3A_7 = arith.constant 125 : i32
    %add3A_8 = arith.constant 49600 : i32
    %add3A_9 = arith.addi %mul3A_2, %add3A_8 : i32
    %dma_wait3A = arith.constant 0 : i32
    %dma_wait3A_10 = tpu.memref_slice %arg6[%add3A_9, %dma_wait3A] : memref<1600000x64xf32, #tpu.memory_space<hbm>> -> memref<400x64xf32, #tpu.memory_space<hbm>>
    %dma_wait3A_11 = arith.constant 0 : i32
    %dma_wait3A_12 = tpu.memref_slice %arg6[%add3A_9, %dma_wait3A_11] : memref<1600000x64xf32, #tpu.memory_space<hbm>> -> memref<400x64xf32, #tpu.memory_space<hbm>>
    tpu.wait_dma2 semaphore(%arg14 : memref<!tpu.dma_semaphore, #tpu.memory_space<semaphore_mem>>) src(%arg10 : memref<400x64xf32, #tpu.memory_space<vmem>>) dst(%dma_wait3A_12 : memref<400x64xf32, #tpu.memory_space<hbm>>)
    %dma_wait3A_13 = arith.constant 0 : i32
    %dma_wait3A_14 = tpu.memref_slice %arg7[%add3A_9, %dma_wait3A_13] : memref<1600000x48xf32, #tpu.memory_space<hbm>> -> memref<400x48xf32, #tpu.memory_space<hbm>>
    %dma_wait3A_15 = arith.constant 0 : i32
    %dma_wait3A_16 = tpu.memref_slice %arg7[%add3A_9, %dma_wait3A_15] : memref<1600000x48xf32, #tpu.memory_space<hbm>> -> memref<400x48xf32, #tpu.memory_space<hbm>>
    tpu.wait_dma2 semaphore(%arg14 : memref<!tpu.dma_semaphore, #tpu.memory_space<semaphore_mem>>) src(%arg11 : memref<400x48xf32, #tpu.memory_space<vmem>>) dst(%dma_wait3A_16 : memref<400x48xf32, #tpu.memory_space<hbm>>)
    return
  }
}

#map = affine_map<(d0, d1) -> (0, 0)>
#map1 = affine_map<(d0, d1) -> (0)>
module attributes {stable_mosaic.version = 14 : i64} {
  func.func @_scatter(%arg0: i32, %arg1: i32, %arg2: memref<1600000x16xf32, #tpu.memory_space<hbm>>, %arg3: memref<1600000xi32, #tpu.memory_space<hbm>>, %arg4: memref<100000x16xf32, #tpu.memory_space<hbm>>, %arg5: memref<100000x16xf32, #tpu.memory_space<hbm>>, %arg6: memref<800xi32, #tpu.memory_space<vmem>>, %arg7: memref<10x80xi32, #tpu.memory_space<vmem>>, %arg8: memref<800x16xf32, #tpu.memory_space<vmem>>, %arg9: memref<50008x16xf32, #tpu.memory_space<vmem_shared>>, %arg10: memref<!tpu.dma_semaphore, #tpu.memory_space<semaphore_mem>>, %arg11: memref<!tpu.dma_semaphore, #tpu.memory_space<semaphore_mem>>, %arg12: memref<!tpu.dma_semaphore, #tpu.memory_space<semaphore_mem>>) attributes {dimension_semantics = [#tpu.dimension_semantics<core_parallel>, #tpu.dimension_semantics<subcore_parallel>], iteration_bounds = array<i64: 2, 16>, scalar_prefetch = 0 : i64, scratch_operands = 7 : i64, tpu.core_type = #tpu.core_type<sc_vector_subcore>, window_params = [{transform_indices = #map}, {transform_indices = #map1}, {transform_indices = #map}, {transform_indices = #map}]} {
    %mul3A = arith.constant 50000 : i32
    %mul3A_0 = arith.muli %arg0, %mul3A : i32
    %mul3A_1 = arith.constant 3125 : i32
    %mul3A_2 = arith.muli %arg1, %mul3A_1 : i32
    %add3A = arith.addi %mul3A_0, %mul3A_2 : i32
    %mul3A_3 = arith.constant 3125 : i32
    %mul3A_4 = arith.muli %arg1, %mul3A_3 : i32
    "tpu.region"() ({
      %run_scoped3A = tpu.sem_alloc : memref<!tpu.dma_semaphore, #tpu.memory_space<semaphore_mem>>
      %dma_start3A = arith.constant 0 : i32
      %dma_start3A_115 = tpu.memref_slice %arg9[%mul3A_4, %dma_start3A] : memref<50008x16xf32, #tpu.memory_space<vmem_shared>> -> memref<3125x16xf32, #tpu.memory_space<vmem_shared>>
      %dma_start3A_116 = arith.constant 0 : i32
      %dma_start3A_117 = tpu.memref_slice %arg4[%add3A, %dma_start3A_116] : memref<100000x16xf32, #tpu.memory_space<hbm>> -> memref<3125x16xf32, #tpu.memory_space<hbm>>
      tpu.enqueue_dma source(%dma_start3A_117 : memref<3125x16xf32, #tpu.memory_space<hbm>>) target(%dma_start3A_115 : memref<3125x16xf32, #tpu.memory_space<vmem_shared>>) target_semaphore(%run_scoped3A : memref<!tpu.dma_semaphore, #tpu.memory_space<semaphore_mem>>)
      %dma_wait3A_118 = arith.constant 0 : i32
      %dma_wait3A_119 = tpu.memref_slice %arg9[%mul3A_4, %dma_wait3A_118] : memref<50008x16xf32, #tpu.memory_space<vmem_shared>> -> memref<3125x16xf32, #tpu.memory_space<vmem_shared>>
      %dma_wait3A_120 = arith.constant 0 : i32
      %dma_wait3A_121 = tpu.memref_slice %arg4[%add3A, %dma_wait3A_120] : memref<100000x16xf32, #tpu.memory_space<hbm>> -> memref<3125x16xf32, #tpu.memory_space<hbm>>
      tpu.wait_dma2 semaphore(%run_scoped3A : memref<!tpu.dma_semaphore, #tpu.memory_space<semaphore_mem>>) src(%dma_wait3A_121 : memref<3125x16xf32, #tpu.memory_space<hbm>>) dst(%dma_wait3A_119 : memref<3125x16xf32, #tpu.memory_space<vmem_shared>>)
      tpu.yield
    }) : () -> ()
    %barrier3A = arith.constant 0 : index
    tpu.barrier barrier_id(%barrier3A)
    %scan3A = arith.constant 0 : i32
    %scan3A_5 = arith.constant 0 : i32
    %scan3A_6 = arith.constant 125 : i32
    %scan3A_7 = arith.addi %scan3A_5, %scan3A_6 : i32
    %scan3A_8 = arith.constant 1 : i32
    scf.for %scan3A_115 = %scan3A_5 to %scan3A_7 step %scan3A_8  : i32 {
      %mul3A_116 = arith.constant 100000 : i32
      %mul3A_117 = arith.muli %arg1, %mul3A_116 : i32
      %mul3A_118 = arith.constant 800 : i32
      %mul3A_119 = arith.muli %scan3A_115, %mul3A_118 : i32
      %add3A_120 = arith.addi %mul3A_117, %mul3A_119 : i32
      %dma_start3A = tpu.memref_slice %arg3[%add3A_120] : memref<1600000xi32, #tpu.memory_space<hbm>> -> memref<800xi32, #tpu.memory_space<hbm>>
      %dma_start3A_121 = tpu.memref_slice %arg3[%add3A_120] : memref<1600000xi32, #tpu.memory_space<hbm>> -> memref<800xi32, #tpu.memory_space<hbm>>
      tpu.enqueue_dma source(%dma_start3A_121 : memref<800xi32, #tpu.memory_space<hbm>>) target(%arg6 : memref<800xi32, #tpu.memory_space<vmem>>) target_semaphore(%arg10 : memref<!tpu.dma_semaphore, #tpu.memory_space<semaphore_mem>>)
      %gt3A = arith.constant 0 : i32
      %gt3A_122 = arith.cmpi sgt, %scan3A_115, %gt3A : i32
      %convert_element_type3A = arith.extui %gt3A_122 : i1 to i32
      %cond3A = arith.constant 0 : i32
      %cond3A_123 = arith.cmpi ne, %convert_element_type3A, %cond3A : i32
      scf.if %cond3A_123 {
        %dma_wait3A_1275 = arith.constant 0 : i32
        %dma_wait3A_1276 = arith.constant 0 : i32
        %dma_wait3A_1277 = arith.constant 0 : i32
        %dma_wait3A_1278 = tpu.memref_slice %arg8[%dma_wait3A_1276, %dma_wait3A_1277] : memref<800x16xf32, #tpu.memory_space<vmem>> -> memref<80x16xf32, #tpu.memory_space<vmem>>
        %dma_wait3A_1279 = arith.constant 0 : i32
        %dma_wait3A_1280 = tpu.memref_slice %arg7[%dma_wait3A_1275, %dma_wait3A_1279] : memref<10x80xi32, #tpu.memory_space<vmem>> -> memref<1x80xi32, #tpu.memory_space<vmem>>
        %dma_wait3A_1281 = tpu.memref_squeeze %dma_wait3A_1280 : memref<1x80xi32, #tpu.memory_space<vmem>> -> memref<80xi32, #tpu.memory_space<vmem>>
        %dma_wait3A_1282 = arith.constant 0 : i32
        %dma_wait3A_1283 = arith.constant 0 : i32
        %dma_wait3A_1284 = tpu.memref_slice %arg9[%dma_wait3A_1282, %dma_wait3A_1283] : memref<50008x16xf32, #tpu.memory_space<vmem_shared>> -> memref<50008x16xf32, #tpu.memory_space<vmem_shared>>
        tpu.wait_indirect_dma semaphore(%arg12 : memref<!tpu.dma_semaphore, #tpu.memory_space<semaphore_mem>>) src(%dma_wait3A_1278 : memref<80x16xf32, #tpu.memory_space<vmem>>) dst(%dma_wait3A_1284 : memref<50008x16xf32, #tpu.memory_space<vmem_shared>>)
        %dma_wait3A_1285 = arith.constant 1 : i32
        %dma_wait3A_1286 = arith.constant 80 : i32
        %dma_wait3A_1287 = arith.constant 0 : i32
        %dma_wait3A_1288 = tpu.memref_slice %arg8[%dma_wait3A_1286, %dma_wait3A_1287] : memref<800x16xf32, #tpu.memory_space<vmem>> -> memref<80x16xf32, #tpu.memory_space<vmem>>
        %dma_wait3A_1289 = arith.constant 0 : i32
        %dma_wait3A_1290 = tpu.memref_slice %arg7[%dma_wait3A_1285, %dma_wait3A_1289] : memref<10x80xi32, #tpu.memory_space<vmem>> -> memref<1x80xi32, #tpu.memory_space<vmem>>
        %dma_wait3A_1291 = tpu.memref_squeeze %dma_wait3A_1290 : memref<1x80xi32, #tpu.memory_space<vmem>> -> memref<80xi32, #tpu.memory_space<vmem>>
        %dma_wait3A_1292 = arith.constant 0 : i32
        %dma_wait3A_1293 = arith.constant 0 : i32
        %dma_wait3A_1294 = tpu.memref_slice %arg9[%dma_wait3A_1292, %dma_wait3A_1293] : memref<50008x16xf32, #tpu.memory_space<vmem_shared>> -> memref<50008x16xf32, #tpu.memory_space<vmem_shared>>
        tpu.wait_indirect_dma semaphore(%arg12 : memref<!tpu.dma_semaphore, #tpu.memory_space<semaphore_mem>>) src(%dma_wait3A_1288 : memref<80x16xf32, #tpu.memory_space<vmem>>) dst(%dma_wait3A_1294 : memref<50008x16xf32, #tpu.memory_space<vmem_shared>>)
        %dma_wait3A_1295 = arith.constant 2 : i32
        %dma_wait3A_1296 = arith.constant 160 : i32
        %dma_wait3A_1297 = arith.constant 0 : i32
        %dma_wait3A_1298 = tpu.memref_slice %arg8[%dma_wait3A_1296, %dma_wait3A_1297] : memref<800x16xf32, #tpu.memory_space<vmem>> -> memref<80x16xf32, #tpu.memory_space<vmem>>
        %dma_wait3A_1299 = arith.constant 0 : i32
        %dma_wait3A_1300 = tpu.memref_slice %arg7[%dma_wait3A_1295, %dma_wait3A_1299] : memref<10x80xi32, #tpu.memory_space<vmem>> -> memref<1x80xi32, #tpu.memory_space<vmem>>
        %dma_wait3A_1301 = tpu.memref_squeeze %dma_wait3A_1300 : memref<1x80xi32, #tpu.memory_space<vmem>> -> memref<80xi32, #tpu.memory_space<vmem>>
        %dma_wait3A_1302 = arith.constant 0 : i32
        %dma_wait3A_1303 = arith.constant 0 : i32
        %dma_wait3A_1304 = tpu.memref_slice %arg9[%dma_wait3A_1302, %dma_wait3A_1303] : memref<50008x16xf32, #tpu.memory_space<vmem_shared>> -> memref<50008x16xf32, #tpu.memory_space<vmem_shared>>
        tpu.wait_indirect_dma semaphore(%arg12 : memref<!tpu.dma_semaphore, #tpu.memory_space<semaphore_mem>>) src(%dma_wait3A_1298 : memref<80x16xf32, #tpu.memory_space<vmem>>) dst(%dma_wait3A_1304 : memref<50008x16xf32, #tpu.memory_space<vmem_shared>>)
        %dma_wait3A_1305 = arith.constant 3 : i32
        %dma_wait3A_1306 = arith.constant 240 : i32
        %dma_wait3A_1307 = arith.constant 0 : i32
        %dma_wait3A_1308 = tpu.memref_slice %arg8[%dma_wait3A_1306, %dma_wait3A_1307] : memref<800x16xf32, #tpu.memory_space<vmem>> -> memref<80x16xf32, #tpu.memory_space<vmem>>
        %dma_wait3A_1309 = arith.constant 0 : i32
        %dma_wait3A_1310 = tpu.memref_slice %arg7[%dma_wait3A_1305, %dma_wait3A_1309] : memref<10x80xi32, #tpu.memory_space<vmem>> -> memref<1x80xi32, #tpu.memory_space<vmem>>
        %dma_wait3A_1311 = tpu.memref_squeeze %dma_wait3A_1310 : memref<1x80xi32, #tpu.memory_space<vmem>> -> memref<80xi32, #tpu.memory_space<vmem>>
        %dma_wait3A_1312 = arith.constant 0 : i32
        %dma_wait3A_1313 = arith.constant 0 : i32
        %dma_wait3A_1314 = tpu.memref_slice %arg9[%dma_wait3A_1312, %dma_wait3A_1313] : memref<50008x16xf32, #tpu.memory_space<vmem_shared>> -> memref<50008x16xf32, #tpu.memory_space<vmem_shared>>
        tpu.wait_indirect_dma semaphore(%arg12 : memref<!tpu.dma_semaphore, #tpu.memory_space<semaphore_mem>>) src(%dma_wait3A_1308 : memref<80x16xf32, #tpu.memory_space<vmem>>) dst(%dma_wait3A_1314 : memref<50008x16xf32, #tpu.memory_space<vmem_shared>>)
        %dma_wait3A_1315 = arith.constant 4 : i32
        %dma_wait3A_1316 = arith.constant 320 : i32
        %dma_wait3A_1317 = arith.constant 0 : i32
        %dma_wait3A_1318 = tpu.memref_slice %arg8[%dma_wait3A_1316, %dma_wait3A_1317] : memref<800x16xf32, #tpu.memory_space<vmem>> -> memref<80x16xf32, #tpu.memory_space<vmem>>
        %dma_wait3A_1319 = arith.constant 0 : i32
        %dma_wait3A_1320 = tpu.memref_slice %arg7[%dma_wait3A_1315, %dma_wait3A_1319] : memref<10x80xi32, #tpu.memory_space<vmem>> -> memref<1x80xi32, #tpu.memory_space<vmem>>
        %dma_wait3A_1321 = tpu.memref_squeeze %dma_wait3A_1320 : memref<1x80xi32, #tpu.memory_space<vmem>> -> memref<80xi32, #tpu.memory_space<vmem>>
        %dma_wait3A_1322 = arith.constant 0 : i32
        %dma_wait3A_1323 = arith.constant 0 : i32
        %dma_wait3A_1324 = tpu.memref_slice %arg9[%dma_wait3A_1322, %dma_wait3A_1323] : memref<50008x16xf32, #tpu.memory_space<vmem_shared>> -> memref<50008x16xf32, #tpu.memory_space<vmem_shared>>
        tpu.wait_indirect_dma semaphore(%arg12 : memref<!tpu.dma_semaphore, #tpu.memory_space<semaphore_mem>>) src(%dma_wait3A_1318 : memref<80x16xf32, #tpu.memory_space<vmem>>) dst(%dma_wait3A_1324 : memref<50008x16xf32, #tpu.memory_space<vmem_shared>>)
        %dma_wait3A_1325 = arith.constant 5 : i32
        %dma_wait3A_1326 = arith.constant 400 : i32
        %dma_wait3A_1327 = arith.constant 0 : i32
        %dma_wait3A_1328 = tpu.memref_slice %arg8[%dma_wait3A_1326, %dma_wait3A_1327] : memref<800x16xf32, #tpu.memory_space<vmem>> -> memref<80x16xf32, #tpu.memory_space<vmem>>
        %dma_wait3A_1329 = arith.constant 0 : i32
        %dma_wait3A_1330 = tpu.memref_slice %arg7[%dma_wait3A_1325, %dma_wait3A_1329] : memref<10x80xi32, #tpu.memory_space<vmem>> -> memref<1x80xi32, #tpu.memory_space<vmem>>
        %dma_wait3A_1331 = tpu.memref_squeeze %dma_wait3A_1330 : memref<1x80xi32, #tpu.memory_space<vmem>> -> memref<80xi32, #tpu.memory_space<vmem>>
        %dma_wait3A_1332 = arith.constant 0 : i32
        %dma_wait3A_1333 = arith.constant 0 : i32
        %dma_wait3A_1334 = tpu.memref_slice %arg9[%dma_wait3A_1332, %dma_wait3A_1333] : memref<50008x16xf32, #tpu.memory_space<vmem_shared>> -> memref<50008x16xf32, #tpu.memory_space<vmem_shared>>
        tpu.wait_indirect_dma semaphore(%arg12 : memref<!tpu.dma_semaphore, #tpu.memory_space<semaphore_mem>>) src(%dma_wait3A_1328 : memref<80x16xf32, #tpu.memory_space<vmem>>) dst(%dma_wait3A_1334 : memref<50008x16xf32, #tpu.memory_space<vmem_shared>>)
        %dma_wait3A_1335 = arith.constant 6 : i32
        %dma_wait3A_1336 = arith.constant 480 : i32
        %dma_wait3A_1337 = arith.constant 0 : i32
        %dma_wait3A_1338 = tpu.memref_slice %arg8[%dma_wait3A_1336, %dma_wait3A_1337] : memref<800x16xf32, #tpu.memory_space<vmem>> -> memref<80x16xf32, #tpu.memory_space<vmem>>
        %dma_wait3A_1339 = arith.constant 0 : i32
        %dma_wait3A_1340 = tpu.memref_slice %arg7[%dma_wait3A_1335, %dma_wait3A_1339] : memref<10x80xi32, #tpu.memory_space<vmem>> -> memref<1x80xi32, #tpu.memory_space<vmem>>
        %dma_wait3A_1341 = tpu.memref_squeeze %dma_wait3A_1340 : memref<1x80xi32, #tpu.memory_space<vmem>> -> memref<80xi32, #tpu.memory_space<vmem>>
        %dma_wait3A_1342 = arith.constant 0 : i32
        %dma_wait3A_1343 = arith.constant 0 : i32
        %dma_wait3A_1344 = tpu.memref_slice %arg9[%dma_wait3A_1342, %dma_wait3A_1343] : memref<50008x16xf32, #tpu.memory_space<vmem_shared>> -> memref<50008x16xf32, #tpu.memory_space<vmem_shared>>
        tpu.wait_indirect_dma semaphore(%arg12 : memref<!tpu.dma_semaphore, #tpu.memory_space<semaphore_mem>>) src(%dma_wait3A_1338 : memref<80x16xf32, #tpu.memory_space<vmem>>) dst(%dma_wait3A_1344 : memref<50008x16xf32, #tpu.memory_space<vmem_shared>>)
        %dma_wait3A_1345 = arith.constant 7 : i32
        %dma_wait3A_1346 = arith.constant 560 : i32
        %dma_wait3A_1347 = arith.constant 0 : i32
        %dma_wait3A_1348 = tpu.memref_slice %arg8[%dma_wait3A_1346, %dma_wait3A_1347] : memref<800x16xf32, #tpu.memory_space<vmem>> -> memref<80x16xf32, #tpu.memory_space<vmem>>
        %dma_wait3A_1349 = arith.constant 0 : i32
        %dma_wait3A_1350 = tpu.memref_slice %arg7[%dma_wait3A_1345, %dma_wait3A_1349] : memref<10x80xi32, #tpu.memory_space<vmem>> -> memref<1x80xi32, #tpu.memory_space<vmem>>
        %dma_wait3A_1351 = tpu.memref_squeeze %dma_wait3A_1350 : memref<1x80xi32, #tpu.memory_space<vmem>> -> memref<80xi32, #tpu.memory_space<vmem>>
        %dma_wait3A_1352 = arith.constant 0 : i32
        %dma_wait3A_1353 = arith.constant 0 : i32
        %dma_wait3A_1354 = tpu.memref_slice %arg9[%dma_wait3A_1352, %dma_wait3A_1353] : memref<50008x16xf32, #tpu.memory_space<vmem_shared>> -> memref<50008x16xf32, #tpu.memory_space<vmem_shared>>
        tpu.wait_indirect_dma semaphore(%arg12 : memref<!tpu.dma_semaphore, #tpu.memory_space<semaphore_mem>>) src(%dma_wait3A_1348 : memref<80x16xf32, #tpu.memory_space<vmem>>) dst(%dma_wait3A_1354 : memref<50008x16xf32, #tpu.memory_space<vmem_shared>>)
        %dma_wait3A_1355 = arith.constant 8 : i32
        %dma_wait3A_1356 = arith.constant 640 : i32
        %dma_wait3A_1357 = arith.constant 0 : i32
        %dma_wait3A_1358 = tpu.memref_slice %arg8[%dma_wait3A_1356, %dma_wait3A_1357] : memref<800x16xf32, #tpu.memory_space<vmem>> -> memref<80x16xf32, #tpu.memory_space<vmem>>
        %dma_wait3A_1359 = arith.constant 0 : i32
        %dma_wait3A_1360 = tpu.memref_slice %arg7[%dma_wait3A_1355, %dma_wait3A_1359] : memref<10x80xi32, #tpu.memory_space<vmem>> -> memref<1x80xi32, #tpu.memory_space<vmem>>
        %dma_wait3A_1361 = tpu.memref_squeeze %dma_wait3A_1360 : memref<1x80xi32, #tpu.memory_space<vmem>> -> memref<80xi32, #tpu.memory_space<vmem>>
        %dma_wait3A_1362 = arith.constant 0 : i32
        %dma_wait3A_1363 = arith.constant 0 : i32
        %dma_wait3A_1364 = tpu.memref_slice %arg9[%dma_wait3A_1362, %dma_wait3A_1363] : memref<50008x16xf32, #tpu.memory_space<vmem_shared>> -> memref<50008x16xf32, #tpu.memory_space<vmem_shared>>
        tpu.wait_indirect_dma semaphore(%arg12 : memref<!tpu.dma_semaphore, #tpu.memory_space<semaphore_mem>>) src(%dma_wait3A_1358 : memref<80x16xf32, #tpu.memory_space<vmem>>) dst(%dma_wait3A_1364 : memref<50008x16xf32, #tpu.memory_space<vmem_shared>>)
        %dma_wait3A_1365 = arith.constant 9 : i32
        %dma_wait3A_1366 = arith.constant 720 : i32
        %dma_wait3A_1367 = arith.constant 0 : i32
        %dma_wait3A_1368 = tpu.memref_slice %arg8[%dma_wait3A_1366, %dma_wait3A_1367] : memref<800x16xf32, #tpu.memory_space<vmem>> -> memref<80x16xf32, #tpu.memory_space<vmem>>
        %dma_wait3A_1369 = arith.constant 0 : i32
        %dma_wait3A_1370 = tpu.memref_slice %arg7[%dma_wait3A_1365, %dma_wait3A_1369] : memref<10x80xi32, #tpu.memory_space<vmem>> -> memref<1x80xi32, #tpu.memory_space<vmem>>
        %dma_wait3A_1371 = tpu.memref_squeeze %dma_wait3A_1370 : memref<1x80xi32, #tpu.memory_space<vmem>> -> memref<80xi32, #tpu.memory_space<vmem>>
        %dma_wait3A_1372 = arith.constant 0 : i32
        %dma_wait3A_1373 = arith.constant 0 : i32
        %dma_wait3A_1374 = tpu.memref_slice %arg9[%dma_wait3A_1372, %dma_wait3A_1373] : memref<50008x16xf32, #tpu.memory_space<vmem_shared>> -> memref<50008x16xf32, #tpu.memory_space<vmem_shared>>
        tpu.wait_indirect_dma semaphore(%arg12 : memref<!tpu.dma_semaphore, #tpu.memory_space<semaphore_mem>>) src(%dma_wait3A_1368 : memref<80x16xf32, #tpu.memory_space<vmem>>) dst(%dma_wait3A_1374 : memref<50008x16xf32, #tpu.memory_space<vmem_shared>>)
      } else {
      }
      %dma_wait3A_124 = tpu.memref_slice %arg3[%add3A_120] : memref<1600000xi32, #tpu.memory_space<hbm>> -> memref<800xi32, #tpu.memory_space<hbm>>
      %dma_wait3A_125 = tpu.memref_slice %arg3[%add3A_120] : memref<1600000xi32, #tpu.memory_space<hbm>> -> memref<800xi32, #tpu.memory_space<hbm>>
      tpu.wait_dma2 semaphore(%arg10 : memref<!tpu.dma_semaphore, #tpu.memory_space<semaphore_mem>>) src(%dma_wait3A_125 : memref<800xi32, #tpu.memory_space<hbm>>) dst(%arg6 : memref<800xi32, #tpu.memory_space<vmem>>)
      %get3A = arith.constant 0 : index
      %get3A_126 = tpu.vector_load %arg6[%get3A] {strides = array<i32>} : memref<800xi32, #tpu.memory_space<vmem>>, vector<16xi32>,
      %get3A_127 = vector.shape_cast %get3A_126 : vector<16xi32> to vector<16xi32>
      %sub3A = vector.broadcast %mul3A_0 : i32 to vector<16xi32>
      %sub3A_128 = arith.subi %get3A_127, %sub3A : vector<16xi32>
      %ge3A = arith.constant 0 : i32
      %ge3A_129 = vector.broadcast %ge3A : i32 to vector<16xi32>
      %ge3A_130 = arith.cmpi sge, %sub3A_128, %ge3A_129 : vector<16xi32>
      %lt3A = arith.constant 50000 : i32
      %lt3A_131 = vector.broadcast %lt3A : i32 to vector<16xi32>
      %lt3A_132 = arith.cmpi slt, %sub3A_128, %lt3A_131 : vector<16xi32>
      %and3A = arith.andi %ge3A_130, %lt3A_132 : vector<16xi1>
      %jit3A = arith.constant 50000 : i32
      %broadcast_in_dim3A = vector.broadcast %jit3A : i32 to vector<16xi32>
      %select_n3A = arith.select %and3A, %sub3A_128, %broadcast_in_dim3A : vector<16xi1>, vector<16xi32>
      %swap3A = arith.constant 0 : i32
      %swap3A_133 = arith.index_cast %swap3A : i32 to index
      %swap3A_134 = arith.constant 0 : index
      %swap3A_135 = tpu.vector_load %arg7[%swap3A_133, %swap3A_134] {strides = array<i32>} : memref<10x80xi32, #tpu.memory_space<vmem>>, vector<1x16xi32>,
      %swap3A_136 = vector.shape_cast %swap3A_135 : vector<1x16xi32> to vector<16xi32>
      %swap3A_137 = vector.shape_cast %select_n3A : vector<16xi32> to vector<1x16xi32>
      tpu.vector_store %arg7[%swap3A_133, %swap3A_134], %swap3A_137 {strides = array<i32>} : memref<10x80xi32, #tpu.memory_space<vmem>>, vector<1x16xi32>,
      %get3A_138 = arith.constant 16 : index
      %get3A_139 = tpu.vector_load %arg6[%get3A_138] {strides = array<i32>} : memref<800xi32, #tpu.memory_space<vmem>>, vector<16xi32>,
      %get3A_140 = vector.shape_cast %get3A_139 : vector<16xi32> to vector<16xi32>
      %sub3A_141 = vector.broadcast %mul3A_0 : i32 to vector<16xi32>
      %sub3A_142 = arith.subi %get3A_140, %sub3A_141 : vector<16xi32>
      %ge3A_143 = arith.constant 0 : i32
      %ge3A_144 = vector.broadcast %ge3A_143 : i32 to vector<16xi32>
      %ge3A_145 = arith.cmpi sge, %sub3A_142, %ge3A_144 : vector<16xi32>
      %lt3A_146 = arith.constant 50000 : i32
      %lt3A_147 = vector.broadcast %lt3A_146 : i32 to vector<16xi32>
      %lt3A_148 = arith.cmpi slt, %sub3A_142, %lt3A_147 : vector<16xi32>
      %and3A_149 = arith.andi %ge3A_145, %lt3A_148 : vector<16xi1>
      %jit3A_150 = arith.constant 50000 : i32
      %broadcast_in_dim3A_151 = vector.broadcast %jit3A_150 : i32 to vector<16xi32>
      %select_n3A_152 = arith.select %and3A_149, %sub3A_142, %broadcast_in_dim3A_151 : vector<16xi1>, vector<16xi32>
      %swap3A_153 = arith.constant 0 : i32
      %swap3A_154 = arith.index_cast %swap3A_153 : i32 to index
      %swap3A_155 = arith.constant 16 : index
      %swap3A_156 = tpu.vector_load %arg7[%swap3A_154, %swap3A_155] {strides = array<i32>} : memref<10x80xi32, #tpu.memory_space<vmem>>, vector<1x16xi32>,
      %swap3A_157 = vector.shape_cast %swap3A_156 : vector<1x16xi32> to vector<16xi32>
      %swap3A_158 = vector.shape_cast %select_n3A_152 : vector<16xi32> to vector<1x16xi32>
      tpu.vector_store %arg7[%swap3A_154, %swap3A_155], %swap3A_158 {strides = array<i32>} : memref<10x80xi32, #tpu.memory_space<vmem>>, vector<1x16xi32>,
      %get3A_159 = arith.constant 32 : index
      %get3A_160 = tpu.vector_load %arg6[%get3A_159] {strides = array<i32>} : memref<800xi32, #tpu.memory_space<vmem>>, vector<16xi32>,
      %get3A_161 = vector.shape_cast %get3A_160 : vector<16xi32> to vector<16xi32>
      %sub3A_162 = vector.broadcast %mul3A_0 : i32 to vector<16xi32>
      %sub3A_163 = arith.subi %get3A_161, %sub3A_162 : vector<16xi32>
      %ge3A_164 = arith.constant 0 : i32
      %ge3A_165 = vector.broadcast %ge3A_164 : i32 to vector<16xi32>
      %ge3A_166 = arith.cmpi sge, %sub3A_163, %ge3A_165 : vector<16xi32>
      %lt3A_167 = arith.constant 50000 : i32
      %lt3A_168 = vector.broadcast %lt3A_167 : i32 to vector<16xi32>
      %lt3A_169 = arith.cmpi slt, %sub3A_163, %lt3A_168 : vector<16xi32>
      %and3A_170 = arith.andi %ge3A_166, %lt3A_169 : vector<16xi1>
      %jit3A_171 = arith.constant 50000 : i32
      %broadcast_in_dim3A_172 = vector.broadcast %jit3A_171 : i32 to vector<16xi32>
      %select_n3A_173 = arith.select %and3A_170, %sub3A_163, %broadcast_in_dim3A_172 : vector<16xi1>, vector<16xi32>
      %swap3A_174 = arith.constant 0 : i32
      %swap3A_175 = arith.index_cast %swap3A_174 : i32 to index
      %swap3A_176 = arith.constant 32 : index
      %swap3A_177 = tpu.vector_load %arg7[%swap3A_175, %swap3A_176] {strides = array<i32>} : memref<10x80xi32, #tpu.memory_space<vmem>>, vector<1x16xi32>,
      %swap3A_178 = vector.shape_cast %swap3A_177 : vector<1x16xi32> to vector<16xi32>
      %swap3A_179 = vector.shape_cast %select_n3A_173 : vector<16xi32> to vector<1x16xi32>
      tpu.vector_store %arg7[%swap3A_175, %swap3A_176], %swap3A_179 {strides = array<i32>} : memref<10x80xi32, #tpu.memory_space<vmem>>, vector<1x16xi32>,
      %get3A_180 = arith.constant 48 : index
      %get3A_181 = tpu.vector_load %arg6[%get3A_180] {strides = array<i32>} : memref<800xi32, #tpu.memory_space<vmem>>, vector<16xi32>,
      %get3A_182 = vector.shape_cast %get3A_181 : vector<16xi32> to vector<16xi32>
      %sub3A_183 = vector.broadcast %mul3A_0 : i32 to vector<16xi32>
      %sub3A_184 = arith.subi %get3A_182, %sub3A_183 : vector<16xi32>
      %ge3A_185 = arith.constant 0 : i32
      %ge3A_186 = vector.broadcast %ge3A_185 : i32 to vector<16xi32>
      %ge3A_187 = arith.cmpi sge, %sub3A_184, %ge3A_186 : vector<16xi32>
      %lt3A_188 = arith.constant 50000 : i32
      %lt3A_189 = vector.broadcast %lt3A_188 : i32 to vector<16xi32>
      %lt3A_190 = arith.cmpi slt, %sub3A_184, %lt3A_189 : vector<16xi32>
      %and3A_191 = arith.andi %ge3A_187, %lt3A_190 : vector<16xi1>
      %jit3A_192 = arith.constant 50000 : i32
      %broadcast_in_dim3A_193 = vector.broadcast %jit3A_192 : i32 to vector<16xi32>
      %select_n3A_194 = arith.select %and3A_191, %sub3A_184, %broadcast_in_dim3A_193 : vector<16xi1>, vector<16xi32>
      %swap3A_195 = arith.constant 0 : i32
      %swap3A_196 = arith.index_cast %swap3A_195 : i32 to index
      %swap3A_197 = arith.constant 48 : index
      %swap3A_198 = tpu.vector_load %arg7[%swap3A_196, %swap3A_197] {strides = array<i32>} : memref<10x80xi32, #tpu.memory_space<vmem>>, vector<1x16xi32>,
      %swap3A_199 = vector.shape_cast %swap3A_198 : vector<1x16xi32> to vector<16xi32>
      %swap3A_200 = vector.shape_cast %select_n3A_194 : vector<16xi32> to vector<1x16xi32>
      tpu.vector_store %arg7[%swap3A_196, %swap3A_197], %swap3A_200 {strides = array<i32>} : memref<10x80xi32, #tpu.memory_space<vmem>>, vector<1x16xi32>,
      %get3A_201 = arith.constant 64 : index
      %get3A_202 = tpu.vector_load %arg6[%get3A_201] {strides = array<i32>} : memref<800xi32, #tpu.memory_space<vmem>>, vector<16xi32>,
      %get3A_203 = vector.shape_cast %get3A_202 : vector<16xi32> to vector<16xi32>
      %sub3A_204 = vector.broadcast %mul3A_0 : i32 to vector<16xi32>
      %sub3A_205 = arith.subi %get3A_203, %sub3A_204 : vector<16xi32>
      %ge3A_206 = arith.constant 0 : i32
      %ge3A_207 = vector.broadcast %ge3A_206 : i32 to vector<16xi32>
      %ge3A_208 = arith.cmpi sge, %sub3A_205, %ge3A_207 : vector<16xi32>
      %lt3A_209 = arith.constant 50000 : i32
      %lt3A_210 = vector.broadcast %lt3A_209 : i32 to vector<16xi32>
      %lt3A_211 = arith.cmpi slt, %sub3A_205, %lt3A_210 : vector<16xi32>
      %and3A_212 = arith.andi %ge3A_208, %lt3A_211 : vector<16xi1>
      %jit3A_213 = arith.constant 50000 : i32
      %broadcast_in_dim3A_214 = vector.broadcast %jit3A_213 : i32 to vector<16xi32>
      %select_n3A_215 = arith.select %and3A_212, %sub3A_205, %broadcast_in_dim3A_214 : vector<16xi1>, vector<16xi32>
      %swap3A_216 = arith.constant 0 : i32
      %swap3A_217 = arith.index_cast %swap3A_216 : i32 to index
      %swap3A_218 = arith.constant 64 : index
      %swap3A_219 = tpu.vector_load %arg7[%swap3A_217, %swap3A_218] {strides = array<i32>} : memref<10x80xi32, #tpu.memory_space<vmem>>, vector<1x16xi32>,
      %swap3A_220 = vector.shape_cast %swap3A_219 : vector<1x16xi32> to vector<16xi32>
      %swap3A_221 = vector.shape_cast %select_n3A_215 : vector<16xi32> to vector<1x16xi32>
      tpu.vector_store %arg7[%swap3A_217, %swap3A_218], %swap3A_221 {strides = array<i32>} : memref<10x80xi32, #tpu.memory_space<vmem>>, vector<1x16xi32>,
      %get3A_222 = arith.constant 80 : index
      %get3A_223 = tpu.vector_load %arg6[%get3A_222] {strides = array<i32>} : memref<800xi32, #tpu.memory_space<vmem>>, vector<16xi32>,
      %get3A_224 = vector.shape_cast %get3A_223 : vector<16xi32> to vector<16xi32>
      %sub3A_225 = vector.broadcast %mul3A_0 : i32 to vector<16xi32>
      %sub3A_226 = arith.subi %get3A_224, %sub3A_225 : vector<16xi32>
      %ge3A_227 = arith.constant 0 : i32
      %ge3A_228 = vector.broadcast %ge3A_227 : i32 to vector<16xi32>
      %ge3A_229 = arith.cmpi sge, %sub3A_226, %ge3A_228 : vector<16xi32>
      %lt3A_230 = arith.constant 50000 : i32
      %lt3A_231 = vector.broadcast %lt3A_230 : i32 to vector<16xi32>
      %lt3A_232 = arith.cmpi slt, %sub3A_226, %lt3A_231 : vector<16xi32>
      %and3A_233 = arith.andi %ge3A_229, %lt3A_232 : vector<16xi1>
      %jit3A_234 = arith.constant 50000 : i32
      %broadcast_in_dim3A_235 = vector.broadcast %jit3A_234 : i32 to vector<16xi32>
      %select_n3A_236 = arith.select %and3A_233, %sub3A_226, %broadcast_in_dim3A_235 : vector<16xi1>, vector<16xi32>
      %swap3A_237 = arith.constant 1 : i32
      %swap3A_238 = arith.index_cast %swap3A_237 : i32 to index
      %swap3A_239 = arith.constant 0 : index
      %swap3A_240 = tpu.vector_load %arg7[%swap3A_238, %swap3A_239] {strides = array<i32>} : memref<10x80xi32, #tpu.memory_space<vmem>>, vector<1x16xi32>,
      %swap3A_241 = vector.shape_cast %swap3A_240 : vector<1x16xi32> to vector<16xi32>
      %swap3A_242 = vector.shape_cast %select_n3A_236 : vector<16xi32> to vector<1x16xi32>
      tpu.vector_store %arg7[%swap3A_238, %swap3A_239], %swap3A_242 {strides = array<i32>} : memref<10x80xi32, #tpu.memory_space<vmem>>, vector<1x16xi32>,
      %get3A_243 = arith.constant 96 : index
      %get3A_244 = tpu.vector_load %arg6[%get3A_243] {strides = array<i32>} : memref<800xi32, #tpu.memory_space<vmem>>, vector<16xi32>,
      %get3A_245 = vector.shape_cast %get3A_244 : vector<16xi32> to vector<16xi32>
      %sub3A_246 = vector.broadcast %mul3A_0 : i32 to vector<16xi32>
      %sub3A_247 = arith.subi %get3A_245, %sub3A_246 : vector<16xi32>
      %ge3A_248 = arith.constant 0 : i32
      %ge3A_249 = vector.broadcast %ge3A_248 : i32 to vector<16xi32>
      %ge3A_250 = arith.cmpi sge, %sub3A_247, %ge3A_249 : vector<16xi32>
      %lt3A_251 = arith.constant 50000 : i32
      %lt3A_252 = vector.broadcast %lt3A_251 : i32 to vector<16xi32>
      %lt3A_253 = arith.cmpi slt, %sub3A_247, %lt3A_252 : vector<16xi32>
      %and3A_254 = arith.andi %ge3A_250, %lt3A_253 : vector<16xi1>
      %jit3A_255 = arith.constant 50000 : i32
      %broadcast_in_dim3A_256 = vector.broadcast %jit3A_255 : i32 to vector<16xi32>
      %select_n3A_257 = arith.select %and3A_254, %sub3A_247, %broadcast_in_dim3A_256 : vector<16xi1>, vector<16xi32>
      %swap3A_258 = arith.constant 1 : i32
      %swap3A_259 = arith.index_cast %swap3A_258 : i32 to index
      %swap3A_260 = arith.constant 16 : index
      %swap3A_261 = tpu.vector_load %arg7[%swap3A_259, %swap3A_260] {strides = array<i32>} : memref<10x80xi32, #tpu.memory_space<vmem>>, vector<1x16xi32>,
      %swap3A_262 = vector.shape_cast %swap3A_261 : vector<1x16xi32> to vector<16xi32>
      %swap3A_263 = vector.shape_cast %select_n3A_257 : vector<16xi32> to vector<1x16xi32>
      tpu.vector_store %arg7[%swap3A_259, %swap3A_260], %swap3A_263 {strides = array<i32>} : memref<10x80xi32, #tpu.memory_space<vmem>>, vector<1x16xi32>,
      %get3A_264 = arith.constant 112 : index
      %get3A_265 = tpu.vector_load %arg6[%get3A_264] {strides = array<i32>} : memref<800xi32, #tpu.memory_space<vmem>>, vector<16xi32>,
      %get3A_266 = vector.shape_cast %get3A_265 : vector<16xi32> to vector<16xi32>
      %sub3A_267 = vector.broadcast %mul3A_0 : i32 to vector<16xi32>
      %sub3A_268 = arith.subi %get3A_266, %sub3A_267 : vector<16xi32>
      %ge3A_269 = arith.constant 0 : i32
      %ge3A_270 = vector.broadcast %ge3A_269 : i32 to vector<16xi32>
      %ge3A_271 = arith.cmpi sge, %sub3A_268, %ge3A_270 : vector<16xi32>
      %lt3A_272 = arith.constant 50000 : i32
      %lt3A_273 = vector.broadcast %lt3A_272 : i32 to vector<16xi32>
      %lt3A_274 = arith.cmpi slt, %sub3A_268, %lt3A_273 : vector<16xi32>
      %and3A_275 = arith.andi %ge3A_271, %lt3A_274 : vector<16xi1>
      %jit3A_276 = arith.constant 50000 : i32
      %broadcast_in_dim3A_277 = vector.broadcast %jit3A_276 : i32 to vector<16xi32>
      %select_n3A_278 = arith.select %and3A_275, %sub3A_268, %broadcast_in_dim3A_277 : vector<16xi1>, vector<16xi32>
      %swap3A_279 = arith.constant 1 : i32
      %swap3A_280 = arith.index_cast %swap3A_279 : i32 to index
      %swap3A_281 = arith.constant 32 : index
      %swap3A_282 = tpu.vector_load %arg7[%swap3A_280, %swap3A_281] {strides = array<i32>} : memref<10x80xi32, #tpu.memory_space<vmem>>, vector<1x16xi32>,
      %swap3A_283 = vector.shape_cast %swap3A_282 : vector<1x16xi32> to vector<16xi32>
      %swap3A_284 = vector.shape_cast %select_n3A_278 : vector<16xi32> to vector<1x16xi32>
      tpu.vector_store %arg7[%swap3A_280, %swap3A_281], %swap3A_284 {strides = array<i32>} : memref<10x80xi32, #tpu.memory_space<vmem>>, vector<1x16xi32>,
      %get3A_285 = arith.constant 128 : index
      %get3A_286 = tpu.vector_load %arg6[%get3A_285] {strides = array<i32>} : memref<800xi32, #tpu.memory_space<vmem>>, vector<16xi32>,
      %get3A_287 = vector.shape_cast %get3A_286 : vector<16xi32> to vector<16xi32>
      %sub3A_288 = vector.broadcast %mul3A_0 : i32 to vector<16xi32>
      %sub3A_289 = arith.subi %get3A_287, %sub3A_288 : vector<16xi32>
      %ge3A_290 = arith.constant 0 : i32
      %ge3A_291 = vector.broadcast %ge3A_290 : i32 to vector<16xi32>
      %ge3A_292 = arith.cmpi sge, %sub3A_289, %ge3A_291 : vector<16xi32>
      %lt3A_293 = arith.constant 50000 : i32
      %lt3A_294 = vector.broadcast %lt3A_293 : i32 to vector<16xi32>
      %lt3A_295 = arith.cmpi slt, %sub3A_289, %lt3A_294 : vector<16xi32>
      %and3A_296 = arith.andi %ge3A_292, %lt3A_295 : vector<16xi1>
      %jit3A_297 = arith.constant 50000 : i32
      %broadcast_in_dim3A_298 = vector.broadcast %jit3A_297 : i32 to vector<16xi32>
      %select_n3A_299 = arith.select %and3A_296, %sub3A_289, %broadcast_in_dim3A_298 : vector<16xi1>, vector<16xi32>
      %swap3A_300 = arith.constant 1 : i32
      %swap3A_301 = arith.index_cast %swap3A_300 : i32 to index
      %swap3A_302 = arith.constant 48 : index
      %swap3A_303 = tpu.vector_load %arg7[%swap3A_301, %swap3A_302] {strides = array<i32>} : memref<10x80xi32, #tpu.memory_space<vmem>>, vector<1x16xi32>,
      %swap3A_304 = vector.shape_cast %swap3A_303 : vector<1x16xi32> to vector<16xi32>
      %swap3A_305 = vector.shape_cast %select_n3A_299 : vector<16xi32> to vector<1x16xi32>
      tpu.vector_store %arg7[%swap3A_301, %swap3A_302], %swap3A_305 {strides = array<i32>} : memref<10x80xi32, #tpu.memory_space<vmem>>, vector<1x16xi32>,
      %get3A_306 = arith.constant 144 : index
      %get3A_307 = tpu.vector_load %arg6[%get3A_306] {strides = array<i32>} : memref<800xi32, #tpu.memory_space<vmem>>, vector<16xi32>,
      %get3A_308 = vector.shape_cast %get3A_307 : vector<16xi32> to vector<16xi32>
      %sub3A_309 = vector.broadcast %mul3A_0 : i32 to vector<16xi32>
      %sub3A_310 = arith.subi %get3A_308, %sub3A_309 : vector<16xi32>
      %ge3A_311 = arith.constant 0 : i32
      %ge3A_312 = vector.broadcast %ge3A_311 : i32 to vector<16xi32>
      %ge3A_313 = arith.cmpi sge, %sub3A_310, %ge3A_312 : vector<16xi32>
      %lt3A_314 = arith.constant 50000 : i32
      %lt3A_315 = vector.broadcast %lt3A_314 : i32 to vector<16xi32>
      %lt3A_316 = arith.cmpi slt, %sub3A_310, %lt3A_315 : vector<16xi32>
      %and3A_317 = arith.andi %ge3A_313, %lt3A_316 : vector<16xi1>
      %jit3A_318 = arith.constant 50000 : i32
      %broadcast_in_dim3A_319 = vector.broadcast %jit3A_318 : i32 to vector<16xi32>
      %select_n3A_320 = arith.select %and3A_317, %sub3A_310, %broadcast_in_dim3A_319 : vector<16xi1>, vector<16xi32>
      %swap3A_321 = arith.constant 1 : i32
      %swap3A_322 = arith.index_cast %swap3A_321 : i32 to index
      %swap3A_323 = arith.constant 64 : index
      %swap3A_324 = tpu.vector_load %arg7[%swap3A_322, %swap3A_323] {strides = array<i32>} : memref<10x80xi32, #tpu.memory_space<vmem>>, vector<1x16xi32>,
      %swap3A_325 = vector.shape_cast %swap3A_324 : vector<1x16xi32> to vector<16xi32>
      %swap3A_326 = vector.shape_cast %select_n3A_320 : vector<16xi32> to vector<1x16xi32>
      tpu.vector_store %arg7[%swap3A_322, %swap3A_323], %swap3A_326 {strides = array<i32>} : memref<10x80xi32, #tpu.memory_space<vmem>>, vector<1x16xi32>,
      %get3A_327 = arith.constant 160 : index
      %get3A_328 = tpu.vector_load %arg6[%get3A_327] {strides = array<i32>} : memref<800xi32, #tpu.memory_space<vmem>>, vector<16xi32>,
      %get3A_329 = vector.shape_cast %get3A_328 : vector<16xi32> to vector<16xi32>
      %sub3A_330 = vector.broadcast %mul3A_0 : i32 to vector<16xi32>
      %sub3A_331 = arith.subi %get3A_329, %sub3A_330 : vector<16xi32>
      %ge3A_332 = arith.constant 0 : i32
      %ge3A_333 = vector.broadcast %ge3A_332 : i32 to vector<16xi32>
      %ge3A_334 = arith.cmpi sge, %sub3A_331, %ge3A_333 : vector<16xi32>
      %lt3A_335 = arith.constant 50000 : i32
      %lt3A_336 = vector.broadcast %lt3A_335 : i32 to vector<16xi32>
      %lt3A_337 = arith.cmpi slt, %sub3A_331, %lt3A_336 : vector<16xi32>
      %and3A_338 = arith.andi %ge3A_334, %lt3A_337 : vector<16xi1>
      %jit3A_339 = arith.constant 50000 : i32
      %broadcast_in_dim3A_340 = vector.broadcast %jit3A_339 : i32 to vector<16xi32>
      %select_n3A_341 = arith.select %and3A_338, %sub3A_331, %broadcast_in_dim3A_340 : vector<16xi1>, vector<16xi32>
      %swap3A_342 = arith.constant 2 : i32
      %swap3A_343 = arith.index_cast %swap3A_342 : i32 to index
      %swap3A_344 = arith.constant 0 : index
      %swap3A_345 = tpu.vector_load %arg7[%swap3A_343, %swap3A_344] {strides = array<i32>} : memref<10x80xi32, #tpu.memory_space<vmem>>, vector<1x16xi32>,
      %swap3A_346 = vector.shape_cast %swap3A_345 : vector<1x16xi32> to vector<16xi32>
      %swap3A_347 = vector.shape_cast %select_n3A_341 : vector<16xi32> to vector<1x16xi32>
      tpu.vector_store %arg7[%swap3A_343, %swap3A_344], %swap3A_347 {strides = array<i32>} : memref<10x80xi32, #tpu.memory_space<vmem>>, vector<1x16xi32>,
      %get3A_348 = arith.constant 176 : index
      %get3A_349 = tpu.vector_load %arg6[%get3A_348] {strides = array<i32>} : memref<800xi32, #tpu.memory_space<vmem>>, vector<16xi32>,
      %get3A_350 = vector.shape_cast %get3A_349 : vector<16xi32> to vector<16xi32>
      %sub3A_351 = vector.broadcast %mul3A_0 : i32 to vector<16xi32>
      %sub3A_352 = arith.subi %get3A_350, %sub3A_351 : vector<16xi32>
      %ge3A_353 = arith.constant 0 : i32
      %ge3A_354 = vector.broadcast %ge3A_353 : i32 to vector<16xi32>
      %ge3A_355 = arith.cmpi sge, %sub3A_352, %ge3A_354 : vector<16xi32>
      %lt3A_356 = arith.constant 50000 : i32
      %lt3A_357 = vector.broadcast %lt3A_356 : i32 to vector<16xi32>
      %lt3A_358 = arith.cmpi slt, %sub3A_352, %lt3A_357 : vector<16xi32>
      %and3A_359 = arith.andi %ge3A_355, %lt3A_358 : vector<16xi1>
      %jit3A_360 = arith.constant 50000 : i32
      %broadcast_in_dim3A_361 = vector.broadcast %jit3A_360 : i32 to vector<16xi32>
      %select_n3A_362 = arith.select %and3A_359, %sub3A_352, %broadcast_in_dim3A_361 : vector<16xi1>, vector<16xi32>
      %swap3A_363 = arith.constant 2 : i32
      %swap3A_364 = arith.index_cast %swap3A_363 : i32 to index
      %swap3A_365 = arith.constant 16 : index
      %swap3A_366 = tpu.vector_load %arg7[%swap3A_364, %swap3A_365] {strides = array<i32>} : memref<10x80xi32, #tpu.memory_space<vmem>>, vector<1x16xi32>,
      %swap3A_367 = vector.shape_cast %swap3A_366 : vector<1x16xi32> to vector<16xi32>
      %swap3A_368 = vector.shape_cast %select_n3A_362 : vector<16xi32> to vector<1x16xi32>
      tpu.vector_store %arg7[%swap3A_364, %swap3A_365], %swap3A_368 {strides = array<i32>} : memref<10x80xi32, #tpu.memory_space<vmem>>, vector<1x16xi32>,
      %get3A_369 = arith.constant 192 : index
      %get3A_370 = tpu.vector_load %arg6[%get3A_369] {strides = array<i32>} : memref<800xi32, #tpu.memory_space<vmem>>, vector<16xi32>,
      %get3A_371 = vector.shape_cast %get3A_370 : vector<16xi32> to vector<16xi32>
      %sub3A_372 = vector.broadcast %mul3A_0 : i32 to vector<16xi32>
      %sub3A_373 = arith.subi %get3A_371, %sub3A_372 : vector<16xi32>
      %ge3A_374 = arith.constant 0 : i32
      %ge3A_375 = vector.broadcast %ge3A_374 : i32 to vector<16xi32>
      %ge3A_376 = arith.cmpi sge, %sub3A_373, %ge3A_375 : vector<16xi32>
      %lt3A_377 = arith.constant 50000 : i32
      %lt3A_378 = vector.broadcast %lt3A_377 : i32 to vector<16xi32>
      %lt3A_379 = arith.cmpi slt, %sub3A_373, %lt3A_378 : vector<16xi32>
      %and3A_380 = arith.andi %ge3A_376, %lt3A_379 : vector<16xi1>
      %jit3A_381 = arith.constant 50000 : i32
      %broadcast_in_dim3A_382 = vector.broadcast %jit3A_381 : i32 to vector<16xi32>
      %select_n3A_383 = arith.select %and3A_380, %sub3A_373, %broadcast_in_dim3A_382 : vector<16xi1>, vector<16xi32>
      %swap3A_384 = arith.constant 2 : i32
      %swap3A_385 = arith.index_cast %swap3A_384 : i32 to index
      %swap3A_386 = arith.constant 32 : index
      %swap3A_387 = tpu.vector_load %arg7[%swap3A_385, %swap3A_386] {strides = array<i32>} : memref<10x80xi32, #tpu.memory_space<vmem>>, vector<1x16xi32>,
      %swap3A_388 = vector.shape_cast %swap3A_387 : vector<1x16xi32> to vector<16xi32>
      %swap3A_389 = vector.shape_cast %select_n3A_383 : vector<16xi32> to vector<1x16xi32>
      tpu.vector_store %arg7[%swap3A_385, %swap3A_386], %swap3A_389 {strides = array<i32>} : memref<10x80xi32, #tpu.memory_space<vmem>>, vector<1x16xi32>,
      %get3A_390 = arith.constant 208 : index
      %get3A_391 = tpu.vector_load %arg6[%get3A_390] {strides = array<i32>} : memref<800xi32, #tpu.memory_space<vmem>>, vector<16xi32>,
      %get3A_392 = vector.shape_cast %get3A_391 : vector<16xi32> to vector<16xi32>
      %sub3A_393 = vector.broadcast %mul3A_0 : i32 to vector<16xi32>
      %sub3A_394 = arith.subi %get3A_392, %sub3A_393 : vector<16xi32>
      %ge3A_395 = arith.constant 0 : i32
      %ge3A_396 = vector.broadcast %ge3A_395 : i32 to vector<16xi32>
      %ge3A_397 = arith.cmpi sge, %sub3A_394, %ge3A_396 : vector<16xi32>
      %lt3A_398 = arith.constant 50000 : i32
      %lt3A_399 = vector.broadcast %lt3A_398 : i32 to vector<16xi32>
      %lt3A_400 = arith.cmpi slt, %sub3A_394, %lt3A_399 : vector<16xi32>
      %and3A_401 = arith.andi %ge3A_397, %lt3A_400 : vector<16xi1>
      %jit3A_402 = arith.constant 50000 : i32
      %broadcast_in_dim3A_403 = vector.broadcast %jit3A_402 : i32 to vector<16xi32>
      %select_n3A_404 = arith.select %and3A_401, %sub3A_394, %broadcast_in_dim3A_403 : vector<16xi1>, vector<16xi32>
      %swap3A_405 = arith.constant 2 : i32
      %swap3A_406 = arith.index_cast %swap3A_405 : i32 to index
      %swap3A_407 = arith.constant 48 : index
      %swap3A_408 = tpu.vector_load %arg7[%swap3A_406, %swap3A_407] {strides = array<i32>} : memref<10x80xi32, #tpu.memory_space<vmem>>, vector<1x16xi32>,
      %swap3A_409 = vector.shape_cast %swap3A_408 : vector<1x16xi32> to vector<16xi32>
      %swap3A_410 = vector.shape_cast %select_n3A_404 : vector<16xi32> to vector<1x16xi32>
      tpu.vector_store %arg7[%swap3A_406, %swap3A_407], %swap3A_410 {strides = array<i32>} : memref<10x80xi32, #tpu.memory_space<vmem>>, vector<1x16xi32>,
      %get3A_411 = arith.constant 224 : index
      %get3A_412 = tpu.vector_load %arg6[%get3A_411] {strides = array<i32>} : memref<800xi32, #tpu.memory_space<vmem>>, vector<16xi32>,
      %get3A_413 = vector.shape_cast %get3A_412 : vector<16xi32> to vector<16xi32>
      %sub3A_414 = vector.broadcast %mul3A_0 : i32 to vector<16xi32>
      %sub3A_415 = arith.subi %get3A_413, %sub3A_414 : vector<16xi32>
      %ge3A_416 = arith.constant 0 : i32
      %ge3A_417 = vector.broadcast %ge3A_416 : i32 to vector<16xi32>
      %ge3A_418 = arith.cmpi sge, %sub3A_415, %ge3A_417 : vector<16xi32>
      %lt3A_419 = arith.constant 50000 : i32
      %lt3A_420 = vector.broadcast %lt3A_419 : i32 to vector<16xi32>
      %lt3A_421 = arith.cmpi slt, %sub3A_415, %lt3A_420 : vector<16xi32>
      %and3A_422 = arith.andi %ge3A_418, %lt3A_421 : vector<16xi1>
      %jit3A_423 = arith.constant 50000 : i32
      %broadcast_in_dim3A_424 = vector.broadcast %jit3A_423 : i32 to vector<16xi32>
      %select_n3A_425 = arith.select %and3A_422, %sub3A_415, %broadcast_in_dim3A_424 : vector<16xi1>, vector<16xi32>
      %swap3A_426 = arith.constant 2 : i32
      %swap3A_427 = arith.index_cast %swap3A_426 : i32 to index
      %swap3A_428 = arith.constant 64 : index
      %swap3A_429 = tpu.vector_load %arg7[%swap3A_427, %swap3A_428] {strides = array<i32>} : memref<10x80xi32, #tpu.memory_space<vmem>>, vector<1x16xi32>,
      %swap3A_430 = vector.shape_cast %swap3A_429 : vector<1x16xi32> to vector<16xi32>
      %swap3A_431 = vector.shape_cast %select_n3A_425 : vector<16xi32> to vector<1x16xi32>
      tpu.vector_store %arg7[%swap3A_427, %swap3A_428], %swap3A_431 {strides = array<i32>} : memref<10x80xi32, #tpu.memory_space<vmem>>, vector<1x16xi32>,
      %get3A_432 = arith.constant 240 : index
      %get3A_433 = tpu.vector_load %arg6[%get3A_432] {strides = array<i32>} : memref<800xi32, #tpu.memory_space<vmem>>, vector<16xi32>,
      %get3A_434 = vector.shape_cast %get3A_433 : vector<16xi32> to vector<16xi32>
      %sub3A_435 = vector.broadcast %mul3A_0 : i32 to vector<16xi32>
      %sub3A_436 = arith.subi %get3A_434, %sub3A_435 : vector<16xi32>
      %ge3A_437 = arith.constant 0 : i32
      %ge3A_438 = vector.broadcast %ge3A_437 : i32 to vector<16xi32>
      %ge3A_439 = arith.cmpi sge, %sub3A_436, %ge3A_438 : vector<16xi32>
      %lt3A_440 = arith.constant 50000 : i32
      %lt3A_441 = vector.broadcast %lt3A_440 : i32 to vector<16xi32>
      %lt3A_442 = arith.cmpi slt, %sub3A_436, %lt3A_441 : vector<16xi32>
      %and3A_443 = arith.andi %ge3A_439, %lt3A_442 : vector<16xi1>
      %jit3A_444 = arith.constant 50000 : i32
      %broadcast_in_dim3A_445 = vector.broadcast %jit3A_444 : i32 to vector<16xi32>
      %select_n3A_446 = arith.select %and3A_443, %sub3A_436, %broadcast_in_dim3A_445 : vector<16xi1>, vector<16xi32>
      %swap3A_447 = arith.constant 3 : i32
      %swap3A_448 = arith.index_cast %swap3A_447 : i32 to index
      %swap3A_449 = arith.constant 0 : index
      %swap3A_450 = tpu.vector_load %arg7[%swap3A_448, %swap3A_449] {strides = array<i32>} : memref<10x80xi32, #tpu.memory_space<vmem>>, vector<1x16xi32>,
      %swap3A_451 = vector.shape_cast %swap3A_450 : vector<1x16xi32> to vector<16xi32>
      %swap3A_452 = vector.shape_cast %select_n3A_446 : vector<16xi32> to vector<1x16xi32>
      tpu.vector_store %arg7[%swap3A_448, %swap3A_449], %swap3A_452 {strides = array<i32>} : memref<10x80xi32, #tpu.memory_space<vmem>>, vector<1x16xi32>,
      %get3A_453 = arith.constant 256 : index
      %get3A_454 = tpu.vector_load %arg6[%get3A_453] {strides = array<i32>} : memref<800xi32, #tpu.memory_space<vmem>>, vector<16xi32>,
      %get3A_455 = vector.shape_cast %get3A_454 : vector<16xi32> to vector<16xi32>
      %sub3A_456 = vector.broadcast %mul3A_0 : i32 to vector<16xi32>
      %sub3A_457 = arith.subi %get3A_455, %sub3A_456 : vector<16xi32>
      %ge3A_458 = arith.constant 0 : i32
      %ge3A_459 = vector.broadcast %ge3A_458 : i32 to vector<16xi32>
      %ge3A_460 = arith.cmpi sge, %sub3A_457, %ge3A_459 : vector<16xi32>
      %lt3A_461 = arith.constant 50000 : i32
      %lt3A_462 = vector.broadcast %lt3A_461 : i32 to vector<16xi32>
      %lt3A_463 = arith.cmpi slt, %sub3A_457, %lt3A_462 : vector<16xi32>
      %and3A_464 = arith.andi %ge3A_460, %lt3A_463 : vector<16xi1>
      %jit3A_465 = arith.constant 50000 : i32
      %broadcast_in_dim3A_466 = vector.broadcast %jit3A_465 : i32 to vector<16xi32>
      %select_n3A_467 = arith.select %and3A_464, %sub3A_457, %broadcast_in_dim3A_466 : vector<16xi1>, vector<16xi32>
      %swap3A_468 = arith.constant 3 : i32
      %swap3A_469 = arith.index_cast %swap3A_468 : i32 to index
      %swap3A_470 = arith.constant 16 : index
      %swap3A_471 = tpu.vector_load %arg7[%swap3A_469, %swap3A_470] {strides = array<i32>} : memref<10x80xi32, #tpu.memory_space<vmem>>, vector<1x16xi32>,
      %swap3A_472 = vector.shape_cast %swap3A_471 : vector<1x16xi32> to vector<16xi32>
      %swap3A_473 = vector.shape_cast %select_n3A_467 : vector<16xi32> to vector<1x16xi32>
      tpu.vector_store %arg7[%swap3A_469, %swap3A_470], %swap3A_473 {strides = array<i32>} : memref<10x80xi32, #tpu.memory_space<vmem>>, vector<1x16xi32>,
      %get3A_474 = arith.constant 272 : index
      %get3A_475 = tpu.vector_load %arg6[%get3A_474] {strides = array<i32>} : memref<800xi32, #tpu.memory_space<vmem>>, vector<16xi32>,
      %get3A_476 = vector.shape_cast %get3A_475 : vector<16xi32> to vector<16xi32>
      %sub3A_477 = vector.broadcast %mul3A_0 : i32 to vector<16xi32>
      %sub3A_478 = arith.subi %get3A_476, %sub3A_477 : vector<16xi32>
      %ge3A_479 = arith.constant 0 : i32
      %ge3A_480 = vector.broadcast %ge3A_479 : i32 to vector<16xi32>
      %ge3A_481 = arith.cmpi sge, %sub3A_478, %ge3A_480 : vector<16xi32>
      %lt3A_482 = arith.constant 50000 : i32
      %lt3A_483 = vector.broadcast %lt3A_482 : i32 to vector<16xi32>
      %lt3A_484 = arith.cmpi slt, %sub3A_478, %lt3A_483 : vector<16xi32>
      %and3A_485 = arith.andi %ge3A_481, %lt3A_484 : vector<16xi1>
      %jit3A_486 = arith.constant 50000 : i32
      %broadcast_in_dim3A_487 = vector.broadcast %jit3A_486 : i32 to vector<16xi32>
      %select_n3A_488 = arith.select %and3A_485, %sub3A_478, %broadcast_in_dim3A_487 : vector<16xi1>, vector<16xi32>
      %swap3A_489 = arith.constant 3 : i32
      %swap3A_490 = arith.index_cast %swap3A_489 : i32 to index
      %swap3A_491 = arith.constant 32 : index
      %swap3A_492 = tpu.vector_load %arg7[%swap3A_490, %swap3A_491] {strides = array<i32>} : memref<10x80xi32, #tpu.memory_space<vmem>>, vector<1x16xi32>,
      %swap3A_493 = vector.shape_cast %swap3A_492 : vector<1x16xi32> to vector<16xi32>
      %swap3A_494 = vector.shape_cast %select_n3A_488 : vector<16xi32> to vector<1x16xi32>
      tpu.vector_store %arg7[%swap3A_490, %swap3A_491], %swap3A_494 {strides = array<i32>} : memref<10x80xi32, #tpu.memory_space<vmem>>, vector<1x16xi32>,
      %get3A_495 = arith.constant 288 : index
      %get3A_496 = tpu.vector_load %arg6[%get3A_495] {strides = array<i32>} : memref<800xi32, #tpu.memory_space<vmem>>, vector<16xi32>,
      %get3A_497 = vector.shape_cast %get3A_496 : vector<16xi32> to vector<16xi32>
      %sub3A_498 = vector.broadcast %mul3A_0 : i32 to vector<16xi32>
      %sub3A_499 = arith.subi %get3A_497, %sub3A_498 : vector<16xi32>
      %ge3A_500 = arith.constant 0 : i32
      %ge3A_501 = vector.broadcast %ge3A_500 : i32 to vector<16xi32>
      %ge3A_502 = arith.cmpi sge, %sub3A_499, %ge3A_501 : vector<16xi32>
      %lt3A_503 = arith.constant 50000 : i32
      %lt3A_504 = vector.broadcast %lt3A_503 : i32 to vector<16xi32>
      %lt3A_505 = arith.cmpi slt, %sub3A_499, %lt3A_504 : vector<16xi32>
      %and3A_506 = arith.andi %ge3A_502, %lt3A_505 : vector<16xi1>
      %jit3A_507 = arith.constant 50000 : i32
      %broadcast_in_dim3A_508 = vector.broadcast %jit3A_507 : i32 to vector<16xi32>
      %select_n3A_509 = arith.select %and3A_506, %sub3A_499, %broadcast_in_dim3A_508 : vector<16xi1>, vector<16xi32>
      %swap3A_510 = arith.constant 3 : i32
      %swap3A_511 = arith.index_cast %swap3A_510 : i32 to index
      %swap3A_512 = arith.constant 48 : index
      %swap3A_513 = tpu.vector_load %arg7[%swap3A_511, %swap3A_512] {strides = array<i32>} : memref<10x80xi32, #tpu.memory_space<vmem>>, vector<1x16xi32>,
      %swap3A_514 = vector.shape_cast %swap3A_513 : vector<1x16xi32> to vector<16xi32>
      %swap3A_515 = vector.shape_cast %select_n3A_509 : vector<16xi32> to vector<1x16xi32>
      tpu.vector_store %arg7[%swap3A_511, %swap3A_512], %swap3A_515 {strides = array<i32>} : memref<10x80xi32, #tpu.memory_space<vmem>>, vector<1x16xi32>,
      %get3A_516 = arith.constant 304 : index
      %get3A_517 = tpu.vector_load %arg6[%get3A_516] {strides = array<i32>} : memref<800xi32, #tpu.memory_space<vmem>>, vector<16xi32>,
      %get3A_518 = vector.shape_cast %get3A_517 : vector<16xi32> to vector<16xi32>
      %sub3A_519 = vector.broadcast %mul3A_0 : i32 to vector<16xi32>
      %sub3A_520 = arith.subi %get3A_518, %sub3A_519 : vector<16xi32>
      %ge3A_521 = arith.constant 0 : i32
      %ge3A_522 = vector.broadcast %ge3A_521 : i32 to vector<16xi32>
      %ge3A_523 = arith.cmpi sge, %sub3A_520, %ge3A_522 : vector<16xi32>
      %lt3A_524 = arith.constant 50000 : i32
      %lt3A_525 = vector.broadcast %lt3A_524 : i32 to vector<16xi32>
      %lt3A_526 = arith.cmpi slt, %sub3A_520, %lt3A_525 : vector<16xi32>
      %and3A_527 = arith.andi %ge3A_523, %lt3A_526 : vector<16xi1>
      %jit3A_528 = arith.constant 50000 : i32
      %broadcast_in_dim3A_529 = vector.broadcast %jit3A_528 : i32 to vector<16xi32>
      %select_n3A_530 = arith.select %and3A_527, %sub3A_520, %broadcast_in_dim3A_529 : vector<16xi1>, vector<16xi32>
      %swap3A_531 = arith.constant 3 : i32
      %swap3A_532 = arith.index_cast %swap3A_531 : i32 to index
      %swap3A_533 = arith.constant 64 : index
      %swap3A_534 = tpu.vector_load %arg7[%swap3A_532, %swap3A_533] {strides = array<i32>} : memref<10x80xi32, #tpu.memory_space<vmem>>, vector<1x16xi32>,
      %swap3A_535 = vector.shape_cast %swap3A_534 : vector<1x16xi32> to vector<16xi32>
      %swap3A_536 = vector.shape_cast %select_n3A_530 : vector<16xi32> to vector<1x16xi32>
      tpu.vector_store %arg7[%swap3A_532, %swap3A_533], %swap3A_536 {strides = array<i32>} : memref<10x80xi32, #tpu.memory_space<vmem>>, vector<1x16xi32>,
      %get3A_537 = arith.constant 320 : index
      %get3A_538 = tpu.vector_load %arg6[%get3A_537] {strides = array<i32>} : memref<800xi32, #tpu.memory_space<vmem>>, vector<16xi32>,
      %get3A_539 = vector.shape_cast %get3A_538 : vector<16xi32> to vector<16xi32>
      %sub3A_540 = vector.broadcast %mul3A_0 : i32 to vector<16xi32>
      %sub3A_541 = arith.subi %get3A_539, %sub3A_540 : vector<16xi32>
      %ge3A_542 = arith.constant 0 : i32
      %ge3A_543 = vector.broadcast %ge3A_542 : i32 to vector<16xi32>
      %ge3A_544 = arith.cmpi sge, %sub3A_541, %ge3A_543 : vector<16xi32>
      %lt3A_545 = arith.constant 50000 : i32
      %lt3A_546 = vector.broadcast %lt3A_545 : i32 to vector<16xi32>
      %lt3A_547 = arith.cmpi slt, %sub3A_541, %lt3A_546 : vector<16xi32>
      %and3A_548 = arith.andi %ge3A_544, %lt3A_547 : vector<16xi1>
      %jit3A_549 = arith.constant 50000 : i32
      %broadcast_in_dim3A_550 = vector.broadcast %jit3A_549 : i32 to vector<16xi32>
      %select_n3A_551 = arith.select %and3A_548, %sub3A_541, %broadcast_in_dim3A_550 : vector<16xi1>, vector<16xi32>
      %swap3A_552 = arith.constant 4 : i32
      %swap3A_553 = arith.index_cast %swap3A_552 : i32 to index
      %swap3A_554 = arith.constant 0 : index
      %swap3A_555 = tpu.vector_load %arg7[%swap3A_553, %swap3A_554] {strides = array<i32>} : memref<10x80xi32, #tpu.memory_space<vmem>>, vector<1x16xi32>,
      %swap3A_556 = vector.shape_cast %swap3A_555 : vector<1x16xi32> to vector<16xi32>
      %swap3A_557 = vector.shape_cast %select_n3A_551 : vector<16xi32> to vector<1x16xi32>
      tpu.vector_store %arg7[%swap3A_553, %swap3A_554], %swap3A_557 {strides = array<i32>} : memref<10x80xi32, #tpu.memory_space<vmem>>, vector<1x16xi32>,
      %get3A_558 = arith.constant 336 : index
      %get3A_559 = tpu.vector_load %arg6[%get3A_558] {strides = array<i32>} : memref<800xi32, #tpu.memory_space<vmem>>, vector<16xi32>,
      %get3A_560 = vector.shape_cast %get3A_559 : vector<16xi32> to vector<16xi32>
      %sub3A_561 = vector.broadcast %mul3A_0 : i32 to vector<16xi32>
      %sub3A_562 = arith.subi %get3A_560, %sub3A_561 : vector<16xi32>
      %ge3A_563 = arith.constant 0 : i32
      %ge3A_564 = vector.broadcast %ge3A_563 : i32 to vector<16xi32>
      %ge3A_565 = arith.cmpi sge, %sub3A_562, %ge3A_564 : vector<16xi32>
      %lt3A_566 = arith.constant 50000 : i32
      %lt3A_567 = vector.broadcast %lt3A_566 : i32 to vector<16xi32>
      %lt3A_568 = arith.cmpi slt, %sub3A_562, %lt3A_567 : vector<16xi32>
      %and3A_569 = arith.andi %ge3A_565, %lt3A_568 : vector<16xi1>
      %jit3A_570 = arith.constant 50000 : i32
      %broadcast_in_dim3A_571 = vector.broadcast %jit3A_570 : i32 to vector<16xi32>
      %select_n3A_572 = arith.select %and3A_569, %sub3A_562, %broadcast_in_dim3A_571 : vector<16xi1>, vector<16xi32>
      %swap3A_573 = arith.constant 4 : i32
      %swap3A_574 = arith.index_cast %swap3A_573 : i32 to index
      %swap3A_575 = arith.constant 16 : index
      %swap3A_576 = tpu.vector_load %arg7[%swap3A_574, %swap3A_575] {strides = array<i32>} : memref<10x80xi32, #tpu.memory_space<vmem>>, vector<1x16xi32>,
      %swap3A_577 = vector.shape_cast %swap3A_576 : vector<1x16xi32> to vector<16xi32>
      %swap3A_578 = vector.shape_cast %select_n3A_572 : vector<16xi32> to vector<1x16xi32>
      tpu.vector_store %arg7[%swap3A_574, %swap3A_575], %swap3A_578 {strides = array<i32>} : memref<10x80xi32, #tpu.memory_space<vmem>>, vector<1x16xi32>,
      %get3A_579 = arith.constant 352 : index
      %get3A_580 = tpu.vector_load %arg6[%get3A_579] {strides = array<i32>} : memref<800xi32, #tpu.memory_space<vmem>>, vector<16xi32>,
      %get3A_581 = vector.shape_cast %get3A_580 : vector<16xi32> to vector<16xi32>
      %sub3A_582 = vector.broadcast %mul3A_0 : i32 to vector<16xi32>
      %sub3A_583 = arith.subi %get3A_581, %sub3A_582 : vector<16xi32>
      %ge3A_584 = arith.constant 0 : i32
      %ge3A_585 = vector.broadcast %ge3A_584 : i32 to vector<16xi32>
      %ge3A_586 = arith.cmpi sge, %sub3A_583, %ge3A_585 : vector<16xi32>
      %lt3A_587 = arith.constant 50000 : i32
      %lt3A_588 = vector.broadcast %lt3A_587 : i32 to vector<16xi32>
      %lt3A_589 = arith.cmpi slt, %sub3A_583, %lt3A_588 : vector<16xi32>
      %and3A_590 = arith.andi %ge3A_586, %lt3A_589 : vector<16xi1>
      %jit3A_591 = arith.constant 50000 : i32
      %broadcast_in_dim3A_592 = vector.broadcast %jit3A_591 : i32 to vector<16xi32>
      %select_n3A_593 = arith.select %and3A_590, %sub3A_583, %broadcast_in_dim3A_592 : vector<16xi1>, vector<16xi32>
      %swap3A_594 = arith.constant 4 : i32
      %swap3A_595 = arith.index_cast %swap3A_594 : i32 to index
      %swap3A_596 = arith.constant 32 : index
      %swap3A_597 = tpu.vector_load %arg7[%swap3A_595, %swap3A_596] {strides = array<i32>} : memref<10x80xi32, #tpu.memory_space<vmem>>, vector<1x16xi32>,
      %swap3A_598 = vector.shape_cast %swap3A_597 : vector<1x16xi32> to vector<16xi32>
      %swap3A_599 = vector.shape_cast %select_n3A_593 : vector<16xi32> to vector<1x16xi32>
      tpu.vector_store %arg7[%swap3A_595, %swap3A_596], %swap3A_599 {strides = array<i32>} : memref<10x80xi32, #tpu.memory_space<vmem>>, vector<1x16xi32>,
      %get3A_600 = arith.constant 368 : index
      %get3A_601 = tpu.vector_load %arg6[%get3A_600] {strides = array<i32>} : memref<800xi32, #tpu.memory_space<vmem>>, vector<16xi32>,
      %get3A_602 = vector.shape_cast %get3A_601 : vector<16xi32> to vector<16xi32>
      %sub3A_603 = vector.broadcast %mul3A_0 : i32 to vector<16xi32>
      %sub3A_604 = arith.subi %get3A_602, %sub3A_603 : vector<16xi32>
      %ge3A_605 = arith.constant 0 : i32
      %ge3A_606 = vector.broadcast %ge3A_605 : i32 to vector<16xi32>
      %ge3A_607 = arith.cmpi sge, %sub3A_604, %ge3A_606 : vector<16xi32>
      %lt3A_608 = arith.constant 50000 : i32
      %lt3A_609 = vector.broadcast %lt3A_608 : i32 to vector<16xi32>
      %lt3A_610 = arith.cmpi slt, %sub3A_604, %lt3A_609 : vector<16xi32>
      %and3A_611 = arith.andi %ge3A_607, %lt3A_610 : vector<16xi1>
      %jit3A_612 = arith.constant 50000 : i32
      %broadcast_in_dim3A_613 = vector.broadcast %jit3A_612 : i32 to vector<16xi32>
      %select_n3A_614 = arith.select %and3A_611, %sub3A_604, %broadcast_in_dim3A_613 : vector<16xi1>, vector<16xi32>
      %swap3A_615 = arith.constant 4 : i32
      %swap3A_616 = arith.index_cast %swap3A_615 : i32 to index
      %swap3A_617 = arith.constant 48 : index
      %swap3A_618 = tpu.vector_load %arg7[%swap3A_616, %swap3A_617] {strides = array<i32>} : memref<10x80xi32, #tpu.memory_space<vmem>>, vector<1x16xi32>,
      %swap3A_619 = vector.shape_cast %swap3A_618 : vector<1x16xi32> to vector<16xi32>
      %swap3A_620 = vector.shape_cast %select_n3A_614 : vector<16xi32> to vector<1x16xi32>
      tpu.vector_store %arg7[%swap3A_616, %swap3A_617], %swap3A_620 {strides = array<i32>} : memref<10x80xi32, #tpu.memory_space<vmem>>, vector<1x16xi32>,
      %get3A_621 = arith.constant 384 : index
      %get3A_622 = tpu.vector_load %arg6[%get3A_621] {strides = array<i32>} : memref<800xi32, #tpu.memory_space<vmem>>, vector<16xi32>,
      %get3A_623 = vector.shape_cast %get3A_622 : vector<16xi32> to vector<16xi32>
      %sub3A_624 = vector.broadcast %mul3A_0 : i32 to vector<16xi32>
      %sub3A_625 = arith.subi %get3A_623, %sub3A_624 : vector<16xi32>
      %ge3A_626 = arith.constant 0 : i32
      %ge3A_627 = vector.broadcast %ge3A_626 : i32 to vector<16xi32>
      %ge3A_628 = arith.cmpi sge, %sub3A_625, %ge3A_627 : vector<16xi32>
      %lt3A_629 = arith.constant 50000 : i32
      %lt3A_630 = vector.broadcast %lt3A_629 : i32 to vector<16xi32>
      %lt3A_631 = arith.cmpi slt, %sub3A_625, %lt3A_630 : vector<16xi32>
      %and3A_632 = arith.andi %ge3A_628, %lt3A_631 : vector<16xi1>
      %jit3A_633 = arith.constant 50000 : i32
      %broadcast_in_dim3A_634 = vector.broadcast %jit3A_633 : i32 to vector<16xi32>
      %select_n3A_635 = arith.select %and3A_632, %sub3A_625, %broadcast_in_dim3A_634 : vector<16xi1>, vector<16xi32>
      %swap3A_636 = arith.constant 4 : i32
      %swap3A_637 = arith.index_cast %swap3A_636 : i32 to index
      %swap3A_638 = arith.constant 64 : index
      %swap3A_639 = tpu.vector_load %arg7[%swap3A_637, %swap3A_638] {strides = array<i32>} : memref<10x80xi32, #tpu.memory_space<vmem>>, vector<1x16xi32>,
      %swap3A_640 = vector.shape_cast %swap3A_639 : vector<1x16xi32> to vector<16xi32>
      %swap3A_641 = vector.shape_cast %select_n3A_635 : vector<16xi32> to vector<1x16xi32>
      tpu.vector_store %arg7[%swap3A_637, %swap3A_638], %swap3A_641 {strides = array<i32>} : memref<10x80xi32, #tpu.memory_space<vmem>>, vector<1x16xi32>,
      %get3A_642 = arith.constant 400 : index
      %get3A_643 = tpu.vector_load %arg6[%get3A_642] {strides = array<i32>} : memref<800xi32, #tpu.memory_space<vmem>>, vector<16xi32>,
      %get3A_644 = vector.shape_cast %get3A_643 : vector<16xi32> to vector<16xi32>
      %sub3A_645 = vector.broadcast %mul3A_0 : i32 to vector<16xi32>
      %sub3A_646 = arith.subi %get3A_644, %sub3A_645 : vector<16xi32>
      %ge3A_647 = arith.constant 0 : i32
      %ge3A_648 = vector.broadcast %ge3A_647 : i32 to vector<16xi32>
      %ge3A_649 = arith.cmpi sge, %sub3A_646, %ge3A_648 : vector<16xi32>
      %lt3A_650 = arith.constant 50000 : i32
      %lt3A_651 = vector.broadcast %lt3A_650 : i32 to vector<16xi32>
      %lt3A_652 = arith.cmpi slt, %sub3A_646, %lt3A_651 : vector<16xi32>
      %and3A_653 = arith.andi %ge3A_649, %lt3A_652 : vector<16xi1>
      %jit3A_654 = arith.constant 50000 : i32
      %broadcast_in_dim3A_655 = vector.broadcast %jit3A_654 : i32 to vector<16xi32>
      %select_n3A_656 = arith.select %and3A_653, %sub3A_646, %broadcast_in_dim3A_655 : vector<16xi1>, vector<16xi32>
      %swap3A_657 = arith.constant 5 : i32
      %swap3A_658 = arith.index_cast %swap3A_657 : i32 to index
      %swap3A_659 = arith.constant 0 : index
      %swap3A_660 = tpu.vector_load %arg7[%swap3A_658, %swap3A_659] {strides = array<i32>} : memref<10x80xi32, #tpu.memory_space<vmem>>, vector<1x16xi32>,
      %swap3A_661 = vector.shape_cast %swap3A_660 : vector<1x16xi32> to vector<16xi32>
      %swap3A_662 = vector.shape_cast %select_n3A_656 : vector<16xi32> to vector<1x16xi32>
      tpu.vector_store %arg7[%swap3A_658, %swap3A_659], %swap3A_662 {strides = array<i32>} : memref<10x80xi32, #tpu.memory_space<vmem>>, vector<1x16xi32>,
      %get3A_663 = arith.constant 416 : index
      %get3A_664 = tpu.vector_load %arg6[%get3A_663] {strides = array<i32>} : memref<800xi32, #tpu.memory_space<vmem>>, vector<16xi32>,
      %get3A_665 = vector.shape_cast %get3A_664 : vector<16xi32> to vector<16xi32>
      %sub3A_666 = vector.broadcast %mul3A_0 : i32 to vector<16xi32>
      %sub3A_667 = arith.subi %get3A_665, %sub3A_666 : vector<16xi32>
      %ge3A_668 = arith.constant 0 : i32
      %ge3A_669 = vector.broadcast %ge3A_668 : i32 to vector<16xi32>
      %ge3A_670 = arith.cmpi sge, %sub3A_667, %ge3A_669 : vector<16xi32>
      %lt3A_671 = arith.constant 50000 : i32
      %lt3A_672 = vector.broadcast %lt3A_671 : i32 to vector<16xi32>
      %lt3A_673 = arith.cmpi slt, %sub3A_667, %lt3A_672 : vector<16xi32>
      %and3A_674 = arith.andi %ge3A_670, %lt3A_673 : vector<16xi1>
      %jit3A_675 = arith.constant 50000 : i32
      %broadcast_in_dim3A_676 = vector.broadcast %jit3A_675 : i32 to vector<16xi32>
      %select_n3A_677 = arith.select %and3A_674, %sub3A_667, %broadcast_in_dim3A_676 : vector<16xi1>, vector<16xi32>
      %swap3A_678 = arith.constant 5 : i32
      %swap3A_679 = arith.index_cast %swap3A_678 : i32 to index
      %swap3A_680 = arith.constant 16 : index
      %swap3A_681 = tpu.vector_load %arg7[%swap3A_679, %swap3A_680] {strides = array<i32>} : memref<10x80xi32, #tpu.memory_space<vmem>>, vector<1x16xi32>,
      %swap3A_682 = vector.shape_cast %swap3A_681 : vector<1x16xi32> to vector<16xi32>
      %swap3A_683 = vector.shape_cast %select_n3A_677 : vector<16xi32> to vector<1x16xi32>
      tpu.vector_store %arg7[%swap3A_679, %swap3A_680], %swap3A_683 {strides = array<i32>} : memref<10x80xi32, #tpu.memory_space<vmem>>, vector<1x16xi32>,
      %get3A_684 = arith.constant 432 : index
      %get3A_685 = tpu.vector_load %arg6[%get3A_684] {strides = array<i32>} : memref<800xi32, #tpu.memory_space<vmem>>, vector<16xi32>,
      %get3A_686 = vector.shape_cast %get3A_685 : vector<16xi32> to vector<16xi32>
      %sub3A_687 = vector.broadcast %mul3A_0 : i32 to vector<16xi32>
      %sub3A_688 = arith.subi %get3A_686, %sub3A_687 : vector<16xi32>
      %ge3A_689 = arith.constant 0 : i32
      %ge3A_690 = vector.broadcast %ge3A_689 : i32 to vector<16xi32>
      %ge3A_691 = arith.cmpi sge, %sub3A_688, %ge3A_690 : vector<16xi32>
      %lt3A_692 = arith.constant 50000 : i32
      %lt3A_693 = vector.broadcast %lt3A_692 : i32 to vector<16xi32>
      %lt3A_694 = arith.cmpi slt, %sub3A_688, %lt3A_693 : vector<16xi32>
      %and3A_695 = arith.andi %ge3A_691, %lt3A_694 : vector<16xi1>
      %jit3A_696 = arith.constant 50000 : i32
      %broadcast_in_dim3A_697 = vector.broadcast %jit3A_696 : i32 to vector<16xi32>
      %select_n3A_698 = arith.select %and3A_695, %sub3A_688, %broadcast_in_dim3A_697 : vector<16xi1>, vector<16xi32>
      %swap3A_699 = arith.constant 5 : i32
      %swap3A_700 = arith.index_cast %swap3A_699 : i32 to index
      %swap3A_701 = arith.constant 32 : index
      %swap3A_702 = tpu.vector_load %arg7[%swap3A_700, %swap3A_701] {strides = array<i32>} : memref<10x80xi32, #tpu.memory_space<vmem>>, vector<1x16xi32>,
      %swap3A_703 = vector.shape_cast %swap3A_702 : vector<1x16xi32> to vector<16xi32>
      %swap3A_704 = vector.shape_cast %select_n3A_698 : vector<16xi32> to vector<1x16xi32>
      tpu.vector_store %arg7[%swap3A_700, %swap3A_701], %swap3A_704 {strides = array<i32>} : memref<10x80xi32, #tpu.memory_space<vmem>>, vector<1x16xi32>,
      %get3A_705 = arith.constant 448 : index
      %get3A_706 = tpu.vector_load %arg6[%get3A_705] {strides = array<i32>} : memref<800xi32, #tpu.memory_space<vmem>>, vector<16xi32>,
      %get3A_707 = vector.shape_cast %get3A_706 : vector<16xi32> to vector<16xi32>
      %sub3A_708 = vector.broadcast %mul3A_0 : i32 to vector<16xi32>
      %sub3A_709 = arith.subi %get3A_707, %sub3A_708 : vector<16xi32>
      %ge3A_710 = arith.constant 0 : i32
      %ge3A_711 = vector.broadcast %ge3A_710 : i32 to vector<16xi32>
      %ge3A_712 = arith.cmpi sge, %sub3A_709, %ge3A_711 : vector<16xi32>
      %lt3A_713 = arith.constant 50000 : i32
      %lt3A_714 = vector.broadcast %lt3A_713 : i32 to vector<16xi32>
      %lt3A_715 = arith.cmpi slt, %sub3A_709, %lt3A_714 : vector<16xi32>
      %and3A_716 = arith.andi %ge3A_712, %lt3A_715 : vector<16xi1>
      %jit3A_717 = arith.constant 50000 : i32
      %broadcast_in_dim3A_718 = vector.broadcast %jit3A_717 : i32 to vector<16xi32>
      %select_n3A_719 = arith.select %and3A_716, %sub3A_709, %broadcast_in_dim3A_718 : vector<16xi1>, vector<16xi32>
      %swap3A_720 = arith.constant 5 : i32
      %swap3A_721 = arith.index_cast %swap3A_720 : i32 to index
      %swap3A_722 = arith.constant 48 : index
      %swap3A_723 = tpu.vector_load %arg7[%swap3A_721, %swap3A_722] {strides = array<i32>} : memref<10x80xi32, #tpu.memory_space<vmem>>, vector<1x16xi32>,
      %swap3A_724 = vector.shape_cast %swap3A_723 : vector<1x16xi32> to vector<16xi32>
      %swap3A_725 = vector.shape_cast %select_n3A_719 : vector<16xi32> to vector<1x16xi32>
      tpu.vector_store %arg7[%swap3A_721, %swap3A_722], %swap3A_725 {strides = array<i32>} : memref<10x80xi32, #tpu.memory_space<vmem>>, vector<1x16xi32>,
      %get3A_726 = arith.constant 464 : index
      %get3A_727 = tpu.vector_load %arg6[%get3A_726] {strides = array<i32>} : memref<800xi32, #tpu.memory_space<vmem>>, vector<16xi32>,
      %get3A_728 = vector.shape_cast %get3A_727 : vector<16xi32> to vector<16xi32>
      %sub3A_729 = vector.broadcast %mul3A_0 : i32 to vector<16xi32>
      %sub3A_730 = arith.subi %get3A_728, %sub3A_729 : vector<16xi32>
      %ge3A_731 = arith.constant 0 : i32
      %ge3A_732 = vector.broadcast %ge3A_731 : i32 to vector<16xi32>
      %ge3A_733 = arith.cmpi sge, %sub3A_730, %ge3A_732 : vector<16xi32>
      %lt3A_734 = arith.constant 50000 : i32
      %lt3A_735 = vector.broadcast %lt3A_734 : i32 to vector<16xi32>
      %lt3A_736 = arith.cmpi slt, %sub3A_730, %lt3A_735 : vector<16xi32>
      %and3A_737 = arith.andi %ge3A_733, %lt3A_736 : vector<16xi1>
      %jit3A_738 = arith.constant 50000 : i32
      %broadcast_in_dim3A_739 = vector.broadcast %jit3A_738 : i32 to vector<16xi32>
      %select_n3A_740 = arith.select %and3A_737, %sub3A_730, %broadcast_in_dim3A_739 : vector<16xi1>, vector<16xi32>
      %swap3A_741 = arith.constant 5 : i32
      %swap3A_742 = arith.index_cast %swap3A_741 : i32 to index
      %swap3A_743 = arith.constant 64 : index
      %swap3A_744 = tpu.vector_load %arg7[%swap3A_742, %swap3A_743] {strides = array<i32>} : memref<10x80xi32, #tpu.memory_space<vmem>>, vector<1x16xi32>,
      %swap3A_745 = vector.shape_cast %swap3A_744 : vector<1x16xi32> to vector<16xi32>
      %swap3A_746 = vector.shape_cast %select_n3A_740 : vector<16xi32> to vector<1x16xi32>
      tpu.vector_store %arg7[%swap3A_742, %swap3A_743], %swap3A_746 {strides = array<i32>} : memref<10x80xi32, #tpu.memory_space<vmem>>, vector<1x16xi32>,
      %get3A_747 = arith.constant 480 : index
      %get3A_748 = tpu.vector_load %arg6[%get3A_747] {strides = array<i32>} : memref<800xi32, #tpu.memory_space<vmem>>, vector<16xi32>,
      %get3A_749 = vector.shape_cast %get3A_748 : vector<16xi32> to vector<16xi32>
      %sub3A_750 = vector.broadcast %mul3A_0 : i32 to vector<16xi32>
      %sub3A_751 = arith.subi %get3A_749, %sub3A_750 : vector<16xi32>
      %ge3A_752 = arith.constant 0 : i32
      %ge3A_753 = vector.broadcast %ge3A_752 : i32 to vector<16xi32>
      %ge3A_754 = arith.cmpi sge, %sub3A_751, %ge3A_753 : vector<16xi32>
      %lt3A_755 = arith.constant 50000 : i32
      %lt3A_756 = vector.broadcast %lt3A_755 : i32 to vector<16xi32>
      %lt3A_757 = arith.cmpi slt, %sub3A_751, %lt3A_756 : vector<16xi32>
      %and3A_758 = arith.andi %ge3A_754, %lt3A_757 : vector<16xi1>
      %jit3A_759 = arith.constant 50000 : i32
      %broadcast_in_dim3A_760 = vector.broadcast %jit3A_759 : i32 to vector<16xi32>
      %select_n3A_761 = arith.select %and3A_758, %sub3A_751, %broadcast_in_dim3A_760 : vector<16xi1>, vector<16xi32>
      %swap3A_762 = arith.constant 6 : i32
      %swap3A_763 = arith.index_cast %swap3A_762 : i32 to index
      %swap3A_764 = arith.constant 0 : index
      %swap3A_765 = tpu.vector_load %arg7[%swap3A_763, %swap3A_764] {strides = array<i32>} : memref<10x80xi32, #tpu.memory_space<vmem>>, vector<1x16xi32>,
      %swap3A_766 = vector.shape_cast %swap3A_765 : vector<1x16xi32> to vector<16xi32>
      %swap3A_767 = vector.shape_cast %select_n3A_761 : vector<16xi32> to vector<1x16xi32>
      tpu.vector_store %arg7[%swap3A_763, %swap3A_764], %swap3A_767 {strides = array<i32>} : memref<10x80xi32, #tpu.memory_space<vmem>>, vector<1x16xi32>,
      %get3A_768 = arith.constant 496 : index
      %get3A_769 = tpu.vector_load %arg6[%get3A_768] {strides = array<i32>} : memref<800xi32, #tpu.memory_space<vmem>>, vector<16xi32>,
      %get3A_770 = vector.shape_cast %get3A_769 : vector<16xi32> to vector<16xi32>
      %sub3A_771 = vector.broadcast %mul3A_0 : i32 to vector<16xi32>
      %sub3A_772 = arith.subi %get3A_770, %sub3A_771 : vector<16xi32>
      %ge3A_773 = arith.constant 0 : i32
      %ge3A_774 = vector.broadcast %ge3A_773 : i32 to vector<16xi32>
      %ge3A_775 = arith.cmpi sge, %sub3A_772, %ge3A_774 : vector<16xi32>
      %lt3A_776 = arith.constant 50000 : i32
      %lt3A_777 = vector.broadcast %lt3A_776 : i32 to vector<16xi32>
      %lt3A_778 = arith.cmpi slt, %sub3A_772, %lt3A_777 : vector<16xi32>
      %and3A_779 = arith.andi %ge3A_775, %lt3A_778 : vector<16xi1>
      %jit3A_780 = arith.constant 50000 : i32
      %broadcast_in_dim3A_781 = vector.broadcast %jit3A_780 : i32 to vector<16xi32>
      %select_n3A_782 = arith.select %and3A_779, %sub3A_772, %broadcast_in_dim3A_781 : vector<16xi1>, vector<16xi32>
      %swap3A_783 = arith.constant 6 : i32
      %swap3A_784 = arith.index_cast %swap3A_783 : i32 to index
      %swap3A_785 = arith.constant 16 : index
      %swap3A_786 = tpu.vector_load %arg7[%swap3A_784, %swap3A_785] {strides = array<i32>} : memref<10x80xi32, #tpu.memory_space<vmem>>, vector<1x16xi32>,
      %swap3A_787 = vector.shape_cast %swap3A_786 : vector<1x16xi32> to vector<16xi32>
      %swap3A_788 = vector.shape_cast %select_n3A_782 : vector<16xi32> to vector<1x16xi32>
      tpu.vector_store %arg7[%swap3A_784, %swap3A_785], %swap3A_788 {strides = array<i32>} : memref<10x80xi32, #tpu.memory_space<vmem>>, vector<1x16xi32>,
      %get3A_789 = arith.constant 512 : index
      %get3A_790 = tpu.vector_load %arg6[%get3A_789] {strides = array<i32>} : memref<800xi32, #tpu.memory_space<vmem>>, vector<16xi32>,
      %get3A_791 = vector.shape_cast %get3A_790 : vector<16xi32> to vector<16xi32>
      %sub3A_792 = vector.broadcast %mul3A_0 : i32 to vector<16xi32>
      %sub3A_793 = arith.subi %get3A_791, %sub3A_792 : vector<16xi32>
      %ge3A_794 = arith.constant 0 : i32
      %ge3A_795 = vector.broadcast %ge3A_794 : i32 to vector<16xi32>
      %ge3A_796 = arith.cmpi sge, %sub3A_793, %ge3A_795 : vector<16xi32>
      %lt3A_797 = arith.constant 50000 : i32
      %lt3A_798 = vector.broadcast %lt3A_797 : i32 to vector<16xi32>
      %lt3A_799 = arith.cmpi slt, %sub3A_793, %lt3A_798 : vector<16xi32>
      %and3A_800 = arith.andi %ge3A_796, %lt3A_799 : vector<16xi1>
      %jit3A_801 = arith.constant 50000 : i32
      %broadcast_in_dim3A_802 = vector.broadcast %jit3A_801 : i32 to vector<16xi32>
      %select_n3A_803 = arith.select %and3A_800, %sub3A_793, %broadcast_in_dim3A_802 : vector<16xi1>, vector<16xi32>
      %swap3A_804 = arith.constant 6 : i32
      %swap3A_805 = arith.index_cast %swap3A_804 : i32 to index
      %swap3A_806 = arith.constant 32 : index
      %swap3A_807 = tpu.vector_load %arg7[%swap3A_805, %swap3A_806] {strides = array<i32>} : memref<10x80xi32, #tpu.memory_space<vmem>>, vector<1x16xi32>,
      %swap3A_808 = vector.shape_cast %swap3A_807 : vector<1x16xi32> to vector<16xi32>
      %swap3A_809 = vector.shape_cast %select_n3A_803 : vector<16xi32> to vector<1x16xi32>
      tpu.vector_store %arg7[%swap3A_805, %swap3A_806], %swap3A_809 {strides = array<i32>} : memref<10x80xi32, #tpu.memory_space<vmem>>, vector<1x16xi32>,
      %get3A_810 = arith.constant 528 : index
      %get3A_811 = tpu.vector_load %arg6[%get3A_810] {strides = array<i32>} : memref<800xi32, #tpu.memory_space<vmem>>, vector<16xi32>,
      %get3A_812 = vector.shape_cast %get3A_811 : vector<16xi32> to vector<16xi32>
      %sub3A_813 = vector.broadcast %mul3A_0 : i32 to vector<16xi32>
      %sub3A_814 = arith.subi %get3A_812, %sub3A_813 : vector<16xi32>
      %ge3A_815 = arith.constant 0 : i32
      %ge3A_816 = vector.broadcast %ge3A_815 : i32 to vector<16xi32>
      %ge3A_817 = arith.cmpi sge, %sub3A_814, %ge3A_816 : vector<16xi32>
      %lt3A_818 = arith.constant 50000 : i32
      %lt3A_819 = vector.broadcast %lt3A_818 : i32 to vector<16xi32>
      %lt3A_820 = arith.cmpi slt, %sub3A_814, %lt3A_819 : vector<16xi32>
      %and3A_821 = arith.andi %ge3A_817, %lt3A_820 : vector<16xi1>
      %jit3A_822 = arith.constant 50000 : i32
      %broadcast_in_dim3A_823 = vector.broadcast %jit3A_822 : i32 to vector<16xi32>
      %select_n3A_824 = arith.select %and3A_821, %sub3A_814, %broadcast_in_dim3A_823 : vector<16xi1>, vector<16xi32>
      %swap3A_825 = arith.constant 6 : i32
      %swap3A_826 = arith.index_cast %swap3A_825 : i32 to index
      %swap3A_827 = arith.constant 48 : index
      %swap3A_828 = tpu.vector_load %arg7[%swap3A_826, %swap3A_827] {strides = array<i32>} : memref<10x80xi32, #tpu.memory_space<vmem>>, vector<1x16xi32>,
      %swap3A_829 = vector.shape_cast %swap3A_828 : vector<1x16xi32> to vector<16xi32>
      %swap3A_830 = vector.shape_cast %select_n3A_824 : vector<16xi32> to vector<1x16xi32>
      tpu.vector_store %arg7[%swap3A_826, %swap3A_827], %swap3A_830 {strides = array<i32>} : memref<10x80xi32, #tpu.memory_space<vmem>>, vector<1x16xi32>,
      %get3A_831 = arith.constant 544 : index
      %get3A_832 = tpu.vector_load %arg6[%get3A_831] {strides = array<i32>} : memref<800xi32, #tpu.memory_space<vmem>>, vector<16xi32>,
      %get3A_833 = vector.shape_cast %get3A_832 : vector<16xi32> to vector<16xi32>
      %sub3A_834 = vector.broadcast %mul3A_0 : i32 to vector<16xi32>
      %sub3A_835 = arith.subi %get3A_833, %sub3A_834 : vector<16xi32>
      %ge3A_836 = arith.constant 0 : i32
      %ge3A_837 = vector.broadcast %ge3A_836 : i32 to vector<16xi32>
      %ge3A_838 = arith.cmpi sge, %sub3A_835, %ge3A_837 : vector<16xi32>
      %lt3A_839 = arith.constant 50000 : i32
      %lt3A_840 = vector.broadcast %lt3A_839 : i32 to vector<16xi32>
      %lt3A_841 = arith.cmpi slt, %sub3A_835, %lt3A_840 : vector<16xi32>
      %and3A_842 = arith.andi %ge3A_838, %lt3A_841 : vector<16xi1>
      %jit3A_843 = arith.constant 50000 : i32
      %broadcast_in_dim3A_844 = vector.broadcast %jit3A_843 : i32 to vector<16xi32>
      %select_n3A_845 = arith.select %and3A_842, %sub3A_835, %broadcast_in_dim3A_844 : vector<16xi1>, vector<16xi32>
      %swap3A_846 = arith.constant 6 : i32
      %swap3A_847 = arith.index_cast %swap3A_846 : i32 to index
      %swap3A_848 = arith.constant 64 : index
      %swap3A_849 = tpu.vector_load %arg7[%swap3A_847, %swap3A_848] {strides = array<i32>} : memref<10x80xi32, #tpu.memory_space<vmem>>, vector<1x16xi32>,
      %swap3A_850 = vector.shape_cast %swap3A_849 : vector<1x16xi32> to vector<16xi32>
      %swap3A_851 = vector.shape_cast %select_n3A_845 : vector<16xi32> to vector<1x16xi32>
      tpu.vector_store %arg7[%swap3A_847, %swap3A_848], %swap3A_851 {strides = array<i32>} : memref<10x80xi32, #tpu.memory_space<vmem>>, vector<1x16xi32>,
      %get3A_852 = arith.constant 560 : index
      %get3A_853 = tpu.vector_load %arg6[%get3A_852] {strides = array<i32>} : memref<800xi32, #tpu.memory_space<vmem>>, vector<16xi32>,
      %get3A_854 = vector.shape_cast %get3A_853 : vector<16xi32> to vector<16xi32>
      %sub3A_855 = vector.broadcast %mul3A_0 : i32 to vector<16xi32>
      %sub3A_856 = arith.subi %get3A_854, %sub3A_855 : vector<16xi32>
      %ge3A_857 = arith.constant 0 : i32
      %ge3A_858 = vector.broadcast %ge3A_857 : i32 to vector<16xi32>
      %ge3A_859 = arith.cmpi sge, %sub3A_856, %ge3A_858 : vector<16xi32>
      %lt3A_860 = arith.constant 50000 : i32
      %lt3A_861 = vector.broadcast %lt3A_860 : i32 to vector<16xi32>
      %lt3A_862 = arith.cmpi slt, %sub3A_856, %lt3A_861 : vector<16xi32>
      %and3A_863 = arith.andi %ge3A_859, %lt3A_862 : vector<16xi1>
      %jit3A_864 = arith.constant 50000 : i32
      %broadcast_in_dim3A_865 = vector.broadcast %jit3A_864 : i32 to vector<16xi32>
      %select_n3A_866 = arith.select %and3A_863, %sub3A_856, %broadcast_in_dim3A_865 : vector<16xi1>, vector<16xi32>
      %swap3A_867 = arith.constant 7 : i32
      %swap3A_868 = arith.index_cast %swap3A_867 : i32 to index
      %swap3A_869 = arith.constant 0 : index
      %swap3A_870 = tpu.vector_load %arg7[%swap3A_868, %swap3A_869] {strides = array<i32>} : memref<10x80xi32, #tpu.memory_space<vmem>>, vector<1x16xi32>,
      %swap3A_871 = vector.shape_cast %swap3A_870 : vector<1x16xi32> to vector<16xi32>
      %swap3A_872 = vector.shape_cast %select_n3A_866 : vector<16xi32> to vector<1x16xi32>
      tpu.vector_store %arg7[%swap3A_868, %swap3A_869], %swap3A_872 {strides = array<i32>} : memref<10x80xi32, #tpu.memory_space<vmem>>, vector<1x16xi32>,
      %get3A_873 = arith.constant 576 : index
      %get3A_874 = tpu.vector_load %arg6[%get3A_873] {strides = array<i32>} : memref<800xi32, #tpu.memory_space<vmem>>, vector<16xi32>,
      %get3A_875 = vector.shape_cast %get3A_874 : vector<16xi32> to vector<16xi32>
      %sub3A_876 = vector.broadcast %mul3A_0 : i32 to vector<16xi32>
      %sub3A_877 = arith.subi %get3A_875, %sub3A_876 : vector<16xi32>
      %ge3A_878 = arith.constant 0 : i32
      %ge3A_879 = vector.broadcast %ge3A_878 : i32 to vector<16xi32>
      %ge3A_880 = arith.cmpi sge, %sub3A_877, %ge3A_879 : vector<16xi32>
      %lt3A_881 = arith.constant 50000 : i32
      %lt3A_882 = vector.broadcast %lt3A_881 : i32 to vector<16xi32>
      %lt3A_883 = arith.cmpi slt, %sub3A_877, %lt3A_882 : vector<16xi32>
      %and3A_884 = arith.andi %ge3A_880, %lt3A_883 : vector<16xi1>
      %jit3A_885 = arith.constant 50000 : i32
      %broadcast_in_dim3A_886 = vector.broadcast %jit3A_885 : i32 to vector<16xi32>
      %select_n3A_887 = arith.select %and3A_884, %sub3A_877, %broadcast_in_dim3A_886 : vector<16xi1>, vector<16xi32>
      %swap3A_888 = arith.constant 7 : i32
      %swap3A_889 = arith.index_cast %swap3A_888 : i32 to index
      %swap3A_890 = arith.constant 16 : index
      %swap3A_891 = tpu.vector_load %arg7[%swap3A_889, %swap3A_890] {strides = array<i32>} : memref<10x80xi32, #tpu.memory_space<vmem>>, vector<1x16xi32>,
      %swap3A_892 = vector.shape_cast %swap3A_891 : vector<1x16xi32> to vector<16xi32>
      %swap3A_893 = vector.shape_cast %select_n3A_887 : vector<16xi32> to vector<1x16xi32>
      tpu.vector_store %arg7[%swap3A_889, %swap3A_890], %swap3A_893 {strides = array<i32>} : memref<10x80xi32, #tpu.memory_space<vmem>>, vector<1x16xi32>,
      %get3A_894 = arith.constant 592 : index
      %get3A_895 = tpu.vector_load %arg6[%get3A_894] {strides = array<i32>} : memref<800xi32, #tpu.memory_space<vmem>>, vector<16xi32>,
      %get3A_896 = vector.shape_cast %get3A_895 : vector<16xi32> to vector<16xi32>
      %sub3A_897 = vector.broadcast %mul3A_0 : i32 to vector<16xi32>
      %sub3A_898 = arith.subi %get3A_896, %sub3A_897 : vector<16xi32>
      %ge3A_899 = arith.constant 0 : i32
      %ge3A_900 = vector.broadcast %ge3A_899 : i32 to vector<16xi32>
      %ge3A_901 = arith.cmpi sge, %sub3A_898, %ge3A_900 : vector<16xi32>
      %lt3A_902 = arith.constant 50000 : i32
      %lt3A_903 = vector.broadcast %lt3A_902 : i32 to vector<16xi32>
      %lt3A_904 = arith.cmpi slt, %sub3A_898, %lt3A_903 : vector<16xi32>
      %and3A_905 = arith.andi %ge3A_901, %lt3A_904 : vector<16xi1>
      %jit3A_906 = arith.constant 50000 : i32
      %broadcast_in_dim3A_907 = vector.broadcast %jit3A_906 : i32 to vector<16xi32>
      %select_n3A_908 = arith.select %and3A_905, %sub3A_898, %broadcast_in_dim3A_907 : vector<16xi1>, vector<16xi32>
      %swap3A_909 = arith.constant 7 : i32
      %swap3A_910 = arith.index_cast %swap3A_909 : i32 to index
      %swap3A_911 = arith.constant 32 : index
      %swap3A_912 = tpu.vector_load %arg7[%swap3A_910, %swap3A_911] {strides = array<i32>} : memref<10x80xi32, #tpu.memory_space<vmem>>, vector<1x16xi32>,
      %swap3A_913 = vector.shape_cast %swap3A_912 : vector<1x16xi32> to vector<16xi32>
      %swap3A_914 = vector.shape_cast %select_n3A_908 : vector<16xi32> to vector<1x16xi32>
      tpu.vector_store %arg7[%swap3A_910, %swap3A_911], %swap3A_914 {strides = array<i32>} : memref<10x80xi32, #tpu.memory_space<vmem>>, vector<1x16xi32>,
      %get3A_915 = arith.constant 608 : index
      %get3A_916 = tpu.vector_load %arg6[%get3A_915] {strides = array<i32>} : memref<800xi32, #tpu.memory_space<vmem>>, vector<16xi32>,
      %get3A_917 = vector.shape_cast %get3A_916 : vector<16xi32> to vector<16xi32>
      %sub3A_918 = vector.broadcast %mul3A_0 : i32 to vector<16xi32>
      %sub3A_919 = arith.subi %get3A_917, %sub3A_918 : vector<16xi32>
      %ge3A_920 = arith.constant 0 : i32
      %ge3A_921 = vector.broadcast %ge3A_920 : i32 to vector<16xi32>
      %ge3A_922 = arith.cmpi sge, %sub3A_919, %ge3A_921 : vector<16xi32>
      %lt3A_923 = arith.constant 50000 : i32
      %lt3A_924 = vector.broadcast %lt3A_923 : i32 to vector<16xi32>
      %lt3A_925 = arith.cmpi slt, %sub3A_919, %lt3A_924 : vector<16xi32>
      %and3A_926 = arith.andi %ge3A_922, %lt3A_925 : vector<16xi1>
      %jit3A_927 = arith.constant 50000 : i32
      %broadcast_in_dim3A_928 = vector.broadcast %jit3A_927 : i32 to vector<16xi32>
      %select_n3A_929 = arith.select %and3A_926, %sub3A_919, %broadcast_in_dim3A_928 : vector<16xi1>, vector<16xi32>
      %swap3A_930 = arith.constant 7 : i32
      %swap3A_931 = arith.index_cast %swap3A_930 : i32 to index
      %swap3A_932 = arith.constant 48 : index
      %swap3A_933 = tpu.vector_load %arg7[%swap3A_931, %swap3A_932] {strides = array<i32>} : memref<10x80xi32, #tpu.memory_space<vmem>>, vector<1x16xi32>,
      %swap3A_934 = vector.shape_cast %swap3A_933 : vector<1x16xi32> to vector<16xi32>
      %swap3A_935 = vector.shape_cast %select_n3A_929 : vector<16xi32> to vector<1x16xi32>
      tpu.vector_store %arg7[%swap3A_931, %swap3A_932], %swap3A_935 {strides = array<i32>} : memref<10x80xi32, #tpu.memory_space<vmem>>, vector<1x16xi32>,
      %get3A_936 = arith.constant 624 : index
      %get3A_937 = tpu.vector_load %arg6[%get3A_936] {strides = array<i32>} : memref<800xi32, #tpu.memory_space<vmem>>, vector<16xi32>,
      %get3A_938 = vector.shape_cast %get3A_937 : vector<16xi32> to vector<16xi32>
      %sub3A_939 = vector.broadcast %mul3A_0 : i32 to vector<16xi32>
      %sub3A_940 = arith.subi %get3A_938, %sub3A_939 : vector<16xi32>
      %ge3A_941 = arith.constant 0 : i32
      %ge3A_942 = vector.broadcast %ge3A_941 : i32 to vector<16xi32>
      %ge3A_943 = arith.cmpi sge, %sub3A_940, %ge3A_942 : vector<16xi32>
      %lt3A_944 = arith.constant 50000 : i32
      %lt3A_945 = vector.broadcast %lt3A_944 : i32 to vector<16xi32>
      %lt3A_946 = arith.cmpi slt, %sub3A_940, %lt3A_945 : vector<16xi32>
      %and3A_947 = arith.andi %ge3A_943, %lt3A_946 : vector<16xi1>
      %jit3A_948 = arith.constant 50000 : i32
      %broadcast_in_dim3A_949 = vector.broadcast %jit3A_948 : i32 to vector<16xi32>
      %select_n3A_950 = arith.select %and3A_947, %sub3A_940, %broadcast_in_dim3A_949 : vector<16xi1>, vector<16xi32>
      %swap3A_951 = arith.constant 7 : i32
      %swap3A_952 = arith.index_cast %swap3A_951 : i32 to index
      %swap3A_953 = arith.constant 64 : index
      %swap3A_954 = tpu.vector_load %arg7[%swap3A_952, %swap3A_953] {strides = array<i32>} : memref<10x80xi32, #tpu.memory_space<vmem>>, vector<1x16xi32>,
      %swap3A_955 = vector.shape_cast %swap3A_954 : vector<1x16xi32> to vector<16xi32>
      %swap3A_956 = vector.shape_cast %select_n3A_950 : vector<16xi32> to vector<1x16xi32>
      tpu.vector_store %arg7[%swap3A_952, %swap3A_953], %swap3A_956 {strides = array<i32>} : memref<10x80xi32, #tpu.memory_space<vmem>>, vector<1x16xi32>,
      %get3A_957 = arith.constant 640 : index
      %get3A_958 = tpu.vector_load %arg6[%get3A_957] {strides = array<i32>} : memref<800xi32, #tpu.memory_space<vmem>>, vector<16xi32>,
      %get3A_959 = vector.shape_cast %get3A_958 : vector<16xi32> to vector<16xi32>
      %sub3A_960 = vector.broadcast %mul3A_0 : i32 to vector<16xi32>
      %sub3A_961 = arith.subi %get3A_959, %sub3A_960 : vector<16xi32>
      %ge3A_962 = arith.constant 0 : i32
      %ge3A_963 = vector.broadcast %ge3A_962 : i32 to vector<16xi32>
      %ge3A_964 = arith.cmpi sge, %sub3A_961, %ge3A_963 : vector<16xi32>
      %lt3A_965 = arith.constant 50000 : i32
      %lt3A_966 = vector.broadcast %lt3A_965 : i32 to vector<16xi32>
      %lt3A_967 = arith.cmpi slt, %sub3A_961, %lt3A_966 : vector<16xi32>
      %and3A_968 = arith.andi %ge3A_964, %lt3A_967 : vector<16xi1>
      %jit3A_969 = arith.constant 50000 : i32
      %broadcast_in_dim3A_970 = vector.broadcast %jit3A_969 : i32 to vector<16xi32>
      %select_n3A_971 = arith.select %and3A_968, %sub3A_961, %broadcast_in_dim3A_970 : vector<16xi1>, vector<16xi32>
      %swap3A_972 = arith.constant 8 : i32
      %swap3A_973 = arith.index_cast %swap3A_972 : i32 to index
      %swap3A_974 = arith.constant 0 : index
      %swap3A_975 = tpu.vector_load %arg7[%swap3A_973, %swap3A_974] {strides = array<i32>} : memref<10x80xi32, #tpu.memory_space<vmem>>, vector<1x16xi32>,
      %swap3A_976 = vector.shape_cast %swap3A_975 : vector<1x16xi32> to vector<16xi32>
      %swap3A_977 = vector.shape_cast %select_n3A_971 : vector<16xi32> to vector<1x16xi32>
      tpu.vector_store %arg7[%swap3A_973, %swap3A_974], %swap3A_977 {strides = array<i32>} : memref<10x80xi32, #tpu.memory_space<vmem>>, vector<1x16xi32>,
      %get3A_978 = arith.constant 656 : index
      %get3A_979 = tpu.vector_load %arg6[%get3A_978] {strides = array<i32>} : memref<800xi32, #tpu.memory_space<vmem>>, vector<16xi32>,
      %get3A_980 = vector.shape_cast %get3A_979 : vector<16xi32> to vector<16xi32>
      %sub3A_981 = vector.broadcast %mul3A_0 : i32 to vector<16xi32>
      %sub3A_982 = arith.subi %get3A_980, %sub3A_981 : vector<16xi32>
      %ge3A_983 = arith.constant 0 : i32
      %ge3A_984 = vector.broadcast %ge3A_983 : i32 to vector<16xi32>
      %ge3A_985 = arith.cmpi sge, %sub3A_982, %ge3A_984 : vector<16xi32>
      %lt3A_986 = arith.constant 50000 : i32
      %lt3A_987 = vector.broadcast %lt3A_986 : i32 to vector<16xi32>
      %lt3A_988 = arith.cmpi slt, %sub3A_982, %lt3A_987 : vector<16xi32>
      %and3A_989 = arith.andi %ge3A_985, %lt3A_988 : vector<16xi1>
      %jit3A_990 = arith.constant 50000 : i32
      %broadcast_in_dim3A_991 = vector.broadcast %jit3A_990 : i32 to vector<16xi32>
      %select_n3A_992 = arith.select %and3A_989, %sub3A_982, %broadcast_in_dim3A_991 : vector<16xi1>, vector<16xi32>
      %swap3A_993 = arith.constant 8 : i32
      %swap3A_994 = arith.index_cast %swap3A_993 : i32 to index
      %swap3A_995 = arith.constant 16 : index
      %swap3A_996 = tpu.vector_load %arg7[%swap3A_994, %swap3A_995] {strides = array<i32>} : memref<10x80xi32, #tpu.memory_space<vmem>>, vector<1x16xi32>,
      %swap3A_997 = vector.shape_cast %swap3A_996 : vector<1x16xi32> to vector<16xi32>
      %swap3A_998 = vector.shape_cast %select_n3A_992 : vector<16xi32> to vector<1x16xi32>
      tpu.vector_store %arg7[%swap3A_994, %swap3A_995], %swap3A_998 {strides = array<i32>} : memref<10x80xi32, #tpu.memory_space<vmem>>, vector<1x16xi32>,
      %get3A_999 = arith.constant 672 : index
      %get3A_1000 = tpu.vector_load %arg6[%get3A_999] {strides = array<i32>} : memref<800xi32, #tpu.memory_space<vmem>>, vector<16xi32>,
      %get3A_1001 = vector.shape_cast %get3A_1000 : vector<16xi32> to vector<16xi32>
      %sub3A_1002 = vector.broadcast %mul3A_0 : i32 to vector<16xi32>
      %sub3A_1003 = arith.subi %get3A_1001, %sub3A_1002 : vector<16xi32>
      %ge3A_1004 = arith.constant 0 : i32
      %ge3A_1005 = vector.broadcast %ge3A_1004 : i32 to vector<16xi32>
      %ge3A_1006 = arith.cmpi sge, %sub3A_1003, %ge3A_1005 : vector<16xi32>
      %lt3A_1007 = arith.constant 50000 : i32
      %lt3A_1008 = vector.broadcast %lt3A_1007 : i32 to vector<16xi32>
      %lt3A_1009 = arith.cmpi slt, %sub3A_1003, %lt3A_1008 : vector<16xi32>
      %and3A_1010 = arith.andi %ge3A_1006, %lt3A_1009 : vector<16xi1>
      %jit3A_1011 = arith.constant 50000 : i32
      %broadcast_in_dim3A_1012 = vector.broadcast %jit3A_1011 : i32 to vector<16xi32>
      %select_n3A_1013 = arith.select %and3A_1010, %sub3A_1003, %broadcast_in_dim3A_1012 : vector<16xi1>, vector<16xi32>
      %swap3A_1014 = arith.constant 8 : i32
      %swap3A_1015 = arith.index_cast %swap3A_1014 : i32 to index
      %swap3A_1016 = arith.constant 32 : index
      %swap3A_1017 = tpu.vector_load %arg7[%swap3A_1015, %swap3A_1016] {strides = array<i32>} : memref<10x80xi32, #tpu.memory_space<vmem>>, vector<1x16xi32>,
      %swap3A_1018 = vector.shape_cast %swap3A_1017 : vector<1x16xi32> to vector<16xi32>
      %swap3A_1019 = vector.shape_cast %select_n3A_1013 : vector<16xi32> to vector<1x16xi32>
      tpu.vector_store %arg7[%swap3A_1015, %swap3A_1016], %swap3A_1019 {strides = array<i32>} : memref<10x80xi32, #tpu.memory_space<vmem>>, vector<1x16xi32>,
      %get3A_1020 = arith.constant 688 : index
      %get3A_1021 = tpu.vector_load %arg6[%get3A_1020] {strides = array<i32>} : memref<800xi32, #tpu.memory_space<vmem>>, vector<16xi32>,
      %get3A_1022 = vector.shape_cast %get3A_1021 : vector<16xi32> to vector<16xi32>
      %sub3A_1023 = vector.broadcast %mul3A_0 : i32 to vector<16xi32>
      %sub3A_1024 = arith.subi %get3A_1022, %sub3A_1023 : vector<16xi32>
      %ge3A_1025 = arith.constant 0 : i32
      %ge3A_1026 = vector.broadcast %ge3A_1025 : i32 to vector<16xi32>
      %ge3A_1027 = arith.cmpi sge, %sub3A_1024, %ge3A_1026 : vector<16xi32>
      %lt3A_1028 = arith.constant 50000 : i32
      %lt3A_1029 = vector.broadcast %lt3A_1028 : i32 to vector<16xi32>
      %lt3A_1030 = arith.cmpi slt, %sub3A_1024, %lt3A_1029 : vector<16xi32>
      %and3A_1031 = arith.andi %ge3A_1027, %lt3A_1030 : vector<16xi1>
      %jit3A_1032 = arith.constant 50000 : i32
      %broadcast_in_dim3A_1033 = vector.broadcast %jit3A_1032 : i32 to vector<16xi32>
      %select_n3A_1034 = arith.select %and3A_1031, %sub3A_1024, %broadcast_in_dim3A_1033 : vector<16xi1>, vector<16xi32>
      %swap3A_1035 = arith.constant 8 : i32
      %swap3A_1036 = arith.index_cast %swap3A_1035 : i32 to index
      %swap3A_1037 = arith.constant 48 : index
      %swap3A_1038 = tpu.vector_load %arg7[%swap3A_1036, %swap3A_1037] {strides = array<i32>} : memref<10x80xi32, #tpu.memory_space<vmem>>, vector<1x16xi32>,
      %swap3A_1039 = vector.shape_cast %swap3A_1038 : vector<1x16xi32> to vector<16xi32>
      %swap3A_1040 = vector.shape_cast %select_n3A_1034 : vector<16xi32> to vector<1x16xi32>
      tpu.vector_store %arg7[%swap3A_1036, %swap3A_1037], %swap3A_1040 {strides = array<i32>} : memref<10x80xi32, #tpu.memory_space<vmem>>, vector<1x16xi32>,
      %get3A_1041 = arith.constant 704 : index
      %get3A_1042 = tpu.vector_load %arg6[%get3A_1041] {strides = array<i32>} : memref<800xi32, #tpu.memory_space<vmem>>, vector<16xi32>,
      %get3A_1043 = vector.shape_cast %get3A_1042 : vector<16xi32> to vector<16xi32>
      %sub3A_1044 = vector.broadcast %mul3A_0 : i32 to vector<16xi32>
      %sub3A_1045 = arith.subi %get3A_1043, %sub3A_1044 : vector<16xi32>
      %ge3A_1046 = arith.constant 0 : i32
      %ge3A_1047 = vector.broadcast %ge3A_1046 : i32 to vector<16xi32>
      %ge3A_1048 = arith.cmpi sge, %sub3A_1045, %ge3A_1047 : vector<16xi32>
      %lt3A_1049 = arith.constant 50000 : i32
      %lt3A_1050 = vector.broadcast %lt3A_1049 : i32 to vector<16xi32>
      %lt3A_1051 = arith.cmpi slt, %sub3A_1045, %lt3A_1050 : vector<16xi32>
      %and3A_1052 = arith.andi %ge3A_1048, %lt3A_1051 : vector<16xi1>
      %jit3A_1053 = arith.constant 50000 : i32
      %broadcast_in_dim3A_1054 = vector.broadcast %jit3A_1053 : i32 to vector<16xi32>
      %select_n3A_1055 = arith.select %and3A_1052, %sub3A_1045, %broadcast_in_dim3A_1054 : vector<16xi1>, vector<16xi32>
      %swap3A_1056 = arith.constant 8 : i32
      %swap3A_1057 = arith.index_cast %swap3A_1056 : i32 to index
      %swap3A_1058 = arith.constant 64 : index
      %swap3A_1059 = tpu.vector_load %arg7[%swap3A_1057, %swap3A_1058] {strides = array<i32>} : memref<10x80xi32, #tpu.memory_space<vmem>>, vector<1x16xi32>,
      %swap3A_1060 = vector.shape_cast %swap3A_1059 : vector<1x16xi32> to vector<16xi32>
      %swap3A_1061 = vector.shape_cast %select_n3A_1055 : vector<16xi32> to vector<1x16xi32>
      tpu.vector_store %arg7[%swap3A_1057, %swap3A_1058], %swap3A_1061 {strides = array<i32>} : memref<10x80xi32, #tpu.memory_space<vmem>>, vector<1x16xi32>,
      %get3A_1062 = arith.constant 720 : index
      %get3A_1063 = tpu.vector_load %arg6[%get3A_1062] {strides = array<i32>} : memref<800xi32, #tpu.memory_space<vmem>>, vector<16xi32>,
      %get3A_1064 = vector.shape_cast %get3A_1063 : vector<16xi32> to vector<16xi32>
      %sub3A_1065 = vector.broadcast %mul3A_0 : i32 to vector<16xi32>
      %sub3A_1066 = arith.subi %get3A_1064, %sub3A_1065 : vector<16xi32>
      %ge3A_1067 = arith.constant 0 : i32
      %ge3A_1068 = vector.broadcast %ge3A_1067 : i32 to vector<16xi32>
      %ge3A_1069 = arith.cmpi sge, %sub3A_1066, %ge3A_1068 : vector<16xi32>
      %lt3A_1070 = arith.constant 50000 : i32
      %lt3A_1071 = vector.broadcast %lt3A_1070 : i32 to vector<16xi32>
      %lt3A_1072 = arith.cmpi slt, %sub3A_1066, %lt3A_1071 : vector<16xi32>
      %and3A_1073 = arith.andi %ge3A_1069, %lt3A_1072 : vector<16xi1>
      %jit3A_1074 = arith.constant 50000 : i32
      %broadcast_in_dim3A_1075 = vector.broadcast %jit3A_1074 : i32 to vector<16xi32>
      %select_n3A_1076 = arith.select %and3A_1073, %sub3A_1066, %broadcast_in_dim3A_1075 : vector<16xi1>, vector<16xi32>
      %swap3A_1077 = arith.constant 9 : i32
      %swap3A_1078 = arith.index_cast %swap3A_1077 : i32 to index
      %swap3A_1079 = arith.constant 0 : index
      %swap3A_1080 = tpu.vector_load %arg7[%swap3A_1078, %swap3A_1079] {strides = array<i32>} : memref<10x80xi32, #tpu.memory_space<vmem>>, vector<1x16xi32>,
      %swap3A_1081 = vector.shape_cast %swap3A_1080 : vector<1x16xi32> to vector<16xi32>
      %swap3A_1082 = vector.shape_cast %select_n3A_1076 : vector<16xi32> to vector<1x16xi32>
      tpu.vector_store %arg7[%swap3A_1078, %swap3A_1079], %swap3A_1082 {strides = array<i32>} : memref<10x80xi32, #tpu.memory_space<vmem>>, vector<1x16xi32>,
      %get3A_1083 = arith.constant 736 : index
      %get3A_1084 = tpu.vector_load %arg6[%get3A_1083] {strides = array<i32>} : memref<800xi32, #tpu.memory_space<vmem>>, vector<16xi32>,
      %get3A_1085 = vector.shape_cast %get3A_1084 : vector<16xi32> to vector<16xi32>
      %sub3A_1086 = vector.broadcast %mul3A_0 : i32 to vector<16xi32>
      %sub3A_1087 = arith.subi %get3A_1085, %sub3A_1086 : vector<16xi32>
      %ge3A_1088 = arith.constant 0 : i32
      %ge3A_1089 = vector.broadcast %ge3A_1088 : i32 to vector<16xi32>
      %ge3A_1090 = arith.cmpi sge, %sub3A_1087, %ge3A_1089 : vector<16xi32>
      %lt3A_1091 = arith.constant 50000 : i32
      %lt3A_1092 = vector.broadcast %lt3A_1091 : i32 to vector<16xi32>
      %lt3A_1093 = arith.cmpi slt, %sub3A_1087, %lt3A_1092 : vector<16xi32>
      %and3A_1094 = arith.andi %ge3A_1090, %lt3A_1093 : vector<16xi1>
      %jit3A_1095 = arith.constant 50000 : i32
      %broadcast_in_dim3A_1096 = vector.broadcast %jit3A_1095 : i32 to vector<16xi32>
      %select_n3A_1097 = arith.select %and3A_1094, %sub3A_1087, %broadcast_in_dim3A_1096 : vector<16xi1>, vector<16xi32>
      %swap3A_1098 = arith.constant 9 : i32
      %swap3A_1099 = arith.index_cast %swap3A_1098 : i32 to index
      %swap3A_1100 = arith.constant 16 : index
      %swap3A_1101 = tpu.vector_load %arg7[%swap3A_1099, %swap3A_1100] {strides = array<i32>} : memref<10x80xi32, #tpu.memory_space<vmem>>, vector<1x16xi32>,
      %swap3A_1102 = vector.shape_cast %swap3A_1101 : vector<1x16xi32> to vector<16xi32>
      %swap3A_1103 = vector.shape_cast %select_n3A_1097 : vector<16xi32> to vector<1x16xi32>
      tpu.vector_store %arg7[%swap3A_1099, %swap3A_1100], %swap3A_1103 {strides = array<i32>} : memref<10x80xi32, #tpu.memory_space<vmem>>, vector<1x16xi32>,
      %get3A_1104 = arith.constant 752 : index
      %get3A_1105 = tpu.vector_load %arg6[%get3A_1104] {strides = array<i32>} : memref<800xi32, #tpu.memory_space<vmem>>, vector<16xi32>,
      %get3A_1106 = vector.shape_cast %get3A_1105 : vector<16xi32> to vector<16xi32>
      %sub3A_1107 = vector.broadcast %mul3A_0 : i32 to vector<16xi32>
      %sub3A_1108 = arith.subi %get3A_1106, %sub3A_1107 : vector<16xi32>
      %ge3A_1109 = arith.constant 0 : i32
      %ge3A_1110 = vector.broadcast %ge3A_1109 : i32 to vector<16xi32>
      %ge3A_1111 = arith.cmpi sge, %sub3A_1108, %ge3A_1110 : vector<16xi32>
      %lt3A_1112 = arith.constant 50000 : i32
      %lt3A_1113 = vector.broadcast %lt3A_1112 : i32 to vector<16xi32>
      %lt3A_1114 = arith.cmpi slt, %sub3A_1108, %lt3A_1113 : vector<16xi32>
      %and3A_1115 = arith.andi %ge3A_1111, %lt3A_1114 : vector<16xi1>
      %jit3A_1116 = arith.constant 50000 : i32
      %broadcast_in_dim3A_1117 = vector.broadcast %jit3A_1116 : i32 to vector<16xi32>
      %select_n3A_1118 = arith.select %and3A_1115, %sub3A_1108, %broadcast_in_dim3A_1117 : vector<16xi1>, vector<16xi32>
      %swap3A_1119 = arith.constant 9 : i32
      %swap3A_1120 = arith.index_cast %swap3A_1119 : i32 to index
      %swap3A_1121 = arith.constant 32 : index
      %swap3A_1122 = tpu.vector_load %arg7[%swap3A_1120, %swap3A_1121] {strides = array<i32>} : memref<10x80xi32, #tpu.memory_space<vmem>>, vector<1x16xi32>,
      %swap3A_1123 = vector.shape_cast %swap3A_1122 : vector<1x16xi32> to vector<16xi32>
      %swap3A_1124 = vector.shape_cast %select_n3A_1118 : vector<16xi32> to vector<1x16xi32>
      tpu.vector_store %arg7[%swap3A_1120, %swap3A_1121], %swap3A_1124 {strides = array<i32>} : memref<10x80xi32, #tpu.memory_space<vmem>>, vector<1x16xi32>,
      %get3A_1125 = arith.constant 768 : index
      %get3A_1126 = tpu.vector_load %arg6[%get3A_1125] {strides = array<i32>} : memref<800xi32, #tpu.memory_space<vmem>>, vector<16xi32>,
      %get3A_1127 = vector.shape_cast %get3A_1126 : vector<16xi32> to vector<16xi32>
      %sub3A_1128 = vector.broadcast %mul3A_0 : i32 to vector<16xi32>
      %sub3A_1129 = arith.subi %get3A_1127, %sub3A_1128 : vector<16xi32>
      %ge3A_1130 = arith.constant 0 : i32
      %ge3A_1131 = vector.broadcast %ge3A_1130 : i32 to vector<16xi32>
      %ge3A_1132 = arith.cmpi sge, %sub3A_1129, %ge3A_1131 : vector<16xi32>
      %lt3A_1133 = arith.constant 50000 : i32
      %lt3A_1134 = vector.broadcast %lt3A_1133 : i32 to vector<16xi32>
      %lt3A_1135 = arith.cmpi slt, %sub3A_1129, %lt3A_1134 : vector<16xi32>
      %and3A_1136 = arith.andi %ge3A_1132, %lt3A_1135 : vector<16xi1>
      %jit3A_1137 = arith.constant 50000 : i32
      %broadcast_in_dim3A_1138 = vector.broadcast %jit3A_1137 : i32 to vector<16xi32>
      %select_n3A_1139 = arith.select %and3A_1136, %sub3A_1129, %broadcast_in_dim3A_1138 : vector<16xi1>, vector<16xi32>
      %swap3A_1140 = arith.constant 9 : i32
      %swap3A_1141 = arith.index_cast %swap3A_1140 : i32 to index
      %swap3A_1142 = arith.constant 48 : index
      %swap3A_1143 = tpu.vector_load %arg7[%swap3A_1141, %swap3A_1142] {strides = array<i32>} : memref<10x80xi32, #tpu.memory_space<vmem>>, vector<1x16xi32>,
      %swap3A_1144 = vector.shape_cast %swap3A_1143 : vector<1x16xi32> to vector<16xi32>
      %swap3A_1145 = vector.shape_cast %select_n3A_1139 : vector<16xi32> to vector<1x16xi32>
      tpu.vector_store %arg7[%swap3A_1141, %swap3A_1142], %swap3A_1145 {strides = array<i32>} : memref<10x80xi32, #tpu.memory_space<vmem>>, vector<1x16xi32>,
      %get3A_1146 = arith.constant 784 : index
      %get3A_1147 = tpu.vector_load %arg6[%get3A_1146] {strides = array<i32>} : memref<800xi32, #tpu.memory_space<vmem>>, vector<16xi32>,
      %get3A_1148 = vector.shape_cast %get3A_1147 : vector<16xi32> to vector<16xi32>
      %sub3A_1149 = vector.broadcast %mul3A_0 : i32 to vector<16xi32>
      %sub3A_1150 = arith.subi %get3A_1148, %sub3A_1149 : vector<16xi32>
      %ge3A_1151 = arith.constant 0 : i32
      %ge3A_1152 = vector.broadcast %ge3A_1151 : i32 to vector<16xi32>
      %ge3A_1153 = arith.cmpi sge, %sub3A_1150, %ge3A_1152 : vector<16xi32>
      %lt3A_1154 = arith.constant 50000 : i32
      %lt3A_1155 = vector.broadcast %lt3A_1154 : i32 to vector<16xi32>
      %lt3A_1156 = arith.cmpi slt, %sub3A_1150, %lt3A_1155 : vector<16xi32>
      %and3A_1157 = arith.andi %ge3A_1153, %lt3A_1156 : vector<16xi1>
      %jit3A_1158 = arith.constant 50000 : i32
      %broadcast_in_dim3A_1159 = vector.broadcast %jit3A_1158 : i32 to vector<16xi32>
      %select_n3A_1160 = arith.select %and3A_1157, %sub3A_1150, %broadcast_in_dim3A_1159 : vector<16xi1>, vector<16xi32>
      %swap3A_1161 = arith.constant 9 : i32
      %swap3A_1162 = arith.index_cast %swap3A_1161 : i32 to index
      %swap3A_1163 = arith.constant 64 : index
      %swap3A_1164 = tpu.vector_load %arg7[%swap3A_1162, %swap3A_1163] {strides = array<i32>} : memref<10x80xi32, #tpu.memory_space<vmem>>, vector<1x16xi32>,
      %swap3A_1165 = vector.shape_cast %swap3A_1164 : vector<1x16xi32> to vector<16xi32>
      %swap3A_1166 = vector.shape_cast %select_n3A_1160 : vector<16xi32> to vector<1x16xi32>
      tpu.vector_store %arg7[%swap3A_1162, %swap3A_1163], %swap3A_1166 {strides = array<i32>} : memref<10x80xi32, #tpu.memory_space<vmem>>, vector<1x16xi32>,
      %dma_start3A_1167 = arith.constant 0 : i32
      %dma_start3A_1168 = tpu.memref_slice %arg2[%add3A_120, %dma_start3A_1167] : memref<1600000x16xf32, #tpu.memory_space<hbm>> -> memref<800x16xf32, #tpu.memory_space<hbm>>
      %dma_start3A_1169 = arith.constant 0 : i32
      %dma_start3A_1170 = tpu.memref_slice %arg2[%add3A_120, %dma_start3A_1169] : memref<1600000x16xf32, #tpu.memory_space<hbm>> -> memref<800x16xf32, #tpu.memory_space<hbm>>
      tpu.enqueue_dma source(%dma_start3A_1170 : memref<800x16xf32, #tpu.memory_space<hbm>>) target(%arg8 : memref<800x16xf32, #tpu.memory_space<vmem>>) target_semaphore(%arg11 : memref<!tpu.dma_semaphore, #tpu.memory_space<semaphore_mem>>)
      %dma_wait3A_1171 = arith.constant 0 : i32
      %dma_wait3A_1172 = tpu.memref_slice %arg2[%add3A_120, %dma_wait3A_1171] : memref<1600000x16xf32, #tpu.memory_space<hbm>> -> memref<800x16xf32, #tpu.memory_space<hbm>>
      %dma_wait3A_1173 = arith.constant 0 : i32
      %dma_wait3A_1174 = tpu.memref_slice %arg2[%add3A_120, %dma_wait3A_1173] : memref<1600000x16xf32, #tpu.memory_space<hbm>> -> memref<800x16xf32, #tpu.memory_space<hbm>>
      tpu.wait_dma2 semaphore(%arg11 : memref<!tpu.dma_semaphore, #tpu.memory_space<semaphore_mem>>) src(%dma_wait3A_1174 : memref<800x16xf32, #tpu.memory_space<hbm>>) dst(%arg8 : memref<800x16xf32, #tpu.memory_space<vmem>>)
      %dma_start3A_1175 = arith.constant 0 : i32
      %dma_start3A_1176 = arith.constant 0 : i32
      %dma_start3A_1177 = arith.constant 0 : i32
      %dma_start3A_1178 = tpu.memref_slice %arg8[%dma_start3A_1176, %dma_start3A_1177] : memref<800x16xf32, #tpu.memory_space<vmem>> -> memref<80x16xf32, #tpu.memory_space<vmem>>
      %dma_start3A_1179 = arith.constant 0 : i32
      %dma_start3A_1180 = tpu.memref_slice %arg7[%dma_start3A_1175, %dma_start3A_1179] : memref<10x80xi32, #tpu.memory_space<vmem>> -> memref<1x80xi32, #tpu.memory_space<vmem>>
      %dma_start3A_1181 = tpu.memref_squeeze %dma_start3A_1180 : memref<1x80xi32, #tpu.memory_space<vmem>> -> memref<80xi32, #tpu.memory_space<vmem>>
      %dma_start3A_1182 = arith.constant 0 : i32
      %dma_start3A_1183 = arith.constant 0 : i32
      %dma_start3A_1184 = tpu.memref_slice %arg9[%dma_start3A_1182, %dma_start3A_1183] : memref<50008x16xf32, #tpu.memory_space<vmem_shared>> -> memref<50008x16xf32, #tpu.memory_space<vmem_shared>>
      tpu.enqueue_indirect_dma source(%dma_start3A_1178 : memref<80x16xf32, #tpu.memory_space<vmem>>) target(%dma_start3A_1184 : memref<50008x16xf32, #tpu.memory_space<vmem_shared>>) offsets(%dma_start3A_1181 : memref<80xi32, #tpu.memory_space<vmem>>) semaphore(%arg12 : memref<!tpu.dma_semaphore, #tpu.memory_space<semaphore_mem>>) {add = true}
      %dma_start3A_1185 = arith.constant 1 : i32
      %dma_start3A_1186 = arith.constant 80 : i32
      %dma_start3A_1187 = arith.constant 0 : i32
      %dma_start3A_1188 = tpu.memref_slice %arg8[%dma_start3A_1186, %dma_start3A_1187] : memref<800x16xf32, #tpu.memory_space<vmem>> -> memref<80x16xf32, #tpu.memory_space<vmem>>
      %dma_start3A_1189 = arith.constant 0 : i32
      %dma_start3A_1190 = tpu.memref_slice %arg7[%dma_start3A_1185, %dma_start3A_1189] : memref<10x80xi32, #tpu.memory_space<vmem>> -> memref<1x80xi32, #tpu.memory_space<vmem>>
      %dma_start3A_1191 = tpu.memref_squeeze %dma_start3A_1190 : memref<1x80xi32, #tpu.memory_space<vmem>> -> memref<80xi32, #tpu.memory_space<vmem>>
      %dma_start3A_1192 = arith.constant 0 : i32
      %dma_start3A_1193 = arith.constant 0 : i32
      %dma_start3A_1194 = tpu.memref_slice %arg9[%dma_start3A_1192, %dma_start3A_1193] : memref<50008x16xf32, #tpu.memory_space<vmem_shared>> -> memref<50008x16xf32, #tpu.memory_space<vmem_shared>>
      tpu.enqueue_indirect_dma source(%dma_start3A_1188 : memref<80x16xf32, #tpu.memory_space<vmem>>) target(%dma_start3A_1194 : memref<50008x16xf32, #tpu.memory_space<vmem_shared>>) offsets(%dma_start3A_1191 : memref<80xi32, #tpu.memory_space<vmem>>) semaphore(%arg12 : memref<!tpu.dma_semaphore, #tpu.memory_space<semaphore_mem>>) {add = true}
      %dma_start3A_1195 = arith.constant 2 : i32
      %dma_start3A_1196 = arith.constant 160 : i32
      %dma_start3A_1197 = arith.constant 0 : i32
      %dma_start3A_1198 = tpu.memref_slice %arg8[%dma_start3A_1196, %dma_start3A_1197] : memref<800x16xf32, #tpu.memory_space<vmem>> -> memref<80x16xf32, #tpu.memory_space<vmem>>
      %dma_start3A_1199 = arith.constant 0 : i32
      %dma_start3A_1200 = tpu.memref_slice %arg7[%dma_start3A_1195, %dma_start3A_1199] : memref<10x80xi32, #tpu.memory_space<vmem>> -> memref<1x80xi32, #tpu.memory_space<vmem>>
      %dma_start3A_1201 = tpu.memref_squeeze %dma_start3A_1200 : memref<1x80xi32, #tpu.memory_space<vmem>> -> memref<80xi32, #tpu.memory_space<vmem>>
      %dma_start3A_1202 = arith.constant 0 : i32
      %dma_start3A_1203 = arith.constant 0 : i32
      %dma_start3A_1204 = tpu.memref_slice %arg9[%dma_start3A_1202, %dma_start3A_1203] : memref<50008x16xf32, #tpu.memory_space<vmem_shared>> -> memref<50008x16xf32, #tpu.memory_space<vmem_shared>>
      tpu.enqueue_indirect_dma source(%dma_start3A_1198 : memref<80x16xf32, #tpu.memory_space<vmem>>) target(%dma_start3A_1204 : memref<50008x16xf32, #tpu.memory_space<vmem_shared>>) offsets(%dma_start3A_1201 : memref<80xi32, #tpu.memory_space<vmem>>) semaphore(%arg12 : memref<!tpu.dma_semaphore, #tpu.memory_space<semaphore_mem>>) {add = true}
      %dma_start3A_1205 = arith.constant 3 : i32
      %dma_start3A_1206 = arith.constant 240 : i32
      %dma_start3A_1207 = arith.constant 0 : i32
      %dma_start3A_1208 = tpu.memref_slice %arg8[%dma_start3A_1206, %dma_start3A_1207] : memref<800x16xf32, #tpu.memory_space<vmem>> -> memref<80x16xf32, #tpu.memory_space<vmem>>
      %dma_start3A_1209 = arith.constant 0 : i32
      %dma_start3A_1210 = tpu.memref_slice %arg7[%dma_start3A_1205, %dma_start3A_1209] : memref<10x80xi32, #tpu.memory_space<vmem>> -> memref<1x80xi32, #tpu.memory_space<vmem>>
      %dma_start3A_1211 = tpu.memref_squeeze %dma_start3A_1210 : memref<1x80xi32, #tpu.memory_space<vmem>> -> memref<80xi32, #tpu.memory_space<vmem>>
      %dma_start3A_1212 = arith.constant 0 : i32
      %dma_start3A_1213 = arith.constant 0 : i32
      %dma_start3A_1214 = tpu.memref_slice %arg9[%dma_start3A_1212, %dma_start3A_1213] : memref<50008x16xf32, #tpu.memory_space<vmem_shared>> -> memref<50008x16xf32, #tpu.memory_space<vmem_shared>>
      tpu.enqueue_indirect_dma source(%dma_start3A_1208 : memref<80x16xf32, #tpu.memory_space<vmem>>) target(%dma_start3A_1214 : memref<50008x16xf32, #tpu.memory_space<vmem_shared>>) offsets(%dma_start3A_1211 : memref<80xi32, #tpu.memory_space<vmem>>) semaphore(%arg12 : memref<!tpu.dma_semaphore, #tpu.memory_space<semaphore_mem>>) {add = true}
      %dma_start3A_1215 = arith.constant 4 : i32
      %dma_start3A_1216 = arith.constant 320 : i32
      %dma_start3A_1217 = arith.constant 0 : i32
      %dma_start3A_1218 = tpu.memref_slice %arg8[%dma_start3A_1216, %dma_start3A_1217] : memref<800x16xf32, #tpu.memory_space<vmem>> -> memref<80x16xf32, #tpu.memory_space<vmem>>
      %dma_start3A_1219 = arith.constant 0 : i32
      %dma_start3A_1220 = tpu.memref_slice %arg7[%dma_start3A_1215, %dma_start3A_1219] : memref<10x80xi32, #tpu.memory_space<vmem>> -> memref<1x80xi32, #tpu.memory_space<vmem>>
      %dma_start3A_1221 = tpu.memref_squeeze %dma_start3A_1220 : memref<1x80xi32, #tpu.memory_space<vmem>> -> memref<80xi32, #tpu.memory_space<vmem>>
      %dma_start3A_1222 = arith.constant 0 : i32
      %dma_start3A_1223 = arith.constant 0 : i32
      %dma_start3A_1224 = tpu.memref_slice %arg9[%dma_start3A_1222, %dma_start3A_1223] : memref<50008x16xf32, #tpu.memory_space<vmem_shared>> -> memref<50008x16xf32, #tpu.memory_space<vmem_shared>>
      tpu.enqueue_indirect_dma source(%dma_start3A_1218 : memref<80x16xf32, #tpu.memory_space<vmem>>) target(%dma_start3A_1224 : memref<50008x16xf32, #tpu.memory_space<vmem_shared>>) offsets(%dma_start3A_1221 : memref<80xi32, #tpu.memory_space<vmem>>) semaphore(%arg12 : memref<!tpu.dma_semaphore, #tpu.memory_space<semaphore_mem>>) {add = true}
      %dma_start3A_1225 = arith.constant 5 : i32
      %dma_start3A_1226 = arith.constant 400 : i32
      %dma_start3A_1227 = arith.constant 0 : i32
      %dma_start3A_1228 = tpu.memref_slice %arg8[%dma_start3A_1226, %dma_start3A_1227] : memref<800x16xf32, #tpu.memory_space<vmem>> -> memref<80x16xf32, #tpu.memory_space<vmem>>
      %dma_start3A_1229 = arith.constant 0 : i32
      %dma_start3A_1230 = tpu.memref_slice %arg7[%dma_start3A_1225, %dma_start3A_1229] : memref<10x80xi32, #tpu.memory_space<vmem>> -> memref<1x80xi32, #tpu.memory_space<vmem>>
      %dma_start3A_1231 = tpu.memref_squeeze %dma_start3A_1230 : memref<1x80xi32, #tpu.memory_space<vmem>> -> memref<80xi32, #tpu.memory_space<vmem>>
      %dma_start3A_1232 = arith.constant 0 : i32
      %dma_start3A_1233 = arith.constant 0 : i32
      %dma_start3A_1234 = tpu.memref_slice %arg9[%dma_start3A_1232, %dma_start3A_1233] : memref<50008x16xf32, #tpu.memory_space<vmem_shared>> -> memref<50008x16xf32, #tpu.memory_space<vmem_shared>>
      tpu.enqueue_indirect_dma source(%dma_start3A_1228 : memref<80x16xf32, #tpu.memory_space<vmem>>) target(%dma_start3A_1234 : memref<50008x16xf32, #tpu.memory_space<vmem_shared>>) offsets(%dma_start3A_1231 : memref<80xi32, #tpu.memory_space<vmem>>) semaphore(%arg12 : memref<!tpu.dma_semaphore, #tpu.memory_space<semaphore_mem>>) {add = true}
      %dma_start3A_1235 = arith.constant 6 : i32
      %dma_start3A_1236 = arith.constant 480 : i32
      %dma_start3A_1237 = arith.constant 0 : i32
      %dma_start3A_1238 = tpu.memref_slice %arg8[%dma_start3A_1236, %dma_start3A_1237] : memref<800x16xf32, #tpu.memory_space<vmem>> -> memref<80x16xf32, #tpu.memory_space<vmem>>
      %dma_start3A_1239 = arith.constant 0 : i32
      %dma_start3A_1240 = tpu.memref_slice %arg7[%dma_start3A_1235, %dma_start3A_1239] : memref<10x80xi32, #tpu.memory_space<vmem>> -> memref<1x80xi32, #tpu.memory_space<vmem>>
      %dma_start3A_1241 = tpu.memref_squeeze %dma_start3A_1240 : memref<1x80xi32, #tpu.memory_space<vmem>> -> memref<80xi32, #tpu.memory_space<vmem>>
      %dma_start3A_1242 = arith.constant 0 : i32
      %dma_start3A_1243 = arith.constant 0 : i32
      %dma_start3A_1244 = tpu.memref_slice %arg9[%dma_start3A_1242, %dma_start3A_1243] : memref<50008x16xf32, #tpu.memory_space<vmem_shared>> -> memref<50008x16xf32, #tpu.memory_space<vmem_shared>>
      tpu.enqueue_indirect_dma source(%dma_start3A_1238 : memref<80x16xf32, #tpu.memory_space<vmem>>) target(%dma_start3A_1244 : memref<50008x16xf32, #tpu.memory_space<vmem_shared>>) offsets(%dma_start3A_1241 : memref<80xi32, #tpu.memory_space<vmem>>) semaphore(%arg12 : memref<!tpu.dma_semaphore, #tpu.memory_space<semaphore_mem>>) {add = true}
      %dma_start3A_1245 = arith.constant 7 : i32
      %dma_start3A_1246 = arith.constant 560 : i32
      %dma_start3A_1247 = arith.constant 0 : i32
      %dma_start3A_1248 = tpu.memref_slice %arg8[%dma_start3A_1246, %dma_start3A_1247] : memref<800x16xf32, #tpu.memory_space<vmem>> -> memref<80x16xf32, #tpu.memory_space<vmem>>
      %dma_start3A_1249 = arith.constant 0 : i32
      %dma_start3A_1250 = tpu.memref_slice %arg7[%dma_start3A_1245, %dma_start3A_1249] : memref<10x80xi32, #tpu.memory_space<vmem>> -> memref<1x80xi32, #tpu.memory_space<vmem>>
      %dma_start3A_1251 = tpu.memref_squeeze %dma_start3A_1250 : memref<1x80xi32, #tpu.memory_space<vmem>> -> memref<80xi32, #tpu.memory_space<vmem>>
      %dma_start3A_1252 = arith.constant 0 : i32
      %dma_start3A_1253 = arith.constant 0 : i32
      %dma_start3A_1254 = tpu.memref_slice %arg9[%dma_start3A_1252, %dma_start3A_1253] : memref<50008x16xf32, #tpu.memory_space<vmem_shared>> -> memref<50008x16xf32, #tpu.memory_space<vmem_shared>>
      tpu.enqueue_indirect_dma source(%dma_start3A_1248 : memref<80x16xf32, #tpu.memory_space<vmem>>) target(%dma_start3A_1254 : memref<50008x16xf32, #tpu.memory_space<vmem_shared>>) offsets(%dma_start3A_1251 : memref<80xi32, #tpu.memory_space<vmem>>) semaphore(%arg12 : memref<!tpu.dma_semaphore, #tpu.memory_space<semaphore_mem>>) {add = true}
      %dma_start3A_1255 = arith.constant 8 : i32
      %dma_start3A_1256 = arith.constant 640 : i32
      %dma_start3A_1257 = arith.constant 0 : i32
      %dma_start3A_1258 = tpu.memref_slice %arg8[%dma_start3A_1256, %dma_start3A_1257] : memref<800x16xf32, #tpu.memory_space<vmem>> -> memref<80x16xf32, #tpu.memory_space<vmem>>
      %dma_start3A_1259 = arith.constant 0 : i32
      %dma_start3A_1260 = tpu.memref_slice %arg7[%dma_start3A_1255, %dma_start3A_1259] : memref<10x80xi32, #tpu.memory_space<vmem>> -> memref<1x80xi32, #tpu.memory_space<vmem>>
      %dma_start3A_1261 = tpu.memref_squeeze %dma_start3A_1260 : memref<1x80xi32, #tpu.memory_space<vmem>> -> memref<80xi32, #tpu.memory_space<vmem>>
      %dma_start3A_1262 = arith.constant 0 : i32
      %dma_start3A_1263 = arith.constant 0 : i32
      %dma_start3A_1264 = tpu.memref_slice %arg9[%dma_start3A_1262, %dma_start3A_1263] : memref<50008x16xf32, #tpu.memory_space<vmem_shared>> -> memref<50008x16xf32, #tpu.memory_space<vmem_shared>>
      tpu.enqueue_indirect_dma source(%dma_start3A_1258 : memref<80x16xf32, #tpu.memory_space<vmem>>) target(%dma_start3A_1264 : memref<50008x16xf32, #tpu.memory_space<vmem_shared>>) offsets(%dma_start3A_1261 : memref<80xi32, #tpu.memory_space<vmem>>) semaphore(%arg12 : memref<!tpu.dma_semaphore, #tpu.memory_space<semaphore_mem>>) {add = true}
      %dma_start3A_1265 = arith.constant 9 : i32
      %dma_start3A_1266 = arith.constant 720 : i32
      %dma_start3A_1267 = arith.constant 0 : i32
      %dma_start3A_1268 = tpu.memref_slice %arg8[%dma_start3A_1266, %dma_start3A_1267] : memref<800x16xf32, #tpu.memory_space<vmem>> -> memref<80x16xf32, #tpu.memory_space<vmem>>
      %dma_start3A_1269 = arith.constant 0 : i32
      %dma_start3A_1270 = tpu.memref_slice %arg7[%dma_start3A_1265, %dma_start3A_1269] : memref<10x80xi32, #tpu.memory_space<vmem>> -> memref<1x80xi32, #tpu.memory_space<vmem>>
      %dma_start3A_1271 = tpu.memref_squeeze %dma_start3A_1270 : memref<1x80xi32, #tpu.memory_space<vmem>> -> memref<80xi32, #tpu.memory_space<vmem>>
      %dma_start3A_1272 = arith.constant 0 : i32
      %dma_start3A_1273 = arith.constant 0 : i32
      %dma_start3A_1274 = tpu.memref_slice %arg9[%dma_start3A_1272, %dma_start3A_1273] : memref<50008x16xf32, #tpu.memory_space<vmem_shared>> -> memref<50008x16xf32, #tpu.memory_space<vmem_shared>>
      tpu.enqueue_indirect_dma source(%dma_start3A_1268 : memref<80x16xf32, #tpu.memory_space<vmem>>) target(%dma_start3A_1274 : memref<50008x16xf32, #tpu.memory_space<vmem_shared>>) offsets(%dma_start3A_1271 : memref<80xi32, #tpu.memory_space<vmem>>) semaphore(%arg12 : memref<!tpu.dma_semaphore, #tpu.memory_space<semaphore_mem>>) {add = true}
    }
    %scan3A_9 = arith.constant 125 : i32
    %dma_wait3A = arith.constant 0 : i32
    %dma_wait3A_10 = arith.constant 0 : i32
    %dma_wait3A_11 = arith.constant 0 : i32
    %dma_wait3A_12 = tpu.memref_slice %arg8[%dma_wait3A_10, %dma_wait3A_11] : memref<800x16xf32, #tpu.memory_space<vmem>> -> memref<80x16xf32, #tpu.memory_space<vmem>>
    %dma_wait3A_13 = arith.constant 0 : i32
    %dma_wait3A_14 = tpu.memref_slice %arg7[%dma_wait3A, %dma_wait3A_13] : memref<10x80xi32, #tpu.memory_space<vmem>> -> memref<1x80xi32, #tpu.memory_space<vmem>>
    %dma_wait3A_15 = tpu.memref_squeeze %dma_wait3A_14 : memref<1x80xi32, #tpu.memory_space<vmem>> -> memref<80xi32, #tpu.memory_space<vmem>>
    %dma_wait3A_16 = arith.constant 0 : i32
    %dma_wait3A_17 = arith.constant 0 : i32
    %dma_wait3A_18 = tpu.memref_slice %arg9[%dma_wait3A_16, %dma_wait3A_17] : memref<50008x16xf32, #tpu.memory_space<vmem_shared>> -> memref<50008x16xf32, #tpu.memory_space<vmem_shared>>
    tpu.wait_indirect_dma semaphore(%arg12 : memref<!tpu.dma_semaphore, #tpu.memory_space<semaphore_mem>>) src(%dma_wait3A_12 : memref<80x16xf32, #tpu.memory_space<vmem>>) dst(%dma_wait3A_18 : memref<50008x16xf32, #tpu.memory_space<vmem_shared>>)
    %dma_wait3A_19 = arith.constant 1 : i32
    %dma_wait3A_20 = arith.constant 80 : i32
    %dma_wait3A_21 = arith.constant 0 : i32
    %dma_wait3A_22 = tpu.memref_slice %arg8[%dma_wait3A_20, %dma_wait3A_21] : memref<800x16xf32, #tpu.memory_space<vmem>> -> memref<80x16xf32, #tpu.memory_space<vmem>>
    %dma_wait3A_23 = arith.constant 0 : i32
    %dma_wait3A_24 = tpu.memref_slice %arg7[%dma_wait3A_19, %dma_wait3A_23] : memref<10x80xi32, #tpu.memory_space<vmem>> -> memref<1x80xi32, #tpu.memory_space<vmem>>
    %dma_wait3A_25 = tpu.memref_squeeze %dma_wait3A_24 : memref<1x80xi32, #tpu.memory_space<vmem>> -> memref<80xi32, #tpu.memory_space<vmem>>
    %dma_wait3A_26 = arith.constant 0 : i32
    %dma_wait3A_27 = arith.constant 0 : i32
    %dma_wait3A_28 = tpu.memref_slice %arg9[%dma_wait3A_26, %dma_wait3A_27] : memref<50008x16xf32, #tpu.memory_space<vmem_shared>> -> memref<50008x16xf32, #tpu.memory_space<vmem_shared>>
    tpu.wait_indirect_dma semaphore(%arg12 : memref<!tpu.dma_semaphore, #tpu.memory_space<semaphore_mem>>) src(%dma_wait3A_22 : memref<80x16xf32, #tpu.memory_space<vmem>>) dst(%dma_wait3A_28 : memref<50008x16xf32, #tpu.memory_space<vmem_shared>>)
    %dma_wait3A_29 = arith.constant 2 : i32
    %dma_wait3A_30 = arith.constant 160 : i32
    %dma_wait3A_31 = arith.constant 0 : i32
    %dma_wait3A_32 = tpu.memref_slice %arg8[%dma_wait3A_30, %dma_wait3A_31] : memref<800x16xf32, #tpu.memory_space<vmem>> -> memref<80x16xf32, #tpu.memory_space<vmem>>
    %dma_wait3A_33 = arith.constant 0 : i32
    %dma_wait3A_34 = tpu.memref_slice %arg7[%dma_wait3A_29, %dma_wait3A_33] : memref<10x80xi32, #tpu.memory_space<vmem>> -> memref<1x80xi32, #tpu.memory_space<vmem>>
    %dma_wait3A_35 = tpu.memref_squeeze %dma_wait3A_34 : memref<1x80xi32, #tpu.memory_space<vmem>> -> memref<80xi32, #tpu.memory_space<vmem>>
    %dma_wait3A_36 = arith.constant 0 : i32
    %dma_wait3A_37 = arith.constant 0 : i32
    %dma_wait3A_38 = tpu.memref_slice %arg9[%dma_wait3A_36, %dma_wait3A_37] : memref<50008x16xf32, #tpu.memory_space<vmem_shared>> -> memref<50008x16xf32, #tpu.memory_space<vmem_shared>>
    tpu.wait_indirect_dma semaphore(%arg12 : memref<!tpu.dma_semaphore, #tpu.memory_space<semaphore_mem>>) src(%dma_wait3A_32 : memref<80x16xf32, #tpu.memory_space<vmem>>) dst(%dma_wait3A_38 : memref<50008x16xf32, #tpu.memory_space<vmem_shared>>)
    %dma_wait3A_39 = arith.constant 3 : i32
    %dma_wait3A_40 = arith.constant 240 : i32
    %dma_wait3A_41 = arith.constant 0 : i32
    %dma_wait3A_42 = tpu.memref_slice %arg8[%dma_wait3A_40, %dma_wait3A_41] : memref<800x16xf32, #tpu.memory_space<vmem>> -> memref<80x16xf32, #tpu.memory_space<vmem>>
    %dma_wait3A_43 = arith.constant 0 : i32
    %dma_wait3A_44 = tpu.memref_slice %arg7[%dma_wait3A_39, %dma_wait3A_43] : memref<10x80xi32, #tpu.memory_space<vmem>> -> memref<1x80xi32, #tpu.memory_space<vmem>>
    %dma_wait3A_45 = tpu.memref_squeeze %dma_wait3A_44 : memref<1x80xi32, #tpu.memory_space<vmem>> -> memref<80xi32, #tpu.memory_space<vmem>>
    %dma_wait3A_46 = arith.constant 0 : i32
    %dma_wait3A_47 = arith.constant 0 : i32
    %dma_wait3A_48 = tpu.memref_slice %arg9[%dma_wait3A_46, %dma_wait3A_47] : memref<50008x16xf32, #tpu.memory_space<vmem_shared>> -> memref<50008x16xf32, #tpu.memory_space<vmem_shared>>
    tpu.wait_indirect_dma semaphore(%arg12 : memref<!tpu.dma_semaphore, #tpu.memory_space<semaphore_mem>>) src(%dma_wait3A_42 : memref<80x16xf32, #tpu.memory_space<vmem>>) dst(%dma_wait3A_48 : memref<50008x16xf32, #tpu.memory_space<vmem_shared>>)
    %dma_wait3A_49 = arith.constant 4 : i32
    %dma_wait3A_50 = arith.constant 320 : i32
    %dma_wait3A_51 = arith.constant 0 : i32
    %dma_wait3A_52 = tpu.memref_slice %arg8[%dma_wait3A_50, %dma_wait3A_51] : memref<800x16xf32, #tpu.memory_space<vmem>> -> memref<80x16xf32, #tpu.memory_space<vmem>>
    %dma_wait3A_53 = arith.constant 0 : i32
    %dma_wait3A_54 = tpu.memref_slice %arg7[%dma_wait3A_49, %dma_wait3A_53] : memref<10x80xi32, #tpu.memory_space<vmem>> -> memref<1x80xi32, #tpu.memory_space<vmem>>
    %dma_wait3A_55 = tpu.memref_squeeze %dma_wait3A_54 : memref<1x80xi32, #tpu.memory_space<vmem>> -> memref<80xi32, #tpu.memory_space<vmem>>
    %dma_wait3A_56 = arith.constant 0 : i32
    %dma_wait3A_57 = arith.constant 0 : i32
    %dma_wait3A_58 = tpu.memref_slice %arg9[%dma_wait3A_56, %dma_wait3A_57] : memref<50008x16xf32, #tpu.memory_space<vmem_shared>> -> memref<50008x16xf32, #tpu.memory_space<vmem_shared>>
    tpu.wait_indirect_dma semaphore(%arg12 : memref<!tpu.dma_semaphore, #tpu.memory_space<semaphore_mem>>) src(%dma_wait3A_52 : memref<80x16xf32, #tpu.memory_space<vmem>>) dst(%dma_wait3A_58 : memref<50008x16xf32, #tpu.memory_space<vmem_shared>>)
    %dma_wait3A_59 = arith.constant 5 : i32
    %dma_wait3A_60 = arith.constant 400 : i32
    %dma_wait3A_61 = arith.constant 0 : i32
    %dma_wait3A_62 = tpu.memref_slice %arg8[%dma_wait3A_60, %dma_wait3A_61] : memref<800x16xf32, #tpu.memory_space<vmem>> -> memref<80x16xf32, #tpu.memory_space<vmem>>
    %dma_wait3A_63 = arith.constant 0 : i32
    %dma_wait3A_64 = tpu.memref_slice %arg7[%dma_wait3A_59, %dma_wait3A_63] : memref<10x80xi32, #tpu.memory_space<vmem>> -> memref<1x80xi32, #tpu.memory_space<vmem>>
    %dma_wait3A_65 = tpu.memref_squeeze %dma_wait3A_64 : memref<1x80xi32, #tpu.memory_space<vmem>> -> memref<80xi32, #tpu.memory_space<vmem>>
    %dma_wait3A_66 = arith.constant 0 : i32
    %dma_wait3A_67 = arith.constant 0 : i32
    %dma_wait3A_68 = tpu.memref_slice %arg9[%dma_wait3A_66, %dma_wait3A_67] : memref<50008x16xf32, #tpu.memory_space<vmem_shared>> -> memref<50008x16xf32, #tpu.memory_space<vmem_shared>>
    tpu.wait_indirect_dma semaphore(%arg12 : memref<!tpu.dma_semaphore, #tpu.memory_space<semaphore_mem>>) src(%dma_wait3A_62 : memref<80x16xf32, #tpu.memory_space<vmem>>) dst(%dma_wait3A_68 : memref<50008x16xf32, #tpu.memory_space<vmem_shared>>)
    %dma_wait3A_69 = arith.constant 6 : i32
    %dma_wait3A_70 = arith.constant 480 : i32
    %dma_wait3A_71 = arith.constant 0 : i32
    %dma_wait3A_72 = tpu.memref_slice %arg8[%dma_wait3A_70, %dma_wait3A_71] : memref<800x16xf32, #tpu.memory_space<vmem>> -> memref<80x16xf32, #tpu.memory_space<vmem>>
    %dma_wait3A_73 = arith.constant 0 : i32
    %dma_wait3A_74 = tpu.memref_slice %arg7[%dma_wait3A_69, %dma_wait3A_73] : memref<10x80xi32, #tpu.memory_space<vmem>> -> memref<1x80xi32, #tpu.memory_space<vmem>>
    %dma_wait3A_75 = tpu.memref_squeeze %dma_wait3A_74 : memref<1x80xi32, #tpu.memory_space<vmem>> -> memref<80xi32, #tpu.memory_space<vmem>>
    %dma_wait3A_76 = arith.constant 0 : i32
    %dma_wait3A_77 = arith.constant 0 : i32
    %dma_wait3A_78 = tpu.memref_slice %arg9[%dma_wait3A_76, %dma_wait3A_77] : memref<50008x16xf32, #tpu.memory_space<vmem_shared>> -> memref<50008x16xf32, #tpu.memory_space<vmem_shared>>
    tpu.wait_indirect_dma semaphore(%arg12 : memref<!tpu.dma_semaphore, #tpu.memory_space<semaphore_mem>>) src(%dma_wait3A_72 : memref<80x16xf32, #tpu.memory_space<vmem>>) dst(%dma_wait3A_78 : memref<50008x16xf32, #tpu.memory_space<vmem_shared>>)
    %dma_wait3A_79 = arith.constant 7 : i32
    %dma_wait3A_80 = arith.constant 560 : i32
    %dma_wait3A_81 = arith.constant 0 : i32
    %dma_wait3A_82 = tpu.memref_slice %arg8[%dma_wait3A_80, %dma_wait3A_81] : memref<800x16xf32, #tpu.memory_space<vmem>> -> memref<80x16xf32, #tpu.memory_space<vmem>>
    %dma_wait3A_83 = arith.constant 0 : i32
    %dma_wait3A_84 = tpu.memref_slice %arg7[%dma_wait3A_79, %dma_wait3A_83] : memref<10x80xi32, #tpu.memory_space<vmem>> -> memref<1x80xi32, #tpu.memory_space<vmem>>
    %dma_wait3A_85 = tpu.memref_squeeze %dma_wait3A_84 : memref<1x80xi32, #tpu.memory_space<vmem>> -> memref<80xi32, #tpu.memory_space<vmem>>
    %dma_wait3A_86 = arith.constant 0 : i32
    %dma_wait3A_87 = arith.constant 0 : i32
    %dma_wait3A_88 = tpu.memref_slice %arg9[%dma_wait3A_86, %dma_wait3A_87] : memref<50008x16xf32, #tpu.memory_space<vmem_shared>> -> memref<50008x16xf32, #tpu.memory_space<vmem_shared>>
    tpu.wait_indirect_dma semaphore(%arg12 : memref<!tpu.dma_semaphore, #tpu.memory_space<semaphore_mem>>) src(%dma_wait3A_82 : memref<80x16xf32, #tpu.memory_space<vmem>>) dst(%dma_wait3A_88 : memref<50008x16xf32, #tpu.memory_space<vmem_shared>>)
    %dma_wait3A_89 = arith.constant 8 : i32
    %dma_wait3A_90 = arith.constant 640 : i32
    %dma_wait3A_91 = arith.constant 0 : i32
    %dma_wait3A_92 = tpu.memref_slice %arg8[%dma_wait3A_90, %dma_wait3A_91] : memref<800x16xf32, #tpu.memory_space<vmem>> -> memref<80x16xf32, #tpu.memory_space<vmem>>
    %dma_wait3A_93 = arith.constant 0 : i32
    %dma_wait3A_94 = tpu.memref_slice %arg7[%dma_wait3A_89, %dma_wait3A_93] : memref<10x80xi32, #tpu.memory_space<vmem>> -> memref<1x80xi32, #tpu.memory_space<vmem>>
    %dma_wait3A_95 = tpu.memref_squeeze %dma_wait3A_94 : memref<1x80xi32, #tpu.memory_space<vmem>> -> memref<80xi32, #tpu.memory_space<vmem>>
    %dma_wait3A_96 = arith.constant 0 : i32
    %dma_wait3A_97 = arith.constant 0 : i32
    %dma_wait3A_98 = tpu.memref_slice %arg9[%dma_wait3A_96, %dma_wait3A_97] : memref<50008x16xf32, #tpu.memory_space<vmem_shared>> -> memref<50008x16xf32, #tpu.memory_space<vmem_shared>>
    tpu.wait_indirect_dma semaphore(%arg12 : memref<!tpu.dma_semaphore, #tpu.memory_space<semaphore_mem>>) src(%dma_wait3A_92 : memref<80x16xf32, #tpu.memory_space<vmem>>) dst(%dma_wait3A_98 : memref<50008x16xf32, #tpu.memory_space<vmem_shared>>)
    %dma_wait3A_99 = arith.constant 9 : i32
    %dma_wait3A_100 = arith.constant 720 : i32
    %dma_wait3A_101 = arith.constant 0 : i32
    %dma_wait3A_102 = tpu.memref_slice %arg8[%dma_wait3A_100, %dma_wait3A_101] : memref<800x16xf32, #tpu.memory_space<vmem>> -> memref<80x16xf32, #tpu.memory_space<vmem>>
    %dma_wait3A_103 = arith.constant 0 : i32
    %dma_wait3A_104 = tpu.memref_slice %arg7[%dma_wait3A_99, %dma_wait3A_103] : memref<10x80xi32, #tpu.memory_space<vmem>> -> memref<1x80xi32, #tpu.memory_space<vmem>>
    %dma_wait3A_105 = tpu.memref_squeeze %dma_wait3A_104 : memref<1x80xi32, #tpu.memory_space<vmem>> -> memref<80xi32, #tpu.memory_space<vmem>>
    %dma_wait3A_106 = arith.constant 0 : i32
    %dma_wait3A_107 = arith.constant 0 : i32
    %dma_wait3A_108 = tpu.memref_slice %arg9[%dma_wait3A_106, %dma_wait3A_107] : memref<50008x16xf32, #tpu.memory_space<vmem_shared>> -> memref<50008x16xf32, #tpu.memory_space<vmem_shared>>
    tpu.wait_indirect_dma semaphore(%arg12 : memref<!tpu.dma_semaphore, #tpu.memory_space<semaphore_mem>>) src(%dma_wait3A_102 : memref<80x16xf32, #tpu.memory_space<vmem>>) dst(%dma_wait3A_108 : memref<50008x16xf32, #tpu.memory_space<vmem_shared>>)
    %barrier3A_109 = arith.constant 0 : index
    tpu.barrier barrier_id(%barrier3A_109)
    %mul3A_110 = arith.constant 3125 : i32
    %mul3A_111 = arith.muli %arg1, %mul3A_110 : i32
    %mul3A_112 = arith.constant 3125 : i32
    %mul3A_113 = arith.muli %arg1, %mul3A_112 : i32
    %add3A_114 = arith.addi %mul3A_0, %mul3A_113 : i32
    "tpu.region"() ({
      %run_scoped3A = tpu.sem_alloc : memref<!tpu.dma_semaphore, #tpu.memory_space<semaphore_mem>>
      %dma_start3A = arith.constant 0 : i32
      %dma_start3A_115 = tpu.memref_slice %arg5[%add3A_114, %dma_start3A] : memref<100000x16xf32, #tpu.memory_space<hbm>> -> memref<3125x16xf32, #tpu.memory_space<hbm>>
      %dma_start3A_116 = arith.constant 0 : i32
      %dma_start3A_117 = tpu.memref_slice %arg9[%mul3A_111, %dma_start3A_116] : memref<50008x16xf32, #tpu.memory_space<vmem_shared>> -> memref<3125x16xf32, #tpu.memory_space<vmem_shared>>
      tpu.enqueue_dma source(%dma_start3A_117 : memref<3125x16xf32, #tpu.memory_space<vmem_shared>>) target(%dma_start3A_115 : memref<3125x16xf32, #tpu.memory_space<hbm>>) target_semaphore(%run_scoped3A : memref<!tpu.dma_semaphore, #tpu.memory_space<semaphore_mem>>)
      %dma_wait3A_118 = arith.constant 0 : i32
      %dma_wait3A_119 = tpu.memref_slice %arg5[%add3A_114, %dma_wait3A_118] : memref<100000x16xf32, #tpu.memory_space<hbm>> -> memref<3125x16xf32, #tpu.memory_space<hbm>>
      %dma_wait3A_120 = arith.constant 0 : i32
      %dma_wait3A_121 = tpu.memref_slice %arg9[%mul3A_111, %dma_wait3A_120] : memref<50008x16xf32, #tpu.memory_space<vmem_shared>> -> memref<3125x16xf32, #tpu.memory_space<vmem_shared>>
      tpu.wait_dma2 semaphore(%run_scoped3A : memref<!tpu.dma_semaphore, #tpu.memory_space<semaphore_mem>>) src(%dma_wait3A_121 : memref<3125x16xf32, #tpu.memory_space<vmem_shared>>) dst(%dma_wait3A_119 : memref<3125x16xf32, #tpu.memory_space<hbm>>)
      tpu.yield
    }) : () -> ()
    return
  }
}

#map = affine_map<(d0, d1) -> (0, 0)>
#map1 = affine_map<(d0, d1) -> (0)>
module attributes {stable_mosaic.version = 14 : i64} {
  func.func @_scatter(%arg0: i32, %arg1: i32, %arg2: memref<1600000x32xf32, #tpu.memory_space<hbm>>, %arg3: memref<1600000xi32, #tpu.memory_space<hbm>>, %arg4: memref<100000x32xf32, #tpu.memory_space<hbm>>, %arg5: memref<100000x32xf32, #tpu.memory_space<hbm>>, %arg6: memref<800xi32, #tpu.memory_space<vmem>>, %arg7: memref<10x80xi32, #tpu.memory_space<vmem>>, %arg8: memref<800x32xf32, #tpu.memory_space<vmem>>, %arg9: memref<50008x32xf32, #tpu.memory_space<vmem_shared>>, %arg10: memref<!tpu.dma_semaphore, #tpu.memory_space<semaphore_mem>>, %arg11: memref<!tpu.dma_semaphore, #tpu.memory_space<semaphore_mem>>, %arg12: memref<!tpu.dma_semaphore, #tpu.memory_space<semaphore_mem>>) attributes {dimension_semantics = [#tpu.dimension_semantics<core_parallel>, #tpu.dimension_semantics<subcore_parallel>], iteration_bounds = array<i64: 2, 16>, scalar_prefetch = 0 : i64, scratch_operands = 7 : i64, tpu.core_type = #tpu.core_type<sc_vector_subcore>, window_params = [{transform_indices = #map}, {transform_indices = #map1}, {transform_indices = #map}, {transform_indices = #map}]} {
    %mul3A = arith.constant 50000 : i32
    %mul3A_0 = arith.muli %arg0, %mul3A : i32
    %mul3A_1 = arith.constant 3125 : i32
    %mul3A_2 = arith.muli %arg1, %mul3A_1 : i32
    %add3A = arith.addi %mul3A_0, %mul3A_2 : i32
    %mul3A_3 = arith.constant 3125 : i32
    %mul3A_4 = arith.muli %arg1, %mul3A_3 : i32
    "tpu.region"() ({
      %run_scoped3A = tpu.sem_alloc : memref<!tpu.dma_semaphore, #tpu.memory_space<semaphore_mem>>
      %dma_start3A = arith.constant 0 : i32
      %dma_start3A_115 = tpu.memref_slice %arg9[%mul3A_4, %dma_start3A] : memref<50008x32xf32, #tpu.memory_space<vmem_shared>> -> memref<3125x32xf32, #tpu.memory_space<vmem_shared>>
      %dma_start3A_116 = arith.constant 0 : i32
      %dma_start3A_117 = tpu.memref_slice %arg4[%add3A, %dma_start3A_116] : memref<100000x32xf32, #tpu.memory_space<hbm>> -> memref<3125x32xf32, #tpu.memory_space<hbm>>
      tpu.enqueue_dma source(%dma_start3A_117 : memref<3125x32xf32, #tpu.memory_space<hbm>>) target(%dma_start3A_115 : memref<3125x32xf32, #tpu.memory_space<vmem_shared>>) target_semaphore(%run_scoped3A : memref<!tpu.dma_semaphore, #tpu.memory_space<semaphore_mem>>)
      %dma_wait3A_118 = arith.constant 0 : i32
      %dma_wait3A_119 = tpu.memref_slice %arg9[%mul3A_4, %dma_wait3A_118] : memref<50008x32xf32, #tpu.memory_space<vmem_shared>> -> memref<3125x32xf32, #tpu.memory_space<vmem_shared>>
      %dma_wait3A_120 = arith.constant 0 : i32
      %dma_wait3A_121 = tpu.memref_slice %arg4[%add3A, %dma_wait3A_120] : memref<100000x32xf32, #tpu.memory_space<hbm>> -> memref<3125x32xf32, #tpu.memory_space<hbm>>
      tpu.wait_dma2 semaphore(%run_scoped3A : memref<!tpu.dma_semaphore, #tpu.memory_space<semaphore_mem>>) src(%dma_wait3A_121 : memref<3125x32xf32, #tpu.memory_space<hbm>>) dst(%dma_wait3A_119 : memref<3125x32xf32, #tpu.memory_space<vmem_shared>>)
      tpu.yield
    }) : () -> ()
    %barrier3A = arith.constant 0 : index
    tpu.barrier barrier_id(%barrier3A)
    %scan3A = arith.constant 0 : i32
    %scan3A_5 = arith.constant 0 : i32
    %scan3A_6 = arith.constant 125 : i32
    %scan3A_7 = arith.addi %scan3A_5, %scan3A_6 : i32
    %scan3A_8 = arith.constant 1 : i32
    scf.for %scan3A_115 = %scan3A_5 to %scan3A_7 step %scan3A_8  : i32 {
      %mul3A_116 = arith.constant 100000 : i32
      %mul3A_117 = arith.muli %arg1, %mul3A_116 : i32
      %mul3A_118 = arith.constant 800 : i32
      %mul3A_119 = arith.muli %scan3A_115, %mul3A_118 : i32
      %add3A_120 = arith.addi %mul3A_117, %mul3A_119 : i32
      %dma_start3A = tpu.memref_slice %arg3[%add3A_120] : memref<1600000xi32, #tpu.memory_space<hbm>> -> memref<800xi32, #tpu.memory_space<hbm>>
      %dma_start3A_121 = tpu.memref_slice %arg3[%add3A_120] : memref<1600000xi32, #tpu.memory_space<hbm>> -> memref<800xi32, #tpu.memory_space<hbm>>
      tpu.enqueue_dma source(%dma_start3A_121 : memref<800xi32, #tpu.memory_space<hbm>>) target(%arg6 : memref<800xi32, #tpu.memory_space<vmem>>) target_semaphore(%arg10 : memref<!tpu.dma_semaphore, #tpu.memory_space<semaphore_mem>>)
      %gt3A = arith.constant 0 : i32
      %gt3A_122 = arith.cmpi sgt, %scan3A_115, %gt3A : i32
      %convert_element_type3A = arith.extui %gt3A_122 : i1 to i32
      %cond3A = arith.constant 0 : i32
      %cond3A_123 = arith.cmpi ne, %convert_element_type3A, %cond3A : i32
      scf.if %cond3A_123 {
        %dma_wait3A_1275 = arith.constant 0 : i32
        %dma_wait3A_1276 = arith.constant 0 : i32
        %dma_wait3A_1277 = arith.constant 0 : i32
        %dma_wait3A_1278 = tpu.memref_slice %arg8[%dma_wait3A_1276, %dma_wait3A_1277] : memref<800x32xf32, #tpu.memory_space<vmem>> -> memref<80x32xf32, #tpu.memory_space<vmem>>
        %dma_wait3A_1279 = arith.constant 0 : i32
        %dma_wait3A_1280 = tpu.memref_slice %arg7[%dma_wait3A_1275, %dma_wait3A_1279] : memref<10x80xi32, #tpu.memory_space<vmem>> -> memref<1x80xi32, #tpu.memory_space<vmem>>
        %dma_wait3A_1281 = tpu.memref_squeeze %dma_wait3A_1280 : memref<1x80xi32, #tpu.memory_space<vmem>> -> memref<80xi32, #tpu.memory_space<vmem>>
        %dma_wait3A_1282 = arith.constant 0 : i32
        %dma_wait3A_1283 = arith.constant 0 : i32
        %dma_wait3A_1284 = tpu.memref_slice %arg9[%dma_wait3A_1282, %dma_wait3A_1283] : memref<50008x32xf32, #tpu.memory_space<vmem_shared>> -> memref<50008x32xf32, #tpu.memory_space<vmem_shared>>
        tpu.wait_indirect_dma semaphore(%arg12 : memref<!tpu.dma_semaphore, #tpu.memory_space<semaphore_mem>>) src(%dma_wait3A_1278 : memref<80x32xf32, #tpu.memory_space<vmem>>) dst(%dma_wait3A_1284 : memref<50008x32xf32, #tpu.memory_space<vmem_shared>>)
        %dma_wait3A_1285 = arith.constant 1 : i32
        %dma_wait3A_1286 = arith.constant 80 : i32
        %dma_wait3A_1287 = arith.constant 0 : i32
        %dma_wait3A_1288 = tpu.memref_slice %arg8[%dma_wait3A_1286, %dma_wait3A_1287] : memref<800x32xf32, #tpu.memory_space<vmem>> -> memref<80x32xf32, #tpu.memory_space<vmem>>
        %dma_wait3A_1289 = arith.constant 0 : i32
        %dma_wait3A_1290 = tpu.memref_slice %arg7[%dma_wait3A_1285, %dma_wait3A_1289] : memref<10x80xi32, #tpu.memory_space<vmem>> -> memref<1x80xi32, #tpu.memory_space<vmem>>
        %dma_wait3A_1291 = tpu.memref_squeeze %dma_wait3A_1290 : memref<1x80xi32, #tpu.memory_space<vmem>> -> memref<80xi32, #tpu.memory_space<vmem>>
        %dma_wait3A_1292 = arith.constant 0 : i32
        %dma_wait3A_1293 = arith.constant 0 : i32
        %dma_wait3A_1294 = tpu.memref_slice %arg9[%dma_wait3A_1292, %dma_wait3A_1293] : memref<50008x32xf32, #tpu.memory_space<vmem_shared>> -> memref<50008x32xf32, #tpu.memory_space<vmem_shared>>
        tpu.wait_indirect_dma semaphore(%arg12 : memref<!tpu.dma_semaphore, #tpu.memory_space<semaphore_mem>>) src(%dma_wait3A_1288 : memref<80x32xf32, #tpu.memory_space<vmem>>) dst(%dma_wait3A_1294 : memref<50008x32xf32, #tpu.memory_space<vmem_shared>>)
        %dma_wait3A_1295 = arith.constant 2 : i32
        %dma_wait3A_1296 = arith.constant 160 : i32
        %dma_wait3A_1297 = arith.constant 0 : i32
        %dma_wait3A_1298 = tpu.memref_slice %arg8[%dma_wait3A_1296, %dma_wait3A_1297] : memref<800x32xf32, #tpu.memory_space<vmem>> -> memref<80x32xf32, #tpu.memory_space<vmem>>
        %dma_wait3A_1299 = arith.constant 0 : i32
        %dma_wait3A_1300 = tpu.memref_slice %arg7[%dma_wait3A_1295, %dma_wait3A_1299] : memref<10x80xi32, #tpu.memory_space<vmem>> -> memref<1x80xi32, #tpu.memory_space<vmem>>
        %dma_wait3A_1301 = tpu.memref_squeeze %dma_wait3A_1300 : memref<1x80xi32, #tpu.memory_space<vmem>> -> memref<80xi32, #tpu.memory_space<vmem>>
        %dma_wait3A_1302 = arith.constant 0 : i32
        %dma_wait3A_1303 = arith.constant 0 : i32
        %dma_wait3A_1304 = tpu.memref_slice %arg9[%dma_wait3A_1302, %dma_wait3A_1303] : memref<50008x32xf32, #tpu.memory_space<vmem_shared>> -> memref<50008x32xf32, #tpu.memory_space<vmem_shared>>
        tpu.wait_indirect_dma semaphore(%arg12 : memref<!tpu.dma_semaphore, #tpu.memory_space<semaphore_mem>>) src(%dma_wait3A_1298 : memref<80x32xf32, #tpu.memory_space<vmem>>) dst(%dma_wait3A_1304 : memref<50008x32xf32, #tpu.memory_space<vmem_shared>>)
        %dma_wait3A_1305 = arith.constant 3 : i32
        %dma_wait3A_1306 = arith.constant 240 : i32
        %dma_wait3A_1307 = arith.constant 0 : i32
        %dma_wait3A_1308 = tpu.memref_slice %arg8[%dma_wait3A_1306, %dma_wait3A_1307] : memref<800x32xf32, #tpu.memory_space<vmem>> -> memref<80x32xf32, #tpu.memory_space<vmem>>
        %dma_wait3A_1309 = arith.constant 0 : i32
        %dma_wait3A_1310 = tpu.memref_slice %arg7[%dma_wait3A_1305, %dma_wait3A_1309] : memref<10x80xi32, #tpu.memory_space<vmem>> -> memref<1x80xi32, #tpu.memory_space<vmem>>
        %dma_wait3A_1311 = tpu.memref_squeeze %dma_wait3A_1310 : memref<1x80xi32, #tpu.memory_space<vmem>> -> memref<80xi32, #tpu.memory_space<vmem>>
        %dma_wait3A_1312 = arith.constant 0 : i32
        %dma_wait3A_1313 = arith.constant 0 : i32
        %dma_wait3A_1314 = tpu.memref_slice %arg9[%dma_wait3A_1312, %dma_wait3A_1313] : memref<50008x32xf32, #tpu.memory_space<vmem_shared>> -> memref<50008x32xf32, #tpu.memory_space<vmem_shared>>
        tpu.wait_indirect_dma semaphore(%arg12 : memref<!tpu.dma_semaphore, #tpu.memory_space<semaphore_mem>>) src(%dma_wait3A_1308 : memref<80x32xf32, #tpu.memory_space<vmem>>) dst(%dma_wait3A_1314 : memref<50008x32xf32, #tpu.memory_space<vmem_shared>>)
        %dma_wait3A_1315 = arith.constant 4 : i32
        %dma_wait3A_1316 = arith.constant 320 : i32
        %dma_wait3A_1317 = arith.constant 0 : i32
        %dma_wait3A_1318 = tpu.memref_slice %arg8[%dma_wait3A_1316, %dma_wait3A_1317] : memref<800x32xf32, #tpu.memory_space<vmem>> -> memref<80x32xf32, #tpu.memory_space<vmem>>
        %dma_wait3A_1319 = arith.constant 0 : i32
        %dma_wait3A_1320 = tpu.memref_slice %arg7[%dma_wait3A_1315, %dma_wait3A_1319] : memref<10x80xi32, #tpu.memory_space<vmem>> -> memref<1x80xi32, #tpu.memory_space<vmem>>
        %dma_wait3A_1321 = tpu.memref_squeeze %dma_wait3A_1320 : memref<1x80xi32, #tpu.memory_space<vmem>> -> memref<80xi32, #tpu.memory_space<vmem>>
        %dma_wait3A_1322 = arith.constant 0 : i32
        %dma_wait3A_1323 = arith.constant 0 : i32
        %dma_wait3A_1324 = tpu.memref_slice %arg9[%dma_wait3A_1322, %dma_wait3A_1323] : memref<50008x32xf32, #tpu.memory_space<vmem_shared>> -> memref<50008x32xf32, #tpu.memory_space<vmem_shared>>
        tpu.wait_indirect_dma semaphore(%arg12 : memref<!tpu.dma_semaphore, #tpu.memory_space<semaphore_mem>>) src(%dma_wait3A_1318 : memref<80x32xf32, #tpu.memory_space<vmem>>) dst(%dma_wait3A_1324 : memref<50008x32xf32, #tpu.memory_space<vmem_shared>>)
        %dma_wait3A_1325 = arith.constant 5 : i32
        %dma_wait3A_1326 = arith.constant 400 : i32
        %dma_wait3A_1327 = arith.constant 0 : i32
        %dma_wait3A_1328 = tpu.memref_slice %arg8[%dma_wait3A_1326, %dma_wait3A_1327] : memref<800x32xf32, #tpu.memory_space<vmem>> -> memref<80x32xf32, #tpu.memory_space<vmem>>
        %dma_wait3A_1329 = arith.constant 0 : i32
        %dma_wait3A_1330 = tpu.memref_slice %arg7[%dma_wait3A_1325, %dma_wait3A_1329] : memref<10x80xi32, #tpu.memory_space<vmem>> -> memref<1x80xi32, #tpu.memory_space<vmem>>
        %dma_wait3A_1331 = tpu.memref_squeeze %dma_wait3A_1330 : memref<1x80xi32, #tpu.memory_space<vmem>> -> memref<80xi32, #tpu.memory_space<vmem>>
        %dma_wait3A_1332 = arith.constant 0 : i32
        %dma_wait3A_1333 = arith.constant 0 : i32
        %dma_wait3A_1334 = tpu.memref_slice %arg9[%dma_wait3A_1332, %dma_wait3A_1333] : memref<50008x32xf32, #tpu.memory_space<vmem_shared>> -> memref<50008x32xf32, #tpu.memory_space<vmem_shared>>
        tpu.wait_indirect_dma semaphore(%arg12 : memref<!tpu.dma_semaphore, #tpu.memory_space<semaphore_mem>>) src(%dma_wait3A_1328 : memref<80x32xf32, #tpu.memory_space<vmem>>) dst(%dma_wait3A_1334 : memref<50008x32xf32, #tpu.memory_space<vmem_shared>>)
        %dma_wait3A_1335 = arith.constant 6 : i32
        %dma_wait3A_1336 = arith.constant 480 : i32
        %dma_wait3A_1337 = arith.constant 0 : i32
        %dma_wait3A_1338 = tpu.memref_slice %arg8[%dma_wait3A_1336, %dma_wait3A_1337] : memref<800x32xf32, #tpu.memory_space<vmem>> -> memref<80x32xf32, #tpu.memory_space<vmem>>
        %dma_wait3A_1339 = arith.constant 0 : i32
        %dma_wait3A_1340 = tpu.memref_slice %arg7[%dma_wait3A_1335, %dma_wait3A_1339] : memref<10x80xi32, #tpu.memory_space<vmem>> -> memref<1x80xi32, #tpu.memory_space<vmem>>
        %dma_wait3A_1341 = tpu.memref_squeeze %dma_wait3A_1340 : memref<1x80xi32, #tpu.memory_space<vmem>> -> memref<80xi32, #tpu.memory_space<vmem>>
        %dma_wait3A_1342 = arith.constant 0 : i32
        %dma_wait3A_1343 = arith.constant 0 : i32
        %dma_wait3A_1344 = tpu.memref_slice %arg9[%dma_wait3A_1342, %dma_wait3A_1343] : memref<50008x32xf32, #tpu.memory_space<vmem_shared>> -> memref<50008x32xf32, #tpu.memory_space<vmem_shared>>
        tpu.wait_indirect_dma semaphore(%arg12 : memref<!tpu.dma_semaphore, #tpu.memory_space<semaphore_mem>>) src(%dma_wait3A_1338 : memref<80x32xf32, #tpu.memory_space<vmem>>) dst(%dma_wait3A_1344 : memref<50008x32xf32, #tpu.memory_space<vmem_shared>>)
        %dma_wait3A_1345 = arith.constant 7 : i32
        %dma_wait3A_1346 = arith.constant 560 : i32
        %dma_wait3A_1347 = arith.constant 0 : i32
        %dma_wait3A_1348 = tpu.memref_slice %arg8[%dma_wait3A_1346, %dma_wait3A_1347] : memref<800x32xf32, #tpu.memory_space<vmem>> -> memref<80x32xf32, #tpu.memory_space<vmem>>
        %dma_wait3A_1349 = arith.constant 0 : i32
        %dma_wait3A_1350 = tpu.memref_slice %arg7[%dma_wait3A_1345, %dma_wait3A_1349] : memref<10x80xi32, #tpu.memory_space<vmem>> -> memref<1x80xi32, #tpu.memory_space<vmem>>
        %dma_wait3A_1351 = tpu.memref_squeeze %dma_wait3A_1350 : memref<1x80xi32, #tpu.memory_space<vmem>> -> memref<80xi32, #tpu.memory_space<vmem>>
        %dma_wait3A_1352 = arith.constant 0 : i32
        %dma_wait3A_1353 = arith.constant 0 : i32
        %dma_wait3A_1354 = tpu.memref_slice %arg9[%dma_wait3A_1352, %dma_wait3A_1353] : memref<50008x32xf32, #tpu.memory_space<vmem_shared>> -> memref<50008x32xf32, #tpu.memory_space<vmem_shared>>
        tpu.wait_indirect_dma semaphore(%arg12 : memref<!tpu.dma_semaphore, #tpu.memory_space<semaphore_mem>>) src(%dma_wait3A_1348 : memref<80x32xf32, #tpu.memory_space<vmem>>) dst(%dma_wait3A_1354 : memref<50008x32xf32, #tpu.memory_space<vmem_shared>>)
        %dma_wait3A_1355 = arith.constant 8 : i32
        %dma_wait3A_1356 = arith.constant 640 : i32
        %dma_wait3A_1357 = arith.constant 0 : i32
        %dma_wait3A_1358 = tpu.memref_slice %arg8[%dma_wait3A_1356, %dma_wait3A_1357] : memref<800x32xf32, #tpu.memory_space<vmem>> -> memref<80x32xf32, #tpu.memory_space<vmem>>
        %dma_wait3A_1359 = arith.constant 0 : i32
        %dma_wait3A_1360 = tpu.memref_slice %arg7[%dma_wait3A_1355, %dma_wait3A_1359] : memref<10x80xi32, #tpu.memory_space<vmem>> -> memref<1x80xi32, #tpu.memory_space<vmem>>
        %dma_wait3A_1361 = tpu.memref_squeeze %dma_wait3A_1360 : memref<1x80xi32, #tpu.memory_space<vmem>> -> memref<80xi32, #tpu.memory_space<vmem>>
        %dma_wait3A_1362 = arith.constant 0 : i32
        %dma_wait3A_1363 = arith.constant 0 : i32
        %dma_wait3A_1364 = tpu.memref_slice %arg9[%dma_wait3A_1362, %dma_wait3A_1363] : memref<50008x32xf32, #tpu.memory_space<vmem_shared>> -> memref<50008x32xf32, #tpu.memory_space<vmem_shared>>
        tpu.wait_indirect_dma semaphore(%arg12 : memref<!tpu.dma_semaphore, #tpu.memory_space<semaphore_mem>>) src(%dma_wait3A_1358 : memref<80x32xf32, #tpu.memory_space<vmem>>) dst(%dma_wait3A_1364 : memref<50008x32xf32, #tpu.memory_space<vmem_shared>>)
        %dma_wait3A_1365 = arith.constant 9 : i32
        %dma_wait3A_1366 = arith.constant 720 : i32
        %dma_wait3A_1367 = arith.constant 0 : i32
        %dma_wait3A_1368 = tpu.memref_slice %arg8[%dma_wait3A_1366, %dma_wait3A_1367] : memref<800x32xf32, #tpu.memory_space<vmem>> -> memref<80x32xf32, #tpu.memory_space<vmem>>
        %dma_wait3A_1369 = arith.constant 0 : i32
        %dma_wait3A_1370 = tpu.memref_slice %arg7[%dma_wait3A_1365, %dma_wait3A_1369] : memref<10x80xi32, #tpu.memory_space<vmem>> -> memref<1x80xi32, #tpu.memory_space<vmem>>
        %dma_wait3A_1371 = tpu.memref_squeeze %dma_wait3A_1370 : memref<1x80xi32, #tpu.memory_space<vmem>> -> memref<80xi32, #tpu.memory_space<vmem>>
        %dma_wait3A_1372 = arith.constant 0 : i32
        %dma_wait3A_1373 = arith.constant 0 : i32
        %dma_wait3A_1374 = tpu.memref_slice %arg9[%dma_wait3A_1372, %dma_wait3A_1373] : memref<50008x32xf32, #tpu.memory_space<vmem_shared>> -> memref<50008x32xf32, #tpu.memory_space<vmem_shared>>
        tpu.wait_indirect_dma semaphore(%arg12 : memref<!tpu.dma_semaphore, #tpu.memory_space<semaphore_mem>>) src(%dma_wait3A_1368 : memref<80x32xf32, #tpu.memory_space<vmem>>) dst(%dma_wait3A_1374 : memref<50008x32xf32, #tpu.memory_space<vmem_shared>>)
      } else {
      }
      %dma_wait3A_124 = tpu.memref_slice %arg3[%add3A_120] : memref<1600000xi32, #tpu.memory_space<hbm>> -> memref<800xi32, #tpu.memory_space<hbm>>
      %dma_wait3A_125 = tpu.memref_slice %arg3[%add3A_120] : memref<1600000xi32, #tpu.memory_space<hbm>> -> memref<800xi32, #tpu.memory_space<hbm>>
      tpu.wait_dma2 semaphore(%arg10 : memref<!tpu.dma_semaphore, #tpu.memory_space<semaphore_mem>>) src(%dma_wait3A_125 : memref<800xi32, #tpu.memory_space<hbm>>) dst(%arg6 : memref<800xi32, #tpu.memory_space<vmem>>)
      %get3A = arith.constant 0 : index
      %get3A_126 = tpu.vector_load %arg6[%get3A] {strides = array<i32>} : memref<800xi32, #tpu.memory_space<vmem>>, vector<16xi32>,
      %get3A_127 = vector.shape_cast %get3A_126 : vector<16xi32> to vector<16xi32>
      %sub3A = vector.broadcast %mul3A_0 : i32 to vector<16xi32>
      %sub3A_128 = arith.subi %get3A_127, %sub3A : vector<16xi32>
      %ge3A = arith.constant 0 : i32
      %ge3A_129 = vector.broadcast %ge3A : i32 to vector<16xi32>
      %ge3A_130 = arith.cmpi sge, %sub3A_128, %ge3A_129 : vector<16xi32>
      %lt3A = arith.constant 50000 : i32
      %lt3A_131 = vector.broadcast %lt3A : i32 to vector<16xi32>
      %lt3A_132 = arith.cmpi slt, %sub3A_128, %lt3A_131 : vector<16xi32>
      %and3A = arith.andi %ge3A_130, %lt3A_132 : vector<16xi1>
      %jit3A = arith.constant 50000 : i32
      %broadcast_in_dim3A = vector.broadcast %jit3A : i32 to vector<16xi32>
      %select_n3A = arith.select %and3A, %sub3A_128, %broadcast_in_dim3A : vector<16xi1>, vector<16xi32>
      %swap3A = arith.constant 0 : i32
      %swap3A_133 = arith.index_cast %swap3A : i32 to index
      %swap3A_134 = arith.constant 0 : index
      %swap3A_135 = tpu.vector_load %arg7[%swap3A_133, %swap3A_134] {strides = array<i32>} : memref<10x80xi32, #tpu.memory_space<vmem>>, vector<1x16xi32>,
      %swap3A_136 = vector.shape_cast %swap3A_135 : vector<1x16xi32> to vector<16xi32>
      %swap3A_137 = vector.shape_cast %select_n3A : vector<16xi32> to vector<1x16xi32>
      tpu.vector_store %arg7[%swap3A_133, %swap3A_134], %swap3A_137 {strides = array<i32>} : memref<10x80xi32, #tpu.memory_space<vmem>>, vector<1x16xi32>,
      %get3A_138 = arith.constant 16 : index
      %get3A_139 = tpu.vector_load %arg6[%get3A_138] {strides = array<i32>} : memref<800xi32, #tpu.memory_space<vmem>>, vector<16xi32>,
      %get3A_140 = vector.shape_cast %get3A_139 : vector<16xi32> to vector<16xi32>
      %sub3A_141 = vector.broadcast %mul3A_0 : i32 to vector<16xi32>
      %sub3A_142 = arith.subi %get3A_140, %sub3A_141 : vector<16xi32>
      %ge3A_143 = arith.constant 0 : i32
      %ge3A_144 = vector.broadcast %ge3A_143 : i32 to vector<16xi32>
      %ge3A_145 = arith.cmpi sge, %sub3A_142, %ge3A_144 : vector<16xi32>
      %lt3A_146 = arith.constant 50000 : i32
      %lt3A_147 = vector.broadcast %lt3A_146 : i32 to vector<16xi32>
      %lt3A_148 = arith.cmpi slt, %sub3A_142, %lt3A_147 : vector<16xi32>
      %and3A_149 = arith.andi %ge3A_145, %lt3A_148 : vector<16xi1>
      %jit3A_150 = arith.constant 50000 : i32
      %broadcast_in_dim3A_151 = vector.broadcast %jit3A_150 : i32 to vector<16xi32>
      %select_n3A_152 = arith.select %and3A_149, %sub3A_142, %broadcast_in_dim3A_151 : vector<16xi1>, vector<16xi32>
      %swap3A_153 = arith.constant 0 : i32
      %swap3A_154 = arith.index_cast %swap3A_153 : i32 to index
      %swap3A_155 = arith.constant 16 : index
      %swap3A_156 = tpu.vector_load %arg7[%swap3A_154, %swap3A_155] {strides = array<i32>} : memref<10x80xi32, #tpu.memory_space<vmem>>, vector<1x16xi32>,
      %swap3A_157 = vector.shape_cast %swap3A_156 : vector<1x16xi32> to vector<16xi32>
      %swap3A_158 = vector.shape_cast %select_n3A_152 : vector<16xi32> to vector<1x16xi32>
      tpu.vector_store %arg7[%swap3A_154, %swap3A_155], %swap3A_158 {strides = array<i32>} : memref<10x80xi32, #tpu.memory_space<vmem>>, vector<1x16xi32>,
      %get3A_159 = arith.constant 32 : index
      %get3A_160 = tpu.vector_load %arg6[%get3A_159] {strides = array<i32>} : memref<800xi32, #tpu.memory_space<vmem>>, vector<16xi32>,
      %get3A_161 = vector.shape_cast %get3A_160 : vector<16xi32> to vector<16xi32>
      %sub3A_162 = vector.broadcast %mul3A_0 : i32 to vector<16xi32>
      %sub3A_163 = arith.subi %get3A_161, %sub3A_162 : vector<16xi32>
      %ge3A_164 = arith.constant 0 : i32
      %ge3A_165 = vector.broadcast %ge3A_164 : i32 to vector<16xi32>
      %ge3A_166 = arith.cmpi sge, %sub3A_163, %ge3A_165 : vector<16xi32>
      %lt3A_167 = arith.constant 50000 : i32
      %lt3A_168 = vector.broadcast %lt3A_167 : i32 to vector<16xi32>
      %lt3A_169 = arith.cmpi slt, %sub3A_163, %lt3A_168 : vector<16xi32>
      %and3A_170 = arith.andi %ge3A_166, %lt3A_169 : vector<16xi1>
      %jit3A_171 = arith.constant 50000 : i32
      %broadcast_in_dim3A_172 = vector.broadcast %jit3A_171 : i32 to vector<16xi32>
      %select_n3A_173 = arith.select %and3A_170, %sub3A_163, %broadcast_in_dim3A_172 : vector<16xi1>, vector<16xi32>
      %swap3A_174 = arith.constant 0 : i32
      %swap3A_175 = arith.index_cast %swap3A_174 : i32 to index
      %swap3A_176 = arith.constant 32 : index
      %swap3A_177 = tpu.vector_load %arg7[%swap3A_175, %swap3A_176] {strides = array<i32>} : memref<10x80xi32, #tpu.memory_space<vmem>>, vector<1x16xi32>,
      %swap3A_178 = vector.shape_cast %swap3A_177 : vector<1x16xi32> to vector<16xi32>
      %swap3A_179 = vector.shape_cast %select_n3A_173 : vector<16xi32> to vector<1x16xi32>
      tpu.vector_store %arg7[%swap3A_175, %swap3A_176], %swap3A_179 {strides = array<i32>} : memref<10x80xi32, #tpu.memory_space<vmem>>, vector<1x16xi32>,
      %get3A_180 = arith.constant 48 : index
      %get3A_181 = tpu.vector_load %arg6[%get3A_180] {strides = array<i32>} : memref<800xi32, #tpu.memory_space<vmem>>, vector<16xi32>,
      %get3A_182 = vector.shape_cast %get3A_181 : vector<16xi32> to vector<16xi32>
      %sub3A_183 = vector.broadcast %mul3A_0 : i32 to vector<16xi32>
      %sub3A_184 = arith.subi %get3A_182, %sub3A_183 : vector<16xi32>
      %ge3A_185 = arith.constant 0 : i32
      %ge3A_186 = vector.broadcast %ge3A_185 : i32 to vector<16xi32>
      %ge3A_187 = arith.cmpi sge, %sub3A_184, %ge3A_186 : vector<16xi32>
      %lt3A_188 = arith.constant 50000 : i32
      %lt3A_189 = vector.broadcast %lt3A_188 : i32 to vector<16xi32>
      %lt3A_190 = arith.cmpi slt, %sub3A_184, %lt3A_189 : vector<16xi32>
      %and3A_191 = arith.andi %ge3A_187, %lt3A_190 : vector<16xi1>
      %jit3A_192 = arith.constant 50000 : i32
      %broadcast_in_dim3A_193 = vector.broadcast %jit3A_192 : i32 to vector<16xi32>
      %select_n3A_194 = arith.select %and3A_191, %sub3A_184, %broadcast_in_dim3A_193 : vector<16xi1>, vector<16xi32>
      %swap3A_195 = arith.constant 0 : i32
      %swap3A_196 = arith.index_cast %swap3A_195 : i32 to index
      %swap3A_197 = arith.constant 48 : index
      %swap3A_198 = tpu.vector_load %arg7[%swap3A_196, %swap3A_197] {strides = array<i32>} : memref<10x80xi32, #tpu.memory_space<vmem>>, vector<1x16xi32>,
      %swap3A_199 = vector.shape_cast %swap3A_198 : vector<1x16xi32> to vector<16xi32>
      %swap3A_200 = vector.shape_cast %select_n3A_194 : vector<16xi32> to vector<1x16xi32>
      tpu.vector_store %arg7[%swap3A_196, %swap3A_197], %swap3A_200 {strides = array<i32>} : memref<10x80xi32, #tpu.memory_space<vmem>>, vector<1x16xi32>,
      %get3A_201 = arith.constant 64 : index
      %get3A_202 = tpu.vector_load %arg6[%get3A_201] {strides = array<i32>} : memref<800xi32, #tpu.memory_space<vmem>>, vector<16xi32>,
      %get3A_203 = vector.shape_cast %get3A_202 : vector<16xi32> to vector<16xi32>
      %sub3A_204 = vector.broadcast %mul3A_0 : i32 to vector<16xi32>
      %sub3A_205 = arith.subi %get3A_203, %sub3A_204 : vector<16xi32>
      %ge3A_206 = arith.constant 0 : i32
      %ge3A_207 = vector.broadcast %ge3A_206 : i32 to vector<16xi32>
      %ge3A_208 = arith.cmpi sge, %sub3A_205, %ge3A_207 : vector<16xi32>
      %lt3A_209 = arith.constant 50000 : i32
      %lt3A_210 = vector.broadcast %lt3A_209 : i32 to vector<16xi32>
      %lt3A_211 = arith.cmpi slt, %sub3A_205, %lt3A_210 : vector<16xi32>
      %and3A_212 = arith.andi %ge3A_208, %lt3A_211 : vector<16xi1>
      %jit3A_213 = arith.constant 50000 : i32
      %broadcast_in_dim3A_214 = vector.broadcast %jit3A_213 : i32 to vector<16xi32>
      %select_n3A_215 = arith.select %and3A_212, %sub3A_205, %broadcast_in_dim3A_214 : vector<16xi1>, vector<16xi32>
      %swap3A_216 = arith.constant 0 : i32
      %swap3A_217 = arith.index_cast %swap3A_216 : i32 to index
      %swap3A_218 = arith.constant 64 : index
      %swap3A_219 = tpu.vector_load %arg7[%swap3A_217, %swap3A_218] {strides = array<i32>} : memref<10x80xi32, #tpu.memory_space<vmem>>, vector<1x16xi32>,
      %swap3A_220 = vector.shape_cast %swap3A_219 : vector<1x16xi32> to vector<16xi32>
      %swap3A_221 = vector.shape_cast %select_n3A_215 : vector<16xi32> to vector<1x16xi32>
      tpu.vector_store %arg7[%swap3A_217, %swap3A_218], %swap3A_221 {strides = array<i32>} : memref<10x80xi32, #tpu.memory_space<vmem>>, vector<1x16xi32>,
      %get3A_222 = arith.constant 80 : index
      %get3A_223 = tpu.vector_load %arg6[%get3A_222] {strides = array<i32>} : memref<800xi32, #tpu.memory_space<vmem>>, vector<16xi32>,
      %get3A_224 = vector.shape_cast %get3A_223 : vector<16xi32> to vector<16xi32>
      %sub3A_225 = vector.broadcast %mul3A_0 : i32 to vector<16xi32>
      %sub3A_226 = arith.subi %get3A_224, %sub3A_225 : vector<16xi32>
      %ge3A_227 = arith.constant 0 : i32
      %ge3A_228 = vector.broadcast %ge3A_227 : i32 to vector<16xi32>
      %ge3A_229 = arith.cmpi sge, %sub3A_226, %ge3A_228 : vector<16xi32>
      %lt3A_230 = arith.constant 50000 : i32
      %lt3A_231 = vector.broadcast %lt3A_230 : i32 to vector<16xi32>
      %lt3A_232 = arith.cmpi slt, %sub3A_226, %lt3A_231 : vector<16xi32>
      %and3A_233 = arith.andi %ge3A_229, %lt3A_232 : vector<16xi1>
      %jit3A_234 = arith.constant 50000 : i32
      %broadcast_in_dim3A_235 = vector.broadcast %jit3A_234 : i32 to vector<16xi32>
      %select_n3A_236 = arith.select %and3A_233, %sub3A_226, %broadcast_in_dim3A_235 : vector<16xi1>, vector<16xi32>
      %swap3A_237 = arith.constant 1 : i32
      %swap3A_238 = arith.index_cast %swap3A_237 : i32 to index
      %swap3A_239 = arith.constant 0 : index
      %swap3A_240 = tpu.vector_load %arg7[%swap3A_238, %swap3A_239] {strides = array<i32>} : memref<10x80xi32, #tpu.memory_space<vmem>>, vector<1x16xi32>,
      %swap3A_241 = vector.shape_cast %swap3A_240 : vector<1x16xi32> to vector<16xi32>
      %swap3A_242 = vector.shape_cast %select_n3A_236 : vector<16xi32> to vector<1x16xi32>
      tpu.vector_store %arg7[%swap3A_238, %swap3A_239], %swap3A_242 {strides = array<i32>} : memref<10x80xi32, #tpu.memory_space<vmem>>, vector<1x16xi32>,
      %get3A_243 = arith.constant 96 : index
      %get3A_244 = tpu.vector_load %arg6[%get3A_243] {strides = array<i32>} : memref<800xi32, #tpu.memory_space<vmem>>, vector<16xi32>,
      %get3A_245 = vector.shape_cast %get3A_244 : vector<16xi32> to vector<16xi32>
      %sub3A_246 = vector.broadcast %mul3A_0 : i32 to vector<16xi32>
      %sub3A_247 = arith.subi %get3A_245, %sub3A_246 : vector<16xi32>
      %ge3A_248 = arith.constant 0 : i32
      %ge3A_249 = vector.broadcast %ge3A_248 : i32 to vector<16xi32>
      %ge3A_250 = arith.cmpi sge, %sub3A_247, %ge3A_249 : vector<16xi32>
      %lt3A_251 = arith.constant 50000 : i32
      %lt3A_252 = vector.broadcast %lt3A_251 : i32 to vector<16xi32>
      %lt3A_253 = arith.cmpi slt, %sub3A_247, %lt3A_252 : vector<16xi32>
      %and3A_254 = arith.andi %ge3A_250, %lt3A_253 : vector<16xi1>
      %jit3A_255 = arith.constant 50000 : i32
      %broadcast_in_dim3A_256 = vector.broadcast %jit3A_255 : i32 to vector<16xi32>
      %select_n3A_257 = arith.select %and3A_254, %sub3A_247, %broadcast_in_dim3A_256 : vector<16xi1>, vector<16xi32>
      %swap3A_258 = arith.constant 1 : i32
      %swap3A_259 = arith.index_cast %swap3A_258 : i32 to index
      %swap3A_260 = arith.constant 16 : index
      %swap3A_261 = tpu.vector_load %arg7[%swap3A_259, %swap3A_260] {strides = array<i32>} : memref<10x80xi32, #tpu.memory_space<vmem>>, vector<1x16xi32>,
      %swap3A_262 = vector.shape_cast %swap3A_261 : vector<1x16xi32> to vector<16xi32>
      %swap3A_263 = vector.shape_cast %select_n3A_257 : vector<16xi32> to vector<1x16xi32>
      tpu.vector_store %arg7[%swap3A_259, %swap3A_260], %swap3A_263 {strides = array<i32>} : memref<10x80xi32, #tpu.memory_space<vmem>>, vector<1x16xi32>,
      %get3A_264 = arith.constant 112 : index
      %get3A_265 = tpu.vector_load %arg6[%get3A_264] {strides = array<i32>} : memref<800xi32, #tpu.memory_space<vmem>>, vector<16xi32>,
      %get3A_266 = vector.shape_cast %get3A_265 : vector<16xi32> to vector<16xi32>
      %sub3A_267 = vector.broadcast %mul3A_0 : i32 to vector<16xi32>
      %sub3A_268 = arith.subi %get3A_266, %sub3A_267 : vector<16xi32>
      %ge3A_269 = arith.constant 0 : i32
      %ge3A_270 = vector.broadcast %ge3A_269 : i32 to vector<16xi32>
      %ge3A_271 = arith.cmpi sge, %sub3A_268, %ge3A_270 : vector<16xi32>
      %lt3A_272 = arith.constant 50000 : i32
      %lt3A_273 = vector.broadcast %lt3A_272 : i32 to vector<16xi32>
      %lt3A_274 = arith.cmpi slt, %sub3A_268, %lt3A_273 : vector<16xi32>
      %and3A_275 = arith.andi %ge3A_271, %lt3A_274 : vector<16xi1>
      %jit3A_276 = arith.constant 50000 : i32
      %broadcast_in_dim3A_277 = vector.broadcast %jit3A_276 : i32 to vector<16xi32>
      %select_n3A_278 = arith.select %and3A_275, %sub3A_268, %broadcast_in_dim3A_277 : vector<16xi1>, vector<16xi32>
      %swap3A_279 = arith.constant 1 : i32
      %swap3A_280 = arith.index_cast %swap3A_279 : i32 to index
      %swap3A_281 = arith.constant 32 : index
      %swap3A_282 = tpu.vector_load %arg7[%swap3A_280, %swap3A_281] {strides = array<i32>} : memref<10x80xi32, #tpu.memory_space<vmem>>, vector<1x16xi32>,
      %swap3A_283 = vector.shape_cast %swap3A_282 : vector<1x16xi32> to vector<16xi32>
      %swap3A_284 = vector.shape_cast %select_n3A_278 : vector<16xi32> to vector<1x16xi32>
      tpu.vector_store %arg7[%swap3A_280, %swap3A_281], %swap3A_284 {strides = array<i32>} : memref<10x80xi32, #tpu.memory_space<vmem>>, vector<1x16xi32>,
      %get3A_285 = arith.constant 128 : index
      %get3A_286 = tpu.vector_load %arg6[%get3A_285] {strides = array<i32>} : memref<800xi32, #tpu.memory_space<vmem>>, vector<16xi32>,
      %get3A_287 = vector.shape_cast %get3A_286 : vector<16xi32> to vector<16xi32>
      %sub3A_288 = vector.broadcast %mul3A_0 : i32 to vector<16xi32>
      %sub3A_289 = arith.subi %get3A_287, %sub3A_288 : vector<16xi32>
      %ge3A_290 = arith.constant 0 : i32
      %ge3A_291 = vector.broadcast %ge3A_290 : i32 to vector<16xi32>
      %ge3A_292 = arith.cmpi sge, %sub3A_289, %ge3A_291 : vector<16xi32>
      %lt3A_293 = arith.constant 50000 : i32
      %lt3A_294 = vector.broadcast %lt3A_293 : i32 to vector<16xi32>
      %lt3A_295 = arith.cmpi slt, %sub3A_289, %lt3A_294 : vector<16xi32>
      %and3A_296 = arith.andi %ge3A_292, %lt3A_295 : vector<16xi1>
      %jit3A_297 = arith.constant 50000 : i32
      %broadcast_in_dim3A_298 = vector.broadcast %jit3A_297 : i32 to vector<16xi32>
      %select_n3A_299 = arith.select %and3A_296, %sub3A_289, %broadcast_in_dim3A_298 : vector<16xi1>, vector<16xi32>
      %swap3A_300 = arith.constant 1 : i32
      %swap3A_301 = arith.index_cast %swap3A_300 : i32 to index
      %swap3A_302 = arith.constant 48 : index
      %swap3A_303 = tpu.vector_load %arg7[%swap3A_301, %swap3A_302] {strides = array<i32>} : memref<10x80xi32, #tpu.memory_space<vmem>>, vector<1x16xi32>,
      %swap3A_304 = vector.shape_cast %swap3A_303 : vector<1x16xi32> to vector<16xi32>
      %swap3A_305 = vector.shape_cast %select_n3A_299 : vector<16xi32> to vector<1x16xi32>
      tpu.vector_store %arg7[%swap3A_301, %swap3A_302], %swap3A_305 {strides = array<i32>} : memref<10x80xi32, #tpu.memory_space<vmem>>, vector<1x16xi32>,
      %get3A_306 = arith.constant 144 : index
      %get3A_307 = tpu.vector_load %arg6[%get3A_306] {strides = array<i32>} : memref<800xi32, #tpu.memory_space<vmem>>, vector<16xi32>,
      %get3A_308 = vector.shape_cast %get3A_307 : vector<16xi32> to vector<16xi32>
      %sub3A_309 = vector.broadcast %mul3A_0 : i32 to vector<16xi32>
      %sub3A_310 = arith.subi %get3A_308, %sub3A_309 : vector<16xi32>
      %ge3A_311 = arith.constant 0 : i32
      %ge3A_312 = vector.broadcast %ge3A_311 : i32 to vector<16xi32>
      %ge3A_313 = arith.cmpi sge, %sub3A_310, %ge3A_312 : vector<16xi32>
      %lt3A_314 = arith.constant 50000 : i32
      %lt3A_315 = vector.broadcast %lt3A_314 : i32 to vector<16xi32>
      %lt3A_316 = arith.cmpi slt, %sub3A_310, %lt3A_315 : vector<16xi32>
      %and3A_317 = arith.andi %ge3A_313, %lt3A_316 : vector<16xi1>
      %jit3A_318 = arith.constant 50000 : i32
      %broadcast_in_dim3A_319 = vector.broadcast %jit3A_318 : i32 to vector<16xi32>
      %select_n3A_320 = arith.select %and3A_317, %sub3A_310, %broadcast_in_dim3A_319 : vector<16xi1>, vector<16xi32>
      %swap3A_321 = arith.constant 1 : i32
      %swap3A_322 = arith.index_cast %swap3A_321 : i32 to index
      %swap3A_323 = arith.constant 64 : index
      %swap3A_324 = tpu.vector_load %arg7[%swap3A_322, %swap3A_323] {strides = array<i32>} : memref<10x80xi32, #tpu.memory_space<vmem>>, vector<1x16xi32>,
      %swap3A_325 = vector.shape_cast %swap3A_324 : vector<1x16xi32> to vector<16xi32>
      %swap3A_326 = vector.shape_cast %select_n3A_320 : vector<16xi32> to vector<1x16xi32>
      tpu.vector_store %arg7[%swap3A_322, %swap3A_323], %swap3A_326 {strides = array<i32>} : memref<10x80xi32, #tpu.memory_space<vmem>>, vector<1x16xi32>,
      %get3A_327 = arith.constant 160 : index
      %get3A_328 = tpu.vector_load %arg6[%get3A_327] {strides = array<i32>} : memref<800xi32, #tpu.memory_space<vmem>>, vector<16xi32>,
      %get3A_329 = vector.shape_cast %get3A_328 : vector<16xi32> to vector<16xi32>
      %sub3A_330 = vector.broadcast %mul3A_0 : i32 to vector<16xi32>
      %sub3A_331 = arith.subi %get3A_329, %sub3A_330 : vector<16xi32>
      %ge3A_332 = arith.constant 0 : i32
      %ge3A_333 = vector.broadcast %ge3A_332 : i32 to vector<16xi32>
      %ge3A_334 = arith.cmpi sge, %sub3A_331, %ge3A_333 : vector<16xi32>
      %lt3A_335 = arith.constant 50000 : i32
      %lt3A_336 = vector.broadcast %lt3A_335 : i32 to vector<16xi32>
      %lt3A_337 = arith.cmpi slt, %sub3A_331, %lt3A_336 : vector<16xi32>
      %and3A_338 = arith.andi %ge3A_334, %lt3A_337 : vector<16xi1>
      %jit3A_339 = arith.constant 50000 : i32
      %broadcast_in_dim3A_340 = vector.broadcast %jit3A_339 : i32 to vector<16xi32>
      %select_n3A_341 = arith.select %and3A_338, %sub3A_331, %broadcast_in_dim3A_340 : vector<16xi1>, vector<16xi32>
      %swap3A_342 = arith.constant 2 : i32
      %swap3A_343 = arith.index_cast %swap3A_342 : i32 to index
      %swap3A_344 = arith.constant 0 : index
      %swap3A_345 = tpu.vector_load %arg7[%swap3A_343, %swap3A_344] {strides = array<i32>} : memref<10x80xi32, #tpu.memory_space<vmem>>, vector<1x16xi32>,
      %swap3A_346 = vector.shape_cast %swap3A_345 : vector<1x16xi32> to vector<16xi32>
      %swap3A_347 = vector.shape_cast %select_n3A_341 : vector<16xi32> to vector<1x16xi32>
      tpu.vector_store %arg7[%swap3A_343, %swap3A_344], %swap3A_347 {strides = array<i32>} : memref<10x80xi32, #tpu.memory_space<vmem>>, vector<1x16xi32>,
      %get3A_348 = arith.constant 176 : index
      %get3A_349 = tpu.vector_load %arg6[%get3A_348] {strides = array<i32>} : memref<800xi32, #tpu.memory_space<vmem>>, vector<16xi32>,
      %get3A_350 = vector.shape_cast %get3A_349 : vector<16xi32> to vector<16xi32>
      %sub3A_351 = vector.broadcast %mul3A_0 : i32 to vector<16xi32>
      %sub3A_352 = arith.subi %get3A_350, %sub3A_351 : vector<16xi32>
      %ge3A_353 = arith.constant 0 : i32
      %ge3A_354 = vector.broadcast %ge3A_353 : i32 to vector<16xi32>
      %ge3A_355 = arith.cmpi sge, %sub3A_352, %ge3A_354 : vector<16xi32>
      %lt3A_356 = arith.constant 50000 : i32
      %lt3A_357 = vector.broadcast %lt3A_356 : i32 to vector<16xi32>
      %lt3A_358 = arith.cmpi slt, %sub3A_352, %lt3A_357 : vector<16xi32>
      %and3A_359 = arith.andi %ge3A_355, %lt3A_358 : vector<16xi1>
      %jit3A_360 = arith.constant 50000 : i32
      %broadcast_in_dim3A_361 = vector.broadcast %jit3A_360 : i32 to vector<16xi32>
      %select_n3A_362 = arith.select %and3A_359, %sub3A_352, %broadcast_in_dim3A_361 : vector<16xi1>, vector<16xi32>
      %swap3A_363 = arith.constant 2 : i32
      %swap3A_364 = arith.index_cast %swap3A_363 : i32 to index
      %swap3A_365 = arith.constant 16 : index
      %swap3A_366 = tpu.vector_load %arg7[%swap3A_364, %swap3A_365] {strides = array<i32>} : memref<10x80xi32, #tpu.memory_space<vmem>>, vector<1x16xi32>,
      %swap3A_367 = vector.shape_cast %swap3A_366 : vector<1x16xi32> to vector<16xi32>
      %swap3A_368 = vector.shape_cast %select_n3A_362 : vector<16xi32> to vector<1x16xi32>
      tpu.vector_store %arg7[%swap3A_364, %swap3A_365], %swap3A_368 {strides = array<i32>} : memref<10x80xi32, #tpu.memory_space<vmem>>, vector<1x16xi32>,
      %get3A_369 = arith.constant 192 : index
      %get3A_370 = tpu.vector_load %arg6[%get3A_369] {strides = array<i32>} : memref<800xi32, #tpu.memory_space<vmem>>, vector<16xi32>,
      %get3A_371 = vector.shape_cast %get3A_370 : vector<16xi32> to vector<16xi32>
      %sub3A_372 = vector.broadcast %mul3A_0 : i32 to vector<16xi32>
      %sub3A_373 = arith.subi %get3A_371, %sub3A_372 : vector<16xi32>
      %ge3A_374 = arith.constant 0 : i32
      %ge3A_375 = vector.broadcast %ge3A_374 : i32 to vector<16xi32>
      %ge3A_376 = arith.cmpi sge, %sub3A_373, %ge3A_375 : vector<16xi32>
      %lt3A_377 = arith.constant 50000 : i32
      %lt3A_378 = vector.broadcast %lt3A_377 : i32 to vector<16xi32>
      %lt3A_379 = arith.cmpi slt, %sub3A_373, %lt3A_378 : vector<16xi32>
      %and3A_380 = arith.andi %ge3A_376, %lt3A_379 : vector<16xi1>
      %jit3A_381 = arith.constant 50000 : i32
      %broadcast_in_dim3A_382 = vector.broadcast %jit3A_381 : i32 to vector<16xi32>
      %select_n3A_383 = arith.select %and3A_380, %sub3A_373, %broadcast_in_dim3A_382 : vector<16xi1>, vector<16xi32>
      %swap3A_384 = arith.constant 2 : i32
      %swap3A_385 = arith.index_cast %swap3A_384 : i32 to index
      %swap3A_386 = arith.constant 32 : index
      %swap3A_387 = tpu.vector_load %arg7[%swap3A_385, %swap3A_386] {strides = array<i32>} : memref<10x80xi32, #tpu.memory_space<vmem>>, vector<1x16xi32>,
      %swap3A_388 = vector.shape_cast %swap3A_387 : vector<1x16xi32> to vector<16xi32>
      %swap3A_389 = vector.shape_cast %select_n3A_383 : vector<16xi32> to vector<1x16xi32>
      tpu.vector_store %arg7[%swap3A_385, %swap3A_386], %swap3A_389 {strides = array<i32>} : memref<10x80xi32, #tpu.memory_space<vmem>>, vector<1x16xi32>,
      %get3A_390 = arith.constant 208 : index
      %get3A_391 = tpu.vector_load %arg6[%get3A_390] {strides = array<i32>} : memref<800xi32, #tpu.memory_space<vmem>>, vector<16xi32>,
      %get3A_392 = vector.shape_cast %get3A_391 : vector<16xi32> to vector<16xi32>
      %sub3A_393 = vector.broadcast %mul3A_0 : i32 to vector<16xi32>
      %sub3A_394 = arith.subi %get3A_392, %sub3A_393 : vector<16xi32>
      %ge3A_395 = arith.constant 0 : i32
      %ge3A_396 = vector.broadcast %ge3A_395 : i32 to vector<16xi32>
      %ge3A_397 = arith.cmpi sge, %sub3A_394, %ge3A_396 : vector<16xi32>
      %lt3A_398 = arith.constant 50000 : i32
      %lt3A_399 = vector.broadcast %lt3A_398 : i32 to vector<16xi32>
      %lt3A_400 = arith.cmpi slt, %sub3A_394, %lt3A_399 : vector<16xi32>
      %and3A_401 = arith.andi %ge3A_397, %lt3A_400 : vector<16xi1>
      %jit3A_402 = arith.constant 50000 : i32
      %broadcast_in_dim3A_403 = vector.broadcast %jit3A_402 : i32 to vector<16xi32>
      %select_n3A_404 = arith.select %and3A_401, %sub3A_394, %broadcast_in_dim3A_403 : vector<16xi1>, vector<16xi32>
      %swap3A_405 = arith.constant 2 : i32
      %swap3A_406 = arith.index_cast %swap3A_405 : i32 to index
      %swap3A_407 = arith.constant 48 : index
      %swap3A_408 = tpu.vector_load %arg7[%swap3A_406, %swap3A_407] {strides = array<i32>} : memref<10x80xi32, #tpu.memory_space<vmem>>, vector<1x16xi32>,
      %swap3A_409 = vector.shape_cast %swap3A_408 : vector<1x16xi32> to vector<16xi32>
      %swap3A_410 = vector.shape_cast %select_n3A_404 : vector<16xi32> to vector<1x16xi32>
      tpu.vector_store %arg7[%swap3A_406, %swap3A_407], %swap3A_410 {strides = array<i32>} : memref<10x80xi32, #tpu.memory_space<vmem>>, vector<1x16xi32>,
      %get3A_411 = arith.constant 224 : index
      %get3A_412 = tpu.vector_load %arg6[%get3A_411] {strides = array<i32>} : memref<800xi32, #tpu.memory_space<vmem>>, vector<16xi32>,
      %get3A_413 = vector.shape_cast %get3A_412 : vector<16xi32> to vector<16xi32>
      %sub3A_414 = vector.broadcast %mul3A_0 : i32 to vector<16xi32>
      %sub3A_415 = arith.subi %get3A_413, %sub3A_414 : vector<16xi32>
      %ge3A_416 = arith.constant 0 : i32
      %ge3A_417 = vector.broadcast %ge3A_416 : i32 to vector<16xi32>
      %ge3A_418 = arith.cmpi sge, %sub3A_415, %ge3A_417 : vector<16xi32>
      %lt3A_419 = arith.constant 50000 : i32
      %lt3A_420 = vector.broadcast %lt3A_419 : i32 to vector<16xi32>
      %lt3A_421 = arith.cmpi slt, %sub3A_415, %lt3A_420 : vector<16xi32>
      %and3A_422 = arith.andi %ge3A_418, %lt3A_421 : vector<16xi1>
      %jit3A_423 = arith.constant 50000 : i32
      %broadcast_in_dim3A_424 = vector.broadcast %jit3A_423 : i32 to vector<16xi32>
      %select_n3A_425 = arith.select %and3A_422, %sub3A_415, %broadcast_in_dim3A_424 : vector<16xi1>, vector<16xi32>
      %swap3A_426 = arith.constant 2 : i32
      %swap3A_427 = arith.index_cast %swap3A_426 : i32 to index
      %swap3A_428 = arith.constant 64 : index
      %swap3A_429 = tpu.vector_load %arg7[%swap3A_427, %swap3A_428] {strides = array<i32>} : memref<10x80xi32, #tpu.memory_space<vmem>>, vector<1x16xi32>,
      %swap3A_430 = vector.shape_cast %swap3A_429 : vector<1x16xi32> to vector<16xi32>
      %swap3A_431 = vector.shape_cast %select_n3A_425 : vector<16xi32> to vector<1x16xi32>
      tpu.vector_store %arg7[%swap3A_427, %swap3A_428], %swap3A_431 {strides = array<i32>} : memref<10x80xi32, #tpu.memory_space<vmem>>, vector<1x16xi32>,
      %get3A_432 = arith.constant 240 : index
      %get3A_433 = tpu.vector_load %arg6[%get3A_432] {strides = array<i32>} : memref<800xi32, #tpu.memory_space<vmem>>, vector<16xi32>,
      %get3A_434 = vector.shape_cast %get3A_433 : vector<16xi32> to vector<16xi32>
      %sub3A_435 = vector.broadcast %mul3A_0 : i32 to vector<16xi32>
      %sub3A_436 = arith.subi %get3A_434, %sub3A_435 : vector<16xi32>
      %ge3A_437 = arith.constant 0 : i32
      %ge3A_438 = vector.broadcast %ge3A_437 : i32 to vector<16xi32>
      %ge3A_439 = arith.cmpi sge, %sub3A_436, %ge3A_438 : vector<16xi32>
      %lt3A_440 = arith.constant 50000 : i32
      %lt3A_441 = vector.broadcast %lt3A_440 : i32 to vector<16xi32>
      %lt3A_442 = arith.cmpi slt, %sub3A_436, %lt3A_441 : vector<16xi32>
      %and3A_443 = arith.andi %ge3A_439, %lt3A_442 : vector<16xi1>
      %jit3A_444 = arith.constant 50000 : i32
      %broadcast_in_dim3A_445 = vector.broadcast %jit3A_444 : i32 to vector<16xi32>
      %select_n3A_446 = arith.select %and3A_443, %sub3A_436, %broadcast_in_dim3A_445 : vector<16xi1>, vector<16xi32>
      %swap3A_447 = arith.constant 3 : i32
      %swap3A_448 = arith.index_cast %swap3A_447 : i32 to index
      %swap3A_449 = arith.constant 0 : index
      %swap3A_450 = tpu.vector_load %arg7[%swap3A_448, %swap3A_449] {strides = array<i32>} : memref<10x80xi32, #tpu.memory_space<vmem>>, vector<1x16xi32>,
      %swap3A_451 = vector.shape_cast %swap3A_450 : vector<1x16xi32> to vector<16xi32>
      %swap3A_452 = vector.shape_cast %select_n3A_446 : vector<16xi32> to vector<1x16xi32>
      tpu.vector_store %arg7[%swap3A_448, %swap3A_449], %swap3A_452 {strides = array<i32>} : memref<10x80xi32, #tpu.memory_space<vmem>>, vector<1x16xi32>,
      %get3A_453 = arith.constant 256 : index
      %get3A_454 = tpu.vector_load %arg6[%get3A_453] {strides = array<i32>} : memref<800xi32, #tpu.memory_space<vmem>>, vector<16xi32>,
      %get3A_455 = vector.shape_cast %get3A_454 : vector<16xi32> to vector<16xi32>
      %sub3A_456 = vector.broadcast %mul3A_0 : i32 to vector<16xi32>
      %sub3A_457 = arith.subi %get3A_455, %sub3A_456 : vector<16xi32>
      %ge3A_458 = arith.constant 0 : i32
      %ge3A_459 = vector.broadcast %ge3A_458 : i32 to vector<16xi32>
      %ge3A_460 = arith.cmpi sge, %sub3A_457, %ge3A_459 : vector<16xi32>
      %lt3A_461 = arith.constant 50000 : i32
      %lt3A_462 = vector.broadcast %lt3A_461 : i32 to vector<16xi32>
      %lt3A_463 = arith.cmpi slt, %sub3A_457, %lt3A_462 : vector<16xi32>
      %and3A_464 = arith.andi %ge3A_460, %lt3A_463 : vector<16xi1>
      %jit3A_465 = arith.constant 50000 : i32
      %broadcast_in_dim3A_466 = vector.broadcast %jit3A_465 : i32 to vector<16xi32>
      %select_n3A_467 = arith.select %and3A_464, %sub3A_457, %broadcast_in_dim3A_466 : vector<16xi1>, vector<16xi32>
      %swap3A_468 = arith.constant 3 : i32
      %swap3A_469 = arith.index_cast %swap3A_468 : i32 to index
      %swap3A_470 = arith.constant 16 : index
      %swap3A_471 = tpu.vector_load %arg7[%swap3A_469, %swap3A_470] {strides = array<i32>} : memref<10x80xi32, #tpu.memory_space<vmem>>, vector<1x16xi32>,
      %swap3A_472 = vector.shape_cast %swap3A_471 : vector<1x16xi32> to vector<16xi32>
      %swap3A_473 = vector.shape_cast %select_n3A_467 : vector<16xi32> to vector<1x16xi32>
      tpu.vector_store %arg7[%swap3A_469, %swap3A_470], %swap3A_473 {strides = array<i32>} : memref<10x80xi32, #tpu.memory_space<vmem>>, vector<1x16xi32>,
      %get3A_474 = arith.constant 272 : index
      %get3A_475 = tpu.vector_load %arg6[%get3A_474] {strides = array<i32>} : memref<800xi32, #tpu.memory_space<vmem>>, vector<16xi32>,
      %get3A_476 = vector.shape_cast %get3A_475 : vector<16xi32> to vector<16xi32>
      %sub3A_477 = vector.broadcast %mul3A_0 : i32 to vector<16xi32>
      %sub3A_478 = arith.subi %get3A_476, %sub3A_477 : vector<16xi32>
      %ge3A_479 = arith.constant 0 : i32
      %ge3A_480 = vector.broadcast %ge3A_479 : i32 to vector<16xi32>
      %ge3A_481 = arith.cmpi sge, %sub3A_478, %ge3A_480 : vector<16xi32>
      %lt3A_482 = arith.constant 50000 : i32
      %lt3A_483 = vector.broadcast %lt3A_482 : i32 to vector<16xi32>
      %lt3A_484 = arith.cmpi slt, %sub3A_478, %lt3A_483 : vector<16xi32>
      %and3A_485 = arith.andi %ge3A_481, %lt3A_484 : vector<16xi1>
      %jit3A_486 = arith.constant 50000 : i32
      %broadcast_in_dim3A_487 = vector.broadcast %jit3A_486 : i32 to vector<16xi32>
      %select_n3A_488 = arith.select %and3A_485, %sub3A_478, %broadcast_in_dim3A_487 : vector<16xi1>, vector<16xi32>
      %swap3A_489 = arith.constant 3 : i32
      %swap3A_490 = arith.index_cast %swap3A_489 : i32 to index
      %swap3A_491 = arith.constant 32 : index
      %swap3A_492 = tpu.vector_load %arg7[%swap3A_490, %swap3A_491] {strides = array<i32>} : memref<10x80xi32, #tpu.memory_space<vmem>>, vector<1x16xi32>,
      %swap3A_493 = vector.shape_cast %swap3A_492 : vector<1x16xi32> to vector<16xi32>
      %swap3A_494 = vector.shape_cast %select_n3A_488 : vector<16xi32> to vector<1x16xi32>
      tpu.vector_store %arg7[%swap3A_490, %swap3A_491], %swap3A_494 {strides = array<i32>} : memref<10x80xi32, #tpu.memory_space<vmem>>, vector<1x16xi32>,
      %get3A_495 = arith.constant 288 : index
      %get3A_496 = tpu.vector_load %arg6[%get3A_495] {strides = array<i32>} : memref<800xi32, #tpu.memory_space<vmem>>, vector<16xi32>,
      %get3A_497 = vector.shape_cast %get3A_496 : vector<16xi32> to vector<16xi32>
      %sub3A_498 = vector.broadcast %mul3A_0 : i32 to vector<16xi32>
      %sub3A_499 = arith.subi %get3A_497, %sub3A_498 : vector<16xi32>
      %ge3A_500 = arith.constant 0 : i32
      %ge3A_501 = vector.broadcast %ge3A_500 : i32 to vector<16xi32>
      %ge3A_502 = arith.cmpi sge, %sub3A_499, %ge3A_501 : vector<16xi32>
      %lt3A_503 = arith.constant 50000 : i32
      %lt3A_504 = vector.broadcast %lt3A_503 : i32 to vector<16xi32>
      %lt3A_505 = arith.cmpi slt, %sub3A_499, %lt3A_504 : vector<16xi32>
      %and3A_506 = arith.andi %ge3A_502, %lt3A_505 : vector<16xi1>
      %jit3A_507 = arith.constant 50000 : i32
      %broadcast_in_dim3A_508 = vector.broadcast %jit3A_507 : i32 to vector<16xi32>
      %select_n3A_509 = arith.select %and3A_506, %sub3A_499, %broadcast_in_dim3A_508 : vector<16xi1>, vector<16xi32>
      %swap3A_510 = arith.constant 3 : i32
      %swap3A_511 = arith.index_cast %swap3A_510 : i32 to index
      %swap3A_512 = arith.constant 48 : index
      %swap3A_513 = tpu.vector_load %arg7[%swap3A_511, %swap3A_512] {strides = array<i32>} : memref<10x80xi32, #tpu.memory_space<vmem>>, vector<1x16xi32>,
      %swap3A_514 = vector.shape_cast %swap3A_513 : vector<1x16xi32> to vector<16xi32>
      %swap3A_515 = vector.shape_cast %select_n3A_509 : vector<16xi32> to vector<1x16xi32>
      tpu.vector_store %arg7[%swap3A_511, %swap3A_512], %swap3A_515 {strides = array<i32>} : memref<10x80xi32, #tpu.memory_space<vmem>>, vector<1x16xi32>,
      %get3A_516 = arith.constant 304 : index
      %get3A_517 = tpu.vector_load %arg6[%get3A_516] {strides = array<i32>} : memref<800xi32, #tpu.memory_space<vmem>>, vector<16xi32>,
      %get3A_518 = vector.shape_cast %get3A_517 : vector<16xi32> to vector<16xi32>
      %sub3A_519 = vector.broadcast %mul3A_0 : i32 to vector<16xi32>
      %sub3A_520 = arith.subi %get3A_518, %sub3A_519 : vector<16xi32>
      %ge3A_521 = arith.constant 0 : i32
      %ge3A_522 = vector.broadcast %ge3A_521 : i32 to vector<16xi32>
      %ge3A_523 = arith.cmpi sge, %sub3A_520, %ge3A_522 : vector<16xi32>
      %lt3A_524 = arith.constant 50000 : i32
      %lt3A_525 = vector.broadcast %lt3A_524 : i32 to vector<16xi32>
      %lt3A_526 = arith.cmpi slt, %sub3A_520, %lt3A_525 : vector<16xi32>
      %and3A_527 = arith.andi %ge3A_523, %lt3A_526 : vector<16xi1>
      %jit3A_528 = arith.constant 50000 : i32
      %broadcast_in_dim3A_529 = vector.broadcast %jit3A_528 : i32 to vector<16xi32>
      %select_n3A_530 = arith.select %and3A_527, %sub3A_520, %broadcast_in_dim3A_529 : vector<16xi1>, vector<16xi32>
      %swap3A_531 = arith.constant 3 : i32
      %swap3A_532 = arith.index_cast %swap3A_531 : i32 to index
      %swap3A_533 = arith.constant 64 : index
      %swap3A_534 = tpu.vector_load %arg7[%swap3A_532, %swap3A_533] {strides = array<i32>} : memref<10x80xi32, #tpu.memory_space<vmem>>, vector<1x16xi32>,
      %swap3A_535 = vector.shape_cast %swap3A_534 : vector<1x16xi32> to vector<16xi32>
      %swap3A_536 = vector.shape_cast %select_n3A_530 : vector<16xi32> to vector<1x16xi32>
      tpu.vector_store %arg7[%swap3A_532, %swap3A_533], %swap3A_536 {strides = array<i32>} : memref<10x80xi32, #tpu.memory_space<vmem>>, vector<1x16xi32>,
      %get3A_537 = arith.constant 320 : index
      %get3A_538 = tpu.vector_load %arg6[%get3A_537] {strides = array<i32>} : memref<800xi32, #tpu.memory_space<vmem>>, vector<16xi32>,
      %get3A_539 = vector.shape_cast %get3A_538 : vector<16xi32> to vector<16xi32>
      %sub3A_540 = vector.broadcast %mul3A_0 : i32 to vector<16xi32>
      %sub3A_541 = arith.subi %get3A_539, %sub3A_540 : vector<16xi32>
      %ge3A_542 = arith.constant 0 : i32
      %ge3A_543 = vector.broadcast %ge3A_542 : i32 to vector<16xi32>
      %ge3A_544 = arith.cmpi sge, %sub3A_541, %ge3A_543 : vector<16xi32>
      %lt3A_545 = arith.constant 50000 : i32
      %lt3A_546 = vector.broadcast %lt3A_545 : i32 to vector<16xi32>
      %lt3A_547 = arith.cmpi slt, %sub3A_541, %lt3A_546 : vector<16xi32>
      %and3A_548 = arith.andi %ge3A_544, %lt3A_547 : vector<16xi1>
      %jit3A_549 = arith.constant 50000 : i32
      %broadcast_in_dim3A_550 = vector.broadcast %jit3A_549 : i32 to vector<16xi32>
      %select_n3A_551 = arith.select %and3A_548, %sub3A_541, %broadcast_in_dim3A_550 : vector<16xi1>, vector<16xi32>
      %swap3A_552 = arith.constant 4 : i32
      %swap3A_553 = arith.index_cast %swap3A_552 : i32 to index
      %swap3A_554 = arith.constant 0 : index
      %swap3A_555 = tpu.vector_load %arg7[%swap3A_553, %swap3A_554] {strides = array<i32>} : memref<10x80xi32, #tpu.memory_space<vmem>>, vector<1x16xi32>,
      %swap3A_556 = vector.shape_cast %swap3A_555 : vector<1x16xi32> to vector<16xi32>
      %swap3A_557 = vector.shape_cast %select_n3A_551 : vector<16xi32> to vector<1x16xi32>
      tpu.vector_store %arg7[%swap3A_553, %swap3A_554], %swap3A_557 {strides = array<i32>} : memref<10x80xi32, #tpu.memory_space<vmem>>, vector<1x16xi32>,
      %get3A_558 = arith.constant 336 : index
      %get3A_559 = tpu.vector_load %arg6[%get3A_558] {strides = array<i32>} : memref<800xi32, #tpu.memory_space<vmem>>, vector<16xi32>,
      %get3A_560 = vector.shape_cast %get3A_559 : vector<16xi32> to vector<16xi32>
      %sub3A_561 = vector.broadcast %mul3A_0 : i32 to vector<16xi32>
      %sub3A_562 = arith.subi %get3A_560, %sub3A_561 : vector<16xi32>
      %ge3A_563 = arith.constant 0 : i32
      %ge3A_564 = vector.broadcast %ge3A_563 : i32 to vector<16xi32>
      %ge3A_565 = arith.cmpi sge, %sub3A_562, %ge3A_564 : vector<16xi32>
      %lt3A_566 = arith.constant 50000 : i32
      %lt3A_567 = vector.broadcast %lt3A_566 : i32 to vector<16xi32>
      %lt3A_568 = arith.cmpi slt, %sub3A_562, %lt3A_567 : vector<16xi32>
      %and3A_569 = arith.andi %ge3A_565, %lt3A_568 : vector<16xi1>
      %jit3A_570 = arith.constant 50000 : i32
      %broadcast_in_dim3A_571 = vector.broadcast %jit3A_570 : i32 to vector<16xi32>
      %select_n3A_572 = arith.select %and3A_569, %sub3A_562, %broadcast_in_dim3A_571 : vector<16xi1>, vector<16xi32>
      %swap3A_573 = arith.constant 4 : i32
      %swap3A_574 = arith.index_cast %swap3A_573 : i32 to index
      %swap3A_575 = arith.constant 16 : index
      %swap3A_576 = tpu.vector_load %arg7[%swap3A_574, %swap3A_575] {strides = array<i32>} : memref<10x80xi32, #tpu.memory_space<vmem>>, vector<1x16xi32>,
      %swap3A_577 = vector.shape_cast %swap3A_576 : vector<1x16xi32> to vector<16xi32>
      %swap3A_578 = vector.shape_cast %select_n3A_572 : vector<16xi32> to vector<1x16xi32>
      tpu.vector_store %arg7[%swap3A_574, %swap3A_575], %swap3A_578 {strides = array<i32>} : memref<10x80xi32, #tpu.memory_space<vmem>>, vector<1x16xi32>,
      %get3A_579 = arith.constant 352 : index
      %get3A_580 = tpu.vector_load %arg6[%get3A_579] {strides = array<i32>} : memref<800xi32, #tpu.memory_space<vmem>>, vector<16xi32>,
      %get3A_581 = vector.shape_cast %get3A_580 : vector<16xi32> to vector<16xi32>
      %sub3A_582 = vector.broadcast %mul3A_0 : i32 to vector<16xi32>
      %sub3A_583 = arith.subi %get3A_581, %sub3A_582 : vector<16xi32>
      %ge3A_584 = arith.constant 0 : i32
      %ge3A_585 = vector.broadcast %ge3A_584 : i32 to vector<16xi32>
      %ge3A_586 = arith.cmpi sge, %sub3A_583, %ge3A_585 : vector<16xi32>
      %lt3A_587 = arith.constant 50000 : i32
      %lt3A_588 = vector.broadcast %lt3A_587 : i32 to vector<16xi32>
      %lt3A_589 = arith.cmpi slt, %sub3A_583, %lt3A_588 : vector<16xi32>
      %and3A_590 = arith.andi %ge3A_586, %lt3A_589 : vector<16xi1>
      %jit3A_591 = arith.constant 50000 : i32
      %broadcast_in_dim3A_592 = vector.broadcast %jit3A_591 : i32 to vector<16xi32>
      %select_n3A_593 = arith.select %and3A_590, %sub3A_583, %broadcast_in_dim3A_592 : vector<16xi1>, vector<16xi32>
      %swap3A_594 = arith.constant 4 : i32
      %swap3A_595 = arith.index_cast %swap3A_594 : i32 to index
      %swap3A_596 = arith.constant 32 : index
      %swap3A_597 = tpu.vector_load %arg7[%swap3A_595, %swap3A_596] {strides = array<i32>} : memref<10x80xi32, #tpu.memory_space<vmem>>, vector<1x16xi32>,
      %swap3A_598 = vector.shape_cast %swap3A_597 : vector<1x16xi32> to vector<16xi32>
      %swap3A_599 = vector.shape_cast %select_n3A_593 : vector<16xi32> to vector<1x16xi32>
      tpu.vector_store %arg7[%swap3A_595, %swap3A_596], %swap3A_599 {strides = array<i32>} : memref<10x80xi32, #tpu.memory_space<vmem>>, vector<1x16xi32>,
      %get3A_600 = arith.constant 368 : index
      %get3A_601 = tpu.vector_load %arg6[%get3A_600] {strides = array<i32>} : memref<800xi32, #tpu.memory_space<vmem>>, vector<16xi32>,
      %get3A_602 = vector.shape_cast %get3A_601 : vector<16xi32> to vector<16xi32>
      %sub3A_603 = vector.broadcast %mul3A_0 : i32 to vector<16xi32>
      %sub3A_604 = arith.subi %get3A_602, %sub3A_603 : vector<16xi32>
      %ge3A_605 = arith.constant 0 : i32
      %ge3A_606 = vector.broadcast %ge3A_605 : i32 to vector<16xi32>
      %ge3A_607 = arith.cmpi sge, %sub3A_604, %ge3A_606 : vector<16xi32>
      %lt3A_608 = arith.constant 50000 : i32
      %lt3A_609 = vector.broadcast %lt3A_608 : i32 to vector<16xi32>
      %lt3A_610 = arith.cmpi slt, %sub3A_604, %lt3A_609 : vector<16xi32>
      %and3A_611 = arith.andi %ge3A_607, %lt3A_610 : vector<16xi1>
      %jit3A_612 = arith.constant 50000 : i32
      %broadcast_in_dim3A_613 = vector.broadcast %jit3A_612 : i32 to vector<16xi32>
      %select_n3A_614 = arith.select %and3A_611, %sub3A_604, %broadcast_in_dim3A_613 : vector<16xi1>, vector<16xi32>
      %swap3A_615 = arith.constant 4 : i32
      %swap3A_616 = arith.index_cast %swap3A_615 : i32 to index
      %swap3A_617 = arith.constant 48 : index
      %swap3A_618 = tpu.vector_load %arg7[%swap3A_616, %swap3A_617] {strides = array<i32>} : memref<10x80xi32, #tpu.memory_space<vmem>>, vector<1x16xi32>,
      %swap3A_619 = vector.shape_cast %swap3A_618 : vector<1x16xi32> to vector<16xi32>
      %swap3A_620 = vector.shape_cast %select_n3A_614 : vector<16xi32> to vector<1x16xi32>
      tpu.vector_store %arg7[%swap3A_616, %swap3A_617], %swap3A_620 {strides = array<i32>} : memref<10x80xi32, #tpu.memory_space<vmem>>, vector<1x16xi32>,
      %get3A_621 = arith.constant 384 : index
      %get3A_622 = tpu.vector_load %arg6[%get3A_621] {strides = array<i32>} : memref<800xi32, #tpu.memory_space<vmem>>, vector<16xi32>,
      %get3A_623 = vector.shape_cast %get3A_622 : vector<16xi32> to vector<16xi32>
      %sub3A_624 = vector.broadcast %mul3A_0 : i32 to vector<16xi32>
      %sub3A_625 = arith.subi %get3A_623, %sub3A_624 : vector<16xi32>
      %ge3A_626 = arith.constant 0 : i32
      %ge3A_627 = vector.broadcast %ge3A_626 : i32 to vector<16xi32>
      %ge3A_628 = arith.cmpi sge, %sub3A_625, %ge3A_627 : vector<16xi32>
      %lt3A_629 = arith.constant 50000 : i32
      %lt3A_630 = vector.broadcast %lt3A_629 : i32 to vector<16xi32>
      %lt3A_631 = arith.cmpi slt, %sub3A_625, %lt3A_630 : vector<16xi32>
      %and3A_632 = arith.andi %ge3A_628, %lt3A_631 : vector<16xi1>
      %jit3A_633 = arith.constant 50000 : i32
      %broadcast_in_dim3A_634 = vector.broadcast %jit3A_633 : i32 to vector<16xi32>
      %select_n3A_635 = arith.select %and3A_632, %sub3A_625, %broadcast_in_dim3A_634 : vector<16xi1>, vector<16xi32>
      %swap3A_636 = arith.constant 4 : i32
      %swap3A_637 = arith.index_cast %swap3A_636 : i32 to index
      %swap3A_638 = arith.constant 64 : index
      %swap3A_639 = tpu.vector_load %arg7[%swap3A_637, %swap3A_638] {strides = array<i32>} : memref<10x80xi32, #tpu.memory_space<vmem>>, vector<1x16xi32>,
      %swap3A_640 = vector.shape_cast %swap3A_639 : vector<1x16xi32> to vector<16xi32>
      %swap3A_641 = vector.shape_cast %select_n3A_635 : vector<16xi32> to vector<1x16xi32>
      tpu.vector_store %arg7[%swap3A_637, %swap3A_638], %swap3A_641 {strides = array<i32>} : memref<10x80xi32, #tpu.memory_space<vmem>>, vector<1x16xi32>,
      %get3A_642 = arith.constant 400 : index
      %get3A_643 = tpu.vector_load %arg6[%get3A_642] {strides = array<i32>} : memref<800xi32, #tpu.memory_space<vmem>>, vector<16xi32>,
      %get3A_644 = vector.shape_cast %get3A_643 : vector<16xi32> to vector<16xi32>
      %sub3A_645 = vector.broadcast %mul3A_0 : i32 to vector<16xi32>
      %sub3A_646 = arith.subi %get3A_644, %sub3A_645 : vector<16xi32>
      %ge3A_647 = arith.constant 0 : i32
      %ge3A_648 = vector.broadcast %ge3A_647 : i32 to vector<16xi32>
      %ge3A_649 = arith.cmpi sge, %sub3A_646, %ge3A_648 : vector<16xi32>
      %lt3A_650 = arith.constant 50000 : i32
      %lt3A_651 = vector.broadcast %lt3A_650 : i32 to vector<16xi32>
      %lt3A_652 = arith.cmpi slt, %sub3A_646, %lt3A_651 : vector<16xi32>
      %and3A_653 = arith.andi %ge3A_649, %lt3A_652 : vector<16xi1>
      %jit3A_654 = arith.constant 50000 : i32
      %broadcast_in_dim3A_655 = vector.broadcast %jit3A_654 : i32 to vector<16xi32>
      %select_n3A_656 = arith.select %and3A_653, %sub3A_646, %broadcast_in_dim3A_655 : vector<16xi1>, vector<16xi32>
      %swap3A_657 = arith.constant 5 : i32
      %swap3A_658 = arith.index_cast %swap3A_657 : i32 to index
      %swap3A_659 = arith.constant 0 : index
      %swap3A_660 = tpu.vector_load %arg7[%swap3A_658, %swap3A_659] {strides = array<i32>} : memref<10x80xi32, #tpu.memory_space<vmem>>, vector<1x16xi32>,
      %swap3A_661 = vector.shape_cast %swap3A_660 : vector<1x16xi32> to vector<16xi32>
      %swap3A_662 = vector.shape_cast %select_n3A_656 : vector<16xi32> to vector<1x16xi32>
      tpu.vector_store %arg7[%swap3A_658, %swap3A_659], %swap3A_662 {strides = array<i32>} : memref<10x80xi32, #tpu.memory_space<vmem>>, vector<1x16xi32>,
      %get3A_663 = arith.constant 416 : index
      %get3A_664 = tpu.vector_load %arg6[%get3A_663] {strides = array<i32>} : memref<800xi32, #tpu.memory_space<vmem>>, vector<16xi32>,
      %get3A_665 = vector.shape_cast %get3A_664 : vector<16xi32> to vector<16xi32>
      %sub3A_666 = vector.broadcast %mul3A_0 : i32 to vector<16xi32>
      %sub3A_667 = arith.subi %get3A_665, %sub3A_666 : vector<16xi32>
      %ge3A_668 = arith.constant 0 : i32
      %ge3A_669 = vector.broadcast %ge3A_668 : i32 to vector<16xi32>
      %ge3A_670 = arith.cmpi sge, %sub3A_667, %ge3A_669 : vector<16xi32>
      %lt3A_671 = arith.constant 50000 : i32
      %lt3A_672 = vector.broadcast %lt3A_671 : i32 to vector<16xi32>
      %lt3A_673 = arith.cmpi slt, %sub3A_667, %lt3A_672 : vector<16xi32>
      %and3A_674 = arith.andi %ge3A_670, %lt3A_673 : vector<16xi1>
      %jit3A_675 = arith.constant 50000 : i32
      %broadcast_in_dim3A_676 = vector.broadcast %jit3A_675 : i32 to vector<16xi32>
      %select_n3A_677 = arith.select %and3A_674, %sub3A_667, %broadcast_in_dim3A_676 : vector<16xi1>, vector<16xi32>
      %swap3A_678 = arith.constant 5 : i32
      %swap3A_679 = arith.index_cast %swap3A_678 : i32 to index
      %swap3A_680 = arith.constant 16 : index
      %swap3A_681 = tpu.vector_load %arg7[%swap3A_679, %swap3A_680] {strides = array<i32>} : memref<10x80xi32, #tpu.memory_space<vmem>>, vector<1x16xi32>,
      %swap3A_682 = vector.shape_cast %swap3A_681 : vector<1x16xi32> to vector<16xi32>
      %swap3A_683 = vector.shape_cast %select_n3A_677 : vector<16xi32> to vector<1x16xi32>
      tpu.vector_store %arg7[%swap3A_679, %swap3A_680], %swap3A_683 {strides = array<i32>} : memref<10x80xi32, #tpu.memory_space<vmem>>, vector<1x16xi32>,
      %get3A_684 = arith.constant 432 : index
      %get3A_685 = tpu.vector_load %arg6[%get3A_684] {strides = array<i32>} : memref<800xi32, #tpu.memory_space<vmem>>, vector<16xi32>,
      %get3A_686 = vector.shape_cast %get3A_685 : vector<16xi32> to vector<16xi32>
      %sub3A_687 = vector.broadcast %mul3A_0 : i32 to vector<16xi32>
      %sub3A_688 = arith.subi %get3A_686, %sub3A_687 : vector<16xi32>
      %ge3A_689 = arith.constant 0 : i32
      %ge3A_690 = vector.broadcast %ge3A_689 : i32 to vector<16xi32>
      %ge3A_691 = arith.cmpi sge, %sub3A_688, %ge3A_690 : vector<16xi32>
      %lt3A_692 = arith.constant 50000 : i32
      %lt3A_693 = vector.broadcast %lt3A_692 : i32 to vector<16xi32>
      %lt3A_694 = arith.cmpi slt, %sub3A_688, %lt3A_693 : vector<16xi32>
      %and3A_695 = arith.andi %ge3A_691, %lt3A_694 : vector<16xi1>
      %jit3A_696 = arith.constant 50000 : i32
      %broadcast_in_dim3A_697 = vector.broadcast %jit3A_696 : i32 to vector<16xi32>
      %select_n3A_698 = arith.select %and3A_695, %sub3A_688, %broadcast_in_dim3A_697 : vector<16xi1>, vector<16xi32>
      %swap3A_699 = arith.constant 5 : i32
      %swap3A_700 = arith.index_cast %swap3A_699 : i32 to index
      %swap3A_701 = arith.constant 32 : index
      %swap3A_702 = tpu.vector_load %arg7[%swap3A_700, %swap3A_701] {strides = array<i32>} : memref<10x80xi32, #tpu.memory_space<vmem>>, vector<1x16xi32>,
      %swap3A_703 = vector.shape_cast %swap3A_702 : vector<1x16xi32> to vector<16xi32>
      %swap3A_704 = vector.shape_cast %select_n3A_698 : vector<16xi32> to vector<1x16xi32>
      tpu.vector_store %arg7[%swap3A_700, %swap3A_701], %swap3A_704 {strides = array<i32>} : memref<10x80xi32, #tpu.memory_space<vmem>>, vector<1x16xi32>,
      %get3A_705 = arith.constant 448 : index
      %get3A_706 = tpu.vector_load %arg6[%get3A_705] {strides = array<i32>} : memref<800xi32, #tpu.memory_space<vmem>>, vector<16xi32>,
      %get3A_707 = vector.shape_cast %get3A_706 : vector<16xi32> to vector<16xi32>
      %sub3A_708 = vector.broadcast %mul3A_0 : i32 to vector<16xi32>
      %sub3A_709 = arith.subi %get3A_707, %sub3A_708 : vector<16xi32>
      %ge3A_710 = arith.constant 0 : i32
      %ge3A_711 = vector.broadcast %ge3A_710 : i32 to vector<16xi32>
      %ge3A_712 = arith.cmpi sge, %sub3A_709, %ge3A_711 : vector<16xi32>
      %lt3A_713 = arith.constant 50000 : i32
      %lt3A_714 = vector.broadcast %lt3A_713 : i32 to vector<16xi32>
      %lt3A_715 = arith.cmpi slt, %sub3A_709, %lt3A_714 : vector<16xi32>
      %and3A_716 = arith.andi %ge3A_712, %lt3A_715 : vector<16xi1>
      %jit3A_717 = arith.constant 50000 : i32
      %broadcast_in_dim3A_718 = vector.broadcast %jit3A_717 : i32 to vector<16xi32>
      %select_n3A_719 = arith.select %and3A_716, %sub3A_709, %broadcast_in_dim3A_718 : vector<16xi1>, vector<16xi32>
      %swap3A_720 = arith.constant 5 : i32
      %swap3A_721 = arith.index_cast %swap3A_720 : i32 to index
      %swap3A_722 = arith.constant 48 : index
      %swap3A_723 = tpu.vector_load %arg7[%swap3A_721, %swap3A_722] {strides = array<i32>} : memref<10x80xi32, #tpu.memory_space<vmem>>, vector<1x16xi32>,
      %swap3A_724 = vector.shape_cast %swap3A_723 : vector<1x16xi32> to vector<16xi32>
      %swap3A_725 = vector.shape_cast %select_n3A_719 : vector<16xi32> to vector<1x16xi32>
      tpu.vector_store %arg7[%swap3A_721, %swap3A_722], %swap3A_725 {strides = array<i32>} : memref<10x80xi32, #tpu.memory_space<vmem>>, vector<1x16xi32>,
      %get3A_726 = arith.constant 464 : index
      %get3A_727 = tpu.vector_load %arg6[%get3A_726] {strides = array<i32>} : memref<800xi32, #tpu.memory_space<vmem>>, vector<16xi32>,
      %get3A_728 = vector.shape_cast %get3A_727 : vector<16xi32> to vector<16xi32>
      %sub3A_729 = vector.broadcast %mul3A_0 : i32 to vector<16xi32>
      %sub3A_730 = arith.subi %get3A_728, %sub3A_729 : vector<16xi32>
      %ge3A_731 = arith.constant 0 : i32
      %ge3A_732 = vector.broadcast %ge3A_731 : i32 to vector<16xi32>
      %ge3A_733 = arith.cmpi sge, %sub3A_730, %ge3A_732 : vector<16xi32>
      %lt3A_734 = arith.constant 50000 : i32
      %lt3A_735 = vector.broadcast %lt3A_734 : i32 to vector<16xi32>
      %lt3A_736 = arith.cmpi slt, %sub3A_730, %lt3A_735 : vector<16xi32>
      %and3A_737 = arith.andi %ge3A_733, %lt3A_736 : vector<16xi1>
      %jit3A_738 = arith.constant 50000 : i32
      %broadcast_in_dim3A_739 = vector.broadcast %jit3A_738 : i32 to vector<16xi32>
      %select_n3A_740 = arith.select %and3A_737, %sub3A_730, %broadcast_in_dim3A_739 : vector<16xi1>, vector<16xi32>
      %swap3A_741 = arith.constant 5 : i32
      %swap3A_742 = arith.index_cast %swap3A_741 : i32 to index
      %swap3A_743 = arith.constant 64 : index
      %swap3A_744 = tpu.vector_load %arg7[%swap3A_742, %swap3A_743] {strides = array<i32>} : memref<10x80xi32, #tpu.memory_space<vmem>>, vector<1x16xi32>,
      %swap3A_745 = vector.shape_cast %swap3A_744 : vector<1x16xi32> to vector<16xi32>
      %swap3A_746 = vector.shape_cast %select_n3A_740 : vector<16xi32> to vector<1x16xi32>
      tpu.vector_store %arg7[%swap3A_742, %swap3A_743], %swap3A_746 {strides = array<i32>} : memref<10x80xi32, #tpu.memory_space<vmem>>, vector<1x16xi32>,
      %get3A_747 = arith.constant 480 : index
      %get3A_748 = tpu.vector_load %arg6[%get3A_747] {strides = array<i32>} : memref<800xi32, #tpu.memory_space<vmem>>, vector<16xi32>,
      %get3A_749 = vector.shape_cast %get3A_748 : vector<16xi32> to vector<16xi32>
      %sub3A_750 = vector.broadcast %mul3A_0 : i32 to vector<16xi32>
      %sub3A_751 = arith.subi %get3A_749, %sub3A_750 : vector<16xi32>
      %ge3A_752 = arith.constant 0 : i32
      %ge3A_753 = vector.broadcast %ge3A_752 : i32 to vector<16xi32>
      %ge3A_754 = arith.cmpi sge, %sub3A_751, %ge3A_753 : vector<16xi32>
      %lt3A_755 = arith.constant 50000 : i32
      %lt3A_756 = vector.broadcast %lt3A_755 : i32 to vector<16xi32>
      %lt3A_757 = arith.cmpi slt, %sub3A_751, %lt3A_756 : vector<16xi32>
      %and3A_758 = arith.andi %ge3A_754, %lt3A_757 : vector<16xi1>
      %jit3A_759 = arith.constant 50000 : i32
      %broadcast_in_dim3A_760 = vector.broadcast %jit3A_759 : i32 to vector<16xi32>
      %select_n3A_761 = arith.select %and3A_758, %sub3A_751, %broadcast_in_dim3A_760 : vector<16xi1>, vector<16xi32>
      %swap3A_762 = arith.constant 6 : i32
      %swap3A_763 = arith.index_cast %swap3A_762 : i32 to index
      %swap3A_764 = arith.constant 0 : index
      %swap3A_765 = tpu.vector_load %arg7[%swap3A_763, %swap3A_764] {strides = array<i32>} : memref<10x80xi32, #tpu.memory_space<vmem>>, vector<1x16xi32>,
      %swap3A_766 = vector.shape_cast %swap3A_765 : vector<1x16xi32> to vector<16xi32>
      %swap3A_767 = vector.shape_cast %select_n3A_761 : vector<16xi32> to vector<1x16xi32>
      tpu.vector_store %arg7[%swap3A_763, %swap3A_764], %swap3A_767 {strides = array<i32>} : memref<10x80xi32, #tpu.memory_space<vmem>>, vector<1x16xi32>,
      %get3A_768 = arith.constant 496 : index
      %get3A_769 = tpu.vector_load %arg6[%get3A_768] {strides = array<i32>} : memref<800xi32, #tpu.memory_space<vmem>>, vector<16xi32>,
      %get3A_770 = vector.shape_cast %get3A_769 : vector<16xi32> to vector<16xi32>
      %sub3A_771 = vector.broadcast %mul3A_0 : i32 to vector<16xi32>
      %sub3A_772 = arith.subi %get3A_770, %sub3A_771 : vector<16xi32>
      %ge3A_773 = arith.constant 0 : i32
      %ge3A_774 = vector.broadcast %ge3A_773 : i32 to vector<16xi32>
      %ge3A_775 = arith.cmpi sge, %sub3A_772, %ge3A_774 : vector<16xi32>
      %lt3A_776 = arith.constant 50000 : i32
      %lt3A_777 = vector.broadcast %lt3A_776 : i32 to vector<16xi32>
      %lt3A_778 = arith.cmpi slt, %sub3A_772, %lt3A_777 : vector<16xi32>
      %and3A_779 = arith.andi %ge3A_775, %lt3A_778 : vector<16xi1>
      %jit3A_780 = arith.constant 50000 : i32
      %broadcast_in_dim3A_781 = vector.broadcast %jit3A_780 : i32 to vector<16xi32>
      %select_n3A_782 = arith.select %and3A_779, %sub3A_772, %broadcast_in_dim3A_781 : vector<16xi1>, vector<16xi32>
      %swap3A_783 = arith.constant 6 : i32
      %swap3A_784 = arith.index_cast %swap3A_783 : i32 to index
      %swap3A_785 = arith.constant 16 : index
      %swap3A_786 = tpu.vector_load %arg7[%swap3A_784, %swap3A_785] {strides = array<i32>} : memref<10x80xi32, #tpu.memory_space<vmem>>, vector<1x16xi32>,
      %swap3A_787 = vector.shape_cast %swap3A_786 : vector<1x16xi32> to vector<16xi32>
      %swap3A_788 = vector.shape_cast %select_n3A_782 : vector<16xi32> to vector<1x16xi32>
      tpu.vector_store %arg7[%swap3A_784, %swap3A_785], %swap3A_788 {strides = array<i32>} : memref<10x80xi32, #tpu.memory_space<vmem>>, vector<1x16xi32>,
      %get3A_789 = arith.constant 512 : index
      %get3A_790 = tpu.vector_load %arg6[%get3A_789] {strides = array<i32>} : memref<800xi32, #tpu.memory_space<vmem>>, vector<16xi32>,
      %get3A_791 = vector.shape_cast %get3A_790 : vector<16xi32> to vector<16xi32>
      %sub3A_792 = vector.broadcast %mul3A_0 : i32 to vector<16xi32>
      %sub3A_793 = arith.subi %get3A_791, %sub3A_792 : vector<16xi32>
      %ge3A_794 = arith.constant 0 : i32
      %ge3A_795 = vector.broadcast %ge3A_794 : i32 to vector<16xi32>
      %ge3A_796 = arith.cmpi sge, %sub3A_793, %ge3A_795 : vector<16xi32>
      %lt3A_797 = arith.constant 50000 : i32
      %lt3A_798 = vector.broadcast %lt3A_797 : i32 to vector<16xi32>
      %lt3A_799 = arith.cmpi slt, %sub3A_793, %lt3A_798 : vector<16xi32>
      %and3A_800 = arith.andi %ge3A_796, %lt3A_799 : vector<16xi1>
      %jit3A_801 = arith.constant 50000 : i32
      %broadcast_in_dim3A_802 = vector.broadcast %jit3A_801 : i32 to vector<16xi32>
      %select_n3A_803 = arith.select %and3A_800, %sub3A_793, %broadcast_in_dim3A_802 : vector<16xi1>, vector<16xi32>
      %swap3A_804 = arith.constant 6 : i32
      %swap3A_805 = arith.index_cast %swap3A_804 : i32 to index
      %swap3A_806 = arith.constant 32 : index
      %swap3A_807 = tpu.vector_load %arg7[%swap3A_805, %swap3A_806] {strides = array<i32>} : memref<10x80xi32, #tpu.memory_space<vmem>>, vector<1x16xi32>,
      %swap3A_808 = vector.shape_cast %swap3A_807 : vector<1x16xi32> to vector<16xi32>
      %swap3A_809 = vector.shape_cast %select_n3A_803 : vector<16xi32> to vector<1x16xi32>
      tpu.vector_store %arg7[%swap3A_805, %swap3A_806], %swap3A_809 {strides = array<i32>} : memref<10x80xi32, #tpu.memory_space<vmem>>, vector<1x16xi32>,
      %get3A_810 = arith.constant 528 : index
      %get3A_811 = tpu.vector_load %arg6[%get3A_810] {strides = array<i32>} : memref<800xi32, #tpu.memory_space<vmem>>, vector<16xi32>,
      %get3A_812 = vector.shape_cast %get3A_811 : vector<16xi32> to vector<16xi32>
      %sub3A_813 = vector.broadcast %mul3A_0 : i32 to vector<16xi32>
      %sub3A_814 = arith.subi %get3A_812, %sub3A_813 : vector<16xi32>
      %ge3A_815 = arith.constant 0 : i32
      %ge3A_816 = vector.broadcast %ge3A_815 : i32 to vector<16xi32>
      %ge3A_817 = arith.cmpi sge, %sub3A_814, %ge3A_816 : vector<16xi32>
      %lt3A_818 = arith.constant 50000 : i32
      %lt3A_819 = vector.broadcast %lt3A_818 : i32 to vector<16xi32>
      %lt3A_820 = arith.cmpi slt, %sub3A_814, %lt3A_819 : vector<16xi32>
      %and3A_821 = arith.andi %ge3A_817, %lt3A_820 : vector<16xi1>
      %jit3A_822 = arith.constant 50000 : i32
      %broadcast_in_dim3A_823 = vector.broadcast %jit3A_822 : i32 to vector<16xi32>
      %select_n3A_824 = arith.select %and3A_821, %sub3A_814, %broadcast_in_dim3A_823 : vector<16xi1>, vector<16xi32>
      %swap3A_825 = arith.constant 6 : i32
      %swap3A_826 = arith.index_cast %swap3A_825 : i32 to index
      %swap3A_827 = arith.constant 48 : index
      %swap3A_828 = tpu.vector_load %arg7[%swap3A_826, %swap3A_827] {strides = array<i32>} : memref<10x80xi32, #tpu.memory_space<vmem>>, vector<1x16xi32>,
      %swap3A_829 = vector.shape_cast %swap3A_828 : vector<1x16xi32> to vector<16xi32>
      %swap3A_830 = vector.shape_cast %select_n3A_824 : vector<16xi32> to vector<1x16xi32>
      tpu.vector_store %arg7[%swap3A_826, %swap3A_827], %swap3A_830 {strides = array<i32>} : memref<10x80xi32, #tpu.memory_space<vmem>>, vector<1x16xi32>,
      %get3A_831 = arith.constant 544 : index
      %get3A_832 = tpu.vector_load %arg6[%get3A_831] {strides = array<i32>} : memref<800xi32, #tpu.memory_space<vmem>>, vector<16xi32>,
      %get3A_833 = vector.shape_cast %get3A_832 : vector<16xi32> to vector<16xi32>
      %sub3A_834 = vector.broadcast %mul3A_0 : i32 to vector<16xi32>
      %sub3A_835 = arith.subi %get3A_833, %sub3A_834 : vector<16xi32>
      %ge3A_836 = arith.constant 0 : i32
      %ge3A_837 = vector.broadcast %ge3A_836 : i32 to vector<16xi32>
      %ge3A_838 = arith.cmpi sge, %sub3A_835, %ge3A_837 : vector<16xi32>
      %lt3A_839 = arith.constant 50000 : i32
      %lt3A_840 = vector.broadcast %lt3A_839 : i32 to vector<16xi32>
      %lt3A_841 = arith.cmpi slt, %sub3A_835, %lt3A_840 : vector<16xi32>
      %and3A_842 = arith.andi %ge3A_838, %lt3A_841 : vector<16xi1>
      %jit3A_843 = arith.constant 50000 : i32
      %broadcast_in_dim3A_844 = vector.broadcast %jit3A_843 : i32 to vector<16xi32>
      %select_n3A_845 = arith.select %and3A_842, %sub3A_835, %broadcast_in_dim3A_844 : vector<16xi1>, vector<16xi32>
      %swap3A_846 = arith.constant 6 : i32
      %swap3A_847 = arith.index_cast %swap3A_846 : i32 to index
      %swap3A_848 = arith.constant 64 : index
      %swap3A_849 = tpu.vector_load %arg7[%swap3A_847, %swap3A_848] {strides = array<i32>} : memref<10x80xi32, #tpu.memory_space<vmem>>, vector<1x16xi32>,
      %swap3A_850 = vector.shape_cast %swap3A_849 : vector<1x16xi32> to vector<16xi32>
      %swap3A_851 = vector.shape_cast %select_n3A_845 : vector<16xi32> to vector<1x16xi32>
      tpu.vector_store %arg7[%swap3A_847, %swap3A_848], %swap3A_851 {strides = array<i32>} : memref<10x80xi32, #tpu.memory_space<vmem>>, vector<1x16xi32>,
      %get3A_852 = arith.constant 560 : index
      %get3A_853 = tpu.vector_load %arg6[%get3A_852] {strides = array<i32>} : memref<800xi32, #tpu.memory_space<vmem>>, vector<16xi32>,
      %get3A_854 = vector.shape_cast %get3A_853 : vector<16xi32> to vector<16xi32>
      %sub3A_855 = vector.broadcast %mul3A_0 : i32 to vector<16xi32>
      %sub3A_856 = arith.subi %get3A_854, %sub3A_855 : vector<16xi32>
      %ge3A_857 = arith.constant 0 : i32
      %ge3A_858 = vector.broadcast %ge3A_857 : i32 to vector<16xi32>
      %ge3A_859 = arith.cmpi sge, %sub3A_856, %ge3A_858 : vector<16xi32>
      %lt3A_860 = arith.constant 50000 : i32
      %lt3A_861 = vector.broadcast %lt3A_860 : i32 to vector<16xi32>
      %lt3A_862 = arith.cmpi slt, %sub3A_856, %lt3A_861 : vector<16xi32>
      %and3A_863 = arith.andi %ge3A_859, %lt3A_862 : vector<16xi1>
      %jit3A_864 = arith.constant 50000 : i32
      %broadcast_in_dim3A_865 = vector.broadcast %jit3A_864 : i32 to vector<16xi32>
      %select_n3A_866 = arith.select %and3A_863, %sub3A_856, %broadcast_in_dim3A_865 : vector<16xi1>, vector<16xi32>
      %swap3A_867 = arith.constant 7 : i32
      %swap3A_868 = arith.index_cast %swap3A_867 : i32 to index
      %swap3A_869 = arith.constant 0 : index
      %swap3A_870 = tpu.vector_load %arg7[%swap3A_868, %swap3A_869] {strides = array<i32>} : memref<10x80xi32, #tpu.memory_space<vmem>>, vector<1x16xi32>,
      %swap3A_871 = vector.shape_cast %swap3A_870 : vector<1x16xi32> to vector<16xi32>
      %swap3A_872 = vector.shape_cast %select_n3A_866 : vector<16xi32> to vector<1x16xi32>
      tpu.vector_store %arg7[%swap3A_868, %swap3A_869], %swap3A_872 {strides = array<i32>} : memref<10x80xi32, #tpu.memory_space<vmem>>, vector<1x16xi32>,
      %get3A_873 = arith.constant 576 : index
      %get3A_874 = tpu.vector_load %arg6[%get3A_873] {strides = array<i32>} : memref<800xi32, #tpu.memory_space<vmem>>, vector<16xi32>,
      %get3A_875 = vector.shape_cast %get3A_874 : vector<16xi32> to vector<16xi32>
      %sub3A_876 = vector.broadcast %mul3A_0 : i32 to vector<16xi32>
      %sub3A_877 = arith.subi %get3A_875, %sub3A_876 : vector<16xi32>
      %ge3A_878 = arith.constant 0 : i32
      %ge3A_879 = vector.broadcast %ge3A_878 : i32 to vector<16xi32>
      %ge3A_880 = arith.cmpi sge, %sub3A_877, %ge3A_879 : vector<16xi32>
      %lt3A_881 = arith.constant 50000 : i32
      %lt3A_882 = vector.broadcast %lt3A_881 : i32 to vector<16xi32>
      %lt3A_883 = arith.cmpi slt, %sub3A_877, %lt3A_882 : vector<16xi32>
      %and3A_884 = arith.andi %ge3A_880, %lt3A_883 : vector<16xi1>
      %jit3A_885 = arith.constant 50000 : i32
      %broadcast_in_dim3A_886 = vector.broadcast %jit3A_885 : i32 to vector<16xi32>
      %select_n3A_887 = arith.select %and3A_884, %sub3A_877, %broadcast_in_dim3A_886 : vector<16xi1>, vector<16xi32>
      %swap3A_888 = arith.constant 7 : i32
      %swap3A_889 = arith.index_cast %swap3A_888 : i32 to index
      %swap3A_890 = arith.constant 16 : index
      %swap3A_891 = tpu.vector_load %arg7[%swap3A_889, %swap3A_890] {strides = array<i32>} : memref<10x80xi32, #tpu.memory_space<vmem>>, vector<1x16xi32>,
      %swap3A_892 = vector.shape_cast %swap3A_891 : vector<1x16xi32> to vector<16xi32>
      %swap3A_893 = vector.shape_cast %select_n3A_887 : vector<16xi32> to vector<1x16xi32>
      tpu.vector_store %arg7[%swap3A_889, %swap3A_890], %swap3A_893 {strides = array<i32>} : memref<10x80xi32, #tpu.memory_space<vmem>>, vector<1x16xi32>,
      %get3A_894 = arith.constant 592 : index
      %get3A_895 = tpu.vector_load %arg6[%get3A_894] {strides = array<i32>} : memref<800xi32, #tpu.memory_space<vmem>>, vector<16xi32>,
      %get3A_896 = vector.shape_cast %get3A_895 : vector<16xi32> to vector<16xi32>
      %sub3A_897 = vector.broadcast %mul3A_0 : i32 to vector<16xi32>
      %sub3A_898 = arith.subi %get3A_896, %sub3A_897 : vector<16xi32>
      %ge3A_899 = arith.constant 0 : i32
      %ge3A_900 = vector.broadcast %ge3A_899 : i32 to vector<16xi32>
      %ge3A_901 = arith.cmpi sge, %sub3A_898, %ge3A_900 : vector<16xi32>
      %lt3A_902 = arith.constant 50000 : i32
      %lt3A_903 = vector.broadcast %lt3A_902 : i32 to vector<16xi32>
      %lt3A_904 = arith.cmpi slt, %sub3A_898, %lt3A_903 : vector<16xi32>
      %and3A_905 = arith.andi %ge3A_901, %lt3A_904 : vector<16xi1>
      %jit3A_906 = arith.constant 50000 : i32
      %broadcast_in_dim3A_907 = vector.broadcast %jit3A_906 : i32 to vector<16xi32>
      %select_n3A_908 = arith.select %and3A_905, %sub3A_898, %broadcast_in_dim3A_907 : vector<16xi1>, vector<16xi32>
      %swap3A_909 = arith.constant 7 : i32
      %swap3A_910 = arith.index_cast %swap3A_909 : i32 to index
      %swap3A_911 = arith.constant 32 : index
      %swap3A_912 = tpu.vector_load %arg7[%swap3A_910, %swap3A_911] {strides = array<i32>} : memref<10x80xi32, #tpu.memory_space<vmem>>, vector<1x16xi32>,
      %swap3A_913 = vector.shape_cast %swap3A_912 : vector<1x16xi32> to vector<16xi32>
      %swap3A_914 = vector.shape_cast %select_n3A_908 : vector<16xi32> to vector<1x16xi32>
      tpu.vector_store %arg7[%swap3A_910, %swap3A_911], %swap3A_914 {strides = array<i32>} : memref<10x80xi32, #tpu.memory_space<vmem>>, vector<1x16xi32>,
      %get3A_915 = arith.constant 608 : index
      %get3A_916 = tpu.vector_load %arg6[%get3A_915] {strides = array<i32>} : memref<800xi32, #tpu.memory_space<vmem>>, vector<16xi32>,
      %get3A_917 = vector.shape_cast %get3A_916 : vector<16xi32> to vector<16xi32>
      %sub3A_918 = vector.broadcast %mul3A_0 : i32 to vector<16xi32>
      %sub3A_919 = arith.subi %get3A_917, %sub3A_918 : vector<16xi32>
      %ge3A_920 = arith.constant 0 : i32
      %ge3A_921 = vector.broadcast %ge3A_920 : i32 to vector<16xi32>
      %ge3A_922 = arith.cmpi sge, %sub3A_919, %ge3A_921 : vector<16xi32>
      %lt3A_923 = arith.constant 50000 : i32
      %lt3A_924 = vector.broadcast %lt3A_923 : i32 to vector<16xi32>
      %lt3A_925 = arith.cmpi slt, %sub3A_919, %lt3A_924 : vector<16xi32>
      %and3A_926 = arith.andi %ge3A_922, %lt3A_925 : vector<16xi1>
      %jit3A_927 = arith.constant 50000 : i32
      %broadcast_in_dim3A_928 = vector.broadcast %jit3A_927 : i32 to vector<16xi32>
      %select_n3A_929 = arith.select %and3A_926, %sub3A_919, %broadcast_in_dim3A_928 : vector<16xi1>, vector<16xi32>
      %swap3A_930 = arith.constant 7 : i32
      %swap3A_931 = arith.index_cast %swap3A_930 : i32 to index
      %swap3A_932 = arith.constant 48 : index
      %swap3A_933 = tpu.vector_load %arg7[%swap3A_931, %swap3A_932] {strides = array<i32>} : memref<10x80xi32, #tpu.memory_space<vmem>>, vector<1x16xi32>,
      %swap3A_934 = vector.shape_cast %swap3A_933 : vector<1x16xi32> to vector<16xi32>
      %swap3A_935 = vector.shape_cast %select_n3A_929 : vector<16xi32> to vector<1x16xi32>
      tpu.vector_store %arg7[%swap3A_931, %swap3A_932], %swap3A_935 {strides = array<i32>} : memref<10x80xi32, #tpu.memory_space<vmem>>, vector<1x16xi32>,
      %get3A_936 = arith.constant 624 : index
      %get3A_937 = tpu.vector_load %arg6[%get3A_936] {strides = array<i32>} : memref<800xi32, #tpu.memory_space<vmem>>, vector<16xi32>,
      %get3A_938 = vector.shape_cast %get3A_937 : vector<16xi32> to vector<16xi32>
      %sub3A_939 = vector.broadcast %mul3A_0 : i32 to vector<16xi32>
      %sub3A_940 = arith.subi %get3A_938, %sub3A_939 : vector<16xi32>
      %ge3A_941 = arith.constant 0 : i32
      %ge3A_942 = vector.broadcast %ge3A_941 : i32 to vector<16xi32>
      %ge3A_943 = arith.cmpi sge, %sub3A_940, %ge3A_942 : vector<16xi32>
      %lt3A_944 = arith.constant 50000 : i32
      %lt3A_945 = vector.broadcast %lt3A_944 : i32 to vector<16xi32>
      %lt3A_946 = arith.cmpi slt, %sub3A_940, %lt3A_945 : vector<16xi32>
      %and3A_947 = arith.andi %ge3A_943, %lt3A_946 : vector<16xi1>
      %jit3A_948 = arith.constant 50000 : i32
      %broadcast_in_dim3A_949 = vector.broadcast %jit3A_948 : i32 to vector<16xi32>
      %select_n3A_950 = arith.select %and3A_947, %sub3A_940, %broadcast_in_dim3A_949 : vector<16xi1>, vector<16xi32>
      %swap3A_951 = arith.constant 7 : i32
      %swap3A_952 = arith.index_cast %swap3A_951 : i32 to index
      %swap3A_953 = arith.constant 64 : index
      %swap3A_954 = tpu.vector_load %arg7[%swap3A_952, %swap3A_953] {strides = array<i32>} : memref<10x80xi32, #tpu.memory_space<vmem>>, vector<1x16xi32>,
      %swap3A_955 = vector.shape_cast %swap3A_954 : vector<1x16xi32> to vector<16xi32>
      %swap3A_956 = vector.shape_cast %select_n3A_950 : vector<16xi32> to vector<1x16xi32>
      tpu.vector_store %arg7[%swap3A_952, %swap3A_953], %swap3A_956 {strides = array<i32>} : memref<10x80xi32, #tpu.memory_space<vmem>>, vector<1x16xi32>,
      %get3A_957 = arith.constant 640 : index
      %get3A_958 = tpu.vector_load %arg6[%get3A_957] {strides = array<i32>} : memref<800xi32, #tpu.memory_space<vmem>>, vector<16xi32>,
      %get3A_959 = vector.shape_cast %get3A_958 : vector<16xi32> to vector<16xi32>
      %sub3A_960 = vector.broadcast %mul3A_0 : i32 to vector<16xi32>
      %sub3A_961 = arith.subi %get3A_959, %sub3A_960 : vector<16xi32>
      %ge3A_962 = arith.constant 0 : i32
      %ge3A_963 = vector.broadcast %ge3A_962 : i32 to vector<16xi32>
      %ge3A_964 = arith.cmpi sge, %sub3A_961, %ge3A_963 : vector<16xi32>
      %lt3A_965 = arith.constant 50000 : i32
      %lt3A_966 = vector.broadcast %lt3A_965 : i32 to vector<16xi32>
      %lt3A_967 = arith.cmpi slt, %sub3A_961, %lt3A_966 : vector<16xi32>
      %and3A_968 = arith.andi %ge3A_964, %lt3A_967 : vector<16xi1>
      %jit3A_969 = arith.constant 50000 : i32
      %broadcast_in_dim3A_970 = vector.broadcast %jit3A_969 : i32 to vector<16xi32>
      %select_n3A_971 = arith.select %and3A_968, %sub3A_961, %broadcast_in_dim3A_970 : vector<16xi1>, vector<16xi32>
      %swap3A_972 = arith.constant 8 : i32
      %swap3A_973 = arith.index_cast %swap3A_972 : i32 to index
      %swap3A_974 = arith.constant 0 : index
      %swap3A_975 = tpu.vector_load %arg7[%swap3A_973, %swap3A_974] {strides = array<i32>} : memref<10x80xi32, #tpu.memory_space<vmem>>, vector<1x16xi32>,
      %swap3A_976 = vector.shape_cast %swap3A_975 : vector<1x16xi32> to vector<16xi32>
      %swap3A_977 = vector.shape_cast %select_n3A_971 : vector<16xi32> to vector<1x16xi32>
      tpu.vector_store %arg7[%swap3A_973, %swap3A_974], %swap3A_977 {strides = array<i32>} : memref<10x80xi32, #tpu.memory_space<vmem>>, vector<1x16xi32>,
      %get3A_978 = arith.constant 656 : index
      %get3A_979 = tpu.vector_load %arg6[%get3A_978] {strides = array<i32>} : memref<800xi32, #tpu.memory_space<vmem>>, vector<16xi32>,
      %get3A_980 = vector.shape_cast %get3A_979 : vector<16xi32> to vector<16xi32>
      %sub3A_981 = vector.broadcast %mul3A_0 : i32 to vector<16xi32>
      %sub3A_982 = arith.subi %get3A_980, %sub3A_981 : vector<16xi32>
      %ge3A_983 = arith.constant 0 : i32
      %ge3A_984 = vector.broadcast %ge3A_983 : i32 to vector<16xi32>
      %ge3A_985 = arith.cmpi sge, %sub3A_982, %ge3A_984 : vector<16xi32>
      %lt3A_986 = arith.constant 50000 : i32
      %lt3A_987 = vector.broadcast %lt3A_986 : i32 to vector<16xi32>
      %lt3A_988 = arith.cmpi slt, %sub3A_982, %lt3A_987 : vector<16xi32>
      %and3A_989 = arith.andi %ge3A_985, %lt3A_988 : vector<16xi1>
      %jit3A_990 = arith.constant 50000 : i32
      %broadcast_in_dim3A_991 = vector.broadcast %jit3A_990 : i32 to vector<16xi32>
      %select_n3A_992 = arith.select %and3A_989, %sub3A_982, %broadcast_in_dim3A_991 : vector<16xi1>, vector<16xi32>
      %swap3A_993 = arith.constant 8 : i32
      %swap3A_994 = arith.index_cast %swap3A_993 : i32 to index
      %swap3A_995 = arith.constant 16 : index
      %swap3A_996 = tpu.vector_load %arg7[%swap3A_994, %swap3A_995] {strides = array<i32>} : memref<10x80xi32, #tpu.memory_space<vmem>>, vector<1x16xi32>,
      %swap3A_997 = vector.shape_cast %swap3A_996 : vector<1x16xi32> to vector<16xi32>
      %swap3A_998 = vector.shape_cast %select_n3A_992 : vector<16xi32> to vector<1x16xi32>
      tpu.vector_store %arg7[%swap3A_994, %swap3A_995], %swap3A_998 {strides = array<i32>} : memref<10x80xi32, #tpu.memory_space<vmem>>, vector<1x16xi32>,
      %get3A_999 = arith.constant 672 : index
      %get3A_1000 = tpu.vector_load %arg6[%get3A_999] {strides = array<i32>} : memref<800xi32, #tpu.memory_space<vmem>>, vector<16xi32>,
      %get3A_1001 = vector.shape_cast %get3A_1000 : vector<16xi32> to vector<16xi32>
      %sub3A_1002 = vector.broadcast %mul3A_0 : i32 to vector<16xi32>
      %sub3A_1003 = arith.subi %get3A_1001, %sub3A_1002 : vector<16xi32>
      %ge3A_1004 = arith.constant 0 : i32
      %ge3A_1005 = vector.broadcast %ge3A_1004 : i32 to vector<16xi32>
      %ge3A_1006 = arith.cmpi sge, %sub3A_1003, %ge3A_1005 : vector<16xi32>
      %lt3A_1007 = arith.constant 50000 : i32
      %lt3A_1008 = vector.broadcast %lt3A_1007 : i32 to vector<16xi32>
      %lt3A_1009 = arith.cmpi slt, %sub3A_1003, %lt3A_1008 : vector<16xi32>
      %and3A_1010 = arith.andi %ge3A_1006, %lt3A_1009 : vector<16xi1>
      %jit3A_1011 = arith.constant 50000 : i32
      %broadcast_in_dim3A_1012 = vector.broadcast %jit3A_1011 : i32 to vector<16xi32>
      %select_n3A_1013 = arith.select %and3A_1010, %sub3A_1003, %broadcast_in_dim3A_1012 : vector<16xi1>, vector<16xi32>
      %swap3A_1014 = arith.constant 8 : i32
      %swap3A_1015 = arith.index_cast %swap3A_1014 : i32 to index
      %swap3A_1016 = arith.constant 32 : index
      %swap3A_1017 = tpu.vector_load %arg7[%swap3A_1015, %swap3A_1016] {strides = array<i32>} : memref<10x80xi32, #tpu.memory_space<vmem>>, vector<1x16xi32>,
      %swap3A_1018 = vector.shape_cast %swap3A_1017 : vector<1x16xi32> to vector<16xi32>
      %swap3A_1019 = vector.shape_cast %select_n3A_1013 : vector<16xi32> to vector<1x16xi32>
      tpu.vector_store %arg7[%swap3A_1015, %swap3A_1016], %swap3A_1019 {strides = array<i32>} : memref<10x80xi32, #tpu.memory_space<vmem>>, vector<1x16xi32>,
      %get3A_1020 = arith.constant 688 : index
      %get3A_1021 = tpu.vector_load %arg6[%get3A_1020] {strides = array<i32>} : memref<800xi32, #tpu.memory_space<vmem>>, vector<16xi32>,
      %get3A_1022 = vector.shape_cast %get3A_1021 : vector<16xi32> to vector<16xi32>
      %sub3A_1023 = vector.broadcast %mul3A_0 : i32 to vector<16xi32>
      %sub3A_1024 = arith.subi %get3A_1022, %sub3A_1023 : vector<16xi32>
      %ge3A_1025 = arith.constant 0 : i32
      %ge3A_1026 = vector.broadcast %ge3A_1025 : i32 to vector<16xi32>
      %ge3A_1027 = arith.cmpi sge, %sub3A_1024, %ge3A_1026 : vector<16xi32>
      %lt3A_1028 = arith.constant 50000 : i32
      %lt3A_1029 = vector.broadcast %lt3A_1028 : i32 to vector<16xi32>
      %lt3A_1030 = arith.cmpi slt, %sub3A_1024, %lt3A_1029 : vector<16xi32>
      %and3A_1031 = arith.andi %ge3A_1027, %lt3A_1030 : vector<16xi1>
      %jit3A_1032 = arith.constant 50000 : i32
      %broadcast_in_dim3A_1033 = vector.broadcast %jit3A_1032 : i32 to vector<16xi32>
      %select_n3A_1034 = arith.select %and3A_1031, %sub3A_1024, %broadcast_in_dim3A_1033 : vector<16xi1>, vector<16xi32>
      %swap3A_1035 = arith.constant 8 : i32
      %swap3A_1036 = arith.index_cast %swap3A_1035 : i32 to index
      %swap3A_1037 = arith.constant 48 : index
      %swap3A_1038 = tpu.vector_load %arg7[%swap3A_1036, %swap3A_1037] {strides = array<i32>} : memref<10x80xi32, #tpu.memory_space<vmem>>, vector<1x16xi32>,
      %swap3A_1039 = vector.shape_cast %swap3A_1038 : vector<1x16xi32> to vector<16xi32>
      %swap3A_1040 = vector.shape_cast %select_n3A_1034 : vector<16xi32> to vector<1x16xi32>
      tpu.vector_store %arg7[%swap3A_1036, %swap3A_1037], %swap3A_1040 {strides = array<i32>} : memref<10x80xi32, #tpu.memory_space<vmem>>, vector<1x16xi32>,
      %get3A_1041 = arith.constant 704 : index
      %get3A_1042 = tpu.vector_load %arg6[%get3A_1041] {strides = array<i32>} : memref<800xi32, #tpu.memory_space<vmem>>, vector<16xi32>,
      %get3A_1043 = vector.shape_cast %get3A_1042 : vector<16xi32> to vector<16xi32>
      %sub3A_1044 = vector.broadcast %mul3A_0 : i32 to vector<16xi32>
      %sub3A_1045 = arith.subi %get3A_1043, %sub3A_1044 : vector<16xi32>
      %ge3A_1046 = arith.constant 0 : i32
      %ge3A_1047 = vector.broadcast %ge3A_1046 : i32 to vector<16xi32>
      %ge3A_1048 = arith.cmpi sge, %sub3A_1045, %ge3A_1047 : vector<16xi32>
      %lt3A_1049 = arith.constant 50000 : i32
      %lt3A_1050 = vector.broadcast %lt3A_1049 : i32 to vector<16xi32>
      %lt3A_1051 = arith.cmpi slt, %sub3A_1045, %lt3A_1050 : vector<16xi32>
      %and3A_1052 = arith.andi %ge3A_1048, %lt3A_1051 : vector<16xi1>
      %jit3A_1053 = arith.constant 50000 : i32
      %broadcast_in_dim3A_1054 = vector.broadcast %jit3A_1053 : i32 to vector<16xi32>
      %select_n3A_1055 = arith.select %and3A_1052, %sub3A_1045, %broadcast_in_dim3A_1054 : vector<16xi1>, vector<16xi32>
      %swap3A_1056 = arith.constant 8 : i32
      %swap3A_1057 = arith.index_cast %swap3A_1056 : i32 to index
      %swap3A_1058 = arith.constant 64 : index
      %swap3A_1059 = tpu.vector_load %arg7[%swap3A_1057, %swap3A_1058] {strides = array<i32>} : memref<10x80xi32, #tpu.memory_space<vmem>>, vector<1x16xi32>,
      %swap3A_1060 = vector.shape_cast %swap3A_1059 : vector<1x16xi32> to vector<16xi32>
      %swap3A_1061 = vector.shape_cast %select_n3A_1055 : vector<16xi32> to vector<1x16xi32>
      tpu.vector_store %arg7[%swap3A_1057, %swap3A_1058], %swap3A_1061 {strides = array<i32>} : memref<10x80xi32, #tpu.memory_space<vmem>>, vector<1x16xi32>,
      %get3A_1062 = arith.constant 720 : index
      %get3A_1063 = tpu.vector_load %arg6[%get3A_1062] {strides = array<i32>} : memref<800xi32, #tpu.memory_space<vmem>>, vector<16xi32>,
      %get3A_1064 = vector.shape_cast %get3A_1063 : vector<16xi32> to vector<16xi32>
      %sub3A_1065 = vector.broadcast %mul3A_0 : i32 to vector<16xi32>
      %sub3A_1066 = arith.subi %get3A_1064, %sub3A_1065 : vector<16xi32>
      %ge3A_1067 = arith.constant 0 : i32
      %ge3A_1068 = vector.broadcast %ge3A_1067 : i32 to vector<16xi32>
      %ge3A_1069 = arith.cmpi sge, %sub3A_1066, %ge3A_1068 : vector<16xi32>
      %lt3A_1070 = arith.constant 50000 : i32
      %lt3A_1071 = vector.broadcast %lt3A_1070 : i32 to vector<16xi32>
      %lt3A_1072 = arith.cmpi slt, %sub3A_1066, %lt3A_1071 : vector<16xi32>
      %and3A_1073 = arith.andi %ge3A_1069, %lt3A_1072 : vector<16xi1>
      %jit3A_1074 = arith.constant 50000 : i32
      %broadcast_in_dim3A_1075 = vector.broadcast %jit3A_1074 : i32 to vector<16xi32>
      %select_n3A_1076 = arith.select %and3A_1073, %sub3A_1066, %broadcast_in_dim3A_1075 : vector<16xi1>, vector<16xi32>
      %swap3A_1077 = arith.constant 9 : i32
      %swap3A_1078 = arith.index_cast %swap3A_1077 : i32 to index
      %swap3A_1079 = arith.constant 0 : index
      %swap3A_1080 = tpu.vector_load %arg7[%swap3A_1078, %swap3A_1079] {strides = array<i32>} : memref<10x80xi32, #tpu.memory_space<vmem>>, vector<1x16xi32>,
      %swap3A_1081 = vector.shape_cast %swap3A_1080 : vector<1x16xi32> to vector<16xi32>
      %swap3A_1082 = vector.shape_cast %select_n3A_1076 : vector<16xi32> to vector<1x16xi32>
      tpu.vector_store %arg7[%swap3A_1078, %swap3A_1079], %swap3A_1082 {strides = array<i32>} : memref<10x80xi32, #tpu.memory_space<vmem>>, vector<1x16xi32>,
      %get3A_1083 = arith.constant 736 : index
      %get3A_1084 = tpu.vector_load %arg6[%get3A_1083] {strides = array<i32>} : memref<800xi32, #tpu.memory_space<vmem>>, vector<16xi32>,
      %get3A_1085 = vector.shape_cast %get3A_1084 : vector<16xi32> to vector<16xi32>
      %sub3A_1086 = vector.broadcast %mul3A_0 : i32 to vector<16xi32>
      %sub3A_1087 = arith.subi %get3A_1085, %sub3A_1086 : vector<16xi32>
      %ge3A_1088 = arith.constant 0 : i32
      %ge3A_1089 = vector.broadcast %ge3A_1088 : i32 to vector<16xi32>
      %ge3A_1090 = arith.cmpi sge, %sub3A_1087, %ge3A_1089 : vector<16xi32>
      %lt3A_1091 = arith.constant 50000 : i32
      %lt3A_1092 = vector.broadcast %lt3A_1091 : i32 to vector<16xi32>
      %lt3A_1093 = arith.cmpi slt, %sub3A_1087, %lt3A_1092 : vector<16xi32>
      %and3A_1094 = arith.andi %ge3A_1090, %lt3A_1093 : vector<16xi1>
      %jit3A_1095 = arith.constant 50000 : i32
      %broadcast_in_dim3A_1096 = vector.broadcast %jit3A_1095 : i32 to vector<16xi32>
      %select_n3A_1097 = arith.select %and3A_1094, %sub3A_1087, %broadcast_in_dim3A_1096 : vector<16xi1>, vector<16xi32>
      %swap3A_1098 = arith.constant 9 : i32
      %swap3A_1099 = arith.index_cast %swap3A_1098 : i32 to index
      %swap3A_1100 = arith.constant 16 : index
      %swap3A_1101 = tpu.vector_load %arg7[%swap3A_1099, %swap3A_1100] {strides = array<i32>} : memref<10x80xi32, #tpu.memory_space<vmem>>, vector<1x16xi32>,
      %swap3A_1102 = vector.shape_cast %swap3A_1101 : vector<1x16xi32> to vector<16xi32>
      %swap3A_1103 = vector.shape_cast %select_n3A_1097 : vector<16xi32> to vector<1x16xi32>
      tpu.vector_store %arg7[%swap3A_1099, %swap3A_1100], %swap3A_1103 {strides = array<i32>} : memref<10x80xi32, #tpu.memory_space<vmem>>, vector<1x16xi32>,
      %get3A_1104 = arith.constant 752 : index
      %get3A_1105 = tpu.vector_load %arg6[%get3A_1104] {strides = array<i32>} : memref<800xi32, #tpu.memory_space<vmem>>, vector<16xi32>,
      %get3A_1106 = vector.shape_cast %get3A_1105 : vector<16xi32> to vector<16xi32>
      %sub3A_1107 = vector.broadcast %mul3A_0 : i32 to vector<16xi32>
      %sub3A_1108 = arith.subi %get3A_1106, %sub3A_1107 : vector<16xi32>
      %ge3A_1109 = arith.constant 0 : i32
      %ge3A_1110 = vector.broadcast %ge3A_1109 : i32 to vector<16xi32>
      %ge3A_1111 = arith.cmpi sge, %sub3A_1108, %ge3A_1110 : vector<16xi32>
      %lt3A_1112 = arith.constant 50000 : i32
      %lt3A_1113 = vector.broadcast %lt3A_1112 : i32 to vector<16xi32>
      %lt3A_1114 = arith.cmpi slt, %sub3A_1108, %lt3A_1113 : vector<16xi32>
      %and3A_1115 = arith.andi %ge3A_1111, %lt3A_1114 : vector<16xi1>
      %jit3A_1116 = arith.constant 50000 : i32
      %broadcast_in_dim3A_1117 = vector.broadcast %jit3A_1116 : i32 to vector<16xi32>
      %select_n3A_1118 = arith.select %and3A_1115, %sub3A_1108, %broadcast_in_dim3A_1117 : vector<16xi1>, vector<16xi32>
      %swap3A_1119 = arith.constant 9 : i32
      %swap3A_1120 = arith.index_cast %swap3A_1119 : i32 to index
      %swap3A_1121 = arith.constant 32 : index
      %swap3A_1122 = tpu.vector_load %arg7[%swap3A_1120, %swap3A_1121] {strides = array<i32>} : memref<10x80xi32, #tpu.memory_space<vmem>>, vector<1x16xi32>,
      %swap3A_1123 = vector.shape_cast %swap3A_1122 : vector<1x16xi32> to vector<16xi32>
      %swap3A_1124 = vector.shape_cast %select_n3A_1118 : vector<16xi32> to vector<1x16xi32>
      tpu.vector_store %arg7[%swap3A_1120, %swap3A_1121], %swap3A_1124 {strides = array<i32>} : memref<10x80xi32, #tpu.memory_space<vmem>>, vector<1x16xi32>,
      %get3A_1125 = arith.constant 768 : index
      %get3A_1126 = tpu.vector_load %arg6[%get3A_1125] {strides = array<i32>} : memref<800xi32, #tpu.memory_space<vmem>>, vector<16xi32>,
      %get3A_1127 = vector.shape_cast %get3A_1126 : vector<16xi32> to vector<16xi32>
      %sub3A_1128 = vector.broadcast %mul3A_0 : i32 to vector<16xi32>
      %sub3A_1129 = arith.subi %get3A_1127, %sub3A_1128 : vector<16xi32>
      %ge3A_1130 = arith.constant 0 : i32
      %ge3A_1131 = vector.broadcast %ge3A_1130 : i32 to vector<16xi32>
      %ge3A_1132 = arith.cmpi sge, %sub3A_1129, %ge3A_1131 : vector<16xi32>
      %lt3A_1133 = arith.constant 50000 : i32
      %lt3A_1134 = vector.broadcast %lt3A_1133 : i32 to vector<16xi32>
      %lt3A_1135 = arith.cmpi slt, %sub3A_1129, %lt3A_1134 : vector<16xi32>
      %and3A_1136 = arith.andi %ge3A_1132, %lt3A_1135 : vector<16xi1>
      %jit3A_1137 = arith.constant 50000 : i32
      %broadcast_in_dim3A_1138 = vector.broadcast %jit3A_1137 : i32 to vector<16xi32>
      %select_n3A_1139 = arith.select %and3A_1136, %sub3A_1129, %broadcast_in_dim3A_1138 : vector<16xi1>, vector<16xi32>
      %swap3A_1140 = arith.constant 9 : i32
      %swap3A_1141 = arith.index_cast %swap3A_1140 : i32 to index
      %swap3A_1142 = arith.constant 48 : index
      %swap3A_1143 = tpu.vector_load %arg7[%swap3A_1141, %swap3A_1142] {strides = array<i32>} : memref<10x80xi32, #tpu.memory_space<vmem>>, vector<1x16xi32>,
      %swap3A_1144 = vector.shape_cast %swap3A_1143 : vector<1x16xi32> to vector<16xi32>
      %swap3A_1145 = vector.shape_cast %select_n3A_1139 : vector<16xi32> to vector<1x16xi32>
      tpu.vector_store %arg7[%swap3A_1141, %swap3A_1142], %swap3A_1145 {strides = array<i32>} : memref<10x80xi32, #tpu.memory_space<vmem>>, vector<1x16xi32>,
      %get3A_1146 = arith.constant 784 : index
      %get3A_1147 = tpu.vector_load %arg6[%get3A_1146] {strides = array<i32>} : memref<800xi32, #tpu.memory_space<vmem>>, vector<16xi32>,
      %get3A_1148 = vector.shape_cast %get3A_1147 : vector<16xi32> to vector<16xi32>
      %sub3A_1149 = vector.broadcast %mul3A_0 : i32 to vector<16xi32>
      %sub3A_1150 = arith.subi %get3A_1148, %sub3A_1149 : vector<16xi32>
      %ge3A_1151 = arith.constant 0 : i32
      %ge3A_1152 = vector.broadcast %ge3A_1151 : i32 to vector<16xi32>
      %ge3A_1153 = arith.cmpi sge, %sub3A_1150, %ge3A_1152 : vector<16xi32>
      %lt3A_1154 = arith.constant 50000 : i32
      %lt3A_1155 = vector.broadcast %lt3A_1154 : i32 to vector<16xi32>
      %lt3A_1156 = arith.cmpi slt, %sub3A_1150, %lt3A_1155 : vector<16xi32>
      %and3A_1157 = arith.andi %ge3A_1153, %lt3A_1156 : vector<16xi1>
      %jit3A_1158 = arith.constant 50000 : i32
      %broadcast_in_dim3A_1159 = vector.broadcast %jit3A_1158 : i32 to vector<16xi32>
      %select_n3A_1160 = arith.select %and3A_1157, %sub3A_1150, %broadcast_in_dim3A_1159 : vector<16xi1>, vector<16xi32>
      %swap3A_1161 = arith.constant 9 : i32
      %swap3A_1162 = arith.index_cast %swap3A_1161 : i32 to index
      %swap3A_1163 = arith.constant 64 : index
      %swap3A_1164 = tpu.vector_load %arg7[%swap3A_1162, %swap3A_1163] {strides = array<i32>} : memref<10x80xi32, #tpu.memory_space<vmem>>, vector<1x16xi32>,
      %swap3A_1165 = vector.shape_cast %swap3A_1164 : vector<1x16xi32> to vector<16xi32>
      %swap3A_1166 = vector.shape_cast %select_n3A_1160 : vector<16xi32> to vector<1x16xi32>
      tpu.vector_store %arg7[%swap3A_1162, %swap3A_1163], %swap3A_1166 {strides = array<i32>} : memref<10x80xi32, #tpu.memory_space<vmem>>, vector<1x16xi32>,
      %dma_start3A_1167 = arith.constant 0 : i32
      %dma_start3A_1168 = tpu.memref_slice %arg2[%add3A_120, %dma_start3A_1167] : memref<1600000x32xf32, #tpu.memory_space<hbm>> -> memref<800x32xf32, #tpu.memory_space<hbm>>
      %dma_start3A_1169 = arith.constant 0 : i32
      %dma_start3A_1170 = tpu.memref_slice %arg2[%add3A_120, %dma_start3A_1169] : memref<1600000x32xf32, #tpu.memory_space<hbm>> -> memref<800x32xf32, #tpu.memory_space<hbm>>
      tpu.enqueue_dma source(%dma_start3A_1170 : memref<800x32xf32, #tpu.memory_space<hbm>>) target(%arg8 : memref<800x32xf32, #tpu.memory_space<vmem>>) target_semaphore(%arg11 : memref<!tpu.dma_semaphore, #tpu.memory_space<semaphore_mem>>)
      %dma_wait3A_1171 = arith.constant 0 : i32
      %dma_wait3A_1172 = tpu.memref_slice %arg2[%add3A_120, %dma_wait3A_1171] : memref<1600000x32xf32, #tpu.memory_space<hbm>> -> memref<800x32xf32, #tpu.memory_space<hbm>>
      %dma_wait3A_1173 = arith.constant 0 : i32
      %dma_wait3A_1174 = tpu.memref_slice %arg2[%add3A_120, %dma_wait3A_1173] : memref<1600000x32xf32, #tpu.memory_space<hbm>> -> memref<800x32xf32, #tpu.memory_space<hbm>>
      tpu.wait_dma2 semaphore(%arg11 : memref<!tpu.dma_semaphore, #tpu.memory_space<semaphore_mem>>) src(%dma_wait3A_1174 : memref<800x32xf32, #tpu.memory_space<hbm>>) dst(%arg8 : memref<800x32xf32, #tpu.memory_space<vmem>>)
      %dma_start3A_1175 = arith.constant 0 : i32
      %dma_start3A_1176 = arith.constant 0 : i32
      %dma_start3A_1177 = arith.constant 0 : i32
      %dma_start3A_1178 = tpu.memref_slice %arg8[%dma_start3A_1176, %dma_start3A_1177] : memref<800x32xf32, #tpu.memory_space<vmem>> -> memref<80x32xf32, #tpu.memory_space<vmem>>
      %dma_start3A_1179 = arith.constant 0 : i32
      %dma_start3A_1180 = tpu.memref_slice %arg7[%dma_start3A_1175, %dma_start3A_1179] : memref<10x80xi32, #tpu.memory_space<vmem>> -> memref<1x80xi32, #tpu.memory_space<vmem>>
      %dma_start3A_1181 = tpu.memref_squeeze %dma_start3A_1180 : memref<1x80xi32, #tpu.memory_space<vmem>> -> memref<80xi32, #tpu.memory_space<vmem>>
      %dma_start3A_1182 = arith.constant 0 : i32
      %dma_start3A_1183 = arith.constant 0 : i32
      %dma_start3A_1184 = tpu.memref_slice %arg9[%dma_start3A_1182, %dma_start3A_1183] : memref<50008x32xf32, #tpu.memory_space<vmem_shared>> -> memref<50008x32xf32, #tpu.memory_space<vmem_shared>>
      tpu.enqueue_indirect_dma source(%dma_start3A_1178 : memref<80x32xf32, #tpu.memory_space<vmem>>) target(%dma_start3A_1184 : memref<50008x32xf32, #tpu.memory_space<vmem_shared>>) offsets(%dma_start3A_1181 : memref<80xi32, #tpu.memory_space<vmem>>) semaphore(%arg12 : memref<!tpu.dma_semaphore, #tpu.memory_space<semaphore_mem>>) {add = true}
      %dma_start3A_1185 = arith.constant 1 : i32
      %dma_start3A_1186 = arith.constant 80 : i32
      %dma_start3A_1187 = arith.constant 0 : i32
      %dma_start3A_1188 = tpu.memref_slice %arg8[%dma_start3A_1186, %dma_start3A_1187] : memref<800x32xf32, #tpu.memory_space<vmem>> -> memref<80x32xf32, #tpu.memory_space<vmem>>
      %dma_start3A_1189 = arith.constant 0 : i32
      %dma_start3A_1190 = tpu.memref_slice %arg7[%dma_start3A_1185, %dma_start3A_1189] : memref<10x80xi32, #tpu.memory_space<vmem>> -> memref<1x80xi32, #tpu.memory_space<vmem>>
      %dma_start3A_1191 = tpu.memref_squeeze %dma_start3A_1190 : memref<1x80xi32, #tpu.memory_space<vmem>> -> memref<80xi32, #tpu.memory_space<vmem>>
      %dma_start3A_1192 = arith.constant 0 : i32
      %dma_start3A_1193 = arith.constant 0 : i32
      %dma_start3A_1194 = tpu.memref_slice %arg9[%dma_start3A_1192, %dma_start3A_1193] : memref<50008x32xf32, #tpu.memory_space<vmem_shared>> -> memref<50008x32xf32, #tpu.memory_space<vmem_shared>>
      tpu.enqueue_indirect_dma source(%dma_start3A_1188 : memref<80x32xf32, #tpu.memory_space<vmem>>) target(%dma_start3A_1194 : memref<50008x32xf32, #tpu.memory_space<vmem_shared>>) offsets(%dma_start3A_1191 : memref<80xi32, #tpu.memory_space<vmem>>) semaphore(%arg12 : memref<!tpu.dma_semaphore, #tpu.memory_space<semaphore_mem>>) {add = true}
      %dma_start3A_1195 = arith.constant 2 : i32
      %dma_start3A_1196 = arith.constant 160 : i32
      %dma_start3A_1197 = arith.constant 0 : i32
      %dma_start3A_1198 = tpu.memref_slice %arg8[%dma_start3A_1196, %dma_start3A_1197] : memref<800x32xf32, #tpu.memory_space<vmem>> -> memref<80x32xf32, #tpu.memory_space<vmem>>
      %dma_start3A_1199 = arith.constant 0 : i32
      %dma_start3A_1200 = tpu.memref_slice %arg7[%dma_start3A_1195, %dma_start3A_1199] : memref<10x80xi32, #tpu.memory_space<vmem>> -> memref<1x80xi32, #tpu.memory_space<vmem>>
      %dma_start3A_1201 = tpu.memref_squeeze %dma_start3A_1200 : memref<1x80xi32, #tpu.memory_space<vmem>> -> memref<80xi32, #tpu.memory_space<vmem>>
      %dma_start3A_1202 = arith.constant 0 : i32
      %dma_start3A_1203 = arith.constant 0 : i32
      %dma_start3A_1204 = tpu.memref_slice %arg9[%dma_start3A_1202, %dma_start3A_1203] : memref<50008x32xf32, #tpu.memory_space<vmem_shared>> -> memref<50008x32xf32, #tpu.memory_space<vmem_shared>>
      tpu.enqueue_indirect_dma source(%dma_start3A_1198 : memref<80x32xf32, #tpu.memory_space<vmem>>) target(%dma_start3A_1204 : memref<50008x32xf32, #tpu.memory_space<vmem_shared>>) offsets(%dma_start3A_1201 : memref<80xi32, #tpu.memory_space<vmem>>) semaphore(%arg12 : memref<!tpu.dma_semaphore, #tpu.memory_space<semaphore_mem>>) {add = true}
      %dma_start3A_1205 = arith.constant 3 : i32
      %dma_start3A_1206 = arith.constant 240 : i32
      %dma_start3A_1207 = arith.constant 0 : i32
      %dma_start3A_1208 = tpu.memref_slice %arg8[%dma_start3A_1206, %dma_start3A_1207] : memref<800x32xf32, #tpu.memory_space<vmem>> -> memref<80x32xf32, #tpu.memory_space<vmem>>
      %dma_start3A_1209 = arith.constant 0 : i32
      %dma_start3A_1210 = tpu.memref_slice %arg7[%dma_start3A_1205, %dma_start3A_1209] : memref<10x80xi32, #tpu.memory_space<vmem>> -> memref<1x80xi32, #tpu.memory_space<vmem>>
      %dma_start3A_1211 = tpu.memref_squeeze %dma_start3A_1210 : memref<1x80xi32, #tpu.memory_space<vmem>> -> memref<80xi32, #tpu.memory_space<vmem>>
      %dma_start3A_1212 = arith.constant 0 : i32
      %dma_start3A_1213 = arith.constant 0 : i32
      %dma_start3A_1214 = tpu.memref_slice %arg9[%dma_start3A_1212, %dma_start3A_1213] : memref<50008x32xf32, #tpu.memory_space<vmem_shared>> -> memref<50008x32xf32, #tpu.memory_space<vmem_shared>>
      tpu.enqueue_indirect_dma source(%dma_start3A_1208 : memref<80x32xf32, #tpu.memory_space<vmem>>) target(%dma_start3A_1214 : memref<50008x32xf32, #tpu.memory_space<vmem_shared>>) offsets(%dma_start3A_1211 : memref<80xi32, #tpu.memory_space<vmem>>) semaphore(%arg12 : memref<!tpu.dma_semaphore, #tpu.memory_space<semaphore_mem>>) {add = true}
      %dma_start3A_1215 = arith.constant 4 : i32
      %dma_start3A_1216 = arith.constant 320 : i32
      %dma_start3A_1217 = arith.constant 0 : i32
      %dma_start3A_1218 = tpu.memref_slice %arg8[%dma_start3A_1216, %dma_start3A_1217] : memref<800x32xf32, #tpu.memory_space<vmem>> -> memref<80x32xf32, #tpu.memory_space<vmem>>
      %dma_start3A_1219 = arith.constant 0 : i32
      %dma_start3A_1220 = tpu.memref_slice %arg7[%dma_start3A_1215, %dma_start3A_1219] : memref<10x80xi32, #tpu.memory_space<vmem>> -> memref<1x80xi32, #tpu.memory_space<vmem>>
      %dma_start3A_1221 = tpu.memref_squeeze %dma_start3A_1220 : memref<1x80xi32, #tpu.memory_space<vmem>> -> memref<80xi32, #tpu.memory_space<vmem>>
      %dma_start3A_1222 = arith.constant 0 : i32
      %dma_start3A_1223 = arith.constant 0 : i32
      %dma_start3A_1224 = tpu.memref_slice %arg9[%dma_start3A_1222, %dma_start3A_1223] : memref<50008x32xf32, #tpu.memory_space<vmem_shared>> -> memref<50008x32xf32, #tpu.memory_space<vmem_shared>>
      tpu.enqueue_indirect_dma source(%dma_start3A_1218 : memref<80x32xf32, #tpu.memory_space<vmem>>) target(%dma_start3A_1224 : memref<50008x32xf32, #tpu.memory_space<vmem_shared>>) offsets(%dma_start3A_1221 : memref<80xi32, #tpu.memory_space<vmem>>) semaphore(%arg12 : memref<!tpu.dma_semaphore, #tpu.memory_space<semaphore_mem>>) {add = true}
      %dma_start3A_1225 = arith.constant 5 : i32
      %dma_start3A_1226 = arith.constant 400 : i32
      %dma_start3A_1227 = arith.constant 0 : i32
      %dma_start3A_1228 = tpu.memref_slice %arg8[%dma_start3A_1226, %dma_start3A_1227] : memref<800x32xf32, #tpu.memory_space<vmem>> -> memref<80x32xf32, #tpu.memory_space<vmem>>
      %dma_start3A_1229 = arith.constant 0 : i32
      %dma_start3A_1230 = tpu.memref_slice %arg7[%dma_start3A_1225, %dma_start3A_1229] : memref<10x80xi32, #tpu.memory_space<vmem>> -> memref<1x80xi32, #tpu.memory_space<vmem>>
      %dma_start3A_1231 = tpu.memref_squeeze %dma_start3A_1230 : memref<1x80xi32, #tpu.memory_space<vmem>> -> memref<80xi32, #tpu.memory_space<vmem>>
      %dma_start3A_1232 = arith.constant 0 : i32
      %dma_start3A_1233 = arith.constant 0 : i32
      %dma_start3A_1234 = tpu.memref_slice %arg9[%dma_start3A_1232, %dma_start3A_1233] : memref<50008x32xf32, #tpu.memory_space<vmem_shared>> -> memref<50008x32xf32, #tpu.memory_space<vmem_shared>>
      tpu.enqueue_indirect_dma source(%dma_start3A_1228 : memref<80x32xf32, #tpu.memory_space<vmem>>) target(%dma_start3A_1234 : memref<50008x32xf32, #tpu.memory_space<vmem_shared>>) offsets(%dma_start3A_1231 : memref<80xi32, #tpu.memory_space<vmem>>) semaphore(%arg12 : memref<!tpu.dma_semaphore, #tpu.memory_space<semaphore_mem>>) {add = true}
      %dma_start3A_1235 = arith.constant 6 : i32
      %dma_start3A_1236 = arith.constant 480 : i32
      %dma_start3A_1237 = arith.constant 0 : i32
      %dma_start3A_1238 = tpu.memref_slice %arg8[%dma_start3A_1236, %dma_start3A_1237] : memref<800x32xf32, #tpu.memory_space<vmem>> -> memref<80x32xf32, #tpu.memory_space<vmem>>
      %dma_start3A_1239 = arith.constant 0 : i32
      %dma_start3A_1240 = tpu.memref_slice %arg7[%dma_start3A_1235, %dma_start3A_1239] : memref<10x80xi32, #tpu.memory_space<vmem>> -> memref<1x80xi32, #tpu.memory_space<vmem>>
      %dma_start3A_1241 = tpu.memref_squeeze %dma_start3A_1240 : memref<1x80xi32, #tpu.memory_space<vmem>> -> memref<80xi32, #tpu.memory_space<vmem>>
      %dma_start3A_1242 = arith.constant 0 : i32
      %dma_start3A_1243 = arith.constant 0 : i32
      %dma_start3A_1244 = tpu.memref_slice %arg9[%dma_start3A_1242, %dma_start3A_1243] : memref<50008x32xf32, #tpu.memory_space<vmem_shared>> -> memref<50008x32xf32, #tpu.memory_space<vmem_shared>>
      tpu.enqueue_indirect_dma source(%dma_start3A_1238 : memref<80x32xf32, #tpu.memory_space<vmem>>) target(%dma_start3A_1244 : memref<50008x32xf32, #tpu.memory_space<vmem_shared>>) offsets(%dma_start3A_1241 : memref<80xi32, #tpu.memory_space<vmem>>) semaphore(%arg12 : memref<!tpu.dma_semaphore, #tpu.memory_space<semaphore_mem>>) {add = true}
      %dma_start3A_1245 = arith.constant 7 : i32
      %dma_start3A_1246 = arith.constant 560 : i32
      %dma_start3A_1247 = arith.constant 0 : i32
      %dma_start3A_1248 = tpu.memref_slice %arg8[%dma_start3A_1246, %dma_start3A_1247] : memref<800x32xf32, #tpu.memory_space<vmem>> -> memref<80x32xf32, #tpu.memory_space<vmem>>
      %dma_start3A_1249 = arith.constant 0 : i32
      %dma_start3A_1250 = tpu.memref_slice %arg7[%dma_start3A_1245, %dma_start3A_1249] : memref<10x80xi32, #tpu.memory_space<vmem>> -> memref<1x80xi32, #tpu.memory_space<vmem>>
      %dma_start3A_1251 = tpu.memref_squeeze %dma_start3A_1250 : memref<1x80xi32, #tpu.memory_space<vmem>> -> memref<80xi32, #tpu.memory_space<vmem>>
      %dma_start3A_1252 = arith.constant 0 : i32
      %dma_start3A_1253 = arith.constant 0 : i32
      %dma_start3A_1254 = tpu.memref_slice %arg9[%dma_start3A_1252, %dma_start3A_1253] : memref<50008x32xf32, #tpu.memory_space<vmem_shared>> -> memref<50008x32xf32, #tpu.memory_space<vmem_shared>>
      tpu.enqueue_indirect_dma source(%dma_start3A_1248 : memref<80x32xf32, #tpu.memory_space<vmem>>) target(%dma_start3A_1254 : memref<50008x32xf32, #tpu.memory_space<vmem_shared>>) offsets(%dma_start3A_1251 : memref<80xi32, #tpu.memory_space<vmem>>) semaphore(%arg12 : memref<!tpu.dma_semaphore, #tpu.memory_space<semaphore_mem>>) {add = true}
      %dma_start3A_1255 = arith.constant 8 : i32
      %dma_start3A_1256 = arith.constant 640 : i32
      %dma_start3A_1257 = arith.constant 0 : i32
      %dma_start3A_1258 = tpu.memref_slice %arg8[%dma_start3A_1256, %dma_start3A_1257] : memref<800x32xf32, #tpu.memory_space<vmem>> -> memref<80x32xf32, #tpu.memory_space<vmem>>
      %dma_start3A_1259 = arith.constant 0 : i32
      %dma_start3A_1260 = tpu.memref_slice %arg7[%dma_start3A_1255, %dma_start3A_1259] : memref<10x80xi32, #tpu.memory_space<vmem>> -> memref<1x80xi32, #tpu.memory_space<vmem>>
      %dma_start3A_1261 = tpu.memref_squeeze %dma_start3A_1260 : memref<1x80xi32, #tpu.memory_space<vmem>> -> memref<80xi32, #tpu.memory_space<vmem>>
      %dma_start3A_1262 = arith.constant 0 : i32
      %dma_start3A_1263 = arith.constant 0 : i32
      %dma_start3A_1264 = tpu.memref_slice %arg9[%dma_start3A_1262, %dma_start3A_1263] : memref<50008x32xf32, #tpu.memory_space<vmem_shared>> -> memref<50008x32xf32, #tpu.memory_space<vmem_shared>>
      tpu.enqueue_indirect_dma source(%dma_start3A_1258 : memref<80x32xf32, #tpu.memory_space<vmem>>) target(%dma_start3A_1264 : memref<50008x32xf32, #tpu.memory_space<vmem_shared>>) offsets(%dma_start3A_1261 : memref<80xi32, #tpu.memory_space<vmem>>) semaphore(%arg12 : memref<!tpu.dma_semaphore, #tpu.memory_space<semaphore_mem>>) {add = true}
      %dma_start3A_1265 = arith.constant 9 : i32
      %dma_start3A_1266 = arith.constant 720 : i32
      %dma_start3A_1267 = arith.constant 0 : i32
      %dma_start3A_1268 = tpu.memref_slice %arg8[%dma_start3A_1266, %dma_start3A_1267] : memref<800x32xf32, #tpu.memory_space<vmem>> -> memref<80x32xf32, #tpu.memory_space<vmem>>
      %dma_start3A_1269 = arith.constant 0 : i32
      %dma_start3A_1270 = tpu.memref_slice %arg7[%dma_start3A_1265, %dma_start3A_1269] : memref<10x80xi32, #tpu.memory_space<vmem>> -> memref<1x80xi32, #tpu.memory_space<vmem>>
      %dma_start3A_1271 = tpu.memref_squeeze %dma_start3A_1270 : memref<1x80xi32, #tpu.memory_space<vmem>> -> memref<80xi32, #tpu.memory_space<vmem>>
      %dma_start3A_1272 = arith.constant 0 : i32
      %dma_start3A_1273 = arith.constant 0 : i32
      %dma_start3A_1274 = tpu.memref_slice %arg9[%dma_start3A_1272, %dma_start3A_1273] : memref<50008x32xf32, #tpu.memory_space<vmem_shared>> -> memref<50008x32xf32, #tpu.memory_space<vmem_shared>>
      tpu.enqueue_indirect_dma source(%dma_start3A_1268 : memref<80x32xf32, #tpu.memory_space<vmem>>) target(%dma_start3A_1274 : memref<50008x32xf32, #tpu.memory_space<vmem_shared>>) offsets(%dma_start3A_1271 : memref<80xi32, #tpu.memory_space<vmem>>) semaphore(%arg12 : memref<!tpu.dma_semaphore, #tpu.memory_space<semaphore_mem>>) {add = true}
    }
    %scan3A_9 = arith.constant 125 : i32
    %dma_wait3A = arith.constant 0 : i32
    %dma_wait3A_10 = arith.constant 0 : i32
    %dma_wait3A_11 = arith.constant 0 : i32
    %dma_wait3A_12 = tpu.memref_slice %arg8[%dma_wait3A_10, %dma_wait3A_11] : memref<800x32xf32, #tpu.memory_space<vmem>> -> memref<80x32xf32, #tpu.memory_space<vmem>>
    %dma_wait3A_13 = arith.constant 0 : i32
    %dma_wait3A_14 = tpu.memref_slice %arg7[%dma_wait3A, %dma_wait3A_13] : memref<10x80xi32, #tpu.memory_space<vmem>> -> memref<1x80xi32, #tpu.memory_space<vmem>>
    %dma_wait3A_15 = tpu.memref_squeeze %dma_wait3A_14 : memref<1x80xi32, #tpu.memory_space<vmem>> -> memref<80xi32, #tpu.memory_space<vmem>>
    %dma_wait3A_16 = arith.constant 0 : i32
    %dma_wait3A_17 = arith.constant 0 : i32
    %dma_wait3A_18 = tpu.memref_slice %arg9[%dma_wait3A_16, %dma_wait3A_17] : memref<50008x32xf32, #tpu.memory_space<vmem_shared>> -> memref<50008x32xf32, #tpu.memory_space<vmem_shared>>
    tpu.wait_indirect_dma semaphore(%arg12 : memref<!tpu.dma_semaphore, #tpu.memory_space<semaphore_mem>>) src(%dma_wait3A_12 : memref<80x32xf32, #tpu.memory_space<vmem>>) dst(%dma_wait3A_18 : memref<50008x32xf32, #tpu.memory_space<vmem_shared>>)
    %dma_wait3A_19 = arith.constant 1 : i32
    %dma_wait3A_20 = arith.constant 80 : i32
    %dma_wait3A_21 = arith.constant 0 : i32
    %dma_wait3A_22 = tpu.memref_slice %arg8[%dma_wait3A_20, %dma_wait3A_21] : memref<800x32xf32, #tpu.memory_space<vmem>> -> memref<80x32xf32, #tpu.memory_space<vmem>>
    %dma_wait3A_23 = arith.constant 0 : i32
    %dma_wait3A_24 = tpu.memref_slice %arg7[%dma_wait3A_19, %dma_wait3A_23] : memref<10x80xi32, #tpu.memory_space<vmem>> -> memref<1x80xi32, #tpu.memory_space<vmem>>
    %dma_wait3A_25 = tpu.memref_squeeze %dma_wait3A_24 : memref<1x80xi32, #tpu.memory_space<vmem>> -> memref<80xi32, #tpu.memory_space<vmem>>
    %dma_wait3A_26 = arith.constant 0 : i32
    %dma_wait3A_27 = arith.constant 0 : i32
    %dma_wait3A_28 = tpu.memref_slice %arg9[%dma_wait3A_26, %dma_wait3A_27] : memref<50008x32xf32, #tpu.memory_space<vmem_shared>> -> memref<50008x32xf32, #tpu.memory_space<vmem_shared>>
    tpu.wait_indirect_dma semaphore(%arg12 : memref<!tpu.dma_semaphore, #tpu.memory_space<semaphore_mem>>) src(%dma_wait3A_22 : memref<80x32xf32, #tpu.memory_space<vmem>>) dst(%dma_wait3A_28 : memref<50008x32xf32, #tpu.memory_space<vmem_shared>>)
    %dma_wait3A_29 = arith.constant 2 : i32
    %dma_wait3A_30 = arith.constant 160 : i32
    %dma_wait3A_31 = arith.constant 0 : i32
    %dma_wait3A_32 = tpu.memref_slice %arg8[%dma_wait3A_30, %dma_wait3A_31] : memref<800x32xf32, #tpu.memory_space<vmem>> -> memref<80x32xf32, #tpu.memory_space<vmem>>
    %dma_wait3A_33 = arith.constant 0 : i32
    %dma_wait3A_34 = tpu.memref_slice %arg7[%dma_wait3A_29, %dma_wait3A_33] : memref<10x80xi32, #tpu.memory_space<vmem>> -> memref<1x80xi32, #tpu.memory_space<vmem>>
    %dma_wait3A_35 = tpu.memref_squeeze %dma_wait3A_34 : memref<1x80xi32, #tpu.memory_space<vmem>> -> memref<80xi32, #tpu.memory_space<vmem>>
    %dma_wait3A_36 = arith.constant 0 : i32
    %dma_wait3A_37 = arith.constant 0 : i32
    %dma_wait3A_38 = tpu.memref_slice %arg9[%dma_wait3A_36, %dma_wait3A_37] : memref<50008x32xf32, #tpu.memory_space<vmem_shared>> -> memref<50008x32xf32, #tpu.memory_space<vmem_shared>>
    tpu.wait_indirect_dma semaphore(%arg12 : memref<!tpu.dma_semaphore, #tpu.memory_space<semaphore_mem>>) src(%dma_wait3A_32 : memref<80x32xf32, #tpu.memory_space<vmem>>) dst(%dma_wait3A_38 : memref<50008x32xf32, #tpu.memory_space<vmem_shared>>)
    %dma_wait3A_39 = arith.constant 3 : i32
    %dma_wait3A_40 = arith.constant 240 : i32
    %dma_wait3A_41 = arith.constant 0 : i32
    %dma_wait3A_42 = tpu.memref_slice %arg8[%dma_wait3A_40, %dma_wait3A_41] : memref<800x32xf32, #tpu.memory_space<vmem>> -> memref<80x32xf32, #tpu.memory_space<vmem>>
    %dma_wait3A_43 = arith.constant 0 : i32
    %dma_wait3A_44 = tpu.memref_slice %arg7[%dma_wait3A_39, %dma_wait3A_43] : memref<10x80xi32, #tpu.memory_space<vmem>> -> memref<1x80xi32, #tpu.memory_space<vmem>>
    %dma_wait3A_45 = tpu.memref_squeeze %dma_wait3A_44 : memref<1x80xi32, #tpu.memory_space<vmem>> -> memref<80xi32, #tpu.memory_space<vmem>>
    %dma_wait3A_46 = arith.constant 0 : i32
    %dma_wait3A_47 = arith.constant 0 : i32
    %dma_wait3A_48 = tpu.memref_slice %arg9[%dma_wait3A_46, %dma_wait3A_47] : memref<50008x32xf32, #tpu.memory_space<vmem_shared>> -> memref<50008x32xf32, #tpu.memory_space<vmem_shared>>
    tpu.wait_indirect_dma semaphore(%arg12 : memref<!tpu.dma_semaphore, #tpu.memory_space<semaphore_mem>>) src(%dma_wait3A_42 : memref<80x32xf32, #tpu.memory_space<vmem>>) dst(%dma_wait3A_48 : memref<50008x32xf32, #tpu.memory_space<vmem_shared>>)
    %dma_wait3A_49 = arith.constant 4 : i32
    %dma_wait3A_50 = arith.constant 320 : i32
    %dma_wait3A_51 = arith.constant 0 : i32
    %dma_wait3A_52 = tpu.memref_slice %arg8[%dma_wait3A_50, %dma_wait3A_51] : memref<800x32xf32, #tpu.memory_space<vmem>> -> memref<80x32xf32, #tpu.memory_space<vmem>>
    %dma_wait3A_53 = arith.constant 0 : i32
    %dma_wait3A_54 = tpu.memref_slice %arg7[%dma_wait3A_49, %dma_wait3A_53] : memref<10x80xi32, #tpu.memory_space<vmem>> -> memref<1x80xi32, #tpu.memory_space<vmem>>
    %dma_wait3A_55 = tpu.memref_squeeze %dma_wait3A_54 : memref<1x80xi32, #tpu.memory_space<vmem>> -> memref<80xi32, #tpu.memory_space<vmem>>
    %dma_wait3A_56 = arith.constant 0 : i32
    %dma_wait3A_57 = arith.constant 0 : i32
    %dma_wait3A_58 = tpu.memref_slice %arg9[%dma_wait3A_56, %dma_wait3A_57] : memref<50008x32xf32, #tpu.memory_space<vmem_shared>> -> memref<50008x32xf32, #tpu.memory_space<vmem_shared>>
    tpu.wait_indirect_dma semaphore(%arg12 : memref<!tpu.dma_semaphore, #tpu.memory_space<semaphore_mem>>) src(%dma_wait3A_52 : memref<80x32xf32, #tpu.memory_space<vmem>>) dst(%dma_wait3A_58 : memref<50008x32xf32, #tpu.memory_space<vmem_shared>>)
    %dma_wait3A_59 = arith.constant 5 : i32
    %dma_wait3A_60 = arith.constant 400 : i32
    %dma_wait3A_61 = arith.constant 0 : i32
    %dma_wait3A_62 = tpu.memref_slice %arg8[%dma_wait3A_60, %dma_wait3A_61] : memref<800x32xf32, #tpu.memory_space<vmem>> -> memref<80x32xf32, #tpu.memory_space<vmem>>
    %dma_wait3A_63 = arith.constant 0 : i32
    %dma_wait3A_64 = tpu.memref_slice %arg7[%dma_wait3A_59, %dma_wait3A_63] : memref<10x80xi32, #tpu.memory_space<vmem>> -> memref<1x80xi32, #tpu.memory_space<vmem>>
    %dma_wait3A_65 = tpu.memref_squeeze %dma_wait3A_64 : memref<1x80xi32, #tpu.memory_space<vmem>> -> memref<80xi32, #tpu.memory_space<vmem>>
    %dma_wait3A_66 = arith.constant 0 : i32
    %dma_wait3A_67 = arith.constant 0 : i32
    %dma_wait3A_68 = tpu.memref_slice %arg9[%dma_wait3A_66, %dma_wait3A_67] : memref<50008x32xf32, #tpu.memory_space<vmem_shared>> -> memref<50008x32xf32, #tpu.memory_space<vmem_shared>>
    tpu.wait_indirect_dma semaphore(%arg12 : memref<!tpu.dma_semaphore, #tpu.memory_space<semaphore_mem>>) src(%dma_wait3A_62 : memref<80x32xf32, #tpu.memory_space<vmem>>) dst(%dma_wait3A_68 : memref<50008x32xf32, #tpu.memory_space<vmem_shared>>)
    %dma_wait3A_69 = arith.constant 6 : i32
    %dma_wait3A_70 = arith.constant 480 : i32
    %dma_wait3A_71 = arith.constant 0 : i32
    %dma_wait3A_72 = tpu.memref_slice %arg8[%dma_wait3A_70, %dma_wait3A_71] : memref<800x32xf32, #tpu.memory_space<vmem>> -> memref<80x32xf32, #tpu.memory_space<vmem>>
    %dma_wait3A_73 = arith.constant 0 : i32
    %dma_wait3A_74 = tpu.memref_slice %arg7[%dma_wait3A_69, %dma_wait3A_73] : memref<10x80xi32, #tpu.memory_space<vmem>> -> memref<1x80xi32, #tpu.memory_space<vmem>>
    %dma_wait3A_75 = tpu.memref_squeeze %dma_wait3A_74 : memref<1x80xi32, #tpu.memory_space<vmem>> -> memref<80xi32, #tpu.memory_space<vmem>>
    %dma_wait3A_76 = arith.constant 0 : i32
    %dma_wait3A_77 = arith.constant 0 : i32
    %dma_wait3A_78 = tpu.memref_slice %arg9[%dma_wait3A_76, %dma_wait3A_77] : memref<50008x32xf32, #tpu.memory_space<vmem_shared>> -> memref<50008x32xf32, #tpu.memory_space<vmem_shared>>
    tpu.wait_indirect_dma semaphore(%arg12 : memref<!tpu.dma_semaphore, #tpu.memory_space<semaphore_mem>>) src(%dma_wait3A_72 : memref<80x32xf32, #tpu.memory_space<vmem>>) dst(%dma_wait3A_78 : memref<50008x32xf32, #tpu.memory_space<vmem_shared>>)
    %dma_wait3A_79 = arith.constant 7 : i32
    %dma_wait3A_80 = arith.constant 560 : i32
    %dma_wait3A_81 = arith.constant 0 : i32
    %dma_wait3A_82 = tpu.memref_slice %arg8[%dma_wait3A_80, %dma_wait3A_81] : memref<800x32xf32, #tpu.memory_space<vmem>> -> memref<80x32xf32, #tpu.memory_space<vmem>>
    %dma_wait3A_83 = arith.constant 0 : i32
    %dma_wait3A_84 = tpu.memref_slice %arg7[%dma_wait3A_79, %dma_wait3A_83] : memref<10x80xi32, #tpu.memory_space<vmem>> -> memref<1x80xi32, #tpu.memory_space<vmem>>
    %dma_wait3A_85 = tpu.memref_squeeze %dma_wait3A_84 : memref<1x80xi32, #tpu.memory_space<vmem>> -> memref<80xi32, #tpu.memory_space<vmem>>
    %dma_wait3A_86 = arith.constant 0 : i32
    %dma_wait3A_87 = arith.constant 0 : i32
    %dma_wait3A_88 = tpu.memref_slice %arg9[%dma_wait3A_86, %dma_wait3A_87] : memref<50008x32xf32, #tpu.memory_space<vmem_shared>> -> memref<50008x32xf32, #tpu.memory_space<vmem_shared>>
    tpu.wait_indirect_dma semaphore(%arg12 : memref<!tpu.dma_semaphore, #tpu.memory_space<semaphore_mem>>) src(%dma_wait3A_82 : memref<80x32xf32, #tpu.memory_space<vmem>>) dst(%dma_wait3A_88 : memref<50008x32xf32, #tpu.memory_space<vmem_shared>>)
    %dma_wait3A_89 = arith.constant 8 : i32
    %dma_wait3A_90 = arith.constant 640 : i32
    %dma_wait3A_91 = arith.constant 0 : i32
    %dma_wait3A_92 = tpu.memref_slice %arg8[%dma_wait3A_90, %dma_wait3A_91] : memref<800x32xf32, #tpu.memory_space<vmem>> -> memref<80x32xf32, #tpu.memory_space<vmem>>
    %dma_wait3A_93 = arith.constant 0 : i32
    %dma_wait3A_94 = tpu.memref_slice %arg7[%dma_wait3A_89, %dma_wait3A_93] : memref<10x80xi32, #tpu.memory_space<vmem>> -> memref<1x80xi32, #tpu.memory_space<vmem>>
    %dma_wait3A_95 = tpu.memref_squeeze %dma_wait3A_94 : memref<1x80xi32, #tpu.memory_space<vmem>> -> memref<80xi32, #tpu.memory_space<vmem>>
    %dma_wait3A_96 = arith.constant 0 : i32
    %dma_wait3A_97 = arith.constant 0 : i32
    %dma_wait3A_98 = tpu.memref_slice %arg9[%dma_wait3A_96, %dma_wait3A_97] : memref<50008x32xf32, #tpu.memory_space<vmem_shared>> -> memref<50008x32xf32, #tpu.memory_space<vmem_shared>>
    tpu.wait_indirect_dma semaphore(%arg12 : memref<!tpu.dma_semaphore, #tpu.memory_space<semaphore_mem>>) src(%dma_wait3A_92 : memref<80x32xf32, #tpu.memory_space<vmem>>) dst(%dma_wait3A_98 : memref<50008x32xf32, #tpu.memory_space<vmem_shared>>)
    %dma_wait3A_99 = arith.constant 9 : i32
    %dma_wait3A_100 = arith.constant 720 : i32
    %dma_wait3A_101 = arith.constant 0 : i32
    %dma_wait3A_102 = tpu.memref_slice %arg8[%dma_wait3A_100, %dma_wait3A_101] : memref<800x32xf32, #tpu.memory_space<vmem>> -> memref<80x32xf32, #tpu.memory_space<vmem>>
    %dma_wait3A_103 = arith.constant 0 : i32
    %dma_wait3A_104 = tpu.memref_slice %arg7[%dma_wait3A_99, %dma_wait3A_103] : memref<10x80xi32, #tpu.memory_space<vmem>> -> memref<1x80xi32, #tpu.memory_space<vmem>>
    %dma_wait3A_105 = tpu.memref_squeeze %dma_wait3A_104 : memref<1x80xi32, #tpu.memory_space<vmem>> -> memref<80xi32, #tpu.memory_space<vmem>>
    %dma_wait3A_106 = arith.constant 0 : i32
    %dma_wait3A_107 = arith.constant 0 : i32
    %dma_wait3A_108 = tpu.memref_slice %arg9[%dma_wait3A_106, %dma_wait3A_107] : memref<50008x32xf32, #tpu.memory_space<vmem_shared>> -> memref<50008x32xf32, #tpu.memory_space<vmem_shared>>
    tpu.wait_indirect_dma semaphore(%arg12 : memref<!tpu.dma_semaphore, #tpu.memory_space<semaphore_mem>>) src(%dma_wait3A_102 : memref<80x32xf32, #tpu.memory_space<vmem>>) dst(%dma_wait3A_108 : memref<50008x32xf32, #tpu.memory_space<vmem_shared>>)
    %barrier3A_109 = arith.constant 0 : index
    tpu.barrier barrier_id(%barrier3A_109)
    %mul3A_110 = arith.constant 3125 : i32
    %mul3A_111 = arith.muli %arg1, %mul3A_110 : i32
    %mul3A_112 = arith.constant 3125 : i32
    %mul3A_113 = arith.muli %arg1, %mul3A_112 : i32
    %add3A_114 = arith.addi %mul3A_0, %mul3A_113 : i32
    "tpu.region"() ({
      %run_scoped3A = tpu.sem_alloc : memref<!tpu.dma_semaphore, #tpu.memory_space<semaphore_mem>>
      %dma_start3A = arith.constant 0 : i32
      %dma_start3A_115 = tpu.memref_slice %arg5[%add3A_114, %dma_start3A] : memref<100000x32xf32, #tpu.memory_space<hbm>> -> memref<3125x32xf32, #tpu.memory_space<hbm>>
      %dma_start3A_116 = arith.constant 0 : i32
      %dma_start3A_117 = tpu.memref_slice %arg9[%mul3A_111, %dma_start3A_116] : memref<50008x32xf32, #tpu.memory_space<vmem_shared>> -> memref<3125x32xf32, #tpu.memory_space<vmem_shared>>
      tpu.enqueue_dma source(%dma_start3A_117 : memref<3125x32xf32, #tpu.memory_space<vmem_shared>>) target(%dma_start3A_115 : memref<3125x32xf32, #tpu.memory_space<hbm>>) target_semaphore(%run_scoped3A : memref<!tpu.dma_semaphore, #tpu.memory_space<semaphore_mem>>)
      %dma_wait3A_118 = arith.constant 0 : i32
      %dma_wait3A_119 = tpu.memref_slice %arg5[%add3A_114, %dma_wait3A_118] : memref<100000x32xf32, #tpu.memory_space<hbm>> -> memref<3125x32xf32, #tpu.memory_space<hbm>>
      %dma_wait3A_120 = arith.constant 0 : i32
      %dma_wait3A_121 = tpu.memref_slice %arg9[%mul3A_111, %dma_wait3A_120] : memref<50008x32xf32, #tpu.memory_space<vmem_shared>> -> memref<3125x32xf32, #tpu.memory_space<vmem_shared>>
      tpu.wait_dma2 semaphore(%run_scoped3A : memref<!tpu.dma_semaphore, #tpu.memory_space<semaphore_mem>>) src(%dma_wait3A_121 : memref<3125x32xf32, #tpu.memory_space<vmem_shared>>) dst(%dma_wait3A_119 : memref<3125x32xf32, #tpu.memory_space<hbm>>)
      tpu.yield
    }) : () -> ()
    return
  }
}

module attributes {stable_mosaic.version = 14 : i64} {
  func.func @_prologue_body(%arg0: i32, %arg1: memref<2000x32xf32, #tpu.memory_space<vmem>>, %arg2: memref<2000x8xf32, #tpu.memory_space<vmem>>, %arg3: memref<2000x8xf32, #tpu.memory_space<vmem>>, %arg4: memref<2000x2xf32, #tpu.memory_space<vmem>>, %arg5: memref<2000x1xf32, #tpu.memory_space<vmem>>, %arg6: memref<2000x64xf32, #tpu.memory_space<vmem>>, %arg7: memref<2000x48xf32, #tpu.memory_space<vmem>>, %arg8: memref<2000x16xf32, #tpu.memory_space<vmem>>, %arg9: memref<2000x1xf32, #tpu.memory_space<vmem>>, %arg10: memref<2000x1xf32, #tpu.memory_space<vmem>>) attributes {dimension_semantics = [#tpu.dimension_semantics<arbitrary>], iteration_bounds = array<i64: 50>, scalar_prefetch = 0 : i64, scratch_operands = 0 : i64, tpu.core_type = #tpu.core_type<tc>, window_params = [{transform_indices = @transform_0, window_bounds = array<i64: 2000, 32>}, {transform_indices = @transform_1, window_bounds = array<i64: 2000, 8>}, {transform_indices = @transform_2, window_bounds = array<i64: 2000, 8>}, {transform_indices = @transform_3, window_bounds = array<i64: 2000, 2>}, {transform_indices = @transform_4, window_bounds = array<i64: 2000, 1>}, {transform_indices = @transform_5, window_bounds = array<i64: 2000, 64>}, {transform_indices = @transform_6, window_bounds = array<i64: 2000, 48>}, {transform_indices = @transform_7, window_bounds = array<i64: 2000, 16>}, {transform_indices = @transform_8, window_bounds = array<i64: 2000, 1>}, {transform_indices = @transform_9, window_bounds = array<i64: 2000, 1>}]} {
    %iota3A = tpu.iota {dimensions = array<i32: 0>} : vector<1x1xi32>
    %iota3A_0 = tpu.iota {dimensions = array<i32: 1>} : vector<1x1xi32>
    %add3A = arith.constant 0 : i32
    %add3A_1 = vector.broadcast %add3A : i32 to vector<1x1xi32>
    %add3A_2 = arith.addi %iota3A, %add3A_1 : vector<1x1xi32>
    %eq3A = arith.cmpi eq, %add3A_2, %iota3A_0 : vector<1x1xi32>
    %convert_element_type3A = arith.extui %eq3A : vector<1x1xi1> to vector<1x1xi32>
    %convert_element_type3A_3 = arith.sitofp %convert_element_type3A : vector<1x1xi32> to vector<1x1xf32>
    %get3A = arith.constant 0 : index
    %get3A_4 = arith.constant 0 : index
    %get3A_5 = vector.load %arg5[%get3A, %get3A_4] : memref<2000x1xf32, #tpu.memory_space<vmem>>, vector<2000x1xf32>
    %dot_general3A = arith.constant dense<0.000000e+00> : vector<1x2000xf32>
    %dot_general3A_6 = tpu.matmul %convert_element_type3A_3, %get3A_5, %dot_general3A {dimension_numbers = #tpu.dot_dimension_numbers<[1], [1], [0], [0], [0, 0, 1, 0], [], []>, transpose_lhs_hint = false} : vector<1x1xf32>, vector<2000x1xf32>, vector<1x2000xf32> -> vector<1x2000xf32>
    %cos3A = math.cos %dot_general3A_6 : vector<1x2000xf32>
    %sin3A = math.sin %dot_general3A_6 : vector<1x2000xf32>
    %concatenate3A = tpu.concatenate %cos3A, %sin3A in 0 : vector<1x2000xf32>, vector<1x2000xf32> -> vector<2x2000xf32>
    %iota3A_7 = tpu.iota {dimensions = array<i32: 0>} : vector<2x2xi32>
    %iota3A_8 = tpu.iota {dimensions = array<i32: 1>} : vector<2x2xi32>
    %add3A_9 = arith.constant 0 : i32
    %add3A_10 = vector.broadcast %add3A_9 : i32 to vector<2x2xi32>
    %add3A_11 = arith.addi %iota3A_7, %add3A_10 : vector<2x2xi32>
    %eq3A_12 = arith.cmpi eq, %add3A_11, %iota3A_8 : vector<2x2xi32>
    %convert_element_type3A_13 = arith.extui %eq3A_12 : vector<2x2xi1> to vector<2x2xi32>
    %convert_element_type3A_14 = arith.sitofp %convert_element_type3A_13 : vector<2x2xi32> to vector<2x2xf32>
    %dot_general3A_15 = arith.constant dense<0.000000e+00> : vector<2000x2xf32>
    %dot_general3A_16 = tpu.matmul %concatenate3A, %convert_element_type3A_14, %dot_general3A_15 {dimension_numbers = #tpu.dot_dimension_numbers<[0], [0], [1], [1], [0, 1, 1, 1], [], []>, transpose_lhs_hint = false} : vector<2x2000xf32>, vector<2x2xf32>, vector<2000x2xf32> -> vector<2000x2xf32>
    %slice3A = vector.extract_strided_slice %dot_general3A_16 {offsets = [0, 0], sizes = [2000, 1], strides = [1, 1]} : vector<2000x2xf32> to vector<2000x1xf32>
    %slice3A_17 = vector.extract_strided_slice %dot_general3A_16 {offsets = [0, 1], sizes = [2000, 1], strides = [1, 1]} : vector<2000x2xf32> to vector<2000x1xf32>
    %get3A_18 = arith.constant 0 : index
    %get3A_19 = arith.constant 0 : index
    %get3A_20 = vector.load %arg2[%get3A_18, %get3A_19] : memref<2000x8xf32, #tpu.memory_space<vmem>>, vector<2000x8xf32>
    %get3A_21 = arith.constant 0 : index
    %get3A_22 = arith.constant 0 : index
    %get3A_23 = vector.load %arg3[%get3A_21, %get3A_22] : memref<2000x8xf32, #tpu.memory_space<vmem>>, vector<2000x8xf32>
    %mul3A = vector.broadcast %slice3A : vector<2000x1xf32> to vector<2000x8xf32>
    %mul3A_24 = arith.mulf %get3A_20, %mul3A : vector<2000x8xf32>
    %mul3A_25 = vector.broadcast %slice3A_17 : vector<2000x1xf32> to vector<2000x8xf32>
    %mul3A_26 = arith.mulf %get3A_23, %mul3A_25 : vector<2000x8xf32>
    %sub3A = arith.subf %mul3A_24, %mul3A_26 : vector<2000x8xf32>
    %mul3A_27 = vector.broadcast %slice3A_17 : vector<2000x1xf32> to vector<2000x8xf32>
    %mul3A_28 = arith.mulf %get3A_20, %mul3A_27 : vector<2000x8xf32>
    %mul3A_29 = vector.broadcast %slice3A : vector<2000x1xf32> to vector<2000x8xf32>
    %mul3A_30 = arith.mulf %get3A_23, %mul3A_29 : vector<2000x8xf32>
    %add3A_31 = arith.addf %mul3A_28, %mul3A_30 : vector<2000x8xf32>
    %mul3A_32 = arith.mulf %get3A_20, %get3A_20 : vector<2000x8xf32>
    %mul3A_33 = arith.mulf %get3A_23, %get3A_23 : vector<2000x8xf32>
    %add3A_34 = arith.addf %mul3A_32, %mul3A_33 : vector<2000x8xf32>
    %sqrt3A = math.sqrt %add3A_34 : vector<2000x8xf32>
    %get3A_35 = arith.constant 0 : index
    %get3A_36 = arith.constant 0 : index
    %get3A_37 = vector.load %arg1[%get3A_35, %get3A_36] : memref<2000x32xf32, #tpu.memory_space<vmem>>, vector<2000x32xf32>
    %get3A_38 = arith.constant 0 : index
    %get3A_39 = arith.constant 0 : index
    %get3A_40 = vector.load %arg4[%get3A_38, %get3A_39] : memref<2000x2xf32, #tpu.memory_space<vmem>>, vector<2000x2xf32>
    %broadcast_in_dim3A = arith.constant 0.000000e+00 : f32
    %broadcast_in_dim3A_41 = vector.broadcast %broadcast_in_dim3A : f32 to vector<2000x4xf32>
    %broadcast_in_dim3A_42 = arith.constant 0.000000e+00 : f32
    %broadcast_in_dim3A_43 = vector.broadcast %broadcast_in_dim3A_42 : f32 to vector<2000x12xf32>
    %concatenate3A_44 = tpu.concatenate %get3A_37, %sub3A, %add3A_31, %sqrt3A, %get3A_40, %slice3A, %slice3A_17, %broadcast_in_dim3A_41 in 1 : vector<2000x32xf32>, vector<2000x8xf32>, vector<2000x8xf32>, vector<2000x8xf32>, vector<2000x2xf32>, vector<2000x1xf32>, vector<2000x1xf32>, vector<2000x4xf32> -> vector<2000x64xf32>
    %swap3A = arith.constant 0 : index
    %swap3A_45 = arith.constant 0 : index
    %swap3A_46 = vector.load %arg6[%swap3A, %swap3A_45] : memref<2000x64xf32, #tpu.memory_space<vmem>>, vector<2000x64xf32>
    tpu.vector_store %arg6[%swap3A, %swap3A_45], %concatenate3A_44 {strides = array<i32>} : memref<2000x64xf32, #tpu.memory_space<vmem>>, vector<2000x64xf32>,
    %concatenate3A_47 = tpu.concatenate %get3A_37, %get3A_40, %slice3A, %slice3A_17, %broadcast_in_dim3A_43 in 1 : vector<2000x32xf32>, vector<2000x2xf32>, vector<2000x1xf32>, vector<2000x1xf32>, vector<2000x12xf32> -> vector<2000x48xf32>
    %swap3A_48 = arith.constant 0 : index
    %swap3A_49 = arith.constant 0 : index
    %swap3A_50 = vector.load %arg7[%swap3A_48, %swap3A_49] : memref<2000x48xf32, #tpu.memory_space<vmem>>, vector<2000x48xf32>
    tpu.vector_store %arg7[%swap3A_48, %swap3A_49], %concatenate3A_47 {strides = array<i32>} : memref<2000x48xf32, #tpu.memory_space<vmem>>, vector<2000x48xf32>,
    %concatenate3A_51 = tpu.concatenate %sub3A, %add3A_31 in 1 : vector<2000x8xf32>, vector<2000x8xf32> -> vector<2000x16xf32>
    %swap3A_52 = arith.constant 0 : index
    %swap3A_53 = arith.constant 0 : index
    %swap3A_54 = vector.load %arg8[%swap3A_52, %swap3A_53] : memref<2000x16xf32, #tpu.memory_space<vmem>>, vector<2000x16xf32>
    tpu.vector_store %arg8[%swap3A_52, %swap3A_53], %concatenate3A_51 {strides = array<i32>} : memref<2000x16xf32, #tpu.memory_space<vmem>>, vector<2000x16xf32>,
    %swap3A_55 = arith.constant 0 : index
    %swap3A_56 = arith.constant 0 : index
    %swap3A_57 = vector.load %arg9[%swap3A_55, %swap3A_56] : memref<2000x1xf32, #tpu.memory_space<vmem>>, vector<2000x1xf32>
    tpu.vector_store %arg9[%swap3A_55, %swap3A_56], %slice3A {strides = array<i32>} : memref<2000x1xf32, #tpu.memory_space<vmem>>, vector<2000x1xf32>,
    %swap3A_58 = arith.constant 0 : index
    %swap3A_59 = arith.constant 0 : index
    %swap3A_60 = vector.load %arg10[%swap3A_58, %swap3A_59] : memref<2000x1xf32, #tpu.memory_space<vmem>>, vector<2000x1xf32>
    tpu.vector_store %arg10[%swap3A_58, %swap3A_59], %slice3A_17 {strides = array<i32>} : memref<2000x1xf32, #tpu.memory_space<vmem>>, vector<2000x1xf32>,
    return
  }
  func.func @transform_0(%arg0: i32) -> (i32, i32) {
    %c0_i32 = arith.constant 0 : i32
    %c0_i32_0 = arith.constant 0 : i32
    return %arg0, %c0_i32 : i32, i32
  }
  func.func @transform_1(%arg0: i32) -> (i32, i32) {
    %c0_i32 = arith.constant 0 : i32
    %c0_i32_0 = arith.constant 0 : i32
    return %arg0, %c0_i32 : i32, i32
  }
  func.func @transform_2(%arg0: i32) -> (i32, i32) {
    %c0_i32 = arith.constant 0 : i32
    %c0_i32_0 = arith.constant 0 : i32
    return %arg0, %c0_i32 : i32, i32
  }
  func.func @transform_3(%arg0: i32) -> (i32, i32) {
    %c0_i32 = arith.constant 0 : i32
    %c0_i32_0 = arith.constant 0 : i32
    return %arg0, %c0_i32 : i32, i32
  }
  func.func @transform_4(%arg0: i32) -> (i32, i32) {
    %c0_i32 = arith.constant 0 : i32
    %c0_i32_0 = arith.constant 0 : i32
    return %arg0, %c0_i32 : i32, i32
  }
  func.func @transform_5(%arg0: i32) -> (i32, i32) {
    %c0_i32 = arith.constant 0 : i32
    %c0_i32_0 = arith.constant 0 : i32
    return %arg0, %c0_i32 : i32, i32
  }
  func.func @transform_6(%arg0: i32) -> (i32, i32) {
    %c0_i32 = arith.constant 0 : i32
    %c0_i32_0 = arith.constant 0 : i32
    return %arg0, %c0_i32 : i32, i32
  }
  func.func @transform_7(%arg0: i32) -> (i32, i32) {
    %c0_i32 = arith.constant 0 : i32
    %c0_i32_0 = arith.constant 0 : i32
    return %arg0, %c0_i32 : i32, i32
  }
  func.func @transform_8(%arg0: i32) -> (i32, i32) {
    %c0_i32 = arith.constant 0 : i32
    %c0_i32_0 = arith.constant 0 : i32
    return %arg0, %c0_i32 : i32, i32
  }
  func.func @transform_9(%arg0: i32) -> (i32, i32) {
    %c0_i32 = arith.constant 0 : i32
    %c0_i32_0 = arith.constant 0 : i32
    return %arg0, %c0_i32 : i32, i32
  }
}

module attributes {stable_mosaic.version = 14 : i64} {
  func.func @_tc_body(%arg0: i32, %arg1: memref<4000x64xf32, #tpu.memory_space<vmem>>, %arg2: memref<4000x48xf32, #tpu.memory_space<vmem>>, %arg3: memref<128x192xf32, #tpu.memory_space<vmem>>, %arg4: memref<1x192xf32, #tpu.memory_space<vmem>>, %arg5: memref<192x192xf32, #tpu.memory_space<vmem>>, %arg6: memref<1x192xf32, #tpu.memory_space<vmem>>, %arg7: memref<192x64xf32, #tpu.memory_space<vmem>>, %arg8: memref<1x64xf32, #tpu.memory_space<vmem>>, %arg9: memref<4000x32xf32, #tpu.memory_space<vmem>>, %arg10: memref<4000x16xf32, #tpu.memory_space<vmem>>) attributes {dimension_semantics = [#tpu.dimension_semantics<arbitrary>], iteration_bounds = array<i64: 400>, scalar_prefetch = 0 : i64, scratch_operands = 0 : i64, tpu.core_type = #tpu.core_type<tc>, window_params = [{transform_indices = @transform_0, window_bounds = array<i64: 4000, 64>}, {transform_indices = @transform_1, window_bounds = array<i64: 4000, 48>}, {pipeline_mode = #tpu.pipeline_mode<synchronous>, transform_indices = @transform_2, window_bounds = array<i64: 128, 192>}, {pipeline_mode = #tpu.pipeline_mode<synchronous>, transform_indices = @transform_3, window_bounds = array<i64: 1, 192>}, {pipeline_mode = #tpu.pipeline_mode<synchronous>, transform_indices = @transform_4, window_bounds = array<i64: 192, 192>}, {pipeline_mode = #tpu.pipeline_mode<synchronous>, transform_indices = @transform_5, window_bounds = array<i64: 1, 192>}, {pipeline_mode = #tpu.pipeline_mode<synchronous>, transform_indices = @transform_6, window_bounds = array<i64: 192, 64>}, {pipeline_mode = #tpu.pipeline_mode<synchronous>, transform_indices = @transform_7, window_bounds = array<i64: 1, 64>}, {transform_indices = @transform_8, window_bounds = array<i64: 4000, 32>}, {transform_indices = @transform_9, window_bounds = array<i64: 4000, 16>}]} {
    %get3A = arith.constant 0 : index
    %get3A_0 = arith.constant 0 : index
    %get3A_1 = vector.load %arg1[%get3A, %get3A_0] : memref<4000x64xf32, #tpu.memory_space<vmem>>, vector<4000x64xf32>
    %get3A_2 = arith.constant 0 : index
    %get3A_3 = arith.constant 0 : index
    %get3A_4 = vector.load %arg2[%get3A_2, %get3A_3] : memref<4000x48xf32, #tpu.memory_space<vmem>>, vector<4000x48xf32>
    %get3A_5 = arith.constant 0 : index
    %get3A_6 = arith.constant 0 : index
    %get3A_7 = vector.load %arg3[%get3A_5, %get3A_6] : memref<128x192xf32, #tpu.memory_space<vmem>>, vector<128x192xf32>
    %get3A_8 = arith.constant 0 : index
    %get3A_9 = arith.constant 0 : index
    %get3A_10 = vector.load %arg4[%get3A_8, %get3A_9] : memref<1x192xf32, #tpu.memory_space<vmem>>, vector<1x192xf32>
    %get3A_11 = arith.constant 0 : index
    %get3A_12 = arith.constant 0 : index
    %get3A_13 = vector.load %arg5[%get3A_11, %get3A_12] : memref<192x192xf32, #tpu.memory_space<vmem>>, vector<192x192xf32>
    %get3A_14 = arith.constant 0 : index
    %get3A_15 = arith.constant 0 : index
    %get3A_16 = vector.load %arg6[%get3A_14, %get3A_15] : memref<1x192xf32, #tpu.memory_space<vmem>>, vector<1x192xf32>
    %get3A_17 = arith.constant 0 : index
    %get3A_18 = arith.constant 0 : index
    %get3A_19 = vector.load %arg7[%get3A_17, %get3A_18] : memref<192x64xf32, #tpu.memory_space<vmem>>, vector<192x64xf32>
    %get3A_20 = arith.constant 0 : index
    %get3A_21 = arith.constant 0 : index
    %get3A_22 = vector.load %arg8[%get3A_20, %get3A_21] : memref<1x64xf32, #tpu.memory_space<vmem>>, vector<1x64xf32>
    %slice3A = vector.extract_strided_slice %get3A_1 {offsets = [0, 0], sizes = [4000, 32], strides = [1, 1]} : vector<4000x64xf32> to vector<4000x32xf32>
    %slice3A_23 = vector.extract_strided_slice %get3A_4 {offsets = [0, 0], sizes = [4000, 32], strides = [1, 1]} : vector<4000x48xf32> to vector<4000x32xf32>
    %slice3A_24 = vector.extract_strided_slice %get3A_1 {offsets = [0, 48], sizes = [4000, 8], strides = [1, 1]} : vector<4000x64xf32> to vector<4000x8xf32>
    %slice3A_25 = vector.extract_strided_slice %get3A_1 {offsets = [0, 32], sizes = [4000, 8], strides = [1, 1]} : vector<4000x64xf32> to vector<4000x8xf32>
    %slice3A_26 = vector.extract_strided_slice %get3A_1 {offsets = [0, 40], sizes = [4000, 8], strides = [1, 1]} : vector<4000x64xf32> to vector<4000x8xf32>
    %slice3A_27 = vector.extract_strided_slice %get3A_1 {offsets = [0, 56], sizes = [4000, 4], strides = [1, 1]} : vector<4000x64xf32> to vector<4000x4xf32>
    %iota3A = tpu.iota {dimensions = array<i32: 0>} : vector<4x4xi32>
    %iota3A_28 = tpu.iota {dimensions = array<i32: 1>} : vector<4x4xi32>
    %add3A = arith.constant 0 : i32
    %add3A_29 = vector.broadcast %add3A : i32 to vector<4x4xi32>
    %add3A_30 = arith.addi %iota3A, %add3A_29 : vector<4x4xi32>
    %eq3A = arith.cmpi eq, %add3A_30, %iota3A_28 : vector<4x4xi32>
    %convert_element_type3A = arith.extui %eq3A : vector<4x4xi1> to vector<4x4xi32>
    %convert_element_type3A_31 = arith.sitofp %convert_element_type3A : vector<4x4xi32> to vector<4x4xf32>
    %dot_general3A = arith.constant dense<0.000000e+00> : vector<4x4000xf32>
    %dot_general3A_32 = tpu.matmul %convert_element_type3A_31, %slice3A_27, %dot_general3A {dimension_numbers = #tpu.dot_dimension_numbers<[1], [1], [0], [0], [0, 0, 1, 0], [], []>, transpose_lhs_hint = false} : vector<4x4xf32>, vector<4000x4xf32>, vector<4x4000xf32> -> vector<4x4000xf32>
    %slice3A_33 = vector.extract_strided_slice %get3A_4 {offsets = [0, 32], sizes = [4000, 4], strides = [1, 1]} : vector<4000x48xf32> to vector<4000x4xf32>
    %iota3A_34 = tpu.iota {dimensions = array<i32: 0>} : vector<4x4xi32>
    %iota3A_35 = tpu.iota {dimensions = array<i32: 1>} : vector<4x4xi32>
    %add3A_36 = arith.constant 0 : i32
    %add3A_37 = vector.broadcast %add3A_36 : i32 to vector<4x4xi32>
    %add3A_38 = arith.addi %iota3A_34, %add3A_37 : vector<4x4xi32>
    %eq3A_39 = arith.cmpi eq, %add3A_38, %iota3A_35 : vector<4x4xi32>
    %convert_element_type3A_40 = arith.extui %eq3A_39 : vector<4x4xi1> to vector<4x4xi32>
    %convert_element_type3A_41 = arith.sitofp %convert_element_type3A_40 : vector<4x4xi32> to vector<4x4xf32>
    %dot_general3A_42 = arith.constant dense<0.000000e+00> : vector<4x4000xf32>
    %dot_general3A_43 = tpu.matmul %convert_element_type3A_41, %slice3A_33, %dot_general3A_42 {dimension_numbers = #tpu.dot_dimension_numbers<[1], [1], [0], [0], [0, 0, 1, 0], [], []>, transpose_lhs_hint = false} : vector<4x4xf32>, vector<4000x4xf32>, vector<4x4000xf32> -> vector<4x4000xf32>
    %slice3A_44 = vector.extract_strided_slice %get3A_1 {offsets = [0, 32], sizes = [4000, 16], strides = [1, 1]} : vector<4000x64xf32> to vector<4000x16xf32>
    %iota3A_45 = tpu.iota {dimensions = array<i32: 0>} : vector<16x16xi32>
    %iota3A_46 = tpu.iota {dimensions = array<i32: 1>} : vector<16x16xi32>
    %add3A_47 = arith.constant 0 : i32
    %add3A_48 = vector.broadcast %add3A_47 : i32 to vector<16x16xi32>
    %add3A_49 = arith.addi %iota3A_45, %add3A_48 : vector<16x16xi32>
    %eq3A_50 = arith.cmpi eq, %add3A_49, %iota3A_46 : vector<16x16xi32>
    %convert_element_type3A_51 = arith.extui %eq3A_50 : vector<16x16xi1> to vector<16x16xi32>
    %convert_element_type3A_52 = arith.sitofp %convert_element_type3A_51 : vector<16x16xi32> to vector<16x16xf32>
    %dot_general3A_53 = arith.constant dense<0.000000e+00> : vector<16x4000xf32>
    %dot_general3A_54 = tpu.matmul %convert_element_type3A_52, %slice3A_44, %dot_general3A_53 {dimension_numbers = #tpu.dot_dimension_numbers<[1], [1], [0], [0], [0, 0, 1, 0], [], []>, transpose_lhs_hint = false} : vector<16x16xf32>, vector<4000x16xf32>, vector<16x4000xf32> -> vector<16x4000xf32>
    %slice3A_55 = vector.extract_strided_slice %dot_general3A_32 {offsets = [0, 0], sizes = [1, 4000], strides = [1, 1]} : vector<4x4000xf32> to vector<1x4000xf32>
    %slice3A_56 = vector.extract_strided_slice %dot_general3A_43 {offsets = [0, 0], sizes = [1, 4000], strides = [1, 1]} : vector<4x4000xf32> to vector<1x4000xf32>
    %sub3A = arith.subf %slice3A_55, %slice3A_56 : vector<1x4000xf32>
    %slice3A_57 = vector.extract_strided_slice %dot_general3A_32 {offsets = [1, 0], sizes = [1, 4000], strides = [1, 1]} : vector<4x4000xf32> to vector<1x4000xf32>
    %slice3A_58 = vector.extract_strided_slice %dot_general3A_43 {offsets = [1, 0], sizes = [1, 4000], strides = [1, 1]} : vector<4x4000xf32> to vector<1x4000xf32>
    %sub3A_59 = arith.subf %slice3A_57, %slice3A_58 : vector<1x4000xf32>
    %mul3A = arith.mulf %sub3A, %sub3A : vector<1x4000xf32>
    %mul3A_60 = arith.mulf %sub3A_59, %sub3A_59 : vector<1x4000xf32>
    %add3A_61 = arith.addf %mul3A, %mul3A_60 : vector<1x4000xf32>
    %sqrt3A = math.sqrt %add3A_61 : vector<1x4000xf32>
    %add3A_62 = arith.constant 9.99999993E-9 : f32
    %add3A_63 = vector.broadcast %add3A_62 : f32 to vector<1x4000xf32>
    %add3A_64 = arith.addf %sqrt3A, %add3A_63 : vector<1x4000xf32>
    %div3A = arith.constant 1.000000e+00 : f32
    %div3A_65 = vector.broadcast %div3A : f32 to vector<1x4000xf32>
    %div3A_66 = arith.divf %div3A_65, %add3A_64 : vector<1x4000xf32>
    %mul3A_67 = arith.mulf %sub3A, %div3A_66 : vector<1x4000xf32>
    %mul3A_68 = arith.mulf %sub3A_59, %div3A_66 : vector<1x4000xf32>
    %slice3A_69 = vector.extract_strided_slice %dot_general3A_32 {offsets = [2, 0], sizes = [1, 4000], strides = [1, 1]} : vector<4x4000xf32> to vector<1x4000xf32>
    %slice3A_70 = vector.extract_strided_slice %dot_general3A_32 {offsets = [3, 0], sizes = [1, 4000], strides = [1, 1]} : vector<4x4000xf32> to vector<1x4000xf32>
    %slice3A_71 = vector.extract_strided_slice %dot_general3A_43 {offsets = [2, 0], sizes = [1, 4000], strides = [1, 1]} : vector<4x4000xf32> to vector<1x4000xf32>
    %slice3A_72 = vector.extract_strided_slice %dot_general3A_43 {offsets = [3, 0], sizes = [1, 4000], strides = [1, 1]} : vector<4x4000xf32> to vector<1x4000xf32>
    %mul3A_73 = arith.mulf %slice3A_69, %slice3A_71 : vector<1x4000xf32>
    %mul3A_74 = arith.mulf %slice3A_70, %slice3A_72 : vector<1x4000xf32>
    %add3A_75 = arith.addf %mul3A_73, %mul3A_74 : vector<1x4000xf32>
    %mul3A_76 = arith.mulf %slice3A_70, %slice3A_71 : vector<1x4000xf32>
    %mul3A_77 = arith.mulf %slice3A_69, %slice3A_72 : vector<1x4000xf32>
    %sub3A_78 = arith.subf %mul3A_76, %mul3A_77 : vector<1x4000xf32>
    %slice3A_79 = vector.extract_strided_slice %dot_general3A_54 {offsets = [0, 0], sizes = [8, 4000], strides = [1, 1]} : vector<16x4000xf32> to vector<8x4000xf32>
    %mul3A_80 = vector.broadcast %mul3A_67 : vector<1x4000xf32> to vector<8x4000xf32>
    %mul3A_81 = arith.mulf %slice3A_79, %mul3A_80 : vector<8x4000xf32>
    %slice3A_82 = vector.extract_strided_slice %dot_general3A_54 {offsets = [8, 0], sizes = [8, 4000], strides = [1, 1]} : vector<16x4000xf32> to vector<8x4000xf32>
    %mul3A_83 = vector.broadcast %mul3A_68 : vector<1x4000xf32> to vector<8x4000xf32>
    %mul3A_84 = arith.mulf %slice3A_82, %mul3A_83 : vector<8x4000xf32>
    %add3A_85 = arith.addf %mul3A_81, %mul3A_84 : vector<8x4000xf32>
    %concatenate3A = tpu.concatenate %sqrt3A, %add3A_75, %sub3A_78 in 0 : vector<1x4000xf32>, vector<1x4000xf32>, vector<1x4000xf32> -> vector<3x4000xf32>
    %iota3A_86 = tpu.iota {dimensions = array<i32: 0>} : vector<3x3xi32>
    %iota3A_87 = tpu.iota {dimensions = array<i32: 1>} : vector<3x3xi32>
    %add3A_88 = arith.constant 0 : i32
    %add3A_89 = vector.broadcast %add3A_88 : i32 to vector<3x3xi32>
    %add3A_90 = arith.addi %iota3A_86, %add3A_89 : vector<3x3xi32>
    %eq3A_91 = arith.cmpi eq, %add3A_90, %iota3A_87 : vector<3x3xi32>
    %convert_element_type3A_92 = arith.extui %eq3A_91 : vector<3x3xi1> to vector<3x3xi32>
    %convert_element_type3A_93 = arith.sitofp %convert_element_type3A_92 : vector<3x3xi32> to vector<3x3xf32>
    %dot_general3A_94 = arith.constant dense<0.000000e+00> : vector<4000x3xf32>
    %dot_general3A_95 = tpu.matmul %concatenate3A, %convert_element_type3A_93, %dot_general3A_94 {dimension_numbers = #tpu.dot_dimension_numbers<[0], [0], [1], [1], [0, 1, 1, 1], [], []>, transpose_lhs_hint = false} : vector<3x4000xf32>, vector<3x3xf32>, vector<4000x3xf32> -> vector<4000x3xf32>
    %iota3A_96 = tpu.iota {dimensions = array<i32: 0>} : vector<8x8xi32>
    %iota3A_97 = tpu.iota {dimensions = array<i32: 1>} : vector<8x8xi32>
    %add3A_98 = arith.constant 0 : i32
    %add3A_99 = vector.broadcast %add3A_98 : i32 to vector<8x8xi32>
    %add3A_100 = arith.addi %iota3A_96, %add3A_99 : vector<8x8xi32>
    %eq3A_101 = arith.cmpi eq, %add3A_100, %iota3A_97 : vector<8x8xi32>
    %convert_element_type3A_102 = arith.extui %eq3A_101 : vector<8x8xi1> to vector<8x8xi32>
    %convert_element_type3A_103 = arith.sitofp %convert_element_type3A_102 : vector<8x8xi32> to vector<8x8xf32>
    %dot_general3A_104 = arith.constant dense<0.000000e+00> : vector<4000x8xf32>
    %dot_general3A_105 = tpu.matmul %add3A_85, %convert_element_type3A_103, %dot_general3A_104 {dimension_numbers = #tpu.dot_dimension_numbers<[0], [0], [1], [1], [0, 1, 1, 1], [], []>, transpose_lhs_hint = false} : vector<8x4000xf32>, vector<8x8xf32>, vector<4000x8xf32> -> vector<4000x8xf32>
    %concatenate3A_106 = tpu.concatenate %mul3A_67, %mul3A_68 in 0 : vector<1x4000xf32>, vector<1x4000xf32> -> vector<2x4000xf32>
    %iota3A_107 = tpu.iota {dimensions = array<i32: 0>} : vector<2x2xi32>
    %iota3A_108 = tpu.iota {dimensions = array<i32: 1>} : vector<2x2xi32>
    %add3A_109 = arith.constant 0 : i32
    %add3A_110 = vector.broadcast %add3A_109 : i32 to vector<2x2xi32>
    %add3A_111 = arith.addi %iota3A_107, %add3A_110 : vector<2x2xi32>
    %eq3A_112 = arith.cmpi eq, %add3A_111, %iota3A_108 : vector<2x2xi32>
    %convert_element_type3A_113 = arith.extui %eq3A_112 : vector<2x2xi1> to vector<2x2xi32>
    %convert_element_type3A_114 = arith.sitofp %convert_element_type3A_113 : vector<2x2xi32> to vector<2x2xf32>
    %dot_general3A_115 = arith.constant dense<0.000000e+00> : vector<4000x2xf32>
    %dot_general3A_116 = tpu.matmul %concatenate3A_106, %convert_element_type3A_114, %dot_general3A_115 {dimension_numbers = #tpu.dot_dimension_numbers<[0], [0], [1], [1], [0, 1, 1, 1], [], []>, transpose_lhs_hint = false} : vector<2x4000xf32>, vector<2x2xf32>, vector<4000x2xf32> -> vector<4000x2xf32>
    %slice3A_117 = vector.extract_strided_slice %dot_general3A_116 {offsets = [0, 0], sizes = [4000, 1], strides = [1, 1]} : vector<4000x2xf32> to vector<4000x1xf32>
    %slice3A_118 = vector.extract_strided_slice %dot_general3A_116 {offsets = [0, 1], sizes = [4000, 1], strides = [1, 1]} : vector<4000x2xf32> to vector<4000x1xf32>
    %broadcast_in_dim3A = arith.constant 0.000000e+00 : f32
    %broadcast_in_dim3A_119 = vector.broadcast %broadcast_in_dim3A : f32 to vector<4000x45xf32>
    %concatenate3A_120 = tpu.concatenate %slice3A, %slice3A_23, %dot_general3A_95, %slice3A_24, %dot_general3A_105, %broadcast_in_dim3A_119 in 1 : vector<4000x32xf32>, vector<4000x32xf32>, vector<4000x3xf32>, vector<4000x8xf32>, vector<4000x8xf32>, vector<4000x45xf32> -> vector<4000x128xf32>
    %dot_general3A_121 = arith.constant dense<0.000000e+00> : vector<4000x192xf32>
    %dot_general3A_122 = tpu.matmul %concatenate3A_120, %get3A_7, %dot_general3A_121 {dimension_numbers = #tpu.dot_dimension_numbers<[1], [0], [0], [1], [0, 0, 1, 1], [], []>, transpose_lhs_hint = false} : vector<4000x128xf32>, vector<128x192xf32>, vector<4000x192xf32> -> vector<4000x192xf32>
    %add3A_123 = vector.broadcast %get3A_10 : vector<1x192xf32> to vector<4000x192xf32>
    %add3A_124 = arith.addf %dot_general3A_122, %add3A_123 : vector<4000x192xf32>
    %neg3A = arith.constant 0.000000e+00 : f32
    %neg3A_125 = vector.broadcast %neg3A : f32 to vector<4000x192xf32>
    %neg3A_126 = arith.subf %neg3A_125, %add3A_124 : vector<4000x192xf32>
    %exp3A = math.exp %neg3A_126 : vector<4000x192xf32>
    %add3A_127 = arith.constant 1.000000e+00 : f32
    %add3A_128 = vector.broadcast %add3A_127 : f32 to vector<4000x192xf32>
    %add3A_129 = arith.addf %add3A_128, %exp3A : vector<4000x192xf32>
    %div3A_130 = arith.constant 1.000000e+00 : f32
    %div3A_131 = vector.broadcast %div3A_130 : f32 to vector<4000x192xf32>
    %div3A_132 = arith.divf %div3A_131, %add3A_129 : vector<4000x192xf32>
    %mul3A_133 = arith.mulf %add3A_124, %div3A_132 : vector<4000x192xf32>
    %dot_general3A_134 = arith.constant dense<0.000000e+00> : vector<4000x192xf32>
    %dot_general3A_135 = tpu.matmul %mul3A_133, %get3A_13, %dot_general3A_134 {dimension_numbers = #tpu.dot_dimension_numbers<[1], [0], [0], [1], [0, 0, 1, 1], [], []>, transpose_lhs_hint = false} : vector<4000x192xf32>, vector<192x192xf32>, vector<4000x192xf32> -> vector<4000x192xf32>
    %add3A_136 = vector.broadcast %get3A_16 : vector<1x192xf32> to vector<4000x192xf32>
    %add3A_137 = arith.addf %dot_general3A_135, %add3A_136 : vector<4000x192xf32>
    %neg3A_138 = arith.constant 0.000000e+00 : f32
    %neg3A_139 = vector.broadcast %neg3A_138 : f32 to vector<4000x192xf32>
    %neg3A_140 = arith.subf %neg3A_139, %add3A_137 : vector<4000x192xf32>
    %exp3A_141 = math.exp %neg3A_140 : vector<4000x192xf32>
    %add3A_142 = arith.constant 1.000000e+00 : f32
    %add3A_143 = vector.broadcast %add3A_142 : f32 to vector<4000x192xf32>
    %add3A_144 = arith.addf %add3A_143, %exp3A_141 : vector<4000x192xf32>
    %div3A_145 = arith.constant 1.000000e+00 : f32
    %div3A_146 = vector.broadcast %div3A_145 : f32 to vector<4000x192xf32>
    %div3A_147 = arith.divf %div3A_146, %add3A_144 : vector<4000x192xf32>
    %mul3A_148 = arith.mulf %add3A_137, %div3A_147 : vector<4000x192xf32>
    %dot_general3A_149 = arith.constant dense<0.000000e+00> : vector<4000x64xf32>
    %dot_general3A_150 = tpu.matmul %mul3A_148, %get3A_19, %dot_general3A_149 {dimension_numbers = #tpu.dot_dimension_numbers<[1], [0], [0], [1], [0, 0, 1, 1], [], []>, transpose_lhs_hint = false} : vector<4000x192xf32>, vector<192x64xf32>, vector<4000x64xf32> -> vector<4000x64xf32>
    %add3A_151 = vector.broadcast %get3A_22 : vector<1x64xf32> to vector<4000x64xf32>
    %add3A_152 = arith.addf %dot_general3A_150, %add3A_151 : vector<4000x64xf32>
    %slice3A_153 = vector.extract_strided_slice %add3A_152 {offsets = [0, 0], sizes = [4000, 8], strides = [1, 1]} : vector<4000x64xf32> to vector<4000x8xf32>
    %slice3A_154 = vector.extract_strided_slice %add3A_152 {offsets = [0, 8], sizes = [4000, 8], strides = [1, 1]} : vector<4000x64xf32> to vector<4000x8xf32>
    %slice3A_155 = vector.extract_strided_slice %add3A_152 {offsets = [0, 16], sizes = [4000, 8], strides = [1, 1]} : vector<4000x64xf32> to vector<4000x8xf32>
    %slice3A_156 = vector.extract_strided_slice %add3A_152 {offsets = [0, 24], sizes = [4000, 32], strides = [1, 1]} : vector<4000x64xf32> to vector<4000x32xf32>
    %slice3A_157 = vector.extract_strided_slice %add3A_152 {offsets = [0, 56], sizes = [4000, 8], strides = [1, 1]} : vector<4000x64xf32> to vector<4000x8xf32>
    %mul3A_158 = arith.mulf %slice3A_155, %slice3A_157 : vector<4000x8xf32>
    %add3A_159 = arith.addf %slice3A_154, %mul3A_158 : vector<4000x8xf32>
    %mul3A_160 = arith.mulf %slice3A_153, %slice3A_25 : vector<4000x8xf32>
    %mul3A_161 = vector.broadcast %slice3A_117 : vector<4000x1xf32> to vector<4000x8xf32>
    %mul3A_162 = arith.mulf %add3A_159, %mul3A_161 : vector<4000x8xf32>
    %add3A_163 = arith.addf %mul3A_160, %mul3A_162 : vector<4000x8xf32>
    %mul3A_164 = arith.mulf %slice3A_153, %slice3A_26 : vector<4000x8xf32>
    %mul3A_165 = vector.broadcast %slice3A_118 : vector<4000x1xf32> to vector<4000x8xf32>
    %mul3A_166 = arith.mulf %add3A_159, %mul3A_165 : vector<4000x8xf32>
    %add3A_167 = arith.addf %mul3A_164, %mul3A_166 : vector<4000x8xf32>
    %concatenate3A_168 = tpu.concatenate %add3A_163, %add3A_167 in 1 : vector<4000x8xf32>, vector<4000x8xf32> -> vector<4000x16xf32>
    %swap3A = arith.constant 0 : index
    %swap3A_169 = arith.constant 0 : index
    %swap3A_170 = vector.load %arg9[%swap3A, %swap3A_169] : memref<4000x32xf32, #tpu.memory_space<vmem>>, vector<4000x32xf32>
    tpu.vector_store %arg9[%swap3A, %swap3A_169], %slice3A_156 {strides = array<i32>} : memref<4000x32xf32, #tpu.memory_space<vmem>>, vector<4000x32xf32>,
    %swap3A_171 = arith.constant 0 : index
    %swap3A_172 = arith.constant 0 : index
    %swap3A_173 = vector.load %arg10[%swap3A_171, %swap3A_172] : memref<4000x16xf32, #tpu.memory_space<vmem>>, vector<4000x16xf32>
    tpu.vector_store %arg10[%swap3A_171, %swap3A_172], %concatenate3A_168 {strides = array<i32>} : memref<4000x16xf32, #tpu.memory_space<vmem>>, vector<4000x16xf32>,
    return
  }
  func.func @transform_0(%arg0: i32) -> (i32, i32) {
    %c0_i32 = arith.constant 0 : i32
    %c0_i32_0 = arith.constant 0 : i32
    return %arg0, %c0_i32 : i32, i32
  }
  func.func @transform_1(%arg0: i32) -> (i32, i32) {
    %c0_i32 = arith.constant 0 : i32
    %c0_i32_0 = arith.constant 0 : i32
    return %arg0, %c0_i32 : i32, i32
  }
  func.func @transform_2(%arg0: i32) -> (i32, i32) {
    %c0_i32 = arith.constant 0 : i32
    %c0_i32_0 = arith.constant 0 : i32
    %c0_i32_1 = arith.constant 0 : i32
    return %c0_i32, %c0_i32_0 : i32, i32
  }
  func.func @transform_3(%arg0: i32) -> (i32, i32) {
    %c0_i32 = arith.constant 0 : i32
    %c0_i32_0 = arith.constant 0 : i32
    %c0_i32_1 = arith.constant 0 : i32
    return %c0_i32, %c0_i32_0 : i32, i32
  }
  func.func @transform_4(%arg0: i32) -> (i32, i32) {
    %c0_i32 = arith.constant 0 : i32
    %c0_i32_0 = arith.constant 0 : i32
    %c0_i32_1 = arith.constant 0 : i32
    return %c0_i32, %c0_i32_0 : i32, i32
  }
  func.func @transform_5(%arg0: i32) -> (i32, i32) {
    %c0_i32 = arith.constant 0 : i32
    %c0_i32_0 = arith.constant 0 : i32
    %c0_i32_1 = arith.constant 0 : i32
    return %c0_i32, %c0_i32_0 : i32, i32
  }
  func.func @transform_6(%arg0: i32) -> (i32, i32) {
    %c0_i32 = arith.constant 0 : i32
    %c0_i32_0 = arith.constant 0 : i32
    %c0_i32_1 = arith.constant 0 : i32
    return %c0_i32, %c0_i32_0 : i32, i32
  }
  func.func @transform_7(%arg0: i32) -> (i32, i32) {
    %c0_i32 = arith.constant 0 : i32
    %c0_i32_0 = arith.constant 0 : i32
    %c0_i32_1 = arith.constant 0 : i32
    return %c0_i32, %c0_i32_0 : i32, i32
  }
  func.func @transform_8(%arg0: i32) -> (i32, i32) {
    %c0_i32 = arith.constant 0 : i32
    %c0_i32_0 = arith.constant 0 : i32
    return %arg0, %c0_i32 : i32, i32
  }
  func.func @transform_9(%arg0: i32) -> (i32, i32) {
    %c0_i32 = arith.constant 0 : i32
    %c0_i32_0 = arith.constant 0 : i32
    return %arg0, %c0_i32 : i32, i32
  }
}

module attributes {stable_mosaic.version = 14 : i64} {
  func.func @_epilogue_body(%arg0: i32, %arg1: memref<2000x16xf32, #tpu.memory_space<vmem>>, %arg2: memref<2000x1xf32, #tpu.memory_space<vmem>>, %arg3: memref<2000x1xf32, #tpu.memory_space<vmem>>, %arg4: memref<2000x16xf32, #tpu.memory_space<vmem>>) attributes {dimension_semantics = [#tpu.dimension_semantics<arbitrary>], iteration_bounds = array<i64: 50>, scalar_prefetch = 0 : i64, scratch_operands = 0 : i64, tpu.core_type = #tpu.core_type<tc>, window_params = [{transform_indices = @transform_0, window_bounds = array<i64: 2000, 16>}, {transform_indices = @transform_1, window_bounds = array<i64: 2000, 1>}, {transform_indices = @transform_2, window_bounds = array<i64: 2000, 1>}, {transform_indices = @transform_3, window_bounds = array<i64: 2000, 16>}]} {
    %get3A = arith.constant 0 : index
    %get3A_0 = arith.constant 0 : index
    %get3A_1 = vector.load %arg1[%get3A, %get3A_0] : memref<2000x16xf32, #tpu.memory_space<vmem>>, vector<2000x8xf32>
    %get3A_2 = arith.constant 0 : index
    %get3A_3 = arith.constant 8 : index
    %get3A_4 = vector.load %arg1[%get3A_2, %get3A_3] : memref<2000x16xf32, #tpu.memory_space<vmem>>, vector<2000x8xf32>
    %get3A_5 = arith.constant 0 : index
    %get3A_6 = arith.constant 0 : index
    %get3A_7 = vector.load %arg2[%get3A_5, %get3A_6] : memref<2000x1xf32, #tpu.memory_space<vmem>>, vector<2000x1xf32>
    %get3A_8 = arith.constant 0 : index
    %get3A_9 = arith.constant 0 : index
    %get3A_10 = vector.load %arg3[%get3A_8, %get3A_9] : memref<2000x1xf32, #tpu.memory_space<vmem>>, vector<2000x1xf32>
    %mul3A = vector.broadcast %get3A_7 : vector<2000x1xf32> to vector<2000x8xf32>
    %mul3A_11 = arith.mulf %get3A_1, %mul3A : vector<2000x8xf32>
    %mul3A_12 = vector.broadcast %get3A_10 : vector<2000x1xf32> to vector<2000x8xf32>
    %mul3A_13 = arith.mulf %get3A_4, %mul3A_12 : vector<2000x8xf32>
    %add3A = arith.addf %mul3A_11, %mul3A_13 : vector<2000x8xf32>
    %mul3A_14 = vector.broadcast %get3A_7 : vector<2000x1xf32> to vector<2000x8xf32>
    %mul3A_15 = arith.mulf %get3A_4, %mul3A_14 : vector<2000x8xf32>
    %mul3A_16 = vector.broadcast %get3A_10 : vector<2000x1xf32> to vector<2000x8xf32>
    %mul3A_17 = arith.mulf %get3A_1, %mul3A_16 : vector<2000x8xf32>
    %sub3A = arith.subf %mul3A_15, %mul3A_17 : vector<2000x8xf32>
    %concatenate3A = tpu.concatenate %add3A, %sub3A in 1 : vector<2000x8xf32>, vector<2000x8xf32> -> vector<2000x16xf32>
    %swap3A = arith.constant 0 : index
    %swap3A_18 = arith.constant 0 : index
    %swap3A_19 = vector.load %arg4[%swap3A, %swap3A_18] : memref<2000x16xf32, #tpu.memory_space<vmem>>, vector<2000x16xf32>
    tpu.vector_store %arg4[%swap3A, %swap3A_18], %concatenate3A {strides = array<i32>} : memref<2000x16xf32, #tpu.memory_space<vmem>>, vector<2000x16xf32>,
    return
  }
  func.func @transform_0(%arg0: i32) -> (i32, i32) {
    %c0_i32 = arith.constant 0 : i32
    %c0_i32_0 = arith.constant 0 : i32
    return %arg0, %c0_i32 : i32, i32
  }
  func.func @transform_1(%arg0: i32) -> (i32, i32) {
    %c0_i32 = arith.constant 0 : i32
    %c0_i32_0 = arith.constant 0 : i32
    return %arg0, %c0_i32 : i32, i32
  }
  func.func @transform_2(%arg0: i32) -> (i32, i32) {
    %c0_i32 = arith.constant 0 : i32
    %c0_i32_0 = arith.constant 0 : i32
    return %arg0, %c0_i32 : i32, i32
  }
  func.func @transform_3(%arg0: i32) -> (i32, i32) {
    %c0_i32 = arith.constant 0 : i32
    %c0_i32_0 = arith.constant 0 : i32
    return %arg0, %c0_i32 : i32, i32
  }
}

</mosaic_0001>

<sc_bundles>
// kernel: kernel.11.cloned.1.call-start
scs
__scs_entry_jumppad:
0x0: {  	(pc) =	sbr.rel $0x88, $3  }
0x1: {  	(tag) =	ssettag $0x0;
	lr =	simm.s32 $0x1  }
0x2: {  	[smem:$0x3F89] =	sst lr;
	_ =	strace $0xD0000000  }
0x3: {  	_ = 	snop  }
0x4: {  	_ = 	snop  }
0x5: {  	_ = 	snop  }
0x6: {  	_ = 	snop  }
0x7: {  	_ = 	snop  }
__scs_overlays_trampoline_lowered:
0x8: {  	[smem:$0x3F98] =	sst s0  }
0x9: {  	[smem:$0x3F99] =	sst s1  }
0xa: {  	[smem:$0x3F9A] =	sst s2  }
0xb: {  	[smem:$0x3F9B] =	sst s3  }
0xc: {  	[smem:$0x3F9C] =	sst s4  }
0xd: {  	[smem:$0x3F9D] =	sst s5  }
0xe: {  	[smem:$0x3F9E] =	sst s6  }
0xf: {  	[smem:$0x3F9F] =	sst s7  }
0x10: {  	[smem:$0x3FA0] =	sst s8  }
0x11: {  	[smem:$0x3FA1] =	sst s9;
	s0 =	simm.s32 @!p0 $0x0  }
0x12: {  	s1 =	sld [smem:$0x3F87];
	s0 =	simm.s32 @p0 $0x1  }
0x13: {  	[smem:$0x3FA2] =	sst s0;
	s0 =	simm.s32 @!p1 $0x0  }
0x14: {  	s2 =	sld [smem:$0x3F86];
	s0 =	simm.s32 @p1 $0x1  }
0x15: {  	[smem:$0x3FA3] =	sst s0;
	s0 =	simm.s32 @!p2 $0x0  }
0x16: {  	s3 =	sld [smem:$0x3FDB];
	s0 =	simm.s32 @p2 $0x1  }
0x17: {  	s4 =	simm.s32 $0x1BF5;
	[smem:$0x3FA5] =	sst s0  }
0x18: {  	s0 =	sld [smem:$0x3F88];
	_ =	swait.ge [sflag:s4], $0x0  }
0x19: {  	s7 =	sld [smem:$0x3F89]  }
0x1a: {  	s8 =	sadd.s32 $0xFFFFE003, lr  }
0x1b: {  	s9 =	sadd.s32 $0xFFFFFEF7, lr;
	s5 =	simm.s32 $0xFFFFFFFF;
	p2 =	slt.u32 s8, $0xFFFFF086  }
0x1c: {  	p1 =	slt.u32 s9, $0xF7A;
	s5 =	simm.s32 @!p2 $0x0  }
0x1d: {  	s5 =	simm.s32 @p1 $0x1;
	p0 =	seq.s32 s7, s2  }
0x1e: {  	s7 =	smul.u32 @!p0 $0xF7A, s2;
	p2 =	seq.s32 @!p0 s5, $0x0  }
0x1f: {  	s9 =	smul.u32 $0xF7A, s1;
	s8 =	simm.s32 @!p0 $0x1BF5;
	p2 =	por !p2, p0  }
0x20: {  	[sflag:s8] =	ssyncset.s32 @!p0 $0xFFFFF086;
	s6 =	sadd.s32 @!p0 s3, s7;
	s7 =	simm.s32 @!p0 $0x108  }
0x21: {  	s3 =	sadd.s32 s3, s9;
	s6 =	sadd.s32 @!p0 $0x88, s6;
	s7 =	simm.s32 @p2 $0x1082  }
0x22: {  	[simem:s7], [sflag:s8] =	dma.local @!p0 [hbm:s6], $0xF7A  }
0x23: {  	s9 =	sor.u32 $0xD0000000, s2;
	s6 =	simm.s32 $0x108;
	_ =	swait.ge @!p0 [sflag:s8], $0x0  }
0x24: {  	s3 =	sadd.s32 $0x88, s3;
	s6 =	simm.s32 @!p1 $0x1082;
	[sflag:s4] =	ssyncset.s32 $0xFFFFF086  }
0x25: {  	[simem:s6], [sflag:s4] =	dma.local [hbm:s3], $0xF7A  }
0x26: {  	[smem:$0x3F89] =	sst s1;
	(tag) =	ssettag s2;
	_ =	strace s9  }
0x27: {  	s1 =	sld [smem:$0x3F99]  }
0x28: {  	s2 =	sld [smem:$0x3F9A]  }
0x29: {  	s4 =	sld [smem:$0x3F9C]  }
0x2a: {  	p0 =	seq.s32 s5, $0x0;
	s5 =	sld [smem:$0x3F9D]  }
0x2b: {  	s6 =	sld [smem:$0x3F9E]  }
0x2c: {  	s7 =	sld [smem:$0x3F9F]  }
0x2d: {  	s3 =	simm.s32 $0x108;
	s8 =	sld [smem:$0x3FA0]  }
0x2e: {  	s3 =	simm.s32 @!p0 $0x1082;
	s9 =	sld [smem:$0x3FA1]  }
0x2f: {  	lr =	sadd.s32 s0, s3;
	s0 =	sld [smem:$0x3F98]  }
0x30: {  	s3 =	sld [smem:$0x3F9B]  }
0x31: {  	[smem:$0x3FA4] =	sst s10  }
0x32: {  	s10 =	sld [smem:$0x3FA2];
	_ =	sdelay $0x3  }
0x33: {  	p0 =	seq.s32 s10, $0x1;
	s10 =	sld [smem:$0x3FA4];
	_ =	sdelay $0x3  }
0x34: {  	[smem:$0x3FA4] =	sst s10  }
0x35: {  	s10 =	sld [smem:$0x3FA3];
	_ =	sdelay $0x3  }
0x36: {  	p1 =	seq.s32 s10, $0x1;
	s10 =	sld [smem:$0x3FA4];
	_ =	sdelay $0x3  }
0x37: {  	[smem:$0x3FA4] =	sst s10  }
0x38: {  	s10 =	sld [smem:$0x3FA5]  }
0x39: {  	_ = 	snop;
	(pc) =	sbr.ind lr, $3  }
0x3a: {  	_ = 	snop  }
0x3b: {  	_ = 	snop  }
0x3c: {  	p2 =	seq.s32 s10, $0x1;
	s10 =	sld [smem:$0x3FA4]  }
0x3d: {  	_ =	shalt  }
0x3e: {  	_ =	shalt  }
0x3f: {  	_ =	shalt  }
0x40: {  	_ =	shalt  }
0x41: {  	_ =	shalt  }
0x42: {  	_ =	shalt  }
0x43: {  	_ =	shalt  }
0x44: {  	_ =	shalt  }
0x45: {  	_ =	shalt  }
0x46: {  	_ =	shalt  }
0x47: {  	_ =	shalt  }
0x48: {  	_ =	shalt  }
0x49: {  	_ =	shalt  }
0x4a: {  	_ =	shalt  }
0x4b: {  	_ =	shalt  }
0x4c: {  	_ =	shalt  }
0x4d: {  	_ =	shalt  }
0x4e: {  	_ =	shalt  }
0x4f: {  	_ =	shalt  }
0x50: {  	_ =	shalt  }
0x51: {  	_ =	shalt  }
0x52: {  	_ =	shalt  }
0x53: {  	_ =	shalt  }
0x54: {  	_ =	shalt  }
0x55: {  	_ =	shalt  }
0x56: {  	_ =	shalt  }
0x57: {  	_ =	shalt  }
0x58: {  	_ =	shalt  }
0x59: {  	_ =	shalt  }
0x5a: {  	_ =	shalt  }
0x5b: {  	_ =	shalt  }
0x5c: {  	_ =	shalt  }
0x5d: {  	_ =	shalt  }
0x5e: {  	_ =	shalt  }
0x5f: {  	_ =	shalt  }
0x60: {  	_ =	shalt  }
0x61: {  	_ =	shalt  }
0x62: {  	_ =	shalt  }
0x63: {  	_ =	shalt  }
0x64: {  	_ =	shalt  }
0x65: {  	_ =	shalt  }
0x66: {  	_ =	shalt  }
0x67: {  	_ =	shalt  }
0x68: {  	_ =	shalt  }
0x69: {  	_ =	shalt  }
0x6a: {  	_ =	shalt  }
0x6b: {  	_ =	shalt  }
0x6c: {  	_ =	shalt  }
0x6d: {  	_ =	shalt  }
0x6e: {  	_ =	shalt  }
0x6f: {  	_ =	shalt  }
0x70: {  	_ =	shalt  }
0x71: {  	_ =	shalt  }
0x72: {  	_ =	shalt  }
0x73: {  	_ =	shalt  }
0x74: {  	_ =	shalt  }
0x75: {  	_ =	shalt  }
0x76: {  	_ =	shalt  }
0x77: {  	_ =	shalt  }
0x78: {  	_ =	shalt  }
0x79: {  	_ =	shalt  }
0x7a: {  	_ =	shalt  }
0x7b: {  	_ =	shalt  }
0x7c: {  	_ =	shalt  }
0x7d: {  	_ =	shalt  }
0x7e: {  	_ =	shalt  }
0x7f: {  	_ =	shalt  }
0x80: {  	_ =	shalt  }
0x81: {  	_ =	shalt  }
0x82: {  	_ =	shalt  }
0x83: {  	_ =	shalt  }
0x84: {  	_ =	shalt  }
0x85: {  	_ =	shalt  }
0x86: {  	_ =	shalt  }
0x87: {  	_ =	shalt  }
.Lfunc_end0:
.L_simem_size_0:
called_computation.1_lowered:
.L_overlay_start_0:
0x88: {  	s2 =	sld [smem:$0x3FD9]  }
0x89: {  	s3 =	sld [smem:$0x3FFE];
	_ =	sdelay $0x1  }
0x8a: {  	s1 =	srdreg.scid  }
0x8b: {  	s0 =	sand.u32 $0x1, s1  }
0x8c: {  	s14 =	sshll.u32 s0, $0xA;
	s2 =	sadd.s32 s3, s2  }
0x8d: {  	s2 =	sadd.s32 s2, s14  }
0x8e: {  	[smem:$0x3FB0] =	sst s2  }
0x8f: {  	_ = 	snop  }
0x90: {  	s2 =	sld [smem:$0x3FD0];
	_ =	sdelay $0x2  }
0x91: {  	s4 =	simm.s32 $0xB;
	s5 =	simm.s32 $0x10;
	s15 =	sld [smem:$0x3FC4]  }
0x92: {  	[smem:s5], [sflag:s4] =	dma.local [hbm:s2], $0x1  }
0x93: {  	_ =	swait.eq [sflag:s4], $0x1  }
0x94: {  	[sflag:s4] =	ssyncset.done $0x0  }
0x95: {  	[sflag:s4] =	ssyncadd.s32 $0xFFFFFFFF  }
0x96: {  	s16 =	sld [smem:$0x10];
	(tm) =	ssettm $0x1  }
0x97: {  	s17 =	sld [smem:$0x3FFB];
	_ =	sdelay $0x3  }
0x98: {  	_ =	strace s17  }
0x99: {  	s4 =	sld [smem:$0x3FFC];
	_ =	sdelay $0x3  }
0x9a: {  	_ =	strace s4  }
0x9b: {  	s4 =	sld [smem:$0x3FFD];
	_ =	sdelay $0x3  }
0x9c: {  	_ =	strace s4  }
0x9d: {  	_ =	strace $0x8FFFFFFF  }
0x9e: {  	s18 =	sld [smem:$0x3FDB];
	_ =	sdelay $0x1  }
0x9f: {  	s19 =	simm.s32 $_scs_section_size  }
0xa0: {  	s6 =	simm.s32 $_size__tile_overlayer_lowered;
	s7 =	simm.s32 $_tile_overlayer_lowered  }
0xa1: {  	s22 =	simm.s32 $0x1BFF;
	s21 =	sshll.u32 s7, $0x1;
	s4 =	sadd.s32 s19, s18  }
0xa2: {  	s8 =	simm.s32 $0x0;
	s20 =	sshll.u32 s6, $0x1;
	s6 =	sadd.s32 s21, s4  }
0xa3: {  	[timem:s8], [sflag:s22] =	dma.local [hbm:s6], s20  }
0xa4: {  	_ =	swait.ge [sflag:s22], s20  }
0xa5: {  	s5 =	ssub.s32 $0x0, s20;
	[sflag:s22] =	ssyncset.done $0x0  }
0xa6: {  	[sflag:s22] =	ssyncadd.s32 s5;
	_ =	sdelay $0x1  }
0xa7: {  	s23 =	simm.s32 $0x1B8B  }
0xa8: {  	_ =	swait.ge [sflag:s23], $0x1  }
0xa9: {  	[sflag:s23] =	ssyncset.done $0x0  }
0xaa: {  	s25 =	simm.s32 $0x1B8E;
	s24 =	sld [smem:$0x3FFE];
	[sflag:s23] =	ssyncadd.s32 $0xFFFFFFFF  }
0xab: {  	s26 =	simm.s32 $execute0_lowered;
	[smem:$0x3FD2] =	sst s25  }
0xac: {  	s6 =	sshll.u32 s26, $0x1;
	_ =	strace $0x80000049;
	[dreg:$0x1] =	wrdreg $0xFFFFFFFF  }
0xad: {  	s28 =	simm.s32 $_size_execute0_lowered;
	s4 =	sadd.s32 s4, s6;
	[dreg:$0x0] =	wrdreg $0x0  }
0xae: {  	s6 =	sshll.u32 s28, $0x1;
	[dreg:$0x2] =	wrdreg s4  }
0xaf: {  	[dreg:$0x3] =	wrdreg s6  }
0xb0: {  	[dreg:$0x4] =	wrdreg $0xC0  }
0xb1: {  	_ =	task [dreg:s8], $0x5FFFF  }
0xb2: {  	[dreg:$0x1] =	wrdreg $0xFFFFFFFF  }
0xb3: {  	[dreg:$0x0] =	wrdreg $0x60  }
0xb4: {  	[dreg:$0x2] =	wrdreg s24  }
0xb5: {  	[dreg:$0x3] =	wrdreg s15  }
0xb6: {  	[dreg:$0x4] =	wrdreg s16  }
0xb7: {  	[dreg:$0x5] =	wrdreg $0x6A400  }
0xb8: {  	[dreg:$0x6] =	wrdreg $0x9  }
0xb9: {  	_ =	task.clear_ibuf [dreg:s8], $0x7FFFF;
	_ =	strace $0x90000049  }
0xba: {  	s29 =	simm.s32 $0x9;
	_ =	strace $0x8000004B  }
0xbb: {  	_ =	swait.ge [sflag:s29], $0x1  }
0xbc: {  	[sflag:s29] =	ssyncadd.s32 $0xFFFFFFFF  }
0xbd: {  	_ =	strace $0x9000004B  }
0xbe: {  	_ =	sfence  }
0xbf: {  	s30 =	sld [smem:$0x0];
	_ =	sdelay $0x2  }
0xc0: {  	s31 =	sshll.u32 s1, $0xD;
	s1 =	sshrl.u32 s1, $0x2  }
0xc1: {  	s3 =	sand.u32 $0x4000, s31;
	s1 =	sadd.s32 s1, s30  }
0xc2: {  	s0 =	sor.u32 s3, s0;
	s1 =	sshll.u32 s1, $0x11  }
0xc3: {  	s0 =	sor.u32 s1, s0  }
0xc4: {  	s0 =	sadd.s32 $0x8F2B, s0  }
0xc5: {  	[sflag:s0] =	ssyncadd.remote.s32 $0x1  }
0xc6: {  	_ =	sfence.sel $0xFFFF  }
0xc7: {  	[dreg:$0x0] =	wrdreg $0xFFFFFFFF;
	(pc) =	sbr.abs _section_cstart, $3  }
0xc8: {  	[dreg:$0x1] =	wrdreg $0xFFFFFFFF  }
0xc9: {  	_ =	task.clear_ibuf [dreg:s8], $0x2FFFF;
	_ =	strace $0x9FFFFFFF  }
0xca: {  	(tm) =	ssettm $0x7FFFFFFF  }
0xcb: {  	_ =	shalt  }
tec
execute0_lowered:
.L_overlay_start_1:
0x0: {  	(tag) =	ssettag $0x1  }
0x1: {  	s0 =	rddreg [dreg:$0x0]  }
0x2: {  	s1 =	rddreg [dreg:$0x1]  }
0x3: {  	s2 =	srdreg.scid;
	s4 =	rddreg [dreg:$0x2]  }
0x4: {  	s11 =	stileid.u32;
	s3 =	simm.s32 $0x0;
	s12 =	simm.s32 $0x640  }
0x5: {  	s13 =	simm.s32 $0x2;
	s14 =	simm.s32 $0x50;
	s15 =	simm.s32 $0x320  }
0x6: {  	s16 =	simm.s32 $0x370;
	s17 =	simm.s32 $0x1040;
	s18 =	simm.s32 $0x3C0  }
0x7: {  	s19 =	simm.s32 $0x1A40;
	s20 =	simm.s32 $0x410;
	s21 =	simm.s32 $0x2440  }
0x8: {  	s28 =	simm.s32 $0x4240;
	s29 =	simm.s32 $0x550;
	s30 =	simm.s32 $0x4C40  }
0x9: {  	s5 =	sand.u32 $0x1, s2;
	s2 =	rddreg [dreg:$0x3];
	s7 =	smul.u32 $0xC35, s11  }
0xa: {  	s31 =	simm.s32 $0x5A0;
	[smem:$0x7FF] =	sst s3;
	s8 =	smul.u32 $0x61A80, s11  }
0xb: {  	s22 =	smul.u32 $0x30D4, s11;
	s23 =	sshll.u32 s11, $0x6;
	s11 =	simm.s32 $0x1  }
0xc: {  	s6 =	smul.u32 $0xC350, s5;
	_ =	strace $0x8000004A;
	s5 =	ssub.s32 $0x2, s5  }
0xd: {  	s9 =	sadd.s32 s8, s0;
	s10 =	sshrl.u32 s5, $0x1;
	s8 =	sshrl.u32 s8, $0x2  }
0xe: {  	s24 =	sadd.s32 s22, s1;
	s22 =	simm.s32 $0x460;
	s1 =	simm.s32 $0x5640  }
0xf: {  	s7 =	sadd.s32 s7, s6;
	s5 =	ssub.s32 s5, s10;
	s8 =	sadd.s32 s8, s2  }
0x10: {  	s26 =	sadd.s32 $0x6000, s9;
	[dreg:$0x5] =	wrdreg s24;
	s9 =	simm.s32 $0x4  }
0x11: {  	s24 =	simm.s32 $0x4B0;
	v0 =	vmov s6;
	s6 =	simm.s32 $0x3;
	s10 =	simm.s32 $0x0  }
0x12: {  	s7 =	sshll.u32 s7, $0x2;
	s25 =	smax.u32 s5, $0x1;
	[dreg:$0xa] =	wrdreg s26  }
0x13: {  	s8 =	sshrl.u32 s8, $0x3;
	s26 =	simm.s32 $0x500;
	[dreg:$0x9] =	wrdreg s25  }
0x14: {  	s0 =	sadd.s32 s7, s0;
	s4 =	sadd.s32 s4, s7;
	[dreg:$0xb] =	wrdreg s8  }
0x15: {  	s7 =	sor.u32 $0x1C04, s23;
	s23 =	simm.s32 $0x2E40;
	[dreg:$0x6] =	wrdreg s4  }
0x16: {  	s25 =	simm.s32 $0x3840;
	s0 =	sadd.s32 $0x620800, s0;
	[dreg:$0x7] =	wrdreg s7  }
0x17: {  	s4 =	simm.s32 $0x6040;
	[dreg:$0x8] =	wrdreg s0;
	s0 =	simm.s32 $0x5F0  }
.LBB2_1:
0x18: {  	[dreg:$0xc] =	wrdreg s10  }
0x19: {  	s5 =	rddreg [dreg:$0x6]  }
0x1a: {  	[spmem:s8], [sflag:s7] =	dma.local [hbm:s5], $0x30D4  }
0x1b: {  	_ =	swait.ge [sflag:s9], $0x30D4  }
0x1c: {  	[sflag:s9] =	ssyncset.done $0x0  }
0x1d: {  	[sflag:s9] =	ssyncadd.s32 $0xFFFFCF2C  }
0x1e: {  	[bflag:$0x0] =	sbarrier.arrive $0xFFFF  }
0x1f: {  	s10 =	rddreg [dreg:$0x5]  }
0x20: {  	p0 =	por $0x1, $0x1;
	s5 =	sadd.s32 $0x0, s10  }
0x21: {  	[tilespmem:s3], [sflag:$0x1] =	stream.linear.gather [hbm4b:s5+s3], $0x320, $0x38;
	[tilespmem:$0x1F0F0] =	vst v63  }
0x22: {  	s5 =	simm.s32 @!p0 $0x3  }
0x23: {  	_ =	swait.ge @!p0 [sflag:s5], $0xA00  }
0x24: {  	[sflag:s5] =	ssyncset.done @!p0 $0x0  }
0x25: {  	[sflag:s5] =	ssyncadd.s32 @!p0 $0xFFFFF600  }
0x26: {  	_ =	swait.ge @!p0 [sflag:s5], $0xA00  }
0x27: {  	[sflag:s5] =	ssyncset.done @!p0 $0x0  }
0x28: {  	[sflag:s5] =	ssyncadd.s32 @!p0 $0xFFFFF600  }
0x29: {  	_ =	swait.ge @!p0 [sflag:s5], $0xA00  }
0x2a: {  	[sflag:s5] =	ssyncset.done @!p0 $0x0  }
0x2b: {  	[sflag:s5] =	ssyncadd.s32 @!p0 $0xFFFFF600  }
0x2c: {  	_ =	swait.ge @!p0 [sflag:s5], $0xA00  }
0x2d: {  	[sflag:s5] =	ssyncset.done @!p0 $0x0  }
0x2e: {  	[sflag:s5] =	ssyncadd.s32 @!p0 $0xFFFFF600  }
0x2f: {  	_ =	swait.ge @!p0 [sflag:s5], $0xA00  }
0x30: {  	[sflag:s5] =	ssyncset.done @!p0 $0x0  }
0x31: {  	[sflag:s5] =	ssyncadd.s32 @!p0 $0xFFFFF600  }
0x32: {  	_ =	swait.ge @!p0 [sflag:s5], $0xA00  }
0x33: {  	[sflag:s5] =	ssyncset.done @!p0 $0x0  }
0x34: {  	[sflag:s5] =	ssyncadd.s32 @!p0 $0xFFFFF600  }
0x35: {  	_ =	swait.ge @!p0 [sflag:s5], $0xA00  }
0x36: {  	[sflag:s5] =	ssyncset.done @!p0 $0x0  }
0x37: {  	[sflag:s5] =	ssyncadd.s32 @!p0 $0xFFFFF600  }
0x38: {  	_ =	swait.ge @!p0 [sflag:s5], $0xA00  }
0x39: {  	[sflag:s5] =	ssyncset.done @!p0 $0x0  }
0x3a: {  	[sflag:s5] =	ssyncadd.s32 @!p0 $0xFFFFF600  }
0x3b: {  	_ =	swait.ge @!p0 [sflag:s5], $0xA00  }
0x3c: {  	[sflag:s5] =	ssyncset.done @!p0 $0x0  }
0x3d: {  	[sflag:s5] =	ssyncadd.s32 @!p0 $0xFFFFF600  }
0x3e: {  	_ =	swait.ge @!p0 [sflag:s5], $0xA00  }
0x3f: {  	[sflag:s5] =	ssyncset.done @!p0 $0x0  }
0x40: {  	[sflag:s5] =	ssyncadd.s32 @!p0 $0xFFFFF600  }
0x41: {  	_ =	swait.ge [sflag:s11], $0x320  }
0x42: {  	[sflag:s11] =	ssyncset.done $0x0  }
0x43: {  	[sflag:s11] =	ssyncadd.s32 $0xFFFFFCE0  }
0x44: {  	v1 =	vld [tilespmem:$0x0]  }
0x45: {  	v2 =	vld [tilespmem:$0x2B0]  }
0x46: {  	v4 =	vld [tilespmem:$0x1A0]  }
0x47: {  	v3 =	vld [tilespmem:$0x30]  }
0x48: {  	v5 =	vld [tilespmem:$0x40]  }
0x49: {  	v6 =	vld [tilespmem:$0x50]  }
0x4a: {  	v7 =	vld [tilespmem:$0x60]  }
0x4b: {  	v8 =	vld [tilespmem:$0x70];
	v1 =	vsub.s32 v1, v0  }
0x4c: {  	v9 =	vld [tilespmem:$0x80];
	v2 =	vsub.s32 v2, v0;
	v1 =	vmin.u32 v1, $0xC350  }
0x4d: {  	v10 =	vld [tilespmem:$0x90];
	[tilespmem:$0x320] =	vst v1;
	v1 =	vmin.u32 v2, $0xC350;
	v2 =	vsub.s32 v3, v0  }
0x4e: {  	v11 =	vld [tilespmem:$0x270];
	[tilespmem:$0x5D0] =	vst v1;
	v1 =	vmin.u32 v2, $0xC350;
	v2 =	vsub.s32 v5, v0  }
0x4f: {  	[tilespmem:$0x350] =	vst v1;
	v1 =	vmin.u32 v2, $0xC350;
	v2 =	vsub.s32 v6, v0;
	v6 =	vld [tilespmem:$0xC0]  }
0x50: {  	[tilespmem:$0x360] =	vst v1;
	v1 =	vmin.u32 v2, $0xC350;
	v2 =	vsub.s32 v7, v0;
	v7 =	vld [tilespmem:$0xE0]  }
0x51: {  	[tilespmem:$0x370] =	vst v1;
	v1 =	vmin.u32 v2, $0xC350;
	v2 =	vsub.s32 v8, v0;
	v8 =	vld [tilespmem:$0x110]  }
0x52: {  	v5 =	vld [tilespmem:$0x120];
	[tilespmem:$0x380] =	vst v1;
	v1 =	vmin.u32 v2, $0xC350;
	v2 =	vsub.s32 v9, v0  }
0x53: {  	v9 =	vld [tilespmem:$0x170];
	[tilespmem:$0x390] =	vst v1;
	v1 =	vmin.u32 v2, $0xC350;
	v2 =	vsub.s32 v10, v0  }
0x54: {  	[tilespmem:$0x3A0] =	vst v1;
	v1 =	vmin.u32 v2, $0xC350;
	v2 =	vsub.s32 v6, v0;
	v6 =	vld [tilespmem:$0x180]  }
0x55: {  	[tilespmem:$0x3B0] =	vst v1;
	v1 =	vmin.u32 v2, $0xC350;
	v2 =	vsub.s32 v7, v0;
	v7 =	vld [tilespmem:$0x190]  }
0x56: {  	v10 =	vld [tilespmem:$0xA0];
	[tilespmem:$0x3E0] =	vst v1;
	v1 =	vmin.u32 v2, $0xC350;
	v2 =	vsub.s32 v8, v0  }
0x57: {  	[tilespmem:$0x400] =	vst v1;
	v1 =	vmin.u32 v2, $0xC350;
	v2 =	vsub.s32 v5, v0;
	v5 =	vld [tilespmem:$0x230]  }
0x58: {  	v8 =	vld [tilespmem:$0x240];
	[tilespmem:$0x430] =	vst v1;
	v1 =	vmin.u32 v2, $0xC350;
	v2 =	vsub.s32 v9, v0  }
0x59: {  	v9 =	vld [tilespmem:$0x250];
	[tilespmem:$0x440] =	vst v1;
	v1 =	vmin.u32 v2, $0xC350;
	v2 =	vsub.s32 v6, v0  }
0x5a: {  	[tilespmem:$0x490] =	vst v1;
	v1 =	vmin.u32 v2, $0xC350;
	v2 =	vsub.s32 v7, v0;
	v7 =	vld [tilespmem:$0x260]  }
0x5b: {  	v3 =	vld [tilespmem:$0xF0];
	[tilespmem:$0x4A0] =	vst v1;
	v1 =	vmin.u32 v2, $0xC350;
	v2 =	vsub.s32 v4, v0  }
0x5c: {  	v6 =	vld [tilespmem:$0xD0];
	[tilespmem:$0x4B0] =	vst v1;
	v2 =	vmin.u32 v2, $0xC350;
	v4 =	vsub.s32 v5, v0  }
0x5d: {  	v1 =	vld [tilespmem:$0x280];
	v5 =	vsub.s32 v8, v0;
	[tilespmem:$0x4C0] =	vst v2;
	v2 =	vmin.u32 v4, $0xC350  }
0x5e: {  	v8 =	vld [tilespmem:$0x10];
	[tilespmem:$0x550] =	vst v2;
	v2 =	vmin.u32 v5, $0xC350;
	v5 =	vsub.s32 v9, v0  }
0x5f: {  	s8 =	rddreg [dreg:$0xa];
	v4 =	vld [tilespmem:$0x20];
	v9 =	vsub.s32 v10, v0;
	[tilespmem:$0x560] =	vst v2;
	v2 =	vmin.u32 v5, $0xC350;
	v5 =	vsub.s32 v7, v0  }
0x60: {  	s9 =	simm.s32 $0x64;
	s5 =	smov.u32 s8;
	v9 =	vmin.u32 v9, $0xC350;
	v7 =	vld [tilespmem:$0x100];
	[tilespmem:$0x570] =	vst v2;
	v2 =	vmin.u32 v5, $0xC350;
	v5 =	vsub.s32 v11, v0  }
.LBB2_2:
0x61: {  	[tilespmem:$0x3C0] =	vst v9;
	v9 =	vld [tilespmem:$0x130]  }
0x62: {  	v10 =	vld [tilespmem:$0x140];
	v5 =	vmin.u32 v5, $0xC350;
	[tilespmem:$0x580] =	vst v2;
	v6 =	vsub.s32 v6, v0  }
0x63: {  	v11 =	vld [tilespmem:$0x150];
	[tilespmem:$0x590] =	vst v5;
	v3 =	vsub.s32 v3, v0;
	v6 =	vmin.u32 v6, $0xC350  }
0x64: {  	v12 =	vld [tilespmem:$0xB0];
	v8 =	vsub.s32 v8, v0;
	v3 =	vmin.u32 v3, $0xC350;
	[tilespmem:$0x3F0] =	vst v6  }
0x65: {  	v1 =	vsub.s32 v1, v0;
	v8 =	vmin.u32 v8, $0xC350;
	v6 =	vld [tilespmem:$0x160];
	[tilespmem:$0x410] =	vst v3  }
0x66: {  	v1 =	vmin.u32 v1, $0xC350;
	v3 =	vsub.s32 v7, v0;
	v7 =	vld [tilespmem:$0x1B0];
	[tilespmem:$0x330] =	vst v8  }
0x67: {  	v8 =	vsub.s32 v9, v0;
	v9 =	vld [tilespmem:$0x1C0];
	[tilespmem:$0x5A0] =	vst v1;
	v3 =	vmin.u32 v3, $0xC350  }
0x68: {  	[tilespmem:$0x420] =	vst v3;
	v3 =	vmin.u32 v8, $0xC350;
	v8 =	vsub.s32 v10, v0;
	v10 =	vld [tilespmem:$0x1D0]  }
0x69: {  	[tilespmem:$0x450] =	vst v3;
	v3 =	vmin.u32 v8, $0xC350;
	v8 =	vsub.s32 v11, v0;
	v11 =	vld [tilespmem:$0x1E0]  }
0x6a: {  	[tilespmem:$0x460] =	vst v3;
	v3 =	vmin.u32 v8, $0xC350;
	v8 =	vld [tilespmem:$0x1F0];
	v6 =	vsub.s32 v6, v0  }
0x6b: {  	[tilespmem:$0x470] =	vst v3;
	v3 =	vmin.u32 v6, $0xC350;
	v6 =	vsub.s32 v7, v0;
	v7 =	vld [tilespmem:$0x200]  }
0x6c: {  	[tilespmem:$0x480] =	vst v3;
	v3 =	vmin.u32 v6, $0xC350;
	v6 =	vsub.s32 v9, v0;
	v9 =	vld [tilespmem:$0x210]  }
0x6d: {  	[tilespmem:$0x4D0] =	vst v3;
	v3 =	vmin.u32 v6, $0xC350;
	v6 =	vsub.s32 v10, v0;
	v10 =	vld [tilespmem:$0x220]  }
0x6e: {  	[tilespmem:$0x4E0] =	vst v3;
	v3 =	vmin.u32 v6, $0xC350;
	v6 =	vsub.s32 v11, v0;
	v11 =	vld [tilespmem:$0x290]  }
0x6f: {  	[tilespmem:$0x4F0] =	vst v3;
	v3 =	vmin.u32 v6, $0xC350;
	v6 =	vsub.s32 v8, v0;
	v8 =	vld [tilespmem:$0x2A0]  }
0x70: {  	[tilespmem:$0x500] =	vst v3;
	v3 =	vmin.u32 v6, $0xC350;
	v6 =	vsub.s32 v7, v0  }
0x71: {  	[tilespmem:$0x510] =	vst v3;
	v3 =	vmin.u32 v6, $0xC350;
	v6 =	vsub.s32 v9, v0  }
0x72: {  	v4 =	vsub.s32 v4, v0;
	v7 =	vld [tilespmem:$0x2C0];
	[tilespmem:$0x520] =	vst v3;
	v3 =	vmin.u32 v6, $0xC350;
	v6 =	vsub.s32 v10, v0  }
0x73: {  	v4 =	vmin.u32 v4, $0xC350;
	v10 =	vld [tilespmem:$0x2E0];
	[tilespmem:$0x530] =	vst v3;
	v3 =	vmin.u32 v6, $0xC350;
	v6 =	vsub.s32 v11, v0  }
0x74: {  	[tilespmem:$0x340] =	vst v4;
	v11 =	vsub.s32 v12, v0;
	v2 =	vmin.u32 v6, $0xC350;
	v6 =	vsub.s32 v8, v0;
	v8 =	vld [tilespmem:$0x2F0]  }
0x75: {  	v9 =	vld [tilespmem:$0x2D0];
	v11 =	vmin.u32 v11, $0xC350;
	[tilespmem:$0x540] =	vst v3  }
0x76: {  	v5 =	vmin.u32 v6, $0xC350;
	v6 =	vld [tilespmem:$0x300];
	[tilespmem:$0x3D0] =	vst v11  }
0x77: {  	v1 =	vsub.s32 v7, v0;
	v7 =	vld [tilespmem:$0x310];
	[tilespmem:$0x5B0] =	vst v2  }
0x78: {  	v1 =	vmin.u32 v1, $0xC350;
	[tilespmem:$0x5C0] =	vst v5;
	v3 =	vsub.s32 v10, v0  }
0x79: {  	[tilespmem:$0x5E0] =	vst v1;
	v3 =	vmin.u32 v3, $0xC350;
	v4 =	vsub.s32 v8, v0  }
0x7a: {  	v9 =	vsub.s32 v9, v0;
	[tilespmem:$0x600] =	vst v3;
	v3 =	vmin.u32 v4, $0xC350  }
0x7b: {  	v4 =	vsub.s32 v6, v0;
	v6 =	vmin.u32 v9, $0xC350;
	[tilespmem:$0x610] =	vst v3  }
0x7c: {  	v2 =	vmin.u32 v4, $0xC350;
	v4 =	vsub.s32 v7, v0;
	[tilespmem:$0x5F0] =	vst v6  }
0x7d: {  	v3 =	vmin.u32 v4, $0xC350;
	[tilespmem:$0x620] =	vst v2  }
0x7e: {  	[tilespmem:$0x630] =	vst v3  }
0x7f: {  	[tilespmem:s12], [sflag:$0x2] =	stream.linear.gather [hbm4b:s8+s3], $0x6400, $0x38;
	[tilespmem:$0x1F0F0] =	vst v63  }
0x80: {  	_ =	swait.ge [sflag:s13], $0x6400  }
0x81: {  	[sflag:s13] =	ssyncset.done $0x0  }
0x82: {  	[sflag:s13] =	ssyncadd.s32 $0xFFFF9C00  }
0x83: {  	[spmem:s2] =	stream.indirect.scatter.add.f32 [tilespmem:s12], [sflag:$0x3], $0x20, s15, s14, $0xb8;
	[tilespmem:$0x1F0F0] =	vst v63  }
0x84: {  	_ = 	snop  }
0x85: {  	[spmem:s2] =	stream.indirect.scatter.add.f32 [tilespmem:s17], [sflag:$0x3], $0x20, s16, s14, $0xb8;
	[tilespmem:$0x1F0F0] =	vst v63  }
0x86: {  	_ = 	snop  }
0x87: {  	[spmem:s2] =	stream.indirect.scatter.add.f32 [tilespmem:s19], [sflag:$0x3], $0x20, s18, s14, $0xb8;
	[tilespmem:$0x1F0F0] =	vst v63  }
0x88: {  	_ = 	snop  }
0x89: {  	[spmem:s2] =	stream.indirect.scatter.add.f32 [tilespmem:s21], [sflag:$0x3], $0x20, s20, s14, $0xb8;
	[tilespmem:$0x1F0F0] =	vst v63  }
0x8a: {  	_ = 	snop  }
0x8b: {  	[spmem:s2] =	stream.indirect.scatter.add.f32 [tilespmem:s23], [sflag:$0x3], $0x20, s22, s14, $0xb8;
	[tilespmem:$0x1F0F0] =	vst v63  }
0x8c: {  	_ = 	snop  }
0x8d: {  	[spmem:s2] =	stream.indirect.scatter.add.f32 [tilespmem:s25], [sflag:$0x3], $0x20, s24, s14, $0xb8;
	[tilespmem:$0x1F0F0] =	vst v63  }
0x8e: {  	_ = 	snop  }
0x8f: {  	[spmem:s2] =	stream.indirect.scatter.add.f32 [tilespmem:s28], [sflag:$0x3], $0x20, s26, s14, $0xb8;
	[tilespmem:$0x1F0F0] =	vst v63  }
0x90: {  	_ = 	snop  }
0x91: {  	[spmem:s2] =	stream.indirect.scatter.add.f32 [tilespmem:s30], [sflag:$0x3], $0x20, s29, s14, $0xb8;
	[tilespmem:$0x1F0F0] =	vst v63  }
0x92: {  	_ = 	snop  }
0x93: {  	[spmem:s2] =	stream.indirect.scatter.add.f32 [tilespmem:s1], [sflag:$0x3], $0x20, s31, s14, $0xb8;
	[tilespmem:$0x1F0F0] =	vst v63  }
0x94: {  	s10 =	smov.u32 s9;
	s7 =	rddreg [dreg:$0x5]  }
0x95: {  	[spmem:s2] =	stream.indirect.scatter.add.f32 [tilespmem:s4], [sflag:$0x3], $0x20, s0, s14, $0xb8;
	[tilespmem:$0x1F0F0] =	vst v63  }
0x96: {  	p1 =	seq.s32 s10, $0x0;
	s7 =	sadd.s32 s10, s7  }
0x97: {  	[tilespmem:s3], [sflag:$0x1] =	stream.linear.gather [hbm4b:s7+s3], $0x320, $0x38;
	[tilespmem:$0x1F0F0] =	vst v63  }
0x98: {  	s7 =	simm.s32 @!p1 $0x3  }
0x99: {  	_ =	swait.ge @!p1 [sflag:s7], $0xA00  }
0x9a: {  	[sflag:s7] =	ssyncset.done @!p1 $0x0  }
0x9b: {  	[sflag:s7] =	ssyncadd.s32 @!p1 $0xFFFFF600  }
0x9c: {  	_ =	swait.ge @!p1 [sflag:s7], $0xA00  }
0x9d: {  	[sflag:s7] =	ssyncset.done @!p1 $0x0  }
0x9e: {  	[sflag:s7] =	ssyncadd.s32 @!p1 $0xFFFFF600  }
0x9f: {  	_ =	swait.ge @!p1 [sflag:s7], $0xA00  }
0xa0: {  	[sflag:s7] =	ssyncset.done @!p1 $0x0  }
0xa1: {  	[sflag:s7] =	ssyncadd.s32 @!p1 $0xFFFFF600  }
0xa2: {  	_ =	swait.ge @!p1 [sflag:s7], $0xA00  }
0xa3: {  	[sflag:s7] =	ssyncset.done @!p1 $0x0  }
0xa4: {  	[sflag:s7] =	ssyncadd.s32 @!p1 $0xFFFFF600  }
0xa5: {  	_ =	swait.ge @!p1 [sflag:s7], $0xA00  }
0xa6: {  	[sflag:s7] =	ssyncset.done @!p1 $0x0  }
0xa7: {  	[sflag:s7] =	ssyncadd.s32 @!p1 $0xFFFFF600  }
0xa8: {  	_ =	swait.ge @!p1 [sflag:s7], $0xA00  }
0xa9: {  	[sflag:s7] =	ssyncset.done @!p1 $0x0  }
0xaa: {  	[sflag:s7] =	ssyncadd.s32 @!p1 $0xFFFFF600  }
0xab: {  	_ =	swait.ge @!p1 [sflag:s7], $0xA00  }
0xac: {  	[sflag:s7] =	ssyncset.done @!p1 $0x0  }
0xad: {  	[sflag:s7] =	ssyncadd.s32 @!p1 $0xFFFFF600  }
0xae: {  	_ =	swait.ge @!p1 [sflag:s7], $0xA00  }
0xaf: {  	[sflag:s7] =	ssyncset.done @!p1 $0x0  }
0xb0: {  	[sflag:s7] =	ssyncadd.s32 @!p1 $0xFFFFF600  }
0xb1: {  	_ =	swait.ge @!p1 [sflag:s7], $0xA00  }
0xb2: {  	[sflag:s7] =	ssyncset.done @!p1 $0x0  }
0xb3: {  	[sflag:s7] =	ssyncadd.s32 @!p1 $0xFFFFF600  }
0xb4: {  	_ =	swait.ge @!p1 [sflag:s7], $0xA00  }
0xb5: {  	[sflag:s7] =	ssyncset.done @!p1 $0x0  }
0xb6: {  	[sflag:s7] =	ssyncadd.s32 @!p1 $0xFFFFF600  }
0xb7: {  	_ =	swait.ge [sflag:s11], $0x320  }
0xb8: {  	[sflag:s11] =	ssyncset.done $0x0  }
0xb9: {  	[sflag:s11] =	ssyncadd.s32 $0xFFFFFCE0  }
0xba: {  	v1 =	vld [tilespmem:$0x0]  }
0xbb: {  	v2 =	vld [tilespmem:$0x2B0]  }
0xbc: {  	v4 =	vld [tilespmem:$0x1A0]  }
0xbd: {  	v3 =	vld [tilespmem:$0x30]  }
0xbe: {  	v5 =	vld [tilespmem:$0x40]  }
0xbf: {  	v6 =	vld [tilespmem:$0x50];
	v1 =	vsub.s32 v1, v0  }
0xc0: {  	v7 =	vld [tilespmem:$0x60];
	v1 =	vmin.u32 v1, $0xC350  }
0xc1: {  	v2 =	vsub.s32 v2, v0;
	[tilespmem:$0x320] =	vst v1;
	v1 =	vld [tilespmem:$0x70]  }
0xc2: {  	v8 =	vld [tilespmem:$0x80];
	v3 =	vsub.s32 v3, v0;
	v2 =	vmin.u32 v2, $0xC350  }
0xc3: {  	[tilespmem:$0x5D0] =	vst v2;
	v2 =	vmin.u32 v3, $0xC350;
	v3 =	vsub.s32 v5, v0;
	v5 =	vld [tilespmem:$0x90]  }
0xc4: {  	v9 =	vld [tilespmem:$0xE0];
	[tilespmem:$0x350] =	vst v2;
	v2 =	vmin.u32 v3, $0xC350;
	v3 =	vsub.s32 v6, v0  }
0xc5: {  	[tilespmem:$0x360] =	vst v2;
	v2 =	vmin.u32 v3, $0xC350;
	v3 =	vsub.s32 v7, v0;
	v7 =	vld [tilespmem:$0xC0]  }
0xc6: {  	v10 =	vld [tilespmem:$0xA0];
	[tilespmem:$0x370] =	vst v2;
	v2 =	vmin.u32 v3, $0xC350;
	v1 =	vsub.s32 v1, v0  }
0xc7: {  	[tilespmem:$0x380] =	vst v2;
	v2 =	vsub.s32 v8, v0;
	v8 =	vld [tilespmem:$0x110];
	v1 =	vmin.u32 v1, $0xC350  }
0xc8: {  	v6 =	vld [tilespmem:$0x120];
	[tilespmem:$0x390] =	vst v1;
	v1 =	vmin.u32 v2, $0xC350;
	v2 =	vsub.s32 v5, v0  }
0xc9: {  	[tilespmem:$0x3A0] =	vst v1;
	v1 =	vmin.u32 v2, $0xC350;
	v2 =	vld [tilespmem:$0x170]  }
0xca: {  	v5 =	vld [tilespmem:$0x180];
	[tilespmem:$0x3B0] =	vst v1;
	v1 =	vsub.s32 v7, v0  }
0xcb: {  	v7 =	vsub.s32 v9, v0;
	v9 =	vld [tilespmem:$0x190];
	v1 =	vmin.u32 v1, $0xC350  }
0xcc: {  	v11 =	vld [tilespmem:$0x260];
	[tilespmem:$0x3E0] =	vst v1;
	v1 =	vmin.u32 v7, $0xC350;
	v7 =	vsub.s32 v8, v0  }
0xcd: {  	v6 =	vsub.s32 v6, v0;
	[tilespmem:$0x400] =	vst v1;
	v1 =	vmin.u32 v7, $0xC350;
	v7 =	vld [tilespmem:$0x230]  }
0xce: {  	v8 =	vld [tilespmem:$0x240];
	[tilespmem:$0x430] =	vst v1;
	v1 =	vmin.u32 v6, $0xC350;
	v2 =	vsub.s32 v2, v0  }
0xcf: {  	[tilespmem:$0x440] =	vst v1;
	v1 =	vmin.u32 v2, $0xC350;
	v2 =	vsub.s32 v5, v0;
	v5 =	vld [tilespmem:$0x250]  }
0xd0: {  	s9 =	sadd.s32 $0x64, s9;
	v3 =	vld [tilespmem:$0xF0];
	[tilespmem:$0x490] =	vst v1;
	v1 =	vmin.u32 v2, $0xC350;
	v2 =	vsub.s32 v9, v0  }
0xd1: {  	p0 =	sne.s32 s9, $0x30D4;
	v6 =	vsub.s32 v10, v0;
	v10 =	vld [tilespmem:$0x270];
	[tilespmem:$0x4A0] =	vst v1;
	v1 =	vmin.u32 v2, $0xC350;
	v2 =	vsub.s32 v4, v0  }
.Ltmp0:
0xd2: {  	v9 =	vmin.u32 v6, $0xC350;
	v6 =	vld [tilespmem:$0xD0];
	[tilespmem:$0x4B0] =	vst v1;
	v2 =	vmin.u32 v2, $0xC350;
	v4 =	vsub.s32 v7, v0;
	(pc) =	sbr.rel @p0 .LBB2_2-.Ltmp0, $4  }
0xd3: {  	v1 =	vld [tilespmem:$0x280];
	v7 =	vsub.s32 v8, v0;
	[tilespmem:$0x4C0] =	vst v2;
	v2 =	vmin.u32 v4, $0xC350  }
0xd4: {  	v8 =	vld [tilespmem:$0x10];
	[tilespmem:$0x550] =	vst v2;
	v2 =	vmin.u32 v7, $0xC350;
	v5 =	vsub.s32 v5, v0  }
0xd5: {  	s5 =	sadd.s32 $0xC80, s5;
	v4 =	vld [tilespmem:$0x20];
	[tilespmem:$0x560] =	vst v2;
	v2 =	vmin.u32 v5, $0xC350;
	v5 =	vsub.s32 v11, v0  }
0xd6: {  	s8 =	smov.u32 s5;
	v7 =	vld [tilespmem:$0x100];
	[tilespmem:$0x570] =	vst v2;
	v2 =	vmin.u32 v5, $0xC350;
	v5 =	vsub.s32 v10, v0  }
0xd7: {  	[tilespmem:$0x3C0] =	vst v9  }
0xd8: {  	v10 =	vld [tilespmem:$0x130];
	v6 =	vsub.s32 v6, v0;
	v5 =	vmin.u32 v5, $0xC350;
	[tilespmem:$0x580] =	vst v2  }
0xd9: {  	v11 =	vld [tilespmem:$0x140];
	v3 =	vsub.s32 v3, v0;
	v6 =	vmin.u32 v6, $0xC350;
	[tilespmem:$0x590] =	vst v5  }
0xda: {  	v36 =	vld [tilespmem:$0x150];
	v3 =	vmin.u32 v3, $0xC350;
	v1 =	vsub.s32 v1, v0;
	[tilespmem:$0x3F0] =	vst v6  }
0xdb: {  	v37 =	vld [tilespmem:$0x160];
	v8 =	vsub.s32 v8, v0;
	[tilespmem:$0x410] =	vst v3;
	v1 =	vmin.u32 v1, $0xC350  }
0xdc: {  	v38 =	vld [tilespmem:$0x1B0];
	v8 =	vmin.u32 v8, $0xC350;
	[tilespmem:$0x5A0] =	vst v1;
	v3 =	vsub.s32 v7, v0  }
0xdd: {  	v40 =	vld [tilespmem:$0x1C0];
	[tilespmem:$0x330] =	vst v8;
	v3 =	vmin.u32 v3, $0xC350;
	v39 =	vsub.s32 v10, v0  }
0xde: {  	v42 =	vld [tilespmem:$0x1D0];
	v41 =	vsub.s32 v11, v0;
	[tilespmem:$0x420] =	vst v3;
	v3 =	vmin.u32 v39, $0xC350  }
0xdf: {  	v44 =	vld [tilespmem:$0x1E0];
	v43 =	vsub.s32 v36, v0;
	[tilespmem:$0x450] =	vst v3;
	v3 =	vmin.u32 v41, $0xC350  }
0xe0: {  	v45 =	vld [tilespmem:$0x1F0];
	v6 =	vsub.s32 v37, v0;
	[tilespmem:$0x460] =	vst v3;
	v3 =	vmin.u32 v43, $0xC350  }
0xe1: {  	v47 =	vld [tilespmem:$0x200];
	v46 =	vsub.s32 v38, v0;
	[tilespmem:$0x470] =	vst v3;
	v3 =	vmin.u32 v6, $0xC350  }
0xe2: {  	v49 =	vld [tilespmem:$0x210];
	v48 =	vsub.s32 v40, v0;
	[tilespmem:$0x480] =	vst v3;
	v3 =	vmin.u32 v46, $0xC350  }
0xe3: {  	v50 =	vsub.s32 v42, v0;
	[tilespmem:$0x4D0] =	vst v3;
	v3 =	vmin.u32 v48, $0xC350  }
0xe4: {  	v53 =	vld [tilespmem:$0xB0];
	v51 =	vsub.s32 v44, v0;
	[tilespmem:$0x4E0] =	vst v3;
	v3 =	vmin.u32 v50, $0xC350  }
0xe5: {  	v2 =	vld [tilespmem:$0x2F0];
	v52 =	vsub.s32 v45, v0;
	[tilespmem:$0x4F0] =	vst v3;
	v3 =	vmin.u32 v51, $0xC350  }
0xe6: {  	v55 =	vld [tilespmem:$0x220];
	v54 =	vsub.s32 v47, v0;
	[tilespmem:$0x500] =	vst v3;
	v3 =	vmin.u32 v52, $0xC350  }
0xe7: {  	v61 =	vld [tilespmem:$0x2C0];
	v56 =	vsub.s32 v49, v0;
	[tilespmem:$0x510] =	vst v3;
	v3 =	vmin.u32 v54, $0xC350  }
0xe8: {  	v1 =	vld [tilespmem:$0x310];
	v4 =	vsub.s32 v4, v0;
	[tilespmem:$0x520] =	vst v3;
	v3 =	vmin.u32 v56, $0xC350  }
0xe9: {  	v4 =	vmin.u32 v4, $0xC350;
	v8 =	vsub.s32 v53, v0;
	[tilespmem:$0x530] =	vst v3;
	v3 =	vld [tilespmem:$0x2E0]  }
0xea: {  	v57 =	vld [tilespmem:$0x290];
	[tilespmem:$0x340] =	vst v4;
	v2 =	vsub.s32 v2, v0;
	v59 =	vmin.u32 v8, $0xC350  }
0xeb: {  	v60 =	vld [tilespmem:$0x300];
	v58 =	vsub.s32 v55, v0;
	v2 =	vmin.u32 v2, $0xC350;
	[tilespmem:$0x3D0] =	vst v59  }
0xec: {  	v62 =	vld [tilespmem:$0x2D0];
	v5 =	vmin.u32 v58, $0xC350;
	[tilespmem:$0x610] =	vst v2;
	v2 =	vsub.s32 v61, v0  }
0xed: {  	v63 =	vld [tilespmem:$0x2A0];
	[tilespmem:$0x540] =	vst v5;
	v1 =	vsub.s32 v1, v0;
	v2 =	vmin.u32 v2, $0xC350  }
0xee: {  	v1 =	vmin.u32 v1, $0xC350;
	[tilespmem:$0x5E0] =	vst v2;
	v3 =	vsub.s32 v3, v0  }
0xef: {  	v6 =	vsub.s32 v57, v0;
	[tilespmem:$0x630] =	vst v1;
	v3 =	vmin.u32 v3, $0xC350  }
0xf0: {  	v6 =	vmin.u32 v6, $0xC350;
	[tilespmem:$0x600] =	vst v3;
	v3 =	vsub.s32 v60, v0  }
0xf1: {  	v1 =	vsub.s32 v62, v0;
	[tilespmem:$0x5B0] =	vst v6;
	v3 =	vmin.u32 v3, $0xC350  }
0xf2: {  	v1 =	vmin.u32 v1, $0xC350;
	[tilespmem:$0x620] =	vst v3;
	v3 =	vsub.s32 v63, v0  }
0xf3: {  	[tilespmem:$0x5F0] =	vst v1;
	v2 =	vmin.u32 v3, $0xC350  }
0xf4: {  	[tilespmem:$0x5C0] =	vst v2  }
0xf5: {  	[tilespmem:s12], [sflag:$0x2] =	stream.linear.gather [hbm4b:s8+s3], $0x6400, $0x38;
	[tilespmem:$0x1F0F0] =	vst v63  }
0xf6: {  	_ =	swait.ge [sflag:s13], $0x6400  }
0xf7: {  	[sflag:s13] =	ssyncset.done $0x0  }
0xf8: {  	[sflag:s13] =	ssyncadd.s32 $0xFFFF9C00  }
0xf9: {  	[spmem:s2] =	stream.indirect.scatter.add.f32 [tilespmem:s12], [sflag:$0x3], $0x20, s15, s14, $0xb8;
	[tilespmem:$0x1F0F0] =	vst v63  }
0xfa: {  	_ = 	snop  }
0xfb: {  	[spmem:s2] =	stream.indirect.scatter.add.f32 [tilespmem:s17], [sflag:$0x3], $0x20, s16, s14, $0xb8;
	[tilespmem:$0x1F0F0] =	vst v63  }
0xfc: {  	_ = 	snop  }
0xfd: {  	[spmem:s2] =	stream.indirect.scatter.add.f32 [tilespmem:s19], [sflag:$0x3], $0x20, s18, s14, $0xb8;
	[tilespmem:$0x1F0F0] =	vst v63  }
0xfe: {  	_ = 	snop  }
0xff: {  	[spmem:s2] =	stream.indirect.scatter.add.f32 [tilespmem:s21], [sflag:$0x3], $0x20, s20, s14, $0xb8;
	[tilespmem:$0x1F0F0] =	vst v63  }
0x100: {  	_ = 	snop  }
0x101: {  	[spmem:s2] =	stream.indirect.scatter.add.f32 [tilespmem:s23], [sflag:$0x3], $0x20, s22, s14, $0xb8;
	[tilespmem:$0x1F0F0] =	vst v63  }
0x102: {  	_ = 	snop  }
0x103: {  	[spmem:s2] =	stream.indirect.scatter.add.f32 [tilespmem:s25], [sflag:$0x3], $0x20, s24, s14, $0xb8;
	[tilespmem:$0x1F0F0] =	vst v63  }
0x104: {  	_ = 	snop  }
0x105: {  	[spmem:s2] =	stream.indirect.scatter.add.f32 [tilespmem:s28], [sflag:$0x3], $0x20, s26, s14, $0xb8;
	[tilespmem:$0x1F0F0] =	vst v63  }
0x106: {  	_ = 	snop  }
0x107: {  	[spmem:s2] =	stream.indirect.scatter.add.f32 [tilespmem:s30], [sflag:$0x3], $0x20, s29, s14, $0xb8;
	[tilespmem:$0x1F0F0] =	vst v63  }
0x108: {  	_ = 	snop  }
0x109: {  	[spmem:s2] =	stream.indirect.scatter.add.f32 [tilespmem:s1], [sflag:$0x3], $0x20, s31, s14, $0xb8;
	[tilespmem:$0x1F0F0] =	vst v63  }
0x10a: {  	_ = 	snop  }
0x10b: {  	[spmem:s2] =	stream.indirect.scatter.add.f32 [tilespmem:s4], [sflag:$0x3], $0x20, s0, s14, $0xb8;
	[tilespmem:$0x1F0F0] =	vst v63  }
0x10c: {  	_ =	swait.ge [sflag:s6], $0xA00  }
0x10d: {  	[sflag:s6] =	ssyncset.done $0x0  }
0x10e: {  	[sflag:s6] =	ssyncadd.s32 $0xFFFFF600  }
0x10f: {  	_ =	swait.ge [sflag:s6], $0xA00  }
0x110: {  	[sflag:s6] =	ssyncset.done $0x0  }
0x111: {  	[sflag:s6] =	ssyncadd.s32 $0xFFFFF600  }
0x112: {  	_ =	swait.ge [sflag:s6], $0xA00  }
0x113: {  	[sflag:s6] =	ssyncset.done $0x0  }
0x114: {  	[sflag:s6] =	ssyncadd.s32 $0xFFFFF600  }
0x115: {  	_ =	swait.ge [sflag:s6], $0xA00  }
0x116: {  	[sflag:s6] =	ssyncset.done $0x0  }
0x117: {  	[sflag:s6] =	ssyncadd.s32 $0xFFFFF600  }
0x118: {  	_ =	swait.ge [sflag:s6], $0xA00  }
0x119: {  	[sflag:s6] =	ssyncset.done $0x0  }
0x11a: {  	[sflag:s6] =	ssyncadd.s32 $0xFFFFF600  }
0x11b: {  	_ =	swait.ge [sflag:s6], $0xA00  }
0x11c: {  	[sflag:s6] =	ssyncset.done $0x0  }
0x11d: {  	[sflag:s6] =	ssyncadd.s32 $0xFFFFF600  }
0x11e: {  	_ =	swait.ge [sflag:s6], $0xA00  }
0x11f: {  	[sflag:s6] =	ssyncset.done $0x0  }
0x120: {  	[sflag:s6] =	ssyncadd.s32 $0xFFFFF600  }
0x121: {  	_ =	swait.ge [sflag:s6], $0xA00  }
0x122: {  	[sflag:s6] =	ssyncset.done $0x0  }
0x123: {  	[sflag:s6] =	ssyncadd.s32 $0xFFFFF600  }
0x124: {  	_ =	swait.ge [sflag:s6], $0xA00  }
0x125: {  	[sflag:s6] =	ssyncset.done $0x0  }
0x126: {  	[sflag:s6] =	ssyncadd.s32 $0xFFFFF600  }
0x127: {  	_ =	swait.ge [sflag:s6], $0xA00  }
0x128: {  	[sflag:s6] =	ssyncset.done $0x0  }
0x129: {  	[sflag:s6] =	ssyncadd.s32 $0xFFFFF600  }
0x12a: {  	[bflag:$0x0] =	sbarrier.arrive $0xFFFF  }
0x12b: {  	s7 =	rddreg [dreg:$0x7]  }
0x12c: {  	s5 =	rddreg [dreg:$0x8]  }
0x12d: {  	s9 =	simm.s32 $0x4;
	s8 =	rddreg [dreg:$0xb]  }
0x12e: {  	[hbm:s5], [sflag:s7] =	dma.local [spmem:s8], $0x30D4  }
0x12f: {  	_ =	swait.ge [sflag:s9], $0x30D4  }
0x130: {  	s10 =	rddreg [dreg:$0xc]  }
0x131: {  	s5 =	rddreg [dreg:$0x9];
	s10 =	sadd.s32 $0x1, s10  }
0x132: {  	p0 =	sne.s32 s10, s5  }
.Ltmp1:
0x133: {  	_ = 	snop;
	(pc) =	sbr.rel @p0 .LBB2_1-.Ltmp1, $3  }
0x134: {  	_ =	sdelay $0x1  }
0x135: {  	[sflag:s9] =	ssyncset.done $0x0  }
0x136: {  	[sflag:s9] =	ssyncadd.s32 $0xFFFFCF2C  }
0x137: {  	_ =	sfence.sel $0x180000  }
0x138: {  	[bflag:$0x0] =	sbarrier.arrive $0xFFFF  }
0x139: {  	_ =	strace $0x9000004A  }
0x13a: {  	s0 =	stileid.u32;
	[bflag:$0x2] =	sbarrier.arrive $0xFFFF  }
0x13b: {  	p0 =	sne.s32 s0, $0x0;
	s0 =	rddreg [dreg:$0x4]  }
0x13c: {  	s0 =	sadd.s32 @!p0 $0x100000, s0  }
0x13d: {  	[sflag:s0] =	ssyncadd.tile.s32 @!p0 $0x1;
	_ =	shalt  }
.Lfunc_end2:
_tile_overlayer_lowered:
.L_overlay_start_2:
0x13e: {  	(tag) =	ssettag $0x2  }
0x13f: {  	s0 =	rddreg [dreg:$0x0];
	s2 =	stileid.u32  }
0x140: {  	s1 =	rddreg [dreg:$0x1];
	p0 =	sne.s32 s2, $0x0  }
0x141: {  	s3 =	rddreg [dreg:$0x2];
	[bflag:$0x3] =	sbarrier.arrive $0xFFFF;
	s2 =	simm.s32 @!p0 $0x1C04  }
0x142: {  	[timem:s3], [sflag:s2] =	dma.local @!p0 [hbm:s0], s1  }
0x143: {  	s0 =	simm.s32 @!p0 $0x4  }
0x144: {  	_ =	swait.ge @!p0 [sflag:s0], s1  }
0x145: {  	s1 =	ssub.s32 @!p0 $0x0, s1;
	[sflag:s0] =	ssyncset.done @!p0 $0x0  }
0x146: {  	[sflag:s0] =	ssyncadd.s32 @!p0 s1  }
0x147: {  	[bflag:$0x3] =	sbarrier.arrive $0xFFFF  }
0x148: {  	_ =	shalt  }

// kernel: kernel.14.cloned.1.call-start
scs
__scs_entry_jumppad:
0x0: {  	(pc) =	sbr.rel $0x88, $3  }
0x1: {  	(tag) =	ssettag $0x0;
	lr =	simm.s32 $0x1  }
0x2: {  	[smem:$0x3F89] =	sst lr;
	_ =	strace $0xD0000000  }
0x3: {  	_ = 	snop  }
0x4: {  	_ = 	snop  }
0x5: {  	_ = 	snop  }
0x6: {  	_ = 	snop  }
0x7: {  	_ = 	snop  }
__scs_overlays_trampoline_lowered:
0x8: {  	[smem:$0x3F98] =	sst s0  }
0x9: {  	[smem:$0x3F99] =	sst s1  }
0xa: {  	[smem:$0x3F9A] =	sst s2  }
0xb: {  	[smem:$0x3F9B] =	sst s3  }
0xc: {  	[smem:$0x3F9C] =	sst s4  }
0xd: {  	[smem:$0x3F9D] =	sst s5  }
0xe: {  	[smem:$0x3F9E] =	sst s6  }
0xf: {  	[smem:$0x3F9F] =	sst s7  }
0x10: {  	[smem:$0x3FA0] =	sst s8  }
0x11: {  	[smem:$0x3FA1] =	sst s9;
	s0 =	simm.s32 @!p0 $0x0  }
0x12: {  	s1 =	sld [smem:$0x3F87];
	s0 =	simm.s32 @p0 $0x1  }
0x13: {  	[smem:$0x3FA2] =	sst s0;
	s0 =	simm.s32 @!p1 $0x0  }
0x14: {  	s2 =	sld [smem:$0x3F86];
	s0 =	simm.s32 @p1 $0x1  }
0x15: {  	[smem:$0x3FA3] =	sst s0;
	s0 =	simm.s32 @!p2 $0x0  }
0x16: {  	s3 =	sld [smem:$0x3FDB];
	s0 =	simm.s32 @p2 $0x1  }
0x17: {  	s4 =	simm.s32 $0x1BF5;
	[smem:$0x3FA5] =	sst s0  }
0x18: {  	s0 =	sld [smem:$0x3F88];
	_ =	swait.ge [sflag:s4], $0x0  }
0x19: {  	s7 =	sld [smem:$0x3F89]  }
0x1a: {  	s8 =	sadd.s32 $0xFFFFE003, lr  }
0x1b: {  	s9 =	sadd.s32 $0xFFFFFEF7, lr;
	s5 =	simm.s32 $0xFFFFFFFF;
	p2 =	slt.u32 s8, $0xFFFFF086  }
0x1c: {  	p1 =	slt.u32 s9, $0xF7A;
	s5 =	simm.s32 @!p2 $0x0  }
0x1d: {  	s5 =	simm.s32 @p1 $0x1;
	p0 =	seq.s32 s7, s2  }
0x1e: {  	s7 =	smul.u32 @!p0 $0xF7A, s2;
	p2 =	seq.s32 @!p0 s5, $0x0  }
0x1f: {  	s9 =	smul.u32 $0xF7A, s1;
	s8 =	simm.s32 @!p0 $0x1BF5;
	p2 =	por !p2, p0  }
0x20: {  	[sflag:s8] =	ssyncset.s32 @!p0 $0xFFFFF086;
	s6 =	sadd.s32 @!p0 s3, s7;
	s7 =	simm.s32 @!p0 $0x108  }
0x21: {  	s3 =	sadd.s32 s3, s9;
	s6 =	sadd.s32 @!p0 $0x88, s6;
	s7 =	simm.s32 @p2 $0x1082  }
0x22: {  	[simem:s7], [sflag:s8] =	dma.local @!p0 [hbm:s6], $0xF7A  }
0x23: {  	s9 =	sor.u32 $0xD0000000, s2;
	s6 =	simm.s32 $0x108;
	_ =	swait.ge @!p0 [sflag:s8], $0x0  }
0x24: {  	s3 =	sadd.s32 $0x88, s3;
	s6 =	simm.s32 @!p1 $0x1082;
	[sflag:s4] =	ssyncset.s32 $0xFFFFF086  }
0x25: {  	[simem:s6], [sflag:s4] =	dma.local [hbm:s3], $0xF7A  }
0x26: {  	[smem:$0x3F89] =	sst s1;
	(tag) =	ssettag s2;
	_ =	strace s9  }
0x27: {  	s1 =	sld [smem:$0x3F99]  }
0x28: {  	s2 =	sld [smem:$0x3F9A]  }
0x29: {  	s4 =	sld [smem:$0x3F9C]  }
0x2a: {  	p0 =	seq.s32 s5, $0x0;
	s5 =	sld [smem:$0x3F9D]  }
0x2b: {  	s6 =	sld [smem:$0x3F9E]  }
0x2c: {  	s7 =	sld [smem:$0x3F9F]  }
0x2d: {  	s3 =	simm.s32 $0x108;
	s8 =	sld [smem:$0x3FA0]  }
0x2e: {  	s3 =	simm.s32 @!p0 $0x1082;
	s9 =	sld [smem:$0x3FA1]  }
0x2f: {  	lr =	sadd.s32 s0, s3;
	s0 =	sld [smem:$0x3F98]  }
0x30: {  	s3 =	sld [smem:$0x3F9B]  }
0x31: {  	[smem:$0x3FA4] =	sst s10  }
0x32: {  	s10 =	sld [smem:$0x3FA2];
	_ =	sdelay $0x3  }
0x33: {  	p0 =	seq.s32 s10, $0x1;
	s10 =	sld [smem:$0x3FA4];
	_ =	sdelay $0x3  }
0x34: {  	[smem:$0x3FA4] =	sst s10  }
0x35: {  	s10 =	sld [smem:$0x3FA3];
	_ =	sdelay $0x3  }
0x36: {  	p1 =	seq.s32 s10, $0x1;
	s10 =	sld [smem:$0x3FA4];
	_ =	sdelay $0x3  }
0x37: {  	[smem:$0x3FA4] =	sst s10  }
0x38: {  	s10 =	sld [smem:$0x3FA5]  }
0x39: {  	_ = 	snop;
	(pc) =	sbr.ind lr, $3  }
0x3a: {  	_ = 	snop  }
0x3b: {  	_ = 	snop  }
0x3c: {  	p2 =	seq.s32 s10, $0x1;
	s10 =	sld [smem:$0x3FA4]  }
0x3d: {  	_ =	shalt  }
0x3e: {  	_ =	shalt  }
0x3f: {  	_ =	shalt  }
0x40: {  	_ =	shalt  }
0x41: {  	_ =	shalt  }
0x42: {  	_ =	shalt  }
0x43: {  	_ =	shalt  }
0x44: {  	_ =	shalt  }
0x45: {  	_ =	shalt  }
0x46: {  	_ =	shalt  }
0x47: {  	_ =	shalt  }
0x48: {  	_ =	shalt  }
0x49: {  	_ =	shalt  }
0x4a: {  	_ =	shalt  }
0x4b: {  	_ =	shalt  }
0x4c: {  	_ =	shalt  }
0x4d: {  	_ =	shalt  }
0x4e: {  	_ =	shalt  }
0x4f: {  	_ =	shalt  }
0x50: {  	_ =	shalt  }
0x51: {  	_ =	shalt  }
0x52: {  	_ =	shalt  }
0x53: {  	_ =	shalt  }
0x54: {  	_ =	shalt  }
0x55: {  	_ =	shalt  }
0x56: {  	_ =	shalt  }
0x57: {  	_ =	shalt  }
0x58: {  	_ =	shalt  }
0x59: {  	_ =	shalt  }
0x5a: {  	_ =	shalt  }
0x5b: {  	_ =	shalt  }
0x5c: {  	_ =	shalt  }
0x5d: {  	_ =	shalt  }
0x5e: {  	_ =	shalt  }
0x5f: {  	_ =	shalt  }
0x60: {  	_ =	shalt  }
0x61: {  	_ =	shalt  }
0x62: {  	_ =	shalt  }
0x63: {  	_ =	shalt  }
0x64: {  	_ =	shalt  }
0x65: {  	_ =	shalt  }
0x66: {  	_ =	shalt  }
0x67: {  	_ =	shalt  }
0x68: {  	_ =	shalt  }
0x69: {  	_ =	shalt  }
0x6a: {  	_ =	shalt  }
0x6b: {  	_ =	shalt  }
0x6c: {  	_ =	shalt  }
0x6d: {  	_ =	shalt  }
0x6e: {  	_ =	shalt  }
0x6f: {  	_ =	shalt  }
0x70: {  	_ =	shalt  }
0x71: {  	_ =	shalt  }
0x72: {  	_ =	shalt  }
0x73: {  	_ =	shalt  }
0x74: {  	_ =	shalt  }
0x75: {  	_ =	shalt  }
0x76: {  	_ =	shalt  }
0x77: {  	_ =	shalt  }
0x78: {  	_ =	shalt  }
0x79: {  	_ =	shalt  }
0x7a: {  	_ =	shalt  }
0x7b: {  	_ =	shalt  }
0x7c: {  	_ =	shalt  }
0x7d: {  	_ =	shalt  }
0x7e: {  	_ =	shalt  }
0x7f: {  	_ =	shalt  }
0x80: {  	_ =	shalt  }
0x81: {  	_ =	shalt  }
0x82: {  	_ =	shalt  }
0x83: {  	_ =	shalt  }
0x84: {  	_ =	shalt  }
0x85: {  	_ =	shalt  }
0x86: {  	_ =	shalt  }
0x87: {  	_ =	shalt  }
.Lfunc_end0:
.L_simem_size_0:
called_computation.2_lowered:
.L_overlay_start_0:
0x88: {  	s2 =	sld [smem:$0x3FD9]  }
0x89: {  	s3 =	sld [smem:$0x3FFE];
	_ =	sdelay $0x1  }
0x8a: {  	s1 =	srdreg.scid  }
0x8b: {  	s0 =	sand.u32 $0x1, s1  }
0x8c: {  	s15 =	sshll.u32 s0, $0xA;
	s2 =	sadd.s32 s3, s2  }
0x8d: {  	s2 =	sadd.s32 s2, s15  }
0x8e: {  	[smem:$0x3FB0] =	sst s2  }
0x8f: {  	_ = 	snop  }
0x90: {  	s16 =	sld [smem:$0x3FD0];
	_ =	sdelay $0x2  }
0x91: {  	s4 =	simm.s32 $0xB;
	s5 =	simm.s32 $0x10;
	s2 =	sld [smem:$0x3FC4]  }
0x92: {  	[smem:s5], [sflag:s4] =	dma.local [hbm:s16], $0x1  }
0x93: {  	_ =	swait.eq [sflag:s4], $0x1  }
0x94: {  	[sflag:s4] =	ssyncset.done $0x0  }
0x95: {  	[sflag:s4] =	ssyncadd.s32 $0xFFFFFFFF  }
0x96: {  	s17 =	sld [smem:$0x11];
	(tm) =	ssettm $0x1  }
0x97: {  	s18 =	sld [smem:$0x3FFB];
	_ =	sdelay $0x3  }
0x98: {  	_ =	strace s18  }
0x99: {  	s3 =	sld [smem:$0x3FFC];
	_ =	sdelay $0x3  }
0x9a: {  	_ =	strace s3  }
0x9b: {  	s3 =	sld [smem:$0x3FFD];
	_ =	sdelay $0x3  }
0x9c: {  	_ =	strace s3  }
0x9d: {  	_ =	strace $0x8FFFFFFF  }
0x9e: {  	s19 =	sld [smem:$0x3FDB];
	_ =	sdelay $0x1  }
0x9f: {  	s20 =	simm.s32 $_scs_section_size  }
0xa0: {  	s6 =	simm.s32 $_size__tile_overlayer_lowered;
	s7 =	simm.s32 $_tile_overlayer_lowered  }
0xa1: {  	s8 =	simm.s32 $0x1BFF;
	s21 =	sshll.u32 s7, $0x1;
	s5 =	sadd.s32 s20, s19  }
0xa2: {  	s22 =	simm.s32 $0x0;
	s6 =	sshll.u32 s6, $0x1;
	s7 =	sadd.s32 s21, s5  }
0xa3: {  	[timem:s22], [sflag:s8] =	dma.local [hbm:s7], s6  }
0xa4: {  	_ =	swait.ge [sflag:s8], s6  }
0xa5: {  	s6 =	ssub.s32 $0x0, s6;
	[sflag:s8] =	ssyncset.done $0x0  }
0xa6: {  	[sflag:s8] =	ssyncadd.s32 s6;
	_ =	sdelay $0x1  }
0xa7: {  	s23 =	simm.s32 $0x1B8B  }
0xa8: {  	_ =	swait.ge [sflag:s23], $0x1  }
0xa9: {  	[sflag:s23] =	ssyncset.done $0x0  }
0xaa: {  	[sflag:s23] =	ssyncadd.s32 $0xFFFFFFFF  }
0xab: {  	s6 =	sld [smem:$0x0]  }
0xac: {  	s7 =	sand.u32 $0xFFFFFFFE, s1  }
0xad: {  	p0 =	sne.s32 s1, s7  }
0xae: {  	s7 =	sshll.u32 @p0 s7, $0xE  }
0xaf: {  	s7 =	sadd.s32 @p0 $0x11B8D, s7;
	s8 =	sshll.u32 @p0 s6, $0x11  }
0xb0: {  	s7 =	sor.u32 @p0 s8, s7  }
0xb1: {  	[sflag:s7] =	ssyncadd.remote.s32 @p0 $0x1;
	_ =	sdelay $0x1  }
0xb2: {  	s7 =	simm.s32 @p0 $0x1B8D  }
0xb3: {  	_ =	swait.eq @p0 [sflag:s7], $0x1  }
0xb4: {  	[sflag:s7] =	ssyncadd.s32 @p0 $0xFFFFFFFF  }
0xb5: {  	s8 =	sshll.u32 @!p0 s1, $0xE  }
0xb6: {  	s8 =	sor.u32 @!p0 $0x4000, s8;
	s7 =	simm.s32 @!p0 $0x1B8D  }
0xb7: {  	s6 =	sshll.u32 @!p0 s6, $0x11;
	s8 =	sadd.s32 @!p0 $0x11B8D, s8;
	_ =	swait.eq @!p0 [sflag:s7], $0x1  }
0xb8: {  	s6 =	sor.u32 @!p0 s6, s8;
	[sflag:s7] =	ssyncadd.s32 @!p0 $0xFFFFFFFF  }
0xb9: {  	s25 =	simm.s32 $0x1B8E;
	s24 =	sld [smem:$0x3FFE];
	[sflag:s6] =	ssyncadd.remote.s32 @!p0 $0x1  }
0xba: {  	s26 =	simm.s32 $execute0_lowered;
	[smem:$0x3FD2] =	sst s25  }
0xbb: {  	s7 =	sshll.u32 s26, $0x1;
	_ =	strace $0x8000004C;
	[dreg:$0x1] =	wrdreg $0xFFFFFFFF  }
0xbc: {  	s28 =	simm.s32 $_size_execute0_lowered;
	s5 =	sadd.s32 s5, s7;
	[dreg:$0x0] =	wrdreg $0x0  }
0xbd: {  	s7 =	sshll.u32 s28, $0x1;
	[dreg:$0x2] =	wrdreg s5  }
0xbe: {  	[dreg:$0x3] =	wrdreg s7  }
0xbf: {  	[dreg:$0x4] =	wrdreg $0xC0  }
0xc0: {  	_ =	task [dreg:s22], $0x5FFFF  }
0xc1: {  	[dreg:$0x1] =	wrdreg $0xFFFFFFFF  }
0xc2: {  	[dreg:$0x0] =	wrdreg $0x60  }
0xc3: {  	[dreg:$0x2] =	wrdreg s24  }
0xc4: {  	[dreg:$0x3] =	wrdreg s2  }
0xc5: {  	[dreg:$0x4] =	wrdreg s17  }
0xc6: {  	[dreg:$0x5] =	wrdreg $0x38400  }
0xc7: {  	[dreg:$0x6] =	wrdreg $0xA  }
0xc8: {  	_ =	task.clear_ibuf [dreg:s22], $0x7FFFF;
	_ =	strace $0x9000004C  }
0xc9: {  	s29 =	simm.s32 $0xA;
	_ =	strace $0x8000004E  }
0xca: {  	_ =	swait.ge [sflag:s29], $0x1  }
0xcb: {  	[sflag:s29] =	ssyncadd.s32 $0xFFFFFFFF  }
0xcc: {  	_ =	strace $0x9000004E  }
0xcd: {  	_ =	sfence  }
0xce: {  	s30 =	sld [smem:$0x0];
	_ =	sdelay $0x2  }
0xcf: {  	s31 =	sshll.u32 s1, $0xD;
	s1 =	sshrl.u32 s1, $0x2  }
0xd0: {  	s4 =	sand.u32 $0x4000, s31;
	s1 =	sadd.s32 s1, s30  }
0xd1: {  	s0 =	sor.u32 s4, s0;
	s1 =	sshll.u32 s1, $0x11  }
0xd2: {  	s0 =	sor.u32 s1, s0  }
0xd3: {  	s0 =	sadd.s32 $0x8F2B, s0  }
0xd4: {  	[sflag:s0] =	ssyncadd.remote.s32 $0x1  }
0xd5: {  	_ =	sfence.sel $0xFFFF  }
0xd6: {  	[dreg:$0x0] =	wrdreg $0xFFFFFFFF;
	(pc) =	sbr.abs _section_cstart, $3  }
0xd7: {  	[dreg:$0x1] =	wrdreg $0xFFFFFFFF  }
0xd8: {  	_ =	task.clear_ibuf [dreg:s22], $0x2FFFF;
	_ =	strace $0x9FFFFFFF  }
0xd9: {  	(tm) =	ssettm $0x7FFFFFFF  }
tec
execute0_lowered:
.L_overlay_start_1:
0x0: {  	(tag) =	ssettag $0x1  }
0x1: {  	s0 =	rddreg [dreg:$0x0]  }
0x2: {  	s1 =	rddreg [dreg:$0x1]  }
0x3: {  	s2 =	srdreg.scid;
	s4 =	rddreg [dreg:$0x2]  }
0x4: {  	s11 =	stileid.u32;
	s3 =	simm.s32 $0x0;
	s12 =	simm.s32 $0x640  }
0x5: {  	s13 =	simm.s32 $0x2;
	s14 =	simm.s32 $0x50;
	s15 =	simm.s32 $0x320  }
0x6: {  	s16 =	simm.s32 $0x370;
	s17 =	simm.s32 $0xB40;
	s18 =	simm.s32 $0x3C0  }
0x7: {  	s19 =	simm.s32 $0x1040;
	s20 =	simm.s32 $0x410;
	s21 =	simm.s32 $0x1540  }
0x8: {  	s28 =	simm.s32 $0x2440;
	s29 =	simm.s32 $0x550;
	s30 =	simm.s32 $0x2940  }
0x9: {  	s5 =	sand.u32 $0x1, s2;
	s2 =	rddreg [dreg:$0x3];
	s7 =	smul.u32 $0xC35, s11  }
0xa: {  	s31 =	simm.s32 $0x5A0;
	[smem:$0x7FF] =	sst s3;
	s8 =	smul.u32 $0x30D40, s11  }
0xb: {  	s22 =	smul.u32 $0x30D4, s11;
	s23 =	sshll.u32 s11, $0x6;
	s11 =	simm.s32 $0x1  }
0xc: {  	s6 =	smul.u32 $0xC350, s5;
	_ =	strace $0x8000004D;
	s5 =	ssub.s32 $0x2, s5  }
0xd: {  	s9 =	sadd.s32 s8, s0;
	s10 =	sshrl.u32 s5, $0x1;
	s8 =	sshrl.u32 s8, $0x2  }
0xe: {  	s24 =	sadd.s32 s22, s1;
	s22 =	simm.s32 $0x460;
	s1 =	simm.s32 $0x2E40  }
0xf: {  	s7 =	sadd.s32 s7, s6;
	s5 =	ssub.s32 s5, s10;
	s8 =	sadd.s32 s8, s2  }
0x10: {  	s26 =	sadd.s32 $0x682400, s9;
	[dreg:$0x5] =	wrdreg s24;
	s9 =	simm.s32 $0x4  }
0x11: {  	s24 =	simm.s32 $0x4B0;
	v0 =	vmov s6;
	s6 =	simm.s32 $0x3;
	s10 =	simm.s32 $0x0  }
0x12: {  	s7 =	sshll.u32 s7, $0x1;
	s25 =	smax.u32 s5, $0x1;
	[dreg:$0xa] =	wrdreg s26  }
0x13: {  	s8 =	sshrl.u32 s8, $0x3;
	s26 =	simm.s32 $0x500;
	[dreg:$0x9] =	wrdreg s25  }
0x14: {  	s0 =	sadd.s32 s7, s0;
	s4 =	sadd.s32 s4, s7;
	[dreg:$0xb] =	wrdreg s8  }
0x15: {  	s7 =	sor.u32 $0x1C04, s23;
	s23 =	simm.s32 $0x1A40;
	[dreg:$0x6] =	wrdreg s4  }
0x16: {  	s25 =	simm.s32 $0x1F40;
	s0 =	sadd.s32 $0x98F800, s0;
	[dreg:$0x7] =	wrdreg s7  }
0x17: {  	s4 =	simm.s32 $0x3340;
	[dreg:$0x8] =	wrdreg s0;
	s0 =	simm.s32 $0x5F0  }
.LBB2_1:
0x18: {  	[dreg:$0xc] =	wrdreg s10  }
0x19: {  	s5 =	rddreg [dreg:$0x6]  }
0x1a: {  	[spmem:s8], [sflag:s7] =	dma.local [hbm:s5], $0x186A  }
0x1b: {  	_ =	swait.ge [sflag:s9], $0x186A  }
0x1c: {  	[sflag:s9] =	ssyncset.done $0x0  }
0x1d: {  	[sflag:s9] =	ssyncadd.s32 $0xFFFFE796  }
0x1e: {  	[bflag:$0x0] =	sbarrier.arrive $0xFFFF  }
0x1f: {  	s10 =	rddreg [dreg:$0x5]  }
0x20: {  	p0 =	por $0x1, $0x1;
	s5 =	sadd.s32 $0x0, s10  }
0x21: {  	[tilespmem:s3], [sflag:$0x1] =	stream.linear.gather [hbm4b:s5+s3], $0x320, $0x38;
	[tilespmem:$0xFB98] =	vst v63  }
0x22: {  	s5 =	simm.s32 @!p0 $0x3  }
0x23: {  	_ =	swait.ge @!p0 [sflag:s5], $0x500  }
0x24: {  	[sflag:s5] =	ssyncset.done @!p0 $0x0  }
0x25: {  	[sflag:s5] =	ssyncadd.s32 @!p0 $0xFFFFFB00  }
0x26: {  	_ =	swait.ge @!p0 [sflag:s5], $0x500  }
0x27: {  	[sflag:s5] =	ssyncset.done @!p0 $0x0  }
0x28: {  	[sflag:s5] =	ssyncadd.s32 @!p0 $0xFFFFFB00  }
0x29: {  	_ =	swait.ge @!p0 [sflag:s5], $0x500  }
0x2a: {  	[sflag:s5] =	ssyncset.done @!p0 $0x0  }
0x2b: {  	[sflag:s5] =	ssyncadd.s32 @!p0 $0xFFFFFB00  }
0x2c: {  	_ =	swait.ge @!p0 [sflag:s5], $0x500  }
0x2d: {  	[sflag:s5] =	ssyncset.done @!p0 $0x0  }
0x2e: {  	[sflag:s5] =	ssyncadd.s32 @!p0 $0xFFFFFB00  }
0x2f: {  	_ =	swait.ge @!p0 [sflag:s5], $0x500  }
0x30: {  	[sflag:s5] =	ssyncset.done @!p0 $0x0  }
0x31: {  	[sflag:s5] =	ssyncadd.s32 @!p0 $0xFFFFFB00  }
0x32: {  	_ =	swait.ge @!p0 [sflag:s5], $0x500  }
0x33: {  	[sflag:s5] =	ssyncset.done @!p0 $0x0  }
0x34: {  	[sflag:s5] =	ssyncadd.s32 @!p0 $0xFFFFFB00  }
0x35: {  	_ =	swait.ge @!p0 [sflag:s5], $0x500  }
0x36: {  	[sflag:s5] =	ssyncset.done @!p0 $0x0  }
0x37: {  	[sflag:s5] =	ssyncadd.s32 @!p0 $0xFFFFFB00  }
0x38: {  	_ =	swait.ge @!p0 [sflag:s5], $0x500  }
0x39: {  	[sflag:s5] =	ssyncset.done @!p0 $0x0  }
0x3a: {  	[sflag:s5] =	ssyncadd.s32 @!p0 $0xFFFFFB00  }
0x3b: {  	_ =	swait.ge @!p0 [sflag:s5], $0x500  }
0x3c: {  	[sflag:s5] =	ssyncset.done @!p0 $0x0  }
0x3d: {  	[sflag:s5] =	ssyncadd.s32 @!p0 $0xFFFFFB00  }
0x3e: {  	_ =	swait.ge @!p0 [sflag:s5], $0x500  }
0x3f: {  	[sflag:s5] =	ssyncset.done @!p0 $0x0  }
0x40: {  	[sflag:s5] =	ssyncadd.s32 @!p0 $0xFFFFFB00  }
0x41: {  	_ =	swait.ge [sflag:s11], $0x320  }
0x42: {  	[sflag:s11] =	ssyncset.done $0x0  }
0x43: {  	[sflag:s11] =	ssyncadd.s32 $0xFFFFFCE0  }
0x44: {  	v1 =	vld [tilespmem:$0x0]  }
0x45: {  	v2 =	vld [tilespmem:$0x2B0]  }
0x46: {  	v4 =	vld [tilespmem:$0x1A0]  }
0x47: {  	v3 =	vld [tilespmem:$0x30]  }
0x48: {  	v5 =	vld [tilespmem:$0x40]  }
0x49: {  	v6 =	vld [tilespmem:$0x50]  }
0x4a: {  	v7 =	vld [tilespmem:$0x60]  }
0x4b: {  	v8 =	vld [tilespmem:$0x70];
	v1 =	vsub.s32 v1, v0  }
0x4c: {  	v9 =	vld [tilespmem:$0x80];
	v2 =	vsub.s32 v2, v0;
	v1 =	vmin.u32 v1, $0xC350  }
0x4d: {  	v10 =	vld [tilespmem:$0x90];
	[tilespmem:$0x320] =	vst v1;
	v1 =	vmin.u32 v2, $0xC350;
	v2 =	vsub.s32 v3, v0  }
0x4e: {  	v11 =	vld [tilespmem:$0x270];
	[tilespmem:$0x5D0] =	vst v1;
	v1 =	vmin.u32 v2, $0xC350;
	v2 =	vsub.s32 v5, v0  }
0x4f: {  	[tilespmem:$0x350] =	vst v1;
	v1 =	vmin.u32 v2, $0xC350;
	v2 =	vsub.s32 v6, v0;
	v6 =	vld [tilespmem:$0xC0]  }
0x50: {  	[tilespmem:$0x360] =	vst v1;
	v1 =	vmin.u32 v2, $0xC350;
	v2 =	vsub.s32 v7, v0;
	v7 =	vld [tilespmem:$0xE0]  }
0x51: {  	[tilespmem:$0x370] =	vst v1;
	v1 =	vmin.u32 v2, $0xC350;
	v2 =	vsub.s32 v8, v0;
	v8 =	vld [tilespmem:$0x110]  }
0x52: {  	v5 =	vld [tilespmem:$0x120];
	[tilespmem:$0x380] =	vst v1;
	v1 =	vmin.u32 v2, $0xC350;
	v2 =	vsub.s32 v9, v0  }
0x53: {  	v9 =	vld [tilespmem:$0x170];
	[tilespmem:$0x390] =	vst v1;
	v1 =	vmin.u32 v2, $0xC350;
	v2 =	vsub.s32 v10, v0  }
0x54: {  	[tilespmem:$0x3A0] =	vst v1;
	v1 =	vmin.u32 v2, $0xC350;
	v2 =	vsub.s32 v6, v0;
	v6 =	vld [tilespmem:$0x180]  }
0x55: {  	[tilespmem:$0x3B0] =	vst v1;
	v1 =	vmin.u32 v2, $0xC350;
	v2 =	vsub.s32 v7, v0;
	v7 =	vld [tilespmem:$0x190]  }
0x56: {  	v10 =	vld [tilespmem:$0xA0];
	[tilespmem:$0x3E0] =	vst v1;
	v1 =	vmin.u32 v2, $0xC350;
	v2 =	vsub.s32 v8, v0  }
0x57: {  	[tilespmem:$0x400] =	vst v1;
	v1 =	vmin.u32 v2, $0xC350;
	v2 =	vsub.s32 v5, v0;
	v5 =	vld [tilespmem:$0x230]  }
0x58: {  	v8 =	vld [tilespmem:$0x240];
	[tilespmem:$0x430] =	vst v1;
	v1 =	vmin.u32 v2, $0xC350;
	v2 =	vsub.s32 v9, v0  }
0x59: {  	v9 =	vld [tilespmem:$0x250];
	[tilespmem:$0x440] =	vst v1;
	v1 =	vmin.u32 v2, $0xC350;
	v2 =	vsub.s32 v6, v0  }
0x5a: {  	[tilespmem:$0x490] =	vst v1;
	v1 =	vmin.u32 v2, $0xC350;
	v2 =	vsub.s32 v7, v0;
	v7 =	vld [tilespmem:$0x260]  }
0x5b: {  	v3 =	vld [tilespmem:$0xF0];
	[tilespmem:$0x4A0] =	vst v1;
	v1 =	vmin.u32 v2, $0xC350;
	v2 =	vsub.s32 v4, v0  }
0x5c: {  	v6 =	vld [tilespmem:$0xD0];
	[tilespmem:$0x4B0] =	vst v1;
	v2 =	vmin.u32 v2, $0xC350;
	v4 =	vsub.s32 v5, v0  }
0x5d: {  	v1 =	vld [tilespmem:$0x280];
	v5 =	vsub.s32 v8, v0;
	[tilespmem:$0x4C0] =	vst v2;
	v2 =	vmin.u32 v4, $0xC350  }
0x5e: {  	v8 =	vld [tilespmem:$0x10];
	[tilespmem:$0x550] =	vst v2;
	v2 =	vmin.u32 v5, $0xC350;
	v5 =	vsub.s32 v9, v0  }
0x5f: {  	s8 =	rddreg [dreg:$0xa];
	v4 =	vld [tilespmem:$0x20];
	v9 =	vsub.s32 v10, v0;
	[tilespmem:$0x560] =	vst v2;
	v2 =	vmin.u32 v5, $0xC350;
	v5 =	vsub.s32 v7, v0  }
0x60: {  	s9 =	simm.s32 $0x64;
	s5 =	smov.u32 s8;
	v9 =	vmin.u32 v9, $0xC350;
	v7 =	vld [tilespmem:$0x100];
	[tilespmem:$0x570] =	vst v2;
	v2 =	vmin.u32 v5, $0xC350;
	v5 =	vsub.s32 v11, v0  }
.LBB2_2:
0x61: {  	[tilespmem:$0x3C0] =	vst v9;
	v9 =	vld [tilespmem:$0x130]  }
0x62: {  	v10 =	vld [tilespmem:$0x140];
	v5 =	vmin.u32 v5, $0xC350;
	[tilespmem:$0x580] =	vst v2;
	v6 =	vsub.s32 v6, v0  }
0x63: {  	v11 =	vld [tilespmem:$0x150];
	[tilespmem:$0x590] =	vst v5;
	v3 =	vsub.s32 v3, v0;
	v6 =	vmin.u32 v6, $0xC350  }
0x64: {  	v12 =	vld [tilespmem:$0xB0];
	v8 =	vsub.s32 v8, v0;
	v3 =	vmin.u32 v3, $0xC350;
	[tilespmem:$0x3F0] =	vst v6  }
0x65: {  	v1 =	vsub.s32 v1, v0;
	v8 =	vmin.u32 v8, $0xC350;
	v6 =	vld [tilespmem:$0x160];
	[tilespmem:$0x410] =	vst v3  }
0x66: {  	v1 =	vmin.u32 v1, $0xC350;
	v3 =	vsub.s32 v7, v0;
	v7 =	vld [tilespmem:$0x1B0];
	[tilespmem:$0x330] =	vst v8  }
0x67: {  	v8 =	vsub.s32 v9, v0;
	v9 =	vld [tilespmem:$0x1C0];
	[tilespmem:$0x5A0] =	vst v1;
	v3 =	vmin.u32 v3, $0xC350  }
0x68: {  	[tilespmem:$0x420] =	vst v3;
	v3 =	vmin.u32 v8, $0xC350;
	v8 =	vsub.s32 v10, v0;
	v10 =	vld [tilespmem:$0x1D0]  }
0x69: {  	[tilespmem:$0x450] =	vst v3;
	v3 =	vmin.u32 v8, $0xC350;
	v8 =	vsub.s32 v11, v0;
	v11 =	vld [tilespmem:$0x1E0]  }
0x6a: {  	[tilespmem:$0x460] =	vst v3;
	v3 =	vmin.u32 v8, $0xC350;
	v8 =	vld [tilespmem:$0x1F0];
	v6 =	vsub.s32 v6, v0  }
0x6b: {  	[tilespmem:$0x470] =	vst v3;
	v3 =	vmin.u32 v6, $0xC350;
	v6 =	vsub.s32 v7, v0;
	v7 =	vld [tilespmem:$0x200]  }
0x6c: {  	[tilespmem:$0x480] =	vst v3;
	v3 =	vmin.u32 v6, $0xC350;
	v6 =	vsub.s32 v9, v0;
	v9 =	vld [tilespmem:$0x210]  }
0x6d: {  	[tilespmem:$0x4D0] =	vst v3;
	v3 =	vmin.u32 v6, $0xC350;
	v6 =	vsub.s32 v10, v0;
	v10 =	vld [tilespmem:$0x220]  }
0x6e: {  	[tilespmem:$0x4E0] =	vst v3;
	v3 =	vmin.u32 v6, $0xC350;
	v6 =	vsub.s32 v11, v0;
	v11 =	vld [tilespmem:$0x290]  }
0x6f: {  	[tilespmem:$0x4F0] =	vst v3;
	v3 =	vmin.u32 v6, $0xC350;
	v6 =	vsub.s32 v8, v0;
	v8 =	vld [tilespmem:$0x2A0]  }
0x70: {  	[tilespmem:$0x500] =	vst v3;
	v3 =	vmin.u32 v6, $0xC350;
	v6 =	vsub.s32 v7, v0  }
0x71: {  	[tilespmem:$0x510] =	vst v3;
	v3 =	vmin.u32 v6, $0xC350;
	v6 =	vsub.s32 v9, v0  }
0x72: {  	v4 =	vsub.s32 v4, v0;
	v7 =	vld [tilespmem:$0x2C0];
	[tilespmem:$0x520] =	vst v3;
	v3 =	vmin.u32 v6, $0xC350;
	v6 =	vsub.s32 v10, v0  }
0x73: {  	v4 =	vmin.u32 v4, $0xC350;
	v10 =	vld [tilespmem:$0x2E0];
	[tilespmem:$0x530] =	vst v3;
	v3 =	vmin.u32 v6, $0xC350;
	v6 =	vsub.s32 v11, v0  }
0x74: {  	[tilespmem:$0x340] =	vst v4;
	v11 =	vsub.s32 v12, v0;
	v2 =	vmin.u32 v6, $0xC350;
	v6 =	vsub.s32 v8, v0;
	v8 =	vld [tilespmem:$0x2F0]  }
0x75: {  	v9 =	vld [tilespmem:$0x2D0];
	v11 =	vmin.u32 v11, $0xC350;
	[tilespmem:$0x540] =	vst v3  }
0x76: {  	v5 =	vmin.u32 v6, $0xC350;
	v6 =	vld [tilespmem:$0x300];
	[tilespmem:$0x3D0] =	vst v11  }
0x77: {  	v1 =	vsub.s32 v7, v0;
	v7 =	vld [tilespmem:$0x310];
	[tilespmem:$0x5B0] =	vst v2  }
0x78: {  	v1 =	vmin.u32 v1, $0xC350;
	[tilespmem:$0x5C0] =	vst v5;
	v3 =	vsub.s32 v10, v0  }
0x79: {  	[tilespmem:$0x5E0] =	vst v1;
	v3 =	vmin.u32 v3, $0xC350;
	v4 =	vsub.s32 v8, v0  }
0x7a: {  	v9 =	vsub.s32 v9, v0;
	[tilespmem:$0x600] =	vst v3;
	v3 =	vmin.u32 v4, $0xC350  }
0x7b: {  	v4 =	vsub.s32 v6, v0;
	v6 =	vmin.u32 v9, $0xC350;
	[tilespmem:$0x610] =	vst v3  }
0x7c: {  	v2 =	vmin.u32 v4, $0xC350;
	v4 =	vsub.s32 v7, v0;
	[tilespmem:$0x5F0] =	vst v6  }
0x7d: {  	v3 =	vmin.u32 v4, $0xC350;
	[tilespmem:$0x620] =	vst v2  }
0x7e: {  	[tilespmem:$0x630] =	vst v3  }
0x7f: {  	[tilespmem:s12], [sflag:$0x2] =	stream.linear.gather [hbm4b:s8+s3], $0x3200, $0x38;
	[tilespmem:$0xFB98] =	vst v63  }
0x80: {  	_ =	swait.ge [sflag:s13], $0x3200  }
0x81: {  	[sflag:s13] =	ssyncset.done $0x0  }
0x82: {  	[sflag:s13] =	ssyncadd.s32 $0xFFFFCE00  }
0x83: {  	[spmem:s2] =	stream.indirect.scatter.add.f32 [tilespmem:s12], [sflag:$0x3], $0x10, s15, s14, $0xb8;
	[tilespmem:$0xFB98] =	vst v63  }
0x84: {  	_ = 	snop  }
0x85: {  	[spmem:s2] =	stream.indirect.scatter.add.f32 [tilespmem:s17], [sflag:$0x3], $0x10, s16, s14, $0xb8;
	[tilespmem:$0xFB98] =	vst v63  }
0x86: {  	_ = 	snop  }
0x87: {  	[spmem:s2] =	stream.indirect.scatter.add.f32 [tilespmem:s19], [sflag:$0x3], $0x10, s18, s14, $0xb8;
	[tilespmem:$0xFB98] =	vst v63  }
0x88: {  	_ = 	snop  }
0x89: {  	[spmem:s2] =	stream.indirect.scatter.add.f32 [tilespmem:s21], [sflag:$0x3], $0x10, s20, s14, $0xb8;
	[tilespmem:$0xFB98] =	vst v63  }
0x8a: {  	_ = 	snop  }
0x8b: {  	[spmem:s2] =	stream.indirect.scatter.add.f32 [tilespmem:s23], [sflag:$0x3], $0x10, s22, s14, $0xb8;
	[tilespmem:$0xFB98] =	vst v63  }
0x8c: {  	_ = 	snop  }
0x8d: {  	[spmem:s2] =	stream.indirect.scatter.add.f32 [tilespmem:s25], [sflag:$0x3], $0x10, s24, s14, $0xb8;
	[tilespmem:$0xFB98] =	vst v63  }
0x8e: {  	_ = 	snop  }
0x8f: {  	[spmem:s2] =	stream.indirect.scatter.add.f32 [tilespmem:s28], [sflag:$0x3], $0x10, s26, s14, $0xb8;
	[tilespmem:$0xFB98] =	vst v63  }
0x90: {  	_ = 	snop  }
0x91: {  	[spmem:s2] =	stream.indirect.scatter.add.f32 [tilespmem:s30], [sflag:$0x3], $0x10, s29, s14, $0xb8;
	[tilespmem:$0xFB98] =	vst v63  }
0x92: {  	_ = 	snop  }
0x93: {  	[spmem:s2] =	stream.indirect.scatter.add.f32 [tilespmem:s1], [sflag:$0x3], $0x10, s31, s14, $0xb8;
	[tilespmem:$0xFB98] =	vst v63  }
0x94: {  	s10 =	smov.u32 s9;
	s7 =	rddreg [dreg:$0x5]  }
0x95: {  	[spmem:s2] =	stream.indirect.scatter.add.f32 [tilespmem:s4], [sflag:$0x3], $0x10, s0, s14, $0xb8;
	[tilespmem:$0xFB98] =	vst v63  }
0x96: {  	p1 =	seq.s32 s10, $0x0;
	s7 =	sadd.s32 s10, s7  }
0x97: {  	[tilespmem:s3], [sflag:$0x1] =	stream.linear.gather [hbm4b:s7+s3], $0x320, $0x38;
	[tilespmem:$0xFB98] =	vst v63  }
0x98: {  	s7 =	simm.s32 @!p1 $0x3  }
0x99: {  	_ =	swait.ge @!p1 [sflag:s7], $0x500  }
0x9a: {  	[sflag:s7] =	ssyncset.done @!p1 $0x0  }
0x9b: {  	[sflag:s7] =	ssyncadd.s32 @!p1 $0xFFFFFB00  }
0x9c: {  	_ =	swait.ge @!p1 [sflag:s7], $0x500  }
0x9d: {  	[sflag:s7] =	ssyncset.done @!p1 $0x0  }
0x9e: {  	[sflag:s7] =	ssyncadd.s32 @!p1 $0xFFFFFB00  }
0x9f: {  	_ =	swait.ge @!p1 [sflag:s7], $0x500  }
0xa0: {  	[sflag:s7] =	ssyncset.done @!p1 $0x0  }
0xa1: {  	[sflag:s7] =	ssyncadd.s32 @!p1 $0xFFFFFB00  }
0xa2: {  	_ =	swait.ge @!p1 [sflag:s7], $0x500  }
0xa3: {  	[sflag:s7] =	ssyncset.done @!p1 $0x0  }
0xa4: {  	[sflag:s7] =	ssyncadd.s32 @!p1 $0xFFFFFB00  }
0xa5: {  	_ =	swait.ge @!p1 [sflag:s7], $0x500  }
0xa6: {  	[sflag:s7] =	ssyncset.done @!p1 $0x0  }
0xa7: {  	[sflag:s7] =	ssyncadd.s32 @!p1 $0xFFFFFB00  }
0xa8: {  	_ =	swait.ge @!p1 [sflag:s7], $0x500  }
0xa9: {  	[sflag:s7] =	ssyncset.done @!p1 $0x0  }
0xaa: {  	[sflag:s7] =	ssyncadd.s32 @!p1 $0xFFFFFB00  }
0xab: {  	_ =	swait.ge @!p1 [sflag:s7], $0x500  }
0xac: {  	[sflag:s7] =	ssyncset.done @!p1 $0x0  }
0xad: {  	[sflag:s7] =	ssyncadd.s32 @!p1 $0xFFFFFB00  }
0xae: {  	_ =	swait.ge @!p1 [sflag:s7], $0x500  }
0xaf: {  	[sflag:s7] =	ssyncset.done @!p1 $0x0  }
0xb0: {  	[sflag:s7] =	ssyncadd.s32 @!p1 $0xFFFFFB00  }
0xb1: {  	_ =	swait.ge @!p1 [sflag:s7], $0x500  }
0xb2: {  	[sflag:s7] =	ssyncset.done @!p1 $0x0  }
0xb3: {  	[sflag:s7] =	ssyncadd.s32 @!p1 $0xFFFFFB00  }
0xb4: {  	_ =	swait.ge @!p1 [sflag:s7], $0x500  }
0xb5: {  	[sflag:s7] =	ssyncset.done @!p1 $0x0  }
0xb6: {  	[sflag:s7] =	ssyncadd.s32 @!p1 $0xFFFFFB00  }
0xb7: {  	_ =	swait.ge [sflag:s11], $0x320  }
0xb8: {  	[sflag:s11] =	ssyncset.done $0x0  }
0xb9: {  	[sflag:s11] =	ssyncadd.s32 $0xFFFFFCE0  }
0xba: {  	v1 =	vld [tilespmem:$0x0]  }
0xbb: {  	v2 =	vld [tilespmem:$0x2B0]  }
0xbc: {  	v4 =	vld [tilespmem:$0x1A0]  }
0xbd: {  	v3 =	vld [tilespmem:$0x30]  }
0xbe: {  	v5 =	vld [tilespmem:$0x40]  }
0xbf: {  	v6 =	vld [tilespmem:$0x50];
	v1 =	vsub.s32 v1, v0  }
0xc0: {  	v7 =	vld [tilespmem:$0x60];
	v1 =	vmin.u32 v1, $0xC350  }
0xc1: {  	v2 =	vsub.s32 v2, v0;
	[tilespmem:$0x320] =	vst v1;
	v1 =	vld [tilespmem:$0x70]  }
0xc2: {  	v8 =	vld [tilespmem:$0x80];
	v3 =	vsub.s32 v3, v0;
	v2 =	vmin.u32 v2, $0xC350  }
0xc3: {  	[tilespmem:$0x5D0] =	vst v2;
	v2 =	vmin.u32 v3, $0xC350;
	v3 =	vsub.s32 v5, v0;
	v5 =	vld [tilespmem:$0x90]  }
0xc4: {  	v9 =	vld [tilespmem:$0xE0];
	[tilespmem:$0x350] =	vst v2;
	v2 =	vmin.u32 v3, $0xC350;
	v3 =	vsub.s32 v6, v0  }
0xc5: {  	[tilespmem:$0x360] =	vst v2;
	v2 =	vmin.u32 v3, $0xC350;
	v3 =	vsub.s32 v7, v0;
	v7 =	vld [tilespmem:$0xC0]  }
0xc6: {  	v10 =	vld [tilespmem:$0xA0];
	[tilespmem:$0x370] =	vst v2;
	v2 =	vmin.u32 v3, $0xC350;
	v1 =	vsub.s32 v1, v0  }
0xc7: {  	[tilespmem:$0x380] =	vst v2;
	v2 =	vsub.s32 v8, v0;
	v8 =	vld [tilespmem:$0x110];
	v1 =	vmin.u32 v1, $0xC350  }
0xc8: {  	v6 =	vld [tilespmem:$0x120];
	[tilespmem:$0x390] =	vst v1;
	v1 =	vmin.u32 v2, $0xC350;
	v2 =	vsub.s32 v5, v0  }
0xc9: {  	[tilespmem:$0x3A0] =	vst v1;
	v1 =	vmin.u32 v2, $0xC350;
	v2 =	vld [tilespmem:$0x170]  }
0xca: {  	v5 =	vld [tilespmem:$0x180];
	[tilespmem:$0x3B0] =	vst v1;
	v1 =	vsub.s32 v7, v0  }
0xcb: {  	v7 =	vsub.s32 v9, v0;
	v9 =	vld [tilespmem:$0x190];
	v1 =	vmin.u32 v1, $0xC350  }
0xcc: {  	v11 =	vld [tilespmem:$0x260];
	[tilespmem:$0x3E0] =	vst v1;
	v1 =	vmin.u32 v7, $0xC350;
	v7 =	vsub.s32 v8, v0  }
0xcd: {  	v6 =	vsub.s32 v6, v0;
	[tilespmem:$0x400] =	vst v1;
	v1 =	vmin.u32 v7, $0xC350;
	v7 =	vld [tilespmem:$0x230]  }
0xce: {  	v8 =	vld [tilespmem:$0x240];
	[tilespmem:$0x430] =	vst v1;
	v1 =	vmin.u32 v6, $0xC350;
	v2 =	vsub.s32 v2, v0  }
0xcf: {  	[tilespmem:$0x440] =	vst v1;
	v1 =	vmin.u32 v2, $0xC350;
	v2 =	vsub.s32 v5, v0;
	v5 =	vld [tilespmem:$0x250]  }
0xd0: {  	s9 =	sadd.s32 $0x64, s9;
	v3 =	vld [tilespmem:$0xF0];
	[tilespmem:$0x490] =	vst v1;
	v1 =	vmin.u32 v2, $0xC350;
	v2 =	vsub.s32 v9, v0  }
0xd1: {  	p0 =	sne.s32 s9, $0x30D4;
	v6 =	vsub.s32 v10, v0;
	v10 =	vld [tilespmem:$0x270];
	[tilespmem:$0x4A0] =	vst v1;
	v1 =	vmin.u32 v2, $0xC350;
	v2 =	vsub.s32 v4, v0  }
.Ltmp0:
0xd2: {  	v9 =	vmin.u32 v6, $0xC350;
	v6 =	vld [tilespmem:$0xD0];
	[tilespmem:$0x4B0] =	vst v1;
	v2 =	vmin.u32 v2, $0xC350;
	v4 =	vsub.s32 v7, v0;
	(pc) =	sbr.rel @p0 .LBB2_2-.Ltmp0, $4  }
0xd3: {  	v1 =	vld [tilespmem:$0x280];
	v7 =	vsub.s32 v8, v0;
	[tilespmem:$0x4C0] =	vst v2;
	v2 =	vmin.u32 v4, $0xC350  }
0xd4: {  	v8 =	vld [tilespmem:$0x10];
	[tilespmem:$0x550] =	vst v2;
	v2 =	vmin.u32 v7, $0xC350;
	v5 =	vsub.s32 v5, v0  }
0xd5: {  	s5 =	sadd.s32 $0x640, s5;
	v4 =	vld [tilespmem:$0x20];
	[tilespmem:$0x560] =	vst v2;
	v2 =	vmin.u32 v5, $0xC350;
	v5 =	vsub.s32 v11, v0  }
0xd6: {  	s8 =	smov.u32 s5;
	v7 =	vld [tilespmem:$0x100];
	[tilespmem:$0x570] =	vst v2;
	v2 =	vmin.u32 v5, $0xC350;
	v5 =	vsub.s32 v10, v0  }
0xd7: {  	[tilespmem:$0x3C0] =	vst v9  }
0xd8: {  	v10 =	vld [tilespmem:$0x130];
	v6 =	vsub.s32 v6, v0;
	v5 =	vmin.u32 v5, $0xC350;
	[tilespmem:$0x580] =	vst v2  }
0xd9: {  	v11 =	vld [tilespmem:$0x140];
	v3 =	vsub.s32 v3, v0;
	v6 =	vmin.u32 v6, $0xC350;
	[tilespmem:$0x590] =	vst v5  }
0xda: {  	v36 =	vld [tilespmem:$0x150];
	v3 =	vmin.u32 v3, $0xC350;
	v1 =	vsub.s32 v1, v0;
	[tilespmem:$0x3F0] =	vst v6  }
0xdb: {  	v37 =	vld [tilespmem:$0x160];
	v8 =	vsub.s32 v8, v0;
	[tilespmem:$0x410] =	vst v3;
	v1 =	vmin.u32 v1, $0xC350  }
0xdc: {  	v38 =	vld [tilespmem:$0x1B0];
	v8 =	vmin.u32 v8, $0xC350;
	[tilespmem:$0x5A0] =	vst v1;
	v3 =	vsub.s32 v7, v0  }
0xdd: {  	v40 =	vld [tilespmem:$0x1C0];
	[tilespmem:$0x330] =	vst v8;
	v3 =	vmin.u32 v3, $0xC350;
	v39 =	vsub.s32 v10, v0  }
0xde: {  	v42 =	vld [tilespmem:$0x1D0];
	v41 =	vsub.s32 v11, v0;
	[tilespmem:$0x420] =	vst v3;
	v3 =	vmin.u32 v39, $0xC350  }
0xdf: {  	v44 =	vld [tilespmem:$0x1E0];
	v43 =	vsub.s32 v36, v0;
	[tilespmem:$0x450] =	vst v3;
	v3 =	vmin.u32 v41, $0xC350  }
0xe0: {  	v45 =	vld [tilespmem:$0x1F0];
	v6 =	vsub.s32 v37, v0;
	[tilespmem:$0x460] =	vst v3;
	v3 =	vmin.u32 v43, $0xC350  }
0xe1: {  	v47 =	vld [tilespmem:$0x200];
	v46 =	vsub.s32 v38, v0;
	[tilespmem:$0x470] =	vst v3;
	v3 =	vmin.u32 v6, $0xC350  }
0xe2: {  	v49 =	vld [tilespmem:$0x210];
	v48 =	vsub.s32 v40, v0;
	[tilespmem:$0x480] =	vst v3;
	v3 =	vmin.u32 v46, $0xC350  }
0xe3: {  	v50 =	vsub.s32 v42, v0;
	[tilespmem:$0x4D0] =	vst v3;
	v3 =	vmin.u32 v48, $0xC350  }
0xe4: {  	v53 =	vld [tilespmem:$0xB0];
	v51 =	vsub.s32 v44, v0;
	[tilespmem:$0x4E0] =	vst v3;
	v3 =	vmin.u32 v50, $0xC350  }
0xe5: {  	v2 =	vld [tilespmem:$0x2F0];
	v52 =	vsub.s32 v45, v0;
	[tilespmem:$0x4F0] =	vst v3;
	v3 =	vmin.u32 v51, $0xC350  }
0xe6: {  	v55 =	vld [tilespmem:$0x220];
	v54 =	vsub.s32 v47, v0;
	[tilespmem:$0x500] =	vst v3;
	v3 =	vmin.u32 v52, $0xC350  }
0xe7: {  	v61 =	vld [tilespmem:$0x2C0];
	v56 =	vsub.s32 v49, v0;
	[tilespmem:$0x510] =	vst v3;
	v3 =	vmin.u32 v54, $0xC350  }
0xe8: {  	v1 =	vld [tilespmem:$0x310];
	v4 =	vsub.s32 v4, v0;
	[tilespmem:$0x520] =	vst v3;
	v3 =	vmin.u32 v56, $0xC350  }
0xe9: {  	v4 =	vmin.u32 v4, $0xC350;
	v8 =	vsub.s32 v53, v0;
	[tilespmem:$0x530] =	vst v3;
	v3 =	vld [tilespmem:$0x2E0]  }
0xea: {  	v57 =	vld [tilespmem:$0x290];
	[tilespmem:$0x340] =	vst v4;
	v2 =	vsub.s32 v2, v0;
	v59 =	vmin.u32 v8, $0xC350  }
0xeb: {  	v60 =	vld [tilespmem:$0x300];
	v58 =	vsub.s32 v55, v0;
	v2 =	vmin.u32 v2, $0xC350;
	[tilespmem:$0x3D0] =	vst v59  }
0xec: {  	v62 =	vld [tilespmem:$0x2D0];
	v5 =	vmin.u32 v58, $0xC350;
	[tilespmem:$0x610] =	vst v2;
	v2 =	vsub.s32 v61, v0  }
0xed: {  	v63 =	vld [tilespmem:$0x2A0];
	[tilespmem:$0x540] =	vst v5;
	v1 =	vsub.s32 v1, v0;
	v2 =	vmin.u32 v2, $0xC350  }
0xee: {  	v1 =	vmin.u32 v1, $0xC350;
	[tilespmem:$0x5E0] =	vst v2;
	v3 =	vsub.s32 v3, v0  }
0xef: {  	v6 =	vsub.s32 v57, v0;
	[tilespmem:$0x630] =	vst v1;
	v3 =	vmin.u32 v3, $0xC350  }
0xf0: {  	v6 =	vmin.u32 v6, $0xC350;
	[tilespmem:$0x600] =	vst v3;
	v3 =	vsub.s32 v60, v0  }
0xf1: {  	v1 =	vsub.s32 v62, v0;
	[tilespmem:$0x5B0] =	vst v6;
	v3 =	vmin.u32 v3, $0xC350  }
0xf2: {  	v1 =	vmin.u32 v1, $0xC350;
	[tilespmem:$0x620] =	vst v3;
	v3 =	vsub.s32 v63, v0  }
0xf3: {  	[tilespmem:$0x5F0] =	vst v1;
	v2 =	vmin.u32 v3, $0xC350  }
0xf4: {  	[tilespmem:$0x5C0] =	vst v2  }
0xf5: {  	[tilespmem:s12], [sflag:$0x2] =	stream.linear.gather [hbm4b:s8+s3], $0x3200, $0x38;
	[tilespmem:$0xFB98] =	vst v63  }
0xf6: {  	_ =	swait.ge [sflag:s13], $0x3200  }
0xf7: {  	[sflag:s13] =	ssyncset.done $0x0  }
0xf8: {  	[sflag:s13] =	ssyncadd.s32 $0xFFFFCE00  }
0xf9: {  	[spmem:s2] =	stream.indirect.scatter.add.f32 [tilespmem:s12], [sflag:$0x3], $0x10, s15, s14, $0xb8;
	[tilespmem:$0xFB98] =	vst v63  }
0xfa: {  	_ = 	snop  }
0xfb: {  	[spmem:s2] =	stream.indirect.scatter.add.f32 [tilespmem:s17], [sflag:$0x3], $0x10, s16, s14, $0xb8;
	[tilespmem:$0xFB98] =	vst v63  }
0xfc: {  	_ = 	snop  }
0xfd: {  	[spmem:s2] =	stream.indirect.scatter.add.f32 [tilespmem:s19], [sflag:$0x3], $0x10, s18, s14, $0xb8;
	[tilespmem:$0xFB98] =	vst v63  }
0xfe: {  	_ = 	snop  }
0xff: {  	[spmem:s2] =	stream.indirect.scatter.add.f32 [tilespmem:s21], [sflag:$0x3], $0x10, s20, s14, $0xb8;
	[tilespmem:$0xFB98] =	vst v63  }
0x100: {  	_ = 	snop  }
0x101: {  	[spmem:s2] =	stream.indirect.scatter.add.f32 [tilespmem:s23], [sflag:$0x3], $0x10, s22, s14, $0xb8;
	[tilespmem:$0xFB98] =	vst v63  }
0x102: {  	_ = 	snop  }
0x103: {  	[spmem:s2] =	stream.indirect.scatter.add.f32 [tilespmem:s25], [sflag:$0x3], $0x10, s24, s14, $0xb8;
	[tilespmem:$0xFB98] =	vst v63  }
0x104: {  	_ = 	snop  }
0x105: {  	[spmem:s2] =	stream.indirect.scatter.add.f32 [tilespmem:s28], [sflag:$0x3], $0x10, s26, s14, $0xb8;
	[tilespmem:$0xFB98] =	vst v63  }
0x106: {  	_ = 	snop  }
0x107: {  	[spmem:s2] =	stream.indirect.scatter.add.f32 [tilespmem:s30], [sflag:$0x3], $0x10, s29, s14, $0xb8;
	[tilespmem:$0xFB98] =	vst v63  }
0x108: {  	_ = 	snop  }
0x109: {  	[spmem:s2] =	stream.indirect.scatter.add.f32 [tilespmem:s1], [sflag:$0x3], $0x10, s31, s14, $0xb8;
	[tilespmem:$0xFB98] =	vst v63  }
0x10a: {  	_ = 	snop  }
0x10b: {  	[spmem:s2] =	stream.indirect.scatter.add.f32 [tilespmem:s4], [sflag:$0x3], $0x10, s0, s14, $0xb8;
	[tilespmem:$0xFB98] =	vst v63  }
0x10c: {  	_ =	swait.ge [sflag:s6], $0x500  }
0x10d: {  	[sflag:s6] =	ssyncset.done $0x0  }
0x10e: {  	[sflag:s6] =	ssyncadd.s32 $0xFFFFFB00  }
0x10f: {  	_ =	swait.ge [sflag:s6], $0x500  }
0x110: {  	[sflag:s6] =	ssyncset.done $0x0  }
0x111: {  	[sflag:s6] =	ssyncadd.s32 $0xFFFFFB00  }
0x112: {  	_ =	swait.ge [sflag:s6], $0x500  }
0x113: {  	[sflag:s6] =	ssyncset.done $0x0  }
0x114: {  	[sflag:s6] =	ssyncadd.s32 $0xFFFFFB00  }
0x115: {  	_ =	swait.ge [sflag:s6], $0x500  }
0x116: {  	[sflag:s6] =	ssyncset.done $0x0  }
0x117: {  	[sflag:s6] =	ssyncadd.s32 $0xFFFFFB00  }
0x118: {  	_ =	swait.ge [sflag:s6], $0x500  }
0x119: {  	[sflag:s6] =	ssyncset.done $0x0  }
0x11a: {  	[sflag:s6] =	ssyncadd.s32 $0xFFFFFB00  }
0x11b: {  	_ =	swait.ge [sflag:s6], $0x500  }
0x11c: {  	[sflag:s6] =	ssyncset.done $0x0  }
0x11d: {  	[sflag:s6] =	ssyncadd.s32 $0xFFFFFB00  }
0x11e: {  	_ =	swait.ge [sflag:s6], $0x500  }
0x11f: {  	[sflag:s6] =	ssyncset.done $0x0  }
0x120: {  	[sflag:s6] =	ssyncadd.s32 $0xFFFFFB00  }
0x121: {  	_ =	swait.ge [sflag:s6], $0x500  }
0x122: {  	[sflag:s6] =	ssyncset.done $0x0  }
0x123: {  	[sflag:s6] =	ssyncadd.s32 $0xFFFFFB00  }
0x124: {  	_ =	swait.ge [sflag:s6], $0x500  }
0x125: {  	[sflag:s6] =	ssyncset.done $0x0  }
0x126: {  	[sflag:s6] =	ssyncadd.s32 $0xFFFFFB00  }
0x127: {  	_ =	swait.ge [sflag:s6], $0x500  }
0x128: {  	[sflag:s6] =	ssyncset.done $0x0  }
0x129: {  	[sflag:s6] =	ssyncadd.s32 $0xFFFFFB00  }
0x12a: {  	[bflag:$0x0] =	sbarrier.arrive $0xFFFF  }
0x12b: {  	s7 =	rddreg [dreg:$0x7]  }
0x12c: {  	s5 =	rddreg [dreg:$0x8]  }
0x12d: {  	s9 =	simm.s32 $0x4;
	s8 =	rddreg [dreg:$0xb]  }
0x12e: {  	[hbm:s5], [sflag:s7] =	dma.local [spmem:s8], $0x186A  }
0x12f: {  	_ =	swait.ge [sflag:s9], $0x186A  }
0x130: {  	s10 =	rddreg [dreg:$0xc]  }
0x131: {  	s5 =	rddreg [dreg:$0x9];
	s10 =	sadd.s32 $0x1, s10  }
0x132: {  	p0 =	sne.s32 s10, s5  }
.Ltmp1:
0x133: {  	_ = 	snop;
	(pc) =	sbr.rel @p0 .LBB2_1-.Ltmp1, $3  }
0x134: {  	_ =	sdelay $0x1  }
0x135: {  	[sflag:s9] =	ssyncset.done $0x0  }
0x136: {  	[sflag:s9] =	ssyncadd.s32 $0xFFFFE796  }
0x137: {  	_ =	sfence.sel $0x180000  }
0x138: {  	[bflag:$0x0] =	sbarrier.arrive $0xFFFF  }
0x139: {  	_ =	strace $0x9000004D  }
0x13a: {  	s0 =	stileid.u32;
	[bflag:$0x2] =	sbarrier.arrive $0xFFFF  }
0x13b: {  	p0 =	sne.s32 s0, $0x0;
	s0 =	rddreg [dreg:$0x4]  }
0x13c: {  	s0 =	sadd.s32 @!p0 $0x100000, s0  }
0x13d: {  	[sflag:s0] =	ssyncadd.tile.s32 @!p0 $0x1;
	_ =	shalt  }
.Lfunc_end2:
_tile_overlayer_lowered:
.L_overlay_start_2:
0x13e: {  	(tag) =	ssettag $0x2  }
0x13f: {  	s0 =	rddreg [dreg:$0x0];
	s2 =	stileid.u32  }
0x140: {  	s1 =	rddreg [dreg:$0x1];
	p0 =	sne.s32 s2, $0x0  }
0x141: {  	s3 =	rddreg [dreg:$0x2];
	[bflag:$0x3] =	sbarrier.arrive $0xFFFF;
	s2 =	simm.s32 @!p0 $0x1C04  }
0x142: {  	[timem:s3], [sflag:s2] =	dma.local @!p0 [hbm:s0], s1  }
0x143: {  	s0 =	simm.s32 @!p0 $0x4  }
0x144: {  	_ =	swait.ge @!p0 [sflag:s0], s1  }
0x145: {  	s1 =	ssub.s32 @!p0 $0x0, s1;
	[sflag:s0] =	ssyncset.done @!p0 $0x0  }
0x146: {  	[sflag:s0] =	ssyncadd.s32 @!p0 s1  }
0x147: {  	[bflag:$0x3] =	sbarrier.arrive $0xFFFF  }
0x148: {  	_ =	shalt  }

// kernel: kernel.8.cloned.1.call-start
scs
__scs_entry_jumppad:
0x0: {  	(pc) =	sbr.rel $0x88, $3  }
0x1: {  	(tag) =	ssettag $0x0;
	lr =	simm.s32 $0x1  }
0x2: {  	[smem:$0x3F89] =	sst lr;
	_ =	strace $0xD0000000  }
0x3: {  	_ = 	snop  }
0x4: {  	_ = 	snop  }
0x5: {  	_ = 	snop  }
0x6: {  	_ = 	snop  }
0x7: {  	_ = 	snop  }
__scs_overlays_trampoline_lowered:
0x8: {  	[smem:$0x3F98] =	sst s0  }
0x9: {  	[smem:$0x3F99] =	sst s1  }
0xa: {  	[smem:$0x3F9A] =	sst s2  }
0xb: {  	[smem:$0x3F9B] =	sst s3  }
0xc: {  	[smem:$0x3F9C] =	sst s4  }
0xd: {  	[smem:$0x3F9D] =	sst s5  }
0xe: {  	[smem:$0x3F9E] =	sst s6  }
0xf: {  	[smem:$0x3F9F] =	sst s7  }
0x10: {  	[smem:$0x3FA0] =	sst s8  }
0x11: {  	[smem:$0x3FA1] =	sst s9;
	s0 =	simm.s32 @!p0 $0x0  }
0x12: {  	s1 =	sld [smem:$0x3F87];
	s0 =	simm.s32 @p0 $0x1  }
0x13: {  	[smem:$0x3FA2] =	sst s0;
	s0 =	simm.s32 @!p1 $0x0  }
0x14: {  	s2 =	sld [smem:$0x3F86];
	s0 =	simm.s32 @p1 $0x1  }
0x15: {  	[smem:$0x3FA3] =	sst s0;
	s0 =	simm.s32 @!p2 $0x0  }
0x16: {  	s3 =	sld [smem:$0x3FDB];
	s0 =	simm.s32 @p2 $0x1  }
0x17: {  	s4 =	simm.s32 $0x1BF5;
	[smem:$0x3FA5] =	sst s0  }
0x18: {  	s0 =	sld [smem:$0x3F88];
	_ =	swait.ge [sflag:s4], $0x0  }
0x19: {  	s7 =	sld [smem:$0x3F89]  }
0x1a: {  	s8 =	sadd.s32 $0xFFFFE003, lr  }
0x1b: {  	s9 =	sadd.s32 $0xFFFFFEF7, lr;
	s5 =	simm.s32 $0xFFFFFFFF;
	p2 =	slt.u32 s8, $0xFFFFF086  }
0x1c: {  	p1 =	slt.u32 s9, $0xF7A;
	s5 =	simm.s32 @!p2 $0x0  }
0x1d: {  	s5 =	simm.s32 @p1 $0x1;
	p0 =	seq.s32 s7, s2  }
0x1e: {  	s7 =	smul.u32 @!p0 $0xF7A, s2;
	p2 =	seq.s32 @!p0 s5, $0x0  }
0x1f: {  	s9 =	smul.u32 $0xF7A, s1;
	s8 =	simm.s32 @!p0 $0x1BF5;
	p2 =	por !p2, p0  }
0x20: {  	[sflag:s8] =	ssyncset.s32 @!p0 $0xFFFFF086;
	s6 =	sadd.s32 @!p0 s3, s7;
	s7 =	simm.s32 @!p0 $0x108  }
0x21: {  	s3 =	sadd.s32 s3, s9;
	s6 =	sadd.s32 @!p0 $0x88, s6;
	s7 =	simm.s32 @p2 $0x1082  }
0x22: {  	[simem:s7], [sflag:s8] =	dma.local @!p0 [hbm:s6], $0xF7A  }
0x23: {  	s9 =	sor.u32 $0xD0000000, s2;
	s6 =	simm.s32 $0x108;
	_ =	swait.ge @!p0 [sflag:s8], $0x0  }
0x24: {  	s3 =	sadd.s32 $0x88, s3;
	s6 =	simm.s32 @!p1 $0x1082;
	[sflag:s4] =	ssyncset.s32 $0xFFFFF086  }
0x25: {  	[simem:s6], [sflag:s4] =	dma.local [hbm:s3], $0xF7A  }
0x26: {  	[smem:$0x3F89] =	sst s1;
	(tag) =	ssettag s2;
	_ =	strace s9  }
0x27: {  	s1 =	sld [smem:$0x3F99]  }
0x28: {  	s2 =	sld [smem:$0x3F9A]  }
0x29: {  	s4 =	sld [smem:$0x3F9C]  }
0x2a: {  	p0 =	seq.s32 s5, $0x0;
	s5 =	sld [smem:$0x3F9D]  }
0x2b: {  	s6 =	sld [smem:$0x3F9E]  }
0x2c: {  	s7 =	sld [smem:$0x3F9F]  }
0x2d: {  	s3 =	simm.s32 $0x108;
	s8 =	sld [smem:$0x3FA0]  }
0x2e: {  	s3 =	simm.s32 @!p0 $0x1082;
	s9 =	sld [smem:$0x3FA1]  }
0x2f: {  	lr =	sadd.s32 s0, s3;
	s0 =	sld [smem:$0x3F98]  }
0x30: {  	s3 =	sld [smem:$0x3F9B]  }
0x31: {  	[smem:$0x3FA4] =	sst s10  }
0x32: {  	s10 =	sld [smem:$0x3FA2];
	_ =	sdelay $0x3  }
0x33: {  	p0 =	seq.s32 s10, $0x1;
	s10 =	sld [smem:$0x3FA4];
	_ =	sdelay $0x3  }
0x34: {  	[smem:$0x3FA4] =	sst s10  }
0x35: {  	s10 =	sld [smem:$0x3FA3];
	_ =	sdelay $0x3  }
0x36: {  	p1 =	seq.s32 s10, $0x1;
	s10 =	sld [smem:$0x3FA4];
	_ =	sdelay $0x3  }
0x37: {  	[smem:$0x3FA4] =	sst s10  }
0x38: {  	s10 =	sld [smem:$0x3FA5]  }
0x39: {  	_ = 	snop;
	(pc) =	sbr.ind lr, $3  }
0x3a: {  	_ = 	snop  }
0x3b: {  	_ = 	snop  }
0x3c: {  	p2 =	seq.s32 s10, $0x1;
	s10 =	sld [smem:$0x3FA4]  }
0x3d: {  	_ =	shalt  }
0x3e: {  	_ =	shalt  }
0x3f: {  	_ =	shalt  }
0x40: {  	_ =	shalt  }
0x41: {  	_ =	shalt  }
0x42: {  	_ =	shalt  }
0x43: {  	_ =	shalt  }
0x44: {  	_ =	shalt  }
0x45: {  	_ =	shalt  }
0x46: {  	_ =	shalt  }
0x47: {  	_ =	shalt  }
0x48: {  	_ =	shalt  }
0x49: {  	_ =	shalt  }
0x4a: {  	_ =	shalt  }
0x4b: {  	_ =	shalt  }
0x4c: {  	_ =	shalt  }
0x4d: {  	_ =	shalt  }
0x4e: {  	_ =	shalt  }
0x4f: {  	_ =	shalt  }
0x50: {  	_ =	shalt  }
0x51: {  	_ =	shalt  }
0x52: {  	_ =	shalt  }
0x53: {  	_ =	shalt  }
0x54: {  	_ =	shalt  }
0x55: {  	_ =	shalt  }
0x56: {  	_ =	shalt  }
0x57: {  	_ =	shalt  }
0x58: {  	_ =	shalt  }
0x59: {  	_ =	shalt  }
0x5a: {  	_ =	shalt  }
0x5b: {  	_ =	shalt  }
0x5c: {  	_ =	shalt  }
0x5d: {  	_ =	shalt  }
0x5e: {  	_ =	shalt  }
0x5f: {  	_ =	shalt  }
0x60: {  	_ =	shalt  }
0x61: {  	_ =	shalt  }
0x62: {  	_ =	shalt  }
0x63: {  	_ =	shalt  }
0x64: {  	_ =	shalt  }
0x65: {  	_ =	shalt  }
0x66: {  	_ =	shalt  }
0x67: {  	_ =	shalt  }
0x68: {  	_ =	shalt  }
0x69: {  	_ =	shalt  }
0x6a: {  	_ =	shalt  }
0x6b: {  	_ =	shalt  }
0x6c: {  	_ =	shalt  }
0x6d: {  	_ =	shalt  }
0x6e: {  	_ =	shalt  }
0x6f: {  	_ =	shalt  }
0x70: {  	_ =	shalt  }
0x71: {  	_ =	shalt  }
0x72: {  	_ =	shalt  }
0x73: {  	_ =	shalt  }
0x74: {  	_ =	shalt  }
0x75: {  	_ =	shalt  }
0x76: {  	_ =	shalt  }
0x77: {  	_ =	shalt  }
0x78: {  	_ =	shalt  }
0x79: {  	_ =	shalt  }
0x7a: {  	_ =	shalt  }
0x7b: {  	_ =	shalt  }
0x7c: {  	_ =	shalt  }
0x7d: {  	_ =	shalt  }
0x7e: {  	_ =	shalt  }
0x7f: {  	_ =	shalt  }
0x80: {  	_ =	shalt  }
0x81: {  	_ =	shalt  }
0x82: {  	_ =	shalt  }
0x83: {  	_ =	shalt  }
0x84: {  	_ =	shalt  }
0x85: {  	_ =	shalt  }
0x86: {  	_ =	shalt  }
0x87: {  	_ =	shalt  }
.Lfunc_end0:
.L_simem_size_0:
called_computation_lowered:
.L_overlay_start_0:
0x88: {  	s2 =	sld [smem:$0x3FD9]  }
0x89: {  	s3 =	sld [smem:$0x3FFE];
	_ =	sdelay $0x1  }
0x8a: {  	s1 =	srdreg.scid  }
0x8b: {  	s0 =	sand.u32 $0x1, s1  }
0x8c: {  	s17 =	sshll.u32 s0, $0xA;
	s2 =	sadd.s32 s3, s2  }
0x8d: {  	s2 =	sadd.s32 s2, s17  }
0x8e: {  	[smem:$0x3FB0] =	sst s2  }
0x8f: {  	_ = 	snop  }
0x90: {  	s2 =	sld [smem:$0x3FC5]  }
0x91: {  	s18 =	sld [smem:$0x3FC4];
	(tm) =	ssettm $0x1  }
0x92: {  	s4 =	sld [smem:$0x3FFB];
	_ =	sdelay $0x3  }
0x93: {  	_ =	strace s4  }
0x94: {  	s4 =	sld [smem:$0x3FFC];
	_ =	sdelay $0x3  }
0x95: {  	_ =	strace s4  }
0x96: {  	s4 =	sld [smem:$0x3FFD];
	_ =	sdelay $0x3  }
0x97: {  	_ =	strace s4  }
0x98: {  	_ =	strace $0x8FFFFFFF  }
0x99: {  	s19 =	sld [smem:$0x3FDB];
	_ =	sdelay $0x1  }
0x9a: {  	s5 =	simm.s32 $_scs_section_size  }
0x9b: {  	s6 =	simm.s32 $_size__tile_overlayer_lowered;
	s7 =	simm.s32 $_tile_overlayer_lowered  }
0x9c: {  	s22 =	simm.s32 $0x1BFF;
	s21 =	sshll.u32 s7, $0x1;
	s4 =	sadd.s32 s5, s19  }
0x9d: {  	s8 =	simm.s32 $0x0;
	s20 =	sshll.u32 s6, $0x1;
	s6 =	sadd.s32 s21, s4  }
0x9e: {  	[timem:s8], [sflag:s22] =	dma.local [hbm:s6], s20  }
0x9f: {  	_ =	swait.ge [sflag:s22], s20  }
0xa0: {  	s5 =	ssub.s32 $0x0, s20;
	[sflag:s22] =	ssyncset.done $0x0  }
0xa1: {  	[sflag:s22] =	ssyncadd.s32 s5;
	_ =	sdelay $0x1  }
0xa2: {  	s23 =	simm.s32 $0x1B8B  }
0xa3: {  	_ =	swait.ge [sflag:s23], $0x1  }
0xa4: {  	[sflag:s23] =	ssyncset.done $0x0  }
0xa5: {  	s25 =	simm.s32 $0x1B8E;
	s24 =	sld [smem:$0x3FFE];
	[sflag:s23] =	ssyncadd.s32 $0xFFFFFFFF  }
0xa6: {  	s26 =	simm.s32 $execute0_lowered;
	[smem:$0x3FD2] =	sst s25  }
0xa7: {  	s6 =	sshll.u32 s26, $0x1;
	_ =	strace $0x80000046;
	[dreg:$0x1] =	wrdreg $0xFFFFFFFF  }
0xa8: {  	s28 =	simm.s32 $_size_execute0_lowered;
	s4 =	sadd.s32 s4, s6;
	[dreg:$0x0] =	wrdreg $0x0  }
0xa9: {  	s6 =	sshll.u32 s28, $0x1;
	[dreg:$0x2] =	wrdreg s4  }
0xaa: {  	[dreg:$0x3] =	wrdreg s6  }
0xab: {  	[dreg:$0x4] =	wrdreg $0xC0  }
0xac: {  	_ =	task [dreg:s8], $0x5FFFF  }
0xad: {  	[dreg:$0x1] =	wrdreg $0xFFFFFFFF  }
0xae: {  	[dreg:$0x0] =	wrdreg $0x60  }
0xaf: {  	[dreg:$0x2] =	wrdreg s24  }
0xb0: {  	[dreg:$0x3] =	wrdreg s2  }
0xb1: {  	[dreg:$0x4] =	wrdreg s18  }
0xb2: {  	[dreg:$0x5] =	wrdreg $0x9  }
0xb3: {  	_ =	task.clear_ibuf [dreg:s8], $0x6FFFF;
	_ =	strace $0x90000046  }
0xb4: {  	s29 =	simm.s32 $0x9;
	_ =	strace $0x80000048  }
0xb5: {  	_ =	swait.ge [sflag:s29], $0x1  }
0xb6: {  	[sflag:s29] =	ssyncadd.s32 $0xFFFFFFFF  }
0xb7: {  	_ =	strace $0x90000048  }
0xb8: {  	_ =	sfence  }
0xb9: {  	s30 =	sld [smem:$0x0];
	_ =	sdelay $0x2  }
0xba: {  	s31 =	sshll.u32 s1, $0xD;
	s1 =	sshrl.u32 s1, $0x2  }
0xbb: {  	s3 =	sand.u32 $0x4000, s31;
	s1 =	sadd.s32 s1, s30  }
0xbc: {  	s0 =	sor.u32 s3, s0;
	s1 =	sshll.u32 s1, $0x11  }
0xbd: {  	s0 =	sor.u32 s1, s0  }
0xbe: {  	s0 =	sadd.s32 $0x8F2B, s0  }
0xbf: {  	[sflag:s0] =	ssyncadd.remote.s32 $0x1  }
0xc0: {  	_ =	sfence.sel $0xFFFF  }
0xc1: {  	[dreg:$0x0] =	wrdreg $0xFFFFFFFF;
	(pc) =	sbr.abs _section_cstart, $3  }
0xc2: {  	[dreg:$0x1] =	wrdreg $0xFFFFFFFF  }
0xc3: {  	_ =	task.clear_ibuf [dreg:s8], $0x2FFFF;
	_ =	strace $0x9FFFFFFF  }
0xc4: {  	(tm) =	ssettm $0x7FFFFFFF  }
0xc5: {  	_ =	shalt  }
tec
execute0_lowered:
.L_overlay_start_1:
0x0: {  	(tag) =	ssettag $0x1  }
0x1: {  	s0 =	rddreg [dreg:$0x0]  }
0x2: {  	s1 =	rddreg [dreg:$0x1]  }
0x3: {  	s5 =	rddreg [dreg:$0x2];
	s2 =	simm.s32 $0x0;
	s4 =	stileid.u32  }
0x4: {  	s3 =	srdreg.scid;
	s31 =	simm.s32 $0x1720;
	s13 =	simm.s32 $0x1E0  }
0x5: {  	s14 =	simm.s32 $0x7620;
	s15 =	simm.s32 $0xA0;
	s16 =	simm.s32 $0x2B20  }
0x6: {  	s17 =	simm.s32 $0x230;
	s18 =	simm.s32 $0x8520;
	s19 =	simm.s32 $0xF0  }
0x7: {  	s20 =	simm.s32 $0x3F20;
	s21 =	simm.s32 $0x280;
	s22 =	simm.s32 $0x9420  }
0x8: {  	s23 =	simm.s32 $0x140;
	s24 =	simm.s32 $0x5320;
	s6 =	smul.u32 $0xC3500, s4  }
0x9: {  	s25 =	simm.s32 $0x2D0;
	s28 =	simm.s32 $0x2;
	s7 =	smul.u32 $0x927C0, s4  }
0xa: {  	s30 =	simm.s32 $0x0;
	s8 =	sand.u32 $0x1, s3;
	s9 =	smul.u32 $0x186A0, s4  }
0xb: {  	[smem:$0x7FF] =	sst s2;
	s3 =	sadd.s32 $0x6000, s0;
	s10 =	smul.u32 $0xC350, s8  }
0xc: {  	s4 =	sadd.s32 $0xC9600, s0;
	_ =	strace $0x80000047;
	s12 =	smul.u32 $0x493E0, s8  }
0xd: {  	s26 =	ssub.s32 $0x2, s8;
	s8 =	smul.u32 $0x61A80, s8;
	[dreg:$0x6] =	wrdreg s31  }
0xe: {  	s6 =	sadd.s32 s6, s0;
	s0 =	sadd.s32 s7, s0;
	s11 =	sshrl.u32 s26, $0x1  }
0xf: {  	s9 =	sadd.s32 s10, s9;
	s7 =	ssub.s32 s26, s11;
	s0 =	sadd.s32 s12, s0  }
0x10: {  	s6 =	sadd.s32 s8, s6;
	s8 =	simm.s32 $0x190;
	s7 =	smax.u32 s7, $0x1  }
0x11: {  	s10 =	simm.s32 $0x50;
	s0 =	sadd.s32 $0x1B7D400, s0;
	[dreg:$0x7] =	wrdreg s7  }
0x12: {  	s9 =	sshrl.u32 s9, $0x3;
	s29 =	sadd.s32 $0xF48400, s6;
	[dreg:$0x8] =	wrdreg s0  }
0x13: {  	s11 =	simm.s32 $0x320;
	s5 =	sadd.s32 s9, s5;
	[dreg:$0x9] =	wrdreg s29  }
0x14: {  	s12 =	simm.s32 $0x6720;
	s1 =	sadd.s32 s9, s1;
	[dreg:$0x4] =	wrdreg s5  }
0x15: {  	s26 =	simm.s32 $0xA320;
	s9 =	simm.s32 $0x1;
	[dreg:$0x5] =	wrdreg s1  }
.LBB2_1:
0x16: {  	s0 =	rddreg [dreg:$0x5]  }
0x17: {  	s1 =	rddreg [dreg:$0x4];
	s0 =	sadd.s32 $0x0, s0  }
0x18: {  	[tilespmem:s2], [sflag:$0x1] =	stream.linear.gather [hbm4b:s0+s2], $0x190, $0x38;
	[tilespmem:$0xB220] =	vst v63  }
0x19: {  	s6 =	sadd.s32 $0x0, s1  }
0x1a: {  	[tilespmem:s8], [sflag:$0x1] =	stream.linear.gather [hbm4b:s6+s2], $0x190, $0x38;
	[tilespmem:$0xB220] =	vst v63  }
0x1b: {  	_ =	swait.ge [sflag:s9], $0x190  }
0x1c: {  	[sflag:s9] =	ssyncset.done $0x0  }
0x1d: {  	[sflag:s9] =	ssyncadd.s32 $0xFFFFFE70  }
0x1e: {  	_ =	swait.ge [sflag:s9], $0x190  }
0x1f: {  	p0 =	por $0x1, $0x1;
	[sflag:s9] =	ssyncset.done $0x0  }
0x20: {  	s0 =	simm.s32 @!p0 $0x3;
	[sflag:s9] =	ssyncadd.s32 $0xFFFFFE70  }
0x21: {  	_ =	swait.ge @!p0 [sflag:s0], $0x6400  }
0x22: {  	[sflag:s0] =	ssyncset.done @!p0 $0x0  }
0x23: {  	[sflag:s0] =	ssyncadd.s32 @!p0 $0xFFFF9C00  }
0x24: {  	_ =	swait.ge @!p0 [sflag:s0], $0x4B00  }
0x25: {  	[sflag:s0] =	ssyncset.done @!p0 $0x0  }
0x26: {  	[sflag:s0] =	ssyncadd.s32 @!p0 $0xFFFFB500  }
0x27: {  	[tilespmem:s11], [sflag:$0x2] =	stream.indirect.gather [hbm4b:s3+s10], $0x40, s2, s10, $0xb8;
	[tilespmem:$0xB220] =	vst v63  }
0x28: {  	_ = 	snop  }
0x29: {  	[tilespmem:s12], [sflag:$0x2] =	stream.indirect.gather [hbm4b:s4+s10], $0x30, s8, s10, $0xb8;
	[tilespmem:$0xB220] =	vst v63  }
0x2a: {  	s7 =	rddreg [dreg:$0x6]  }
0x2b: {  	[tilespmem:s7], [sflag:$0x2] =	stream.indirect.gather [hbm4b:s3+s10], $0x40, s10, s10, $0xb8;
	[tilespmem:$0xB220] =	vst v63  }
0x2c: {  	_ = 	snop  }
0x2d: {  	[tilespmem:s14], [sflag:$0x2] =	stream.indirect.gather [hbm4b:s4+s10], $0x30, s13, s10, $0xb8;
	[tilespmem:$0xB220] =	vst v63  }
0x2e: {  	_ = 	snop  }
0x2f: {  	[tilespmem:s16], [sflag:$0x2] =	stream.indirect.gather [hbm4b:s3+s10], $0x40, s15, s10, $0xb8;
	[tilespmem:$0xB220] =	vst v63  }
0x30: {  	_ = 	snop  }
0x31: {  	[tilespmem:s18], [sflag:$0x2] =	stream.indirect.gather [hbm4b:s4+s10], $0x30, s17, s10, $0xb8;
	[tilespmem:$0xB220] =	vst v63  }
0x32: {  	_ = 	snop  }
0x33: {  	[tilespmem:s20], [sflag:$0x2] =	stream.indirect.gather [hbm4b:s3+s10], $0x40, s19, s10, $0xb8;
	[tilespmem:$0xB220] =	vst v63  }
0x34: {  	_ = 	snop  }
0x35: {  	[tilespmem:s22], [sflag:$0x2] =	stream.indirect.gather [hbm4b:s4+s10], $0x30, s21, s10, $0xb8;
	[tilespmem:$0xB220] =	vst v63  }
0x36: {  	_ = 	snop  }
0x37: {  	[tilespmem:s24], [sflag:$0x2] =	stream.indirect.gather [hbm4b:s3+s10], $0x40, s23, s10, $0xb8;
	[tilespmem:$0xB220] =	vst v63  }
0x38: {  	_ = 	snop  }
0x39: {  	[tilespmem:s26], [sflag:$0x2] =	stream.indirect.gather [hbm4b:s4+s10], $0x30, s25, s10, $0xb8;
	[tilespmem:$0xB220] =	vst v63  }
0x3a: {  	_ =	swait.ge [sflag:s28], $0x1400  }
0x3b: {  	[sflag:s28] =	ssyncset.done $0x0  }
0x3c: {  	[sflag:s28] =	ssyncadd.s32 $0xFFFFEC00  }
0x3d: {  	_ =	swait.ge [sflag:s28], $0xF00  }
0x3e: {  	[sflag:s28] =	ssyncset.done $0x0  }
0x3f: {  	[sflag:s28] =	ssyncadd.s32 $0xFFFFF100  }
0x40: {  	_ =	swait.ge [sflag:s28], $0x1400  }
0x41: {  	[sflag:s28] =	ssyncset.done $0x0  }
0x42: {  	[sflag:s28] =	ssyncadd.s32 $0xFFFFEC00  }
0x43: {  	_ =	swait.ge [sflag:s28], $0xF00  }
0x44: {  	[sflag:s28] =	ssyncset.done $0x0  }
0x45: {  	[sflag:s28] =	ssyncadd.s32 $0xFFFFF100  }
0x46: {  	_ =	swait.ge [sflag:s28], $0x1400  }
0x47: {  	[sflag:s28] =	ssyncset.done $0x0  }
0x48: {  	[sflag:s28] =	ssyncadd.s32 $0xFFFFEC00  }
0x49: {  	_ =	swait.ge [sflag:s28], $0xF00  }
0x4a: {  	[sflag:s28] =	ssyncset.done $0x0  }
0x4b: {  	[sflag:s28] =	ssyncadd.s32 $0xFFFFF100  }
0x4c: {  	_ =	swait.ge [sflag:s28], $0x1400  }
0x4d: {  	[sflag:s28] =	ssyncset.done $0x0  }
0x4e: {  	[sflag:s28] =	ssyncadd.s32 $0xFFFFEC00  }
0x4f: {  	_ =	swait.ge [sflag:s28], $0xF00  }
0x50: {  	[sflag:s28] =	ssyncset.done $0x0  }
0x51: {  	[sflag:s28] =	ssyncadd.s32 $0xFFFFF100  }
0x52: {  	_ =	swait.ge [sflag:s28], $0x1400  }
0x53: {  	[sflag:s28] =	ssyncset.done $0x0  }
0x54: {  	[sflag:s28] =	ssyncadd.s32 $0xFFFFEC00  }
0x55: {  	_ =	swait.ge [sflag:s28], $0xF00  }
0x56: {  	s0 =	rddreg [dreg:$0x9]  }
0x57: {  	s5 =	simm.s32 $0x64;
	[sflag:s28] =	ssyncset.done $0x0;
	s7 =	rddreg [dreg:$0x4]  }
0x58: {  	s1 =	simm.s32 $0x32;
	s6 =	rddreg [dreg:$0x8];
	[sflag:s28] =	ssyncadd.s32 $0xFFFFF100  }
0x59: {  	[hbm4b:s0+s2] =	stream.linear.scatter [tilespmem:s11], [sflag:$0x3], $0x6400, $0x38;
	[tilespmem:$0xB220] =	vst v63  }
0x5a: {  	s29 =	rddreg [dreg:$0x5];
	s31 =	sadd.s32 $0x960, s6;
	s0 =	sadd.s32 $0xC80, s0  }
.LBB2_2:
0x5b: {  	[hbm4b:s6+s2] =	stream.linear.scatter [tilespmem:s12], [sflag:$0x3], $0x4B00, $0x38;
	[tilespmem:$0xB220] =	vst v63  }
0x5c: {  	s6 =	sadd.s32 s1, s29  }
0x5d: {  	[tilespmem:s2], [sflag:$0x1] =	stream.linear.gather [hbm4b:s6+s2], $0x190, $0x38;
	[tilespmem:$0xB220] =	vst v63  }
0x5e: {  	s7 =	sadd.s32 s1, s7  }
0x5f: {  	[tilespmem:s8], [sflag:$0x1] =	stream.linear.gather [hbm4b:s7+s2], $0x190, $0x38;
	[tilespmem:$0xB220] =	vst v63  }
0x60: {  	_ =	swait.ge [sflag:s9], $0x190  }
0x61: {  	[sflag:s9] =	ssyncset.done $0x0  }
0x62: {  	[sflag:s9] =	ssyncadd.s32 $0xFFFFFE70  }
0x63: {  	_ =	swait.ge [sflag:s9], $0x190  }
0x64: {  	p1 =	seq.s32 s1, $0x0;
	[sflag:s9] =	ssyncset.done $0x0  }
0x65: {  	s7 =	simm.s32 @!p1 $0x3;
	[sflag:s9] =	ssyncadd.s32 $0xFFFFFE70  }
0x66: {  	_ =	swait.ge @!p1 [sflag:s7], $0x6400  }
0x67: {  	[sflag:s7] =	ssyncset.done @!p1 $0x0  }
0x68: {  	[sflag:s7] =	ssyncadd.s32 @!p1 $0xFFFF9C00  }
0x69: {  	_ =	swait.ge @!p1 [sflag:s7], $0x4B00  }
0x6a: {  	[sflag:s7] =	ssyncset.done @!p1 $0x0  }
0x6b: {  	[sflag:s7] =	ssyncadd.s32 @!p1 $0xFFFFB500  }
0x6c: {  	[tilespmem:s11], [sflag:$0x2] =	stream.indirect.gather [hbm4b:s3+s10], $0x40, s2, s10, $0xb8;
	[tilespmem:$0xB220] =	vst v63  }
0x6d: {  	_ = 	snop  }
0x6e: {  	[tilespmem:s12], [sflag:$0x2] =	stream.indirect.gather [hbm4b:s4+s10], $0x30, s8, s10, $0xb8;
	[tilespmem:$0xB220] =	vst v63  }
0x6f: {  	s7 =	rddreg [dreg:$0x6]  }
0x70: {  	[tilespmem:s7], [sflag:$0x2] =	stream.indirect.gather [hbm4b:s3+s10], $0x40, s10, s10, $0xb8;
	[tilespmem:$0xB220] =	vst v63  }
0x71: {  	_ = 	snop  }
0x72: {  	[tilespmem:s14], [sflag:$0x2] =	stream.indirect.gather [hbm4b:s4+s10], $0x30, s13, s10, $0xb8;
	[tilespmem:$0xB220] =	vst v63  }
0x73: {  	_ = 	snop  }
0x74: {  	[tilespmem:s16], [sflag:$0x2] =	stream.indirect.gather [hbm4b:s3+s10], $0x40, s15, s10, $0xb8;
	[tilespmem:$0xB220] =	vst v63  }
0x75: {  	_ = 	snop  }
0x76: {  	[tilespmem:s18], [sflag:$0x2] =	stream.indirect.gather [hbm4b:s4+s10], $0x30, s17, s10, $0xb8;
	[tilespmem:$0xB220] =	vst v63  }
0x77: {  	_ = 	snop  }
0x78: {  	[tilespmem:s20], [sflag:$0x2] =	stream.indirect.gather [hbm4b:s3+s10], $0x40, s19, s10, $0xb8;
	[tilespmem:$0xB220] =	vst v63  }
0x79: {  	_ = 	snop  }
0x7a: {  	[tilespmem:s22], [sflag:$0x2] =	stream.indirect.gather [hbm4b:s4+s10], $0x30, s21, s10, $0xb8;
	[tilespmem:$0xB220] =	vst v63  }
0x7b: {  	_ = 	snop  }
0x7c: {  	[tilespmem:s24], [sflag:$0x2] =	stream.indirect.gather [hbm4b:s3+s10], $0x40, s23, s10, $0xb8;
	[tilespmem:$0xB220] =	vst v63  }
0x7d: {  	_ = 	snop  }
0x7e: {  	[tilespmem:s26], [sflag:$0x2] =	stream.indirect.gather [hbm4b:s4+s10], $0x30, s25, s10, $0xb8;
	[tilespmem:$0xB220] =	vst v63  }
0x7f: {  	_ =	swait.ge [sflag:s28], $0x1400  }
0x80: {  	[sflag:s28] =	ssyncset.done $0x0  }
0x81: {  	[sflag:s28] =	ssyncadd.s32 $0xFFFFEC00  }
0x82: {  	_ =	swait.ge [sflag:s28], $0xF00  }
0x83: {  	[sflag:s28] =	ssyncset.done $0x0  }
0x84: {  	[sflag:s28] =	ssyncadd.s32 $0xFFFFF100  }
0x85: {  	_ =	swait.ge [sflag:s28], $0x1400  }
0x86: {  	[sflag:s28] =	ssyncset.done $0x0  }
0x87: {  	[sflag:s28] =	ssyncadd.s32 $0xFFFFEC00  }
0x88: {  	_ =	swait.ge [sflag:s28], $0xF00  }
0x89: {  	[sflag:s28] =	ssyncset.done $0x0  }
0x8a: {  	[sflag:s28] =	ssyncadd.s32 $0xFFFFF100  }
0x8b: {  	_ =	swait.ge [sflag:s28], $0x1400  }
0x8c: {  	[sflag:s28] =	ssyncset.done $0x0  }
0x8d: {  	[sflag:s28] =	ssyncadd.s32 $0xFFFFEC00  }
0x8e: {  	_ =	swait.ge [sflag:s28], $0xF00  }
0x8f: {  	[sflag:s28] =	ssyncset.done $0x0  }
0x90: {  	[sflag:s28] =	ssyncadd.s32 $0xFFFFF100  }
0x91: {  	_ =	swait.ge [sflag:s28], $0x1400  }
0x92: {  	[sflag:s28] =	ssyncset.done $0x0  }
0x93: {  	[sflag:s28] =	ssyncadd.s32 $0xFFFFEC00  }
0x94: {  	_ =	swait.ge [sflag:s28], $0xF00  }
0x95: {  	[sflag:s28] =	ssyncset.done $0x0  }
0x96: {  	[sflag:s28] =	ssyncadd.s32 $0xFFFFF100  }
0x97: {  	_ =	swait.ge [sflag:s28], $0x1400  }
0x98: {  	s29 =	smov.u32 s5;
	s5 =	sadd.s32 $0x32, s5;
	[sflag:s28] =	ssyncset.done $0x0  }
0x99: {  	p0 =	sne.s32 s5, $0x186A;
	[sflag:s28] =	ssyncadd.s32 $0xFFFFEC00  }
.Ltmp0:
0x9a: {  	_ =	swait.ge [sflag:s28], $0xF00;
	(pc) =	sbr.rel @p0 .LBB2_2-.Ltmp0, $4  }
0x9b: {  	s1 =	smov.u32 s29;
	[sflag:s28] =	ssyncset.done $0x0  }
0x9c: {  	s6 =	smov.u32 s31;
	s7 =	rddreg [dreg:$0x4];
	[sflag:s28] =	ssyncadd.s32 $0xFFFFF100  }
0x9d: {  	[hbm4b:s0+s2] =	stream.linear.scatter [tilespmem:s11], [sflag:$0x3], $0x6400, $0x38;
	[tilespmem:$0xB220] =	vst v63  }
0x9e: {  	s31 =	sadd.s32 $0x960, s31;
	s29 =	rddreg [dreg:$0x5];
	s0 =	sadd.s32 $0xC80, s0  }
0x9f: {  	[hbm4b:s6+s2] =	stream.linear.scatter [tilespmem:s12], [sflag:$0x3], $0x4B00, $0x38;
	[tilespmem:$0xB220] =	vst v63  }
0xa0: {  	s5 =	sadd.s32 s1, s29  }
0xa1: {  	[tilespmem:s2], [sflag:$0x1] =	stream.linear.gather [hbm4b:s5+s2], $0x190, $0x38;
	[tilespmem:$0xB220] =	vst v63  }
0xa2: {  	s6 =	sadd.s32 s1, s7  }
0xa3: {  	[tilespmem:s8], [sflag:$0x1] =	stream.linear.gather [hbm4b:s6+s2], $0x190, $0x38;
	[tilespmem:$0xB220] =	vst v63  }
0xa4: {  	_ =	swait.ge [sflag:s9], $0x190  }
0xa5: {  	[sflag:s9] =	ssyncset.done $0x0  }
0xa6: {  	[sflag:s9] =	ssyncadd.s32 $0xFFFFFE70  }
0xa7: {  	_ =	swait.ge [sflag:s9], $0x190  }
0xa8: {  	p0 =	seq.s32 s1, $0x0;
	[sflag:s9] =	ssyncset.done $0x0  }
0xa9: {  	s1 =	simm.s32 @!p0 $0x3;
	[sflag:s9] =	ssyncadd.s32 $0xFFFFFE70  }
0xaa: {  	_ =	swait.ge @!p0 [sflag:s1], $0x6400  }
0xab: {  	[sflag:s1] =	ssyncset.done @!p0 $0x0  }
0xac: {  	[sflag:s1] =	ssyncadd.s32 @!p0 $0xFFFF9C00  }
0xad: {  	_ =	swait.ge @!p0 [sflag:s1], $0x4B00  }
0xae: {  	[sflag:s1] =	ssyncset.done @!p0 $0x0  }
0xaf: {  	[sflag:s1] =	ssyncadd.s32 @!p0 $0xFFFFB500  }
0xb0: {  	[tilespmem:s11], [sflag:$0x2] =	stream.indirect.gather [hbm4b:s3+s10], $0x40, s2, s10, $0xb8;
	[tilespmem:$0xB220] =	vst v63  }
0xb1: {  	_ = 	snop  }
0xb2: {  	[tilespmem:s12], [sflag:$0x2] =	stream.indirect.gather [hbm4b:s4+s10], $0x30, s8, s10, $0xb8;
	[tilespmem:$0xB220] =	vst v63  }
0xb3: {  	s7 =	rddreg [dreg:$0x6]  }
0xb4: {  	[tilespmem:s7], [sflag:$0x2] =	stream.indirect.gather [hbm4b:s3+s10], $0x40, s10, s10, $0xb8;
	[tilespmem:$0xB220] =	vst v63  }
0xb5: {  	_ = 	snop  }
0xb6: {  	[tilespmem:s14], [sflag:$0x2] =	stream.indirect.gather [hbm4b:s4+s10], $0x30, s13, s10, $0xb8;
	[tilespmem:$0xB220] =	vst v63  }
0xb7: {  	_ = 	snop  }
0xb8: {  	[tilespmem:s16], [sflag:$0x2] =	stream.indirect.gather [hbm4b:s3+s10], $0x40, s15, s10, $0xb8;
	[tilespmem:$0xB220] =	vst v63  }
0xb9: {  	_ = 	snop  }
0xba: {  	[tilespmem:s18], [sflag:$0x2] =	stream.indirect.gather [hbm4b:s4+s10], $0x30, s17, s10, $0xb8;
	[tilespmem:$0xB220] =	vst v63  }
0xbb: {  	_ = 	snop  }
0xbc: {  	[tilespmem:s20], [sflag:$0x2] =	stream.indirect.gather [hbm4b:s3+s10], $0x40, s19, s10, $0xb8;
	[tilespmem:$0xB220] =	vst v63  }
0xbd: {  	_ = 	snop  }
0xbe: {  	[tilespmem:s22], [sflag:$0x2] =	stream.indirect.gather [hbm4b:s4+s10], $0x30, s21, s10, $0xb8;
	[tilespmem:$0xB220] =	vst v63  }
0xbf: {  	_ = 	snop  }
0xc0: {  	[tilespmem:s24], [sflag:$0x2] =	stream.indirect.gather [hbm4b:s3+s10], $0x40, s23, s10, $0xb8;
	[tilespmem:$0xB220] =	vst v63  }
0xc1: {  	_ = 	snop  }
0xc2: {  	[tilespmem:s26], [sflag:$0x2] =	stream.indirect.gather [hbm4b:s4+s10], $0x30, s25, s10, $0xb8;
	[tilespmem:$0xB220] =	vst v63  }
0xc3: {  	_ =	swait.ge [sflag:s28], $0x1400  }
0xc4: {  	[sflag:s28] =	ssyncset.done $0x0  }
0xc5: {  	[sflag:s28] =	ssyncadd.s32 $0xFFFFEC00  }
0xc6: {  	_ =	swait.ge [sflag:s28], $0xF00  }
0xc7: {  	[sflag:s28] =	ssyncset.done $0x0  }
0xc8: {  	[sflag:s28] =	ssyncadd.s32 $0xFFFFF100  }
0xc9: {  	_ =	swait.ge [sflag:s28], $0x1400  }
0xca: {  	[sflag:s28] =	ssyncset.done $0x0  }
0xcb: {  	[sflag:s28] =	ssyncadd.s32 $0xFFFFEC00  }
0xcc: {  	_ =	swait.ge [sflag:s28], $0xF00  }
0xcd: {  	[sflag:s28] =	ssyncset.done $0x0  }
0xce: {  	[sflag:s28] =	ssyncadd.s32 $0xFFFFF100  }
0xcf: {  	_ =	swait.ge [sflag:s28], $0x1400  }
0xd0: {  	[sflag:s28] =	ssyncset.done $0x0  }
0xd1: {  	[sflag:s28] =	ssyncadd.s32 $0xFFFFEC00  }
0xd2: {  	_ =	swait.ge [sflag:s28], $0xF00  }
0xd3: {  	[sflag:s28] =	ssyncset.done $0x0  }
0xd4: {  	[sflag:s28] =	ssyncadd.s32 $0xFFFFF100  }
0xd5: {  	_ =	swait.ge [sflag:s28], $0x1400  }
0xd6: {  	[sflag:s28] =	ssyncset.done $0x0  }
0xd7: {  	[sflag:s28] =	ssyncadd.s32 $0xFFFFEC00  }
0xd8: {  	_ =	swait.ge [sflag:s28], $0xF00  }
0xd9: {  	[sflag:s28] =	ssyncset.done $0x0  }
0xda: {  	[sflag:s28] =	ssyncadd.s32 $0xFFFFF100  }
0xdb: {  	_ =	swait.ge [sflag:s28], $0x1400  }
0xdc: {  	[sflag:s28] =	ssyncset.done $0x0  }
0xdd: {  	[sflag:s28] =	ssyncadd.s32 $0xFFFFEC00  }
0xde: {  	_ =	swait.ge [sflag:s28], $0xF00  }
0xdf: {  	[sflag:s28] =	ssyncset.done $0x0  }
0xe0: {  	[sflag:s28] =	ssyncadd.s32 $0xFFFFF100  }
0xe1: {  	[hbm4b:s0+s2] =	stream.linear.scatter [tilespmem:s11], [sflag:$0x3], $0x6400, $0x38;
	[tilespmem:$0xB220] =	vst v63  }
0xe2: {  	s29 =	simm.s32 $0x3  }
0xe3: {  	[hbm4b:s31+s2] =	stream.linear.scatter [tilespmem:s12], [sflag:$0x3], $0x4B00, $0x38;
	[tilespmem:$0xB220] =	vst v63  }
0xe4: {  	_ =	swait.ge [sflag:s29], $0x6400  }
0xe5: {  	[sflag:s29] =	ssyncset.done $0x0  }
0xe6: {  	[sflag:s29] =	ssyncadd.s32 $0xFFFF9C00  }
0xe7: {  	_ =	swait.ge [sflag:s29], $0x4B00  }
0xe8: {  	s30 =	sadd.s32 $0x1, s30;
	s31 =	rddreg [dreg:$0x7]  }
0xe9: {  	p0 =	sne.s32 s30, s31  }
.Ltmp1:
0xea: {  	_ = 	snop;
	(pc) =	sbr.rel @p0 .LBB2_1-.Ltmp1, $3  }
0xeb: {  	_ =	sdelay $0x1  }
0xec: {  	[sflag:s29] =	ssyncset.done $0x0  }
0xed: {  	[sflag:s29] =	ssyncadd.s32 $0xFFFFB500  }
0xee: {  	_ =	sfence.sel $0x180000  }
0xef: {  	[bflag:$0x0] =	sbarrier.arrive $0xFFFF  }
0xf0: {  	_ =	strace $0x90000047  }
0xf1: {  	s0 =	stileid.u32;
	[bflag:$0x2] =	sbarrier.arrive $0xFFFF  }
0xf2: {  	p0 =	sne.s32 s0, $0x0;
	s0 =	rddreg [dreg:$0x3]  }
0xf3: {  	s0 =	sadd.s32 @!p0 $0x100000, s0  }
0xf4: {  	[sflag:s0] =	ssyncadd.tile.s32 @!p0 $0x1;
	_ =	shalt  }
.Lfunc_end2:
_tile_overlayer_lowered:
.L_overlay_start_2:
0xf5: {  	(tag) =	ssettag $0x2  }
0xf6: {  	s0 =	rddreg [dreg:$0x0];
	s2 =	stileid.u32  }
0xf7: {  	s1 =	rddreg [dreg:$0x1];
	p0 =	sne.s32 s2, $0x0  }
0xf8: {  	s3 =	rddreg [dreg:$0x2];
	[bflag:$0x3] =	sbarrier.arrive $0xFFFF;
	s2 =	simm.s32 @!p0 $0x1C04  }
0xf9: {  	[timem:s3], [sflag:s2] =	dma.local @!p0 [hbm:s0], s1  }
0xfa: {  	s0 =	simm.s32 @!p0 $0x4  }
0xfb: {  	_ =	swait.ge @!p0 [sflag:s0], s1  }
0xfc: {  	s1 =	ssub.s32 @!p0 $0x0, s1;
	[sflag:s0] =	ssyncset.done @!p0 $0x0  }
0xfd: {  	[sflag:s0] =	ssyncadd.s32 @!p0 s1  }
0xfe: {  	[bflag:$0x3] =	sbarrier.arrive $0xFFFF  }
0xff: {  	_ =	shalt  }

</sc_bundles>
